<compile_context>
chip_gen: v7x
topology: tpu7x:2x2x1
jax: 0.10.2.dev20260603
libtpu: 0.0.44.dev20260713+nightly
codegen_flags: <defaults>
</compile_context>

<pallas_src>
import functools

import jax
import jax.numpy as jnp
from jax import lax
from jax.experimental import pallas as pl
from jax.experimental.pallas import tpu as pltpu
from jax.experimental.pallas import tpu_sc as plsc

_BATCH = 4096
_MAX_LEN = 200
_DIM = 64
_N = _BATCH * _MAX_LEN
_NW = 32
_NBUF = 4
_G0 = 128
_G1 = _MAX_LEN - _G0
_LANES = 16
_VPR = _DIM // _LANES
_NHALF = 2


def _make_emb(nseq):
    rpw = nseq * _MAX_LEN
    n = rpw * _NW
    nround = nseq // _NBUF

    @functools.partial(
        pl.kernel,
        mesh=plsc.VectorSubcoreMesh(core_axis_name="c", subcore_axis_name="s"),
        out_type=jax.ShapeDtypeStruct((n, _DIM), jnp.float32),
        compiler_params=pltpu.CompilerParams(use_tc_tiling_on_sc=False),
        scratch_types=[
            pltpu.VMEM((rpw,), jnp.int32),
            pltpu.VMEM((_NBUF, _MAX_LEN, _DIM), jnp.float32),
            pltpu.VMEM((_MAX_LEN, _DIM), jnp.float32),
            pltpu.SemaphoreType.DMA((_NBUF,)),
            pltpu.SemaphoreType.DMA((_NBUF,)),
        ],
    )
    def _emb_lookup(idx_hbm, tok_hbm, pos_hbm, out_hbm,
                    idx_v, rows_v, pos_v, sem_g, sem_o):
        wid = lax.axis_index("s") * 2 + lax.axis_index("c")
        base_w = wid * rpw
        pltpu.sync_copy(idx_hbm.at[pl.ds(base_w, rpw)], idx_v)
        pltpu.sync_copy(pos_hbm, pos_v)

        def fire_gather(seq, b):
            off = seq * _MAX_LEN
            pltpu.make_async_copy(
                tok_hbm.at[idx_v.at[pl.ds(off, _G0)]],
                rows_v.at[b, pl.ds(0, _G0)], sem_g.at[b]).start()
            pltpu.make_async_copy(
                tok_hbm.at[idx_v.at[pl.ds(off + _G0, _G1)]],
                rows_v.at[b, pl.ds(_G0, _G1)], sem_g.at[b]).start()

        def wait_gather(seq, b):
            off = seq * _MAX_LEN
            pltpu.make_async_copy(
                tok_hbm.at[idx_v.at[pl.ds(off, _G0)]],
                rows_v.at[b, pl.ds(0, _G0)], sem_g.at[b]).wait()
            pltpu.make_async_copy(
                tok_hbm.at[idx_v.at[pl.ds(off + _G0, _G1)]],
                rows_v.at[b, pl.ds(_G0, _G1)], sem_g.at[b]).wait()

        def out_copy(seq, b):
            return pltpu.make_async_copy(
                rows_v.at[b],
                out_hbm.at[pl.ds(base_w + seq * _MAX_LEN, _MAX_LEN)],
                sem_o.at[b])

        for b in range(_NBUF - 1):
            fire_gather(b, b)

        def round_body(m, carry):
            for b in range(_NBUF):
                j = m * _NBUF + b
                wait_gather(j, b)
                def row(r, c):
                    for k in range(_VPR):
                        plsc.addupdate(
                            rows_v.at[b, r, pl.ds(k * _LANES, _LANES)],
                            pos_v[r, pl.ds(k * _LANES, _LANES)])
                    return c
                lax.fori_loop(0, _MAX_LEN, row, 0, unroll=4)
                out_copy(j, b).start()
                b2 = (b - 1) % _NBUF
                j2 = j + _NBUF - 1

                @pl.when(j >= 1)
                def _():
                    out_copy(j - 1, b2).wait()

                @pl.when(j2 < nseq)
                def _():
                    fire_gather(j2, b2)
            return carry

        lax.fori_loop(0, nround, round_body, 0)
        out_copy(nseq - 1, (nseq - 1) % _NBUF).wait()

    return _emb_lookup


_emb_half = _make_emb(_N // _NHALF // _NW // _MAX_LEN)


def kernel(inputs, token_table, pos_table):
    idx = inputs.reshape(-1).astype(jnp.int32)
    h = _N // _NHALF
    outs = [_emb_half(idx[i * h:(i + 1) * h], token_table, pos_table)
            for i in range(_NHALF)]
    return jnp.concatenate(outs, axis=0).reshape(_BATCH, _MAX_LEN, _DIM)

# --- scband reference (transcript-rebuilt; emitter-appended) ---
"""Pipeline reference for scband-token-and-position-embedding-37340445672207 (READ-ONLY COPY).

The authoritative reference and input builder live on the scoring server;
editing this copy changes nothing except your own understanding.
"""

import jax, jax.numpy as jnp
import numpy as np

MAX_LEN = 200
VOCAB_SIZE = 1000000
EMBED_DIM = 64
BATCH = 4096

def setup_inputs(seed: int = 0) -> dict:
    key = jax.random.key(seed)
    k_idx, k_tok, k_pos = jax.random.split(key, 3)
    inputs = jax.random.randint(k_idx, (BATCH, MAX_LEN), 0, VOCAB_SIZE, dtype=jnp.int64 if jax.config.jax_enable_x64 else jnp.int32)
    token_table = jax.random.normal(k_tok, (VOCAB_SIZE, EMBED_DIM), dtype=jnp.float32) * 0.02
    pos_table = jax.random.normal(k_pos, (MAX_LEN, EMBED_DIM), dtype=jnp.float32) * 0.02
    return {"inputs": inputs, "token_table": token_table, "pos_table": pos_table}

def reference(inputs, token_table, pos_table):
    # positions = range(0, max_len); pos_emb lookup
    positions = jnp.arange(MAX_LEN)
    pos_embedded = jnp.take(pos_table, positions, axis=0)  # [max_len, embed_dim]
    # token embedding lookup
    x = jnp.take(token_table, inputs, axis=0)  # [batch, max_len, embed_dim]
    # broadcast-add position embeddings
    return x + pos_embedded[None, :, :]

if __name__ == "__main__":
    import jax
    _d = setup_inputs()
    print(jax.jit(kernel)(*tuple(_d.values())))

</pallas_src>

<mosaic_0001>
#map = affine_map<(d0, d1) -> (0)>
#map1 = affine_map<(d0, d1) -> (0, 0)>
module attributes {stable_mosaic.version = 14 : i64} {
  func.func @_emb_lookup(%arg0: i32, %arg1: i32, %arg2: memref<409600xi32, #tpu.memory_space<hbm>>, %arg3: memref<1000000x64xf32, #tpu.memory_space<hbm>>, %arg4: memref<200x64xf32, #tpu.memory_space<hbm>>, %arg5: memref<409600x64xf32, #tpu.memory_space<hbm>>, %arg6: memref<12800xi32, #tpu.memory_space<vmem>>, %arg7: memref<4x200x64xf32, #tpu.memory_space<vmem>>, %arg8: memref<200x64xf32, #tpu.memory_space<vmem>>, %arg9: memref<4x!tpu.dma_semaphore, #tpu.memory_space<semaphore_mem>>, %arg10: memref<4x!tpu.dma_semaphore, #tpu.memory_space<semaphore_mem>>) attributes {dimension_semantics = [#tpu.dimension_semantics<core_parallel>, #tpu.dimension_semantics<subcore_parallel>], iteration_bounds = array<i64: 2, 16>, scalar_prefetch = 0 : i64, scratch_operands = 5 : i64, tpu.core_type = #tpu.core_type<sc_vector_subcore>, window_params = [{transform_indices = #map}, {transform_indices = #map1}, {transform_indices = #map1}, {transform_indices = #map1}]} {
    %mul3A = arith.constant 2 : i32
    %mul3A_0 = arith.muli %arg1, %mul3A : i32
    %add3A = arith.addi %mul3A_0, %arg0 : i32
    %mul3A_1 = arith.constant 12800 : i32
    %mul3A_2 = arith.muli %add3A, %mul3A_1 : i32
    "tpu.region"() ({
      %run_scoped3A = tpu.sem_alloc : memref<!tpu.dma_semaphore, #tpu.memory_space<semaphore_mem>>
      %dma_start3A_102 = tpu.memref_slice %arg2[%mul3A_2] : memref<409600xi32, #tpu.memory_space<hbm>> -> memref<12800xi32, #tpu.memory_space<hbm>>
      %dma_start3A_103 = tpu.memref_slice %arg2[%mul3A_2] : memref<409600xi32, #tpu.memory_space<hbm>> -> memref<12800xi32, #tpu.memory_space<hbm>>
      tpu.enqueue_dma source(%dma_start3A_103 : memref<12800xi32, #tpu.memory_space<hbm>>) target(%arg6 : memref<12800xi32, #tpu.memory_space<vmem>>) target_semaphore(%run_scoped3A : memref<!tpu.dma_semaphore, #tpu.memory_space<semaphore_mem>>)
      %dma_wait3A_104 = tpu.memref_slice %arg2[%mul3A_2] : memref<409600xi32, #tpu.memory_space<hbm>> -> memref<12800xi32, #tpu.memory_space<hbm>>
      %dma_wait3A_105 = tpu.memref_slice %arg2[%mul3A_2] : memref<409600xi32, #tpu.memory_space<hbm>> -> memref<12800xi32, #tpu.memory_space<hbm>>
      tpu.wait_dma2 semaphore(%run_scoped3A : memref<!tpu.dma_semaphore, #tpu.memory_space<semaphore_mem>>) src(%dma_wait3A_105 : memref<12800xi32, #tpu.memory_space<hbm>>) dst(%arg6 : memref<12800xi32, #tpu.memory_space<vmem>>)
      tpu.yield
    }) : () -> ()
    "tpu.region"() ({
      %run_scoped3A = tpu.sem_alloc : memref<!tpu.dma_semaphore, #tpu.memory_space<semaphore_mem>>
      tpu.enqueue_dma source(%arg4 : memref<200x64xf32, #tpu.memory_space<hbm>>) target(%arg8 : memref<200x64xf32, #tpu.memory_space<vmem>>) target_semaphore(%run_scoped3A : memref<!tpu.dma_semaphore, #tpu.memory_space<semaphore_mem>>)
      tpu.wait_dma2 semaphore(%run_scoped3A : memref<!tpu.dma_semaphore, #tpu.memory_space<semaphore_mem>>) src(%arg4 : memref<200x64xf32, #tpu.memory_space<hbm>>) dst(%arg8 : memref<200x64xf32, #tpu.memory_space<vmem>>)
      tpu.yield
    }) : () -> ()
    %dma_start3A = arith.constant 0 : i32
    %dma_start3A_3 = arith.constant 0 : i32
    %dma_start3A_4 = arith.constant 0 : i32
    %dma_start3A_5 = arith.constant 0 : i32
    %dma_start3A_6 = tpu.memref_slice %arg7[%dma_start3A, %dma_start3A_4, %dma_start3A_5] : memref<4x200x64xf32, #tpu.memory_space<vmem>> -> memref<1x128x64xf32, #tpu.memory_space<vmem>>
    %dma_start3A_7 = tpu.memref_squeeze %dma_start3A_6 : memref<1x128x64xf32, #tpu.memory_space<vmem>> -> memref<128x64xf32, #tpu.memory_space<vmem>>
    %dma_start3A_8 = arith.constant 0 : i32
    %dma_start3A_9 = tpu.memref_slice %arg6[%dma_start3A_8] : memref<12800xi32, #tpu.memory_space<vmem>> -> memref<128xi32, #tpu.memory_space<vmem>>
    %dma_start3A_10 = arith.constant 0 : i32
    %dma_start3A_11 = arith.constant 0 : i32
    %dma_start3A_12 = tpu.memref_slice %arg3[%dma_start3A_10, %dma_start3A_11] : memref<1000000x64xf32, #tpu.memory_space<hbm>> -> memref<1000000x64xf32, #tpu.memory_space<hbm>>
    %dma_start3A_13 = tpu.memref_slice %arg9[%dma_start3A_3] : memref<4x!tpu.dma_semaphore, #tpu.memory_space<semaphore_mem>> -> memref<1x!tpu.dma_semaphore, #tpu.memory_space<semaphore_mem>>
    %dma_start3A_14 = tpu.memref_squeeze %dma_start3A_13 : memref<1x!tpu.dma_semaphore, #tpu.memory_space<semaphore_mem>> -> memref<!tpu.dma_semaphore, #tpu.memory_space<semaphore_mem>>
    tpu.enqueue_indirect_dma source(%dma_start3A_12 : memref<1000000x64xf32, #tpu.memory_space<hbm>>) target(%dma_start3A_7 : memref<128x64xf32, #tpu.memory_space<vmem>>) offsets(%dma_start3A_9 : memref<128xi32, #tpu.memory_space<vmem>>) semaphore(%dma_start3A_14 : memref<!tpu.dma_semaphore, #tpu.memory_space<semaphore_mem>>)
    %dma_start3A_15 = arith.constant 0 : i32
    %dma_start3A_16 = arith.constant 0 : i32
    %dma_start3A_17 = arith.constant 128 : i32
    %dma_start3A_18 = arith.constant 0 : i32
    %dma_start3A_19 = tpu.memref_slice %arg7[%dma_start3A_15, %dma_start3A_17, %dma_start3A_18] : memref<4x200x64xf32, #tpu.memory_space<vmem>> -> memref<1x72x64xf32, #tpu.memory_space<vmem>>
    %dma_start3A_20 = tpu.memref_squeeze %dma_start3A_19 : memref<1x72x64xf32, #tpu.memory_space<vmem>> -> memref<72x64xf32, #tpu.memory_space<vmem>>
    %dma_start3A_21 = arith.constant 128 : i32
    %dma_start3A_22 = tpu.memref_slice %arg6[%dma_start3A_21] : memref<12800xi32, #tpu.memory_space<vmem>> -> memref<72xi32, #tpu.memory_space<vmem>>
    %dma_start3A_23 = arith.constant 0 : i32
    %dma_start3A_24 = arith.constant 0 : i32
    %dma_start3A_25 = tpu.memref_slice %arg3[%dma_start3A_23, %dma_start3A_24] : memref<1000000x64xf32, #tpu.memory_space<hbm>> -> memref<1000000x64xf32, #tpu.memory_space<hbm>>
    %dma_start3A_26 = tpu.memref_slice %arg9[%dma_start3A_16] : memref<4x!tpu.dma_semaphore, #tpu.memory_space<semaphore_mem>> -> memref<1x!tpu.dma_semaphore, #tpu.memory_space<semaphore_mem>>
    %dma_start3A_27 = tpu.memref_squeeze %dma_start3A_26 : memref<1x!tpu.dma_semaphore, #tpu.memory_space<semaphore_mem>> -> memref<!tpu.dma_semaphore, #tpu.memory_space<semaphore_mem>>
    tpu.enqueue_indirect_dma source(%dma_start3A_25 : memref<1000000x64xf32, #tpu.memory_space<hbm>>) target(%dma_start3A_20 : memref<72x64xf32, #tpu.memory_space<vmem>>) offsets(%dma_start3A_22 : memref<72xi32, #tpu.memory_space<vmem>>) semaphore(%dma_start3A_27 : memref<!tpu.dma_semaphore, #tpu.memory_space<semaphore_mem>>)
    %dma_start3A_28 = arith.constant 1 : i32
    %dma_start3A_29 = arith.constant 1 : i32
    %dma_start3A_30 = arith.constant 0 : i32
    %dma_start3A_31 = arith.constant 0 : i32
    %dma_start3A_32 = tpu.memref_slice %arg7[%dma_start3A_28, %dma_start3A_30, %dma_start3A_31] : memref<4x200x64xf32, #tpu.memory_space<vmem>> -> memref<1x128x64xf32, #tpu.memory_space<vmem>>
    %dma_start3A_33 = tpu.memref_squeeze %dma_start3A_32 : memref<1x128x64xf32, #tpu.memory_space<vmem>> -> memref<128x64xf32, #tpu.memory_space<vmem>>
    %dma_start3A_34 = arith.constant 200 : i32
    %dma_start3A_35 = tpu.memref_slice %arg6[%dma_start3A_34] : memref<12800xi32, #tpu.memory_space<vmem>> -> memref<128xi32, #tpu.memory_space<vmem>>
    %dma_start3A_36 = arith.constant 0 : i32
    %dma_start3A_37 = arith.constant 0 : i32
    %dma_start3A_38 = tpu.memref_slice %arg3[%dma_start3A_36, %dma_start3A_37] : memref<1000000x64xf32, #tpu.memory_space<hbm>> -> memref<1000000x64xf32, #tpu.memory_space<hbm>>
    %dma_start3A_39 = tpu.memref_slice %arg9[%dma_start3A_29] : memref<4x!tpu.dma_semaphore, #tpu.memory_space<semaphore_mem>> -> memref<1x!tpu.dma_semaphore, #tpu.memory_space<semaphore_mem>>
    %dma_start3A_40 = tpu.memref_squeeze %dma_start3A_39 : memref<1x!tpu.dma_semaphore, #tpu.memory_space<semaphore_mem>> -> memref<!tpu.dma_semaphore, #tpu.memory_space<semaphore_mem>>
    tpu.enqueue_indirect_dma source(%dma_start3A_38 : memref<1000000x64xf32, #tpu.memory_space<hbm>>) target(%dma_start3A_33 : memref<128x64xf32, #tpu.memory_space<vmem>>) offsets(%dma_start3A_35 : memref<128xi32, #tpu.memory_space<vmem>>) semaphore(%dma_start3A_40 : memref<!tpu.dma_semaphore, #tpu.memory_space<semaphore_mem>>)
    %dma_start3A_41 = arith.constant 1 : i32
    %dma_start3A_42 = arith.constant 1 : i32
    %dma_start3A_43 = arith.constant 128 : i32
    %dma_start3A_44 = arith.constant 0 : i32
    %dma_start3A_45 = tpu.memref_slice %arg7[%dma_start3A_41, %dma_start3A_43, %dma_start3A_44] : memref<4x200x64xf32, #tpu.memory_space<vmem>> -> memref<1x72x64xf32, #tpu.memory_space<vmem>>
    %dma_start3A_46 = tpu.memref_squeeze %dma_start3A_45 : memref<1x72x64xf32, #tpu.memory_space<vmem>> -> memref<72x64xf32, #tpu.memory_space<vmem>>
    %dma_start3A_47 = arith.constant 328 : i32
    %dma_start3A_48 = tpu.memref_slice %arg6[%dma_start3A_47] : memref<12800xi32, #tpu.memory_space<vmem>> -> memref<72xi32, #tpu.memory_space<vmem>>
    %dma_start3A_49 = arith.constant 0 : i32
    %dma_start3A_50 = arith.constant 0 : i32
    %dma_start3A_51 = tpu.memref_slice %arg3[%dma_start3A_49, %dma_start3A_50] : memref<1000000x64xf32, #tpu.memory_space<hbm>> -> memref<1000000x64xf32, #tpu.memory_space<hbm>>
    %dma_start3A_52 = tpu.memref_slice %arg9[%dma_start3A_42] : memref<4x!tpu.dma_semaphore, #tpu.memory_space<semaphore_mem>> -> memref<1x!tpu.dma_semaphore, #tpu.memory_space<semaphore_mem>>
    %dma_start3A_53 = tpu.memref_squeeze %dma_start3A_52 : memref<1x!tpu.dma_semaphore, #tpu.memory_space<semaphore_mem>> -> memref<!tpu.dma_semaphore, #tpu.memory_space<semaphore_mem>>
    tpu.enqueue_indirect_dma source(%dma_start3A_51 : memref<1000000x64xf32, #tpu.memory_space<hbm>>) target(%dma_start3A_46 : memref<72x64xf32, #tpu.memory_space<vmem>>) offsets(%dma_start3A_48 : memref<72xi32, #tpu.memory_space<vmem>>) semaphore(%dma_start3A_53 : memref<!tpu.dma_semaphore, #tpu.memory_space<semaphore_mem>>)
    %dma_start3A_54 = arith.constant 2 : i32
    %dma_start3A_55 = arith.constant 2 : i32
    %dma_start3A_56 = arith.constant 0 : i32
    %dma_start3A_57 = arith.constant 0 : i32
    %dma_start3A_58 = tpu.memref_slice %arg7[%dma_start3A_54, %dma_start3A_56, %dma_start3A_57] : memref<4x200x64xf32, #tpu.memory_space<vmem>> -> memref<1x128x64xf32, #tpu.memory_space<vmem>>
    %dma_start3A_59 = tpu.memref_squeeze %dma_start3A_58 : memref<1x128x64xf32, #tpu.memory_space<vmem>> -> memref<128x64xf32, #tpu.memory_space<vmem>>
    %dma_start3A_60 = arith.constant 400 : i32
    %dma_start3A_61 = tpu.memref_slice %arg6[%dma_start3A_60] : memref<12800xi32, #tpu.memory_space<vmem>> -> memref<128xi32, #tpu.memory_space<vmem>>
    %dma_start3A_62 = arith.constant 0 : i32
    %dma_start3A_63 = arith.constant 0 : i32
    %dma_start3A_64 = tpu.memref_slice %arg3[%dma_start3A_62, %dma_start3A_63] : memref<1000000x64xf32, #tpu.memory_space<hbm>> -> memref<1000000x64xf32, #tpu.memory_space<hbm>>
    %dma_start3A_65 = tpu.memref_slice %arg9[%dma_start3A_55] : memref<4x!tpu.dma_semaphore, #tpu.memory_space<semaphore_mem>> -> memref<1x!tpu.dma_semaphore, #tpu.memory_space<semaphore_mem>>
    %dma_start3A_66 = tpu.memref_squeeze %dma_start3A_65 : memref<1x!tpu.dma_semaphore, #tpu.memory_space<semaphore_mem>> -> memref<!tpu.dma_semaphore, #tpu.memory_space<semaphore_mem>>
    tpu.enqueue_indirect_dma source(%dma_start3A_64 : memref<1000000x64xf32, #tpu.memory_space<hbm>>) target(%dma_start3A_59 : memref<128x64xf32, #tpu.memory_space<vmem>>) offsets(%dma_start3A_61 : memref<128xi32, #tpu.memory_space<vmem>>) semaphore(%dma_start3A_66 : memref<!tpu.dma_semaphore, #tpu.memory_space<semaphore_mem>>)
    %dma_start3A_67 = arith.constant 2 : i32
    %dma_start3A_68 = arith.constant 2 : i32
    %dma_start3A_69 = arith.constant 128 : i32
    %dma_start3A_70 = arith.constant 0 : i32
    %dma_start3A_71 = tpu.memref_slice %arg7[%dma_start3A_67, %dma_start3A_69, %dma_start3A_70] : memref<4x200x64xf32, #tpu.memory_space<vmem>> -> memref<1x72x64xf32, #tpu.memory_space<vmem>>
    %dma_start3A_72 = tpu.memref_squeeze %dma_start3A_71 : memref<1x72x64xf32, #tpu.memory_space<vmem>> -> memref<72x64xf32, #tpu.memory_space<vmem>>
    %dma_start3A_73 = arith.constant 528 : i32
    %dma_start3A_74 = tpu.memref_slice %arg6[%dma_start3A_73] : memref<12800xi32, #tpu.memory_space<vmem>> -> memref<72xi32, #tpu.memory_space<vmem>>
    %dma_start3A_75 = arith.constant 0 : i32
    %dma_start3A_76 = arith.constant 0 : i32
    %dma_start3A_77 = tpu.memref_slice %arg3[%dma_start3A_75, %dma_start3A_76] : memref<1000000x64xf32, #tpu.memory_space<hbm>> -> memref<1000000x64xf32, #tpu.memory_space<hbm>>
    %dma_start3A_78 = tpu.memref_slice %arg9[%dma_start3A_68] : memref<4x!tpu.dma_semaphore, #tpu.memory_space<semaphore_mem>> -> memref<1x!tpu.dma_semaphore, #tpu.memory_space<semaphore_mem>>
    %dma_start3A_79 = tpu.memref_squeeze %dma_start3A_78 : memref<1x!tpu.dma_semaphore, #tpu.memory_space<semaphore_mem>> -> memref<!tpu.dma_semaphore, #tpu.memory_space<semaphore_mem>>
    tpu.enqueue_indirect_dma source(%dma_start3A_77 : memref<1000000x64xf32, #tpu.memory_space<hbm>>) target(%dma_start3A_72 : memref<72x64xf32, #tpu.memory_space<vmem>>) offsets(%dma_start3A_74 : memref<72xi32, #tpu.memory_space<vmem>>) semaphore(%dma_start3A_79 : memref<!tpu.dma_semaphore, #tpu.memory_space<semaphore_mem>>)
    %scan3A = arith.constant 0 : i32
    %scan3A_80 = arith.constant 0 : i32
    %scan3A_81 = arith.constant 16 : i32
    %scan3A_82 = arith.addi %scan3A_80, %scan3A_81 : i32
    %scan3A_83 = arith.constant 1 : i32
    scf.for %scan3A_102 = %scan3A_80 to %scan3A_82 step %scan3A_83  : i32 {
      %mul3A_103 = arith.constant 4 : i32
      %mul3A_104 = arith.muli %scan3A_102, %mul3A_103 : i32
      %add3A_105 = arith.constant 0 : i32
      %add3A_106 = arith.addi %mul3A_104, %add3A_105 : i32
      %mul3A_107 = arith.constant 200 : i32
      %mul3A_108 = arith.muli %add3A_106, %mul3A_107 : i32
      %dma_wait3A_109 = arith.constant 0 : i32
      %dma_wait3A_110 = arith.constant 0 : i32
      %dma_wait3A_111 = arith.constant 0 : i32
      %dma_wait3A_112 = arith.constant 0 : i32
      %dma_wait3A_113 = tpu.memref_slice %arg7[%dma_wait3A_109, %dma_wait3A_111, %dma_wait3A_112] : memref<4x200x64xf32, #tpu.memory_space<vmem>> -> memref<1x128x64xf32, #tpu.memory_space<vmem>>
      %dma_wait3A_114 = tpu.memref_squeeze %dma_wait3A_113 : memref<1x128x64xf32, #tpu.memory_space<vmem>> -> memref<128x64xf32, #tpu.memory_space<vmem>>
      %dma_wait3A_115 = tpu.memref_slice %arg6[%mul3A_108] : memref<12800xi32, #tpu.memory_space<vmem>> -> memref<128xi32, #tpu.memory_space<vmem>>
      %dma_wait3A_116 = arith.constant 0 : i32
      %dma_wait3A_117 = arith.constant 0 : i32
      %dma_wait3A_118 = tpu.memref_slice %arg3[%dma_wait3A_116, %dma_wait3A_117] : memref<1000000x64xf32, #tpu.memory_space<hbm>> -> memref<1000000x64xf32, #tpu.memory_space<hbm>>
      %dma_wait3A_119 = tpu.memref_slice %arg9[%dma_wait3A_110] : memref<4x!tpu.dma_semaphore, #tpu.memory_space<semaphore_mem>> -> memref<1x!tpu.dma_semaphore, #tpu.memory_space<semaphore_mem>>
      %dma_wait3A_120 = tpu.memref_squeeze %dma_wait3A_119 : memref<1x!tpu.dma_semaphore, #tpu.memory_space<semaphore_mem>> -> memref<!tpu.dma_semaphore, #tpu.memory_space<semaphore_mem>>
      tpu.wait_indirect_dma semaphore(%dma_wait3A_120 : memref<!tpu.dma_semaphore, #tpu.memory_space<semaphore_mem>>) src(%dma_wait3A_118 : memref<1000000x64xf32, #tpu.memory_space<hbm>>) dst(%dma_wait3A_114 : memref<128x64xf32, #tpu.memory_space<vmem>>)
      %add3A_121 = arith.constant 128 : i32
      %add3A_122 = arith.addi %mul3A_108, %add3A_121 : i32
      %dma_wait3A_123 = arith.constant 0 : i32
      %dma_wait3A_124 = arith.constant 0 : i32
      %dma_wait3A_125 = arith.constant 128 : i32
      %dma_wait3A_126 = arith.constant 0 : i32
      %dma_wait3A_127 = tpu.memref_slice %arg7[%dma_wait3A_123, %dma_wait3A_125, %dma_wait3A_126] : memref<4x200x64xf32, #tpu.memory_space<vmem>> -> memref<1x72x64xf32, #tpu.memory_space<vmem>>
      %dma_wait3A_128 = tpu.memref_squeeze %dma_wait3A_127 : memref<1x72x64xf32, #tpu.memory_space<vmem>> -> memref<72x64xf32, #tpu.memory_space<vmem>>
      %dma_wait3A_129 = tpu.memref_slice %arg6[%add3A_122] : memref<12800xi32, #tpu.memory_space<vmem>> -> memref<72xi32, #tpu.memory_space<vmem>>
      %dma_wait3A_130 = arith.constant 0 : i32
      %dma_wait3A_131 = arith.constant 0 : i32
      %dma_wait3A_132 = tpu.memref_slice %arg3[%dma_wait3A_130, %dma_wait3A_131] : memref<1000000x64xf32, #tpu.memory_space<hbm>> -> memref<1000000x64xf32, #tpu.memory_space<hbm>>
      %dma_wait3A_133 = tpu.memref_slice %arg9[%dma_wait3A_124] : memref<4x!tpu.dma_semaphore, #tpu.memory_space<semaphore_mem>> -> memref<1x!tpu.dma_semaphore, #tpu.memory_space<semaphore_mem>>
      %dma_wait3A_134 = tpu.memref_squeeze %dma_wait3A_133 : memref<1x!tpu.dma_semaphore, #tpu.memory_space<semaphore_mem>> -> memref<!tpu.dma_semaphore, #tpu.memory_space<semaphore_mem>>
      tpu.wait_indirect_dma semaphore(%dma_wait3A_134 : memref<!tpu.dma_semaphore, #tpu.memory_space<semaphore_mem>>) src(%dma_wait3A_132 : memref<1000000x64xf32, #tpu.memory_space<hbm>>) dst(%dma_wait3A_128 : memref<72x64xf32, #tpu.memory_space<vmem>>)
      %scan3A_135 = arith.constant 0 : i32
      %scan3A_136 = arith.constant 0 : i32
      %scan3A_137 = arith.constant 200 : i32
      %scan3A_138 = arith.addi %scan3A_136, %scan3A_137 : i32
      %scan3A_139 = arith.constant 4 : i32
      scf.for %scan3A_382 = %scan3A_136 to %scan3A_138 step %scan3A_139  : i32 {
        %get3A = arith.index_cast %scan3A_382 : i32 to index
        %get3A_383 = arith.constant 0 : index
        %get3A_384 = tpu.vector_load %arg8[%get3A, %get3A_383] {strides = array<i32>} : memref<200x64xf32, #tpu.memory_space<vmem>>, vector<1x16xf32>,
        %get3A_385 = vector.shape_cast %get3A_384 : vector<1x16xf32> to vector<16xf32>
        %swap3A = arith.constant 0 : i32
        %swap3A_386 = arith.index_cast %swap3A : i32 to index
        %swap3A_387 = arith.index_cast %scan3A_382 : i32 to index
        %swap3A_388 = arith.constant 0 : index
        %swap3A_389 = tpu.vector_load %arg7[%swap3A_386, %swap3A_387, %swap3A_388] {strides = array<i32>} : memref<4x200x64xf32, #tpu.memory_space<vmem>>, vector<1x1x16xf32>,
        %swap3A_390 = vector.shape_cast %swap3A_389 : vector<1x1x16xf32> to vector<16xf32>
        %swap3A_391 = vector.shape_cast %get3A_385 : vector<16xf32> to vector<1x1x16xf32>
        tpu.vector_store %arg7[%swap3A_386, %swap3A_387, %swap3A_388], %swap3A_391 {add = true, strides = array<i32>} : memref<4x200x64xf32, #tpu.memory_space<vmem>>, vector<1x1x16xf32>,
        %get3A_392 = arith.index_cast %scan3A_382 : i32 to index
        %get3A_393 = arith.constant 16 : index
        %get3A_394 = tpu.vector_load %arg8[%get3A_392, %get3A_393] {strides = array<i32>} : memref<200x64xf32, #tpu.memory_space<vmem>>, vector<1x16xf32>,
        %get3A_395 = vector.shape_cast %get3A_394 : vector<1x16xf32> to vector<16xf32>
        %swap3A_396 = arith.constant 0 : i32
        %swap3A_397 = arith.index_cast %swap3A_396 : i32 to index
        %swap3A_398 = arith.index_cast %scan3A_382 : i32 to index
        %swap3A_399 = arith.constant 16 : index
        %swap3A_400 = tpu.vector_load %arg7[%swap3A_397, %swap3A_398, %swap3A_399] {strides = array<i32>} : memref<4x200x64xf32, #tpu.memory_space<vmem>>, vector<1x1x16xf32>,
        %swap3A_401 = vector.shape_cast %swap3A_400 : vector<1x1x16xf32> to vector<16xf32>
        %swap3A_402 = vector.shape_cast %get3A_395 : vector<16xf32> to vector<1x1x16xf32>
        tpu.vector_store %arg7[%swap3A_397, %swap3A_398, %swap3A_399], %swap3A_402 {add = true, strides = array<i32>} : memref<4x200x64xf32, #tpu.memory_space<vmem>>, vector<1x1x16xf32>,
        %get3A_403 = arith.index_cast %scan3A_382 : i32 to index
        %get3A_404 = arith.constant 32 : index
        %get3A_405 = tpu.vector_load %arg8[%get3A_403, %get3A_404] {strides = array<i32>} : memref<200x64xf32, #tpu.memory_space<vmem>>, vector<1x16xf32>,
        %get3A_406 = vector.shape_cast %get3A_405 : vector<1x16xf32> to vector<16xf32>
        %swap3A_407 = arith.constant 0 : i32
        %swap3A_408 = arith.index_cast %swap3A_407 : i32 to index
        %swap3A_409 = arith.index_cast %scan3A_382 : i32 to index
        %swap3A_410 = arith.constant 32 : index
        %swap3A_411 = tpu.vector_load %arg7[%swap3A_408, %swap3A_409, %swap3A_410] {strides = array<i32>} : memref<4x200x64xf32, #tpu.memory_space<vmem>>, vector<1x1x16xf32>,
        %swap3A_412 = vector.shape_cast %swap3A_411 : vector<1x1x16xf32> to vector<16xf32>
        %swap3A_413 = vector.shape_cast %get3A_406 : vector<16xf32> to vector<1x1x16xf32>
        tpu.vector_store %arg7[%swap3A_408, %swap3A_409, %swap3A_410], %swap3A_413 {add = true, strides = array<i32>} : memref<4x200x64xf32, #tpu.memory_space<vmem>>, vector<1x1x16xf32>,
        %get3A_414 = arith.index_cast %scan3A_382 : i32 to index
        %get3A_415 = arith.constant 48 : index
        %get3A_416 = tpu.vector_load %arg8[%get3A_414, %get3A_415] {strides = array<i32>} : memref<200x64xf32, #tpu.memory_space<vmem>>, vector<1x16xf32>,
        %get3A_417 = vector.shape_cast %get3A_416 : vector<1x16xf32> to vector<16xf32>
        %swap3A_418 = arith.constant 0 : i32
        %swap3A_419 = arith.index_cast %swap3A_418 : i32 to index
        %swap3A_420 = arith.index_cast %scan3A_382 : i32 to index
        %swap3A_421 = arith.constant 48 : index
        %swap3A_422 = tpu.vector_load %arg7[%swap3A_419, %swap3A_420, %swap3A_421] {strides = array<i32>} : memref<4x200x64xf32, #tpu.memory_space<vmem>>, vector<1x1x16xf32>,
        %swap3A_423 = vector.shape_cast %swap3A_422 : vector<1x1x16xf32> to vector<16xf32>
        %swap3A_424 = vector.shape_cast %get3A_417 : vector<16xf32> to vector<1x1x16xf32>
        tpu.vector_store %arg7[%swap3A_419, %swap3A_420, %swap3A_421], %swap3A_424 {add = true, strides = array<i32>} : memref<4x200x64xf32, #tpu.memory_space<vmem>>, vector<1x1x16xf32>,
        %scan3A_425 = arith.constant 1 : i32
        %scan3A_426 = arith.addi %scan3A_382, %scan3A_425 : i32
        %get3A_427 = arith.index_cast %scan3A_426 : i32 to index
        %get3A_428 = arith.constant 0 : index
        %get3A_429 = tpu.vector_load %arg8[%get3A_427, %get3A_428] {strides = array<i32>} : memref<200x64xf32, #tpu.memory_space<vmem>>, vector<1x16xf32>,
        %get3A_430 = vector.shape_cast %get3A_429 : vector<1x16xf32> to vector<16xf32>
        %swap3A_431 = arith.constant 0 : i32
        %swap3A_432 = arith.index_cast %swap3A_431 : i32 to index
        %swap3A_433 = arith.index_cast %scan3A_426 : i32 to index
        %swap3A_434 = arith.constant 0 : index
        %swap3A_435 = tpu.vector_load %arg7[%swap3A_432, %swap3A_433, %swap3A_434] {strides = array<i32>} : memref<4x200x64xf32, #tpu.memory_space<vmem>>, vector<1x1x16xf32>,
        %swap3A_436 = vector.shape_cast %swap3A_435 : vector<1x1x16xf32> to vector<16xf32>
        %swap3A_437 = vector.shape_cast %get3A_430 : vector<16xf32> to vector<1x1x16xf32>
        tpu.vector_store %arg7[%swap3A_432, %swap3A_433, %swap3A_434], %swap3A_437 {add = true, strides = array<i32>} : memref<4x200x64xf32, #tpu.memory_space<vmem>>, vector<1x1x16xf32>,
        %get3A_438 = arith.index_cast %scan3A_426 : i32 to index
        %get3A_439 = arith.constant 16 : index
        %get3A_440 = tpu.vector_load %arg8[%get3A_438, %get3A_439] {strides = array<i32>} : memref<200x64xf32, #tpu.memory_space<vmem>>, vector<1x16xf32>,
        %get3A_441 = vector.shape_cast %get3A_440 : vector<1x16xf32> to vector<16xf32>
        %swap3A_442 = arith.constant 0 : i32
        %swap3A_443 = arith.index_cast %swap3A_442 : i32 to index
        %swap3A_444 = arith.index_cast %scan3A_426 : i32 to index
        %swap3A_445 = arith.constant 16 : index
        %swap3A_446 = tpu.vector_load %arg7[%swap3A_443, %swap3A_444, %swap3A_445] {strides = array<i32>} : memref<4x200x64xf32, #tpu.memory_space<vmem>>, vector<1x1x16xf32>,
        %swap3A_447 = vector.shape_cast %swap3A_446 : vector<1x1x16xf32> to vector<16xf32>
        %swap3A_448 = vector.shape_cast %get3A_441 : vector<16xf32> to vector<1x1x16xf32>
        tpu.vector_store %arg7[%swap3A_443, %swap3A_444, %swap3A_445], %swap3A_448 {add = true, strides = array<i32>} : memref<4x200x64xf32, #tpu.memory_space<vmem>>, vector<1x1x16xf32>,
        %get3A_449 = arith.index_cast %scan3A_426 : i32 to index
        %get3A_450 = arith.constant 32 : index
        %get3A_451 = tpu.vector_load %arg8[%get3A_449, %get3A_450] {strides = array<i32>} : memref<200x64xf32, #tpu.memory_space<vmem>>, vector<1x16xf32>,
        %get3A_452 = vector.shape_cast %get3A_451 : vector<1x16xf32> to vector<16xf32>
        %swap3A_453 = arith.constant 0 : i32
        %swap3A_454 = arith.index_cast %swap3A_453 : i32 to index
        %swap3A_455 = arith.index_cast %scan3A_426 : i32 to index
        %swap3A_456 = arith.constant 32 : index
        %swap3A_457 = tpu.vector_load %arg7[%swap3A_454, %swap3A_455, %swap3A_456] {strides = array<i32>} : memref<4x200x64xf32, #tpu.memory_space<vmem>>, vector<1x1x16xf32>,
        %swap3A_458 = vector.shape_cast %swap3A_457 : vector<1x1x16xf32> to vector<16xf32>
        %swap3A_459 = vector.shape_cast %get3A_452 : vector<16xf32> to vector<1x1x16xf32>
        tpu.vector_store %arg7[%swap3A_454, %swap3A_455, %swap3A_456], %swap3A_459 {add = true, strides = array<i32>} : memref<4x200x64xf32, #tpu.memory_space<vmem>>, vector<1x1x16xf32>,
        %get3A_460 = arith.index_cast %scan3A_426 : i32 to index
        %get3A_461 = arith.constant 48 : index
        %get3A_462 = tpu.vector_load %arg8[%get3A_460, %get3A_461] {strides = array<i32>} : memref<200x64xf32, #tpu.memory_space<vmem>>, vector<1x16xf32>,
        %get3A_463 = vector.shape_cast %get3A_462 : vector<1x16xf32> to vector<16xf32>
        %swap3A_464 = arith.constant 0 : i32
        %swap3A_465 = arith.index_cast %swap3A_464 : i32 to index
        %swap3A_466 = arith.index_cast %scan3A_426 : i32 to index
        %swap3A_467 = arith.constant 48 : index
        %swap3A_468 = tpu.vector_load %arg7[%swap3A_465, %swap3A_466, %swap3A_467] {strides = array<i32>} : memref<4x200x64xf32, #tpu.memory_space<vmem>>, vector<1x1x16xf32>,
        %swap3A_469 = vector.shape_cast %swap3A_468 : vector<1x1x16xf32> to vector<16xf32>
        %swap3A_470 = vector.shape_cast %get3A_463 : vector<16xf32> to vector<1x1x16xf32>
        tpu.vector_store %arg7[%swap3A_465, %swap3A_466, %swap3A_467], %swap3A_470 {add = true, strides = array<i32>} : memref<4x200x64xf32, #tpu.memory_space<vmem>>, vector<1x1x16xf32>,
        %scan3A_471 = arith.constant 2 : i32
        %scan3A_472 = arith.addi %scan3A_382, %scan3A_471 : i32
        %get3A_473 = arith.index_cast %scan3A_472 : i32 to index
        %get3A_474 = arith.constant 0 : index
        %get3A_475 = tpu.vector_load %arg8[%get3A_473, %get3A_474] {strides = array<i32>} : memref<200x64xf32, #tpu.memory_space<vmem>>, vector<1x16xf32>,
        %get3A_476 = vector.shape_cast %get3A_475 : vector<1x16xf32> to vector<16xf32>
        %swap3A_477 = arith.constant 0 : i32
        %swap3A_478 = arith.index_cast %swap3A_477 : i32 to index
        %swap3A_479 = arith.index_cast %scan3A_472 : i32 to index
        %swap3A_480 = arith.constant 0 : index
        %swap3A_481 = tpu.vector_load %arg7[%swap3A_478, %swap3A_479, %swap3A_480] {strides = array<i32>} : memref<4x200x64xf32, #tpu.memory_space<vmem>>, vector<1x1x16xf32>,
        %swap3A_482 = vector.shape_cast %swap3A_481 : vector<1x1x16xf32> to vector<16xf32>
        %swap3A_483 = vector.shape_cast %get3A_476 : vector<16xf32> to vector<1x1x16xf32>
        tpu.vector_store %arg7[%swap3A_478, %swap3A_479, %swap3A_480], %swap3A_483 {add = true, strides = array<i32>} : memref<4x200x64xf32, #tpu.memory_space<vmem>>, vector<1x1x16xf32>,
        %get3A_484 = arith.index_cast %scan3A_472 : i32 to index
        %get3A_485 = arith.constant 16 : index
        %get3A_486 = tpu.vector_load %arg8[%get3A_484, %get3A_485] {strides = array<i32>} : memref<200x64xf32, #tpu.memory_space<vmem>>, vector<1x16xf32>,
        %get3A_487 = vector.shape_cast %get3A_486 : vector<1x16xf32> to vector<16xf32>
        %swap3A_488 = arith.constant 0 : i32
        %swap3A_489 = arith.index_cast %swap3A_488 : i32 to index
        %swap3A_490 = arith.index_cast %scan3A_472 : i32 to index
        %swap3A_491 = arith.constant 16 : index
        %swap3A_492 = tpu.vector_load %arg7[%swap3A_489, %swap3A_490, %swap3A_491] {strides = array<i32>} : memref<4x200x64xf32, #tpu.memory_space<vmem>>, vector<1x1x16xf32>,
        %swap3A_493 = vector.shape_cast %swap3A_492 : vector<1x1x16xf32> to vector<16xf32>
        %swap3A_494 = vector.shape_cast %get3A_487 : vector<16xf32> to vector<1x1x16xf32>
        tpu.vector_store %arg7[%swap3A_489, %swap3A_490, %swap3A_491], %swap3A_494 {add = true, strides = array<i32>} : memref<4x200x64xf32, #tpu.memory_space<vmem>>, vector<1x1x16xf32>,
        %get3A_495 = arith.index_cast %scan3A_472 : i32 to index
        %get3A_496 = arith.constant 32 : index
        %get3A_497 = tpu.vector_load %arg8[%get3A_495, %get3A_496] {strides = array<i32>} : memref<200x64xf32, #tpu.memory_space<vmem>>, vector<1x16xf32>,
        %get3A_498 = vector.shape_cast %get3A_497 : vector<1x16xf32> to vector<16xf32>
        %swap3A_499 = arith.constant 0 : i32
        %swap3A_500 = arith.index_cast %swap3A_499 : i32 to index
        %swap3A_501 = arith.index_cast %scan3A_472 : i32 to index
        %swap3A_502 = arith.constant 32 : index
        %swap3A_503 = tpu.vector_load %arg7[%swap3A_500, %swap3A_501, %swap3A_502] {strides = array<i32>} : memref<4x200x64xf32, #tpu.memory_space<vmem>>, vector<1x1x16xf32>,
        %swap3A_504 = vector.shape_cast %swap3A_503 : vector<1x1x16xf32> to vector<16xf32>
        %swap3A_505 = vector.shape_cast %get3A_498 : vector<16xf32> to vector<1x1x16xf32>
        tpu.vector_store %arg7[%swap3A_500, %swap3A_501, %swap3A_502], %swap3A_505 {add = true, strides = array<i32>} : memref<4x200x64xf32, #tpu.memory_space<vmem>>, vector<1x1x16xf32>,
        %get3A_506 = arith.index_cast %scan3A_472 : i32 to index
        %get3A_507 = arith.constant 48 : index
        %get3A_508 = tpu.vector_load %arg8[%get3A_506, %get3A_507] {strides = array<i32>} : memref<200x64xf32, #tpu.memory_space<vmem>>, vector<1x16xf32>,
        %get3A_509 = vector.shape_cast %get3A_508 : vector<1x16xf32> to vector<16xf32>
        %swap3A_510 = arith.constant 0 : i32
        %swap3A_511 = arith.index_cast %swap3A_510 : i32 to index
        %swap3A_512 = arith.index_cast %scan3A_472 : i32 to index
        %swap3A_513 = arith.constant 48 : index
        %swap3A_514 = tpu.vector_load %arg7[%swap3A_511, %swap3A_512, %swap3A_513] {strides = array<i32>} : memref<4x200x64xf32, #tpu.memory_space<vmem>>, vector<1x1x16xf32>,
        %swap3A_515 = vector.shape_cast %swap3A_514 : vector<1x1x16xf32> to vector<16xf32>
        %swap3A_516 = vector.shape_cast %get3A_509 : vector<16xf32> to vector<1x1x16xf32>
        tpu.vector_store %arg7[%swap3A_511, %swap3A_512, %swap3A_513], %swap3A_516 {add = true, strides = array<i32>} : memref<4x200x64xf32, #tpu.memory_space<vmem>>, vector<1x1x16xf32>,
        %scan3A_517 = arith.constant 3 : i32
        %scan3A_518 = arith.addi %scan3A_382, %scan3A_517 : i32
        %get3A_519 = arith.index_cast %scan3A_518 : i32 to index
        %get3A_520 = arith.constant 0 : index
        %get3A_521 = tpu.vector_load %arg8[%get3A_519, %get3A_520] {strides = array<i32>} : memref<200x64xf32, #tpu.memory_space<vmem>>, vector<1x16xf32>,
        %get3A_522 = vector.shape_cast %get3A_521 : vector<1x16xf32> to vector<16xf32>
        %swap3A_523 = arith.constant 0 : i32
        %swap3A_524 = arith.index_cast %swap3A_523 : i32 to index
        %swap3A_525 = arith.index_cast %scan3A_518 : i32 to index
        %swap3A_526 = arith.constant 0 : index
        %swap3A_527 = tpu.vector_load %arg7[%swap3A_524, %swap3A_525, %swap3A_526] {strides = array<i32>} : memref<4x200x64xf32, #tpu.memory_space<vmem>>, vector<1x1x16xf32>,
        %swap3A_528 = vector.shape_cast %swap3A_527 : vector<1x1x16xf32> to vector<16xf32>
        %swap3A_529 = vector.shape_cast %get3A_522 : vector<16xf32> to vector<1x1x16xf32>
        tpu.vector_store %arg7[%swap3A_524, %swap3A_525, %swap3A_526], %swap3A_529 {add = true, strides = array<i32>} : memref<4x200x64xf32, #tpu.memory_space<vmem>>, vector<1x1x16xf32>,
        %get3A_530 = arith.index_cast %scan3A_518 : i32 to index
        %get3A_531 = arith.constant 16 : index
        %get3A_532 = tpu.vector_load %arg8[%get3A_530, %get3A_531] {strides = array<i32>} : memref<200x64xf32, #tpu.memory_space<vmem>>, vector<1x16xf32>,
        %get3A_533 = vector.shape_cast %get3A_532 : vector<1x16xf32> to vector<16xf32>
        %swap3A_534 = arith.constant 0 : i32
        %swap3A_535 = arith.index_cast %swap3A_534 : i32 to index
        %swap3A_536 = arith.index_cast %scan3A_518 : i32 to index
        %swap3A_537 = arith.constant 16 : index
        %swap3A_538 = tpu.vector_load %arg7[%swap3A_535, %swap3A_536, %swap3A_537] {strides = array<i32>} : memref<4x200x64xf32, #tpu.memory_space<vmem>>, vector<1x1x16xf32>,
        %swap3A_539 = vector.shape_cast %swap3A_538 : vector<1x1x16xf32> to vector<16xf32>
        %swap3A_540 = vector.shape_cast %get3A_533 : vector<16xf32> to vector<1x1x16xf32>
        tpu.vector_store %arg7[%swap3A_535, %swap3A_536, %swap3A_537], %swap3A_540 {add = true, strides = array<i32>} : memref<4x200x64xf32, #tpu.memory_space<vmem>>, vector<1x1x16xf32>,
        %get3A_541 = arith.index_cast %scan3A_518 : i32 to index
        %get3A_542 = arith.constant 32 : index
        %get3A_543 = tpu.vector_load %arg8[%get3A_541, %get3A_542] {strides = array<i32>} : memref<200x64xf32, #tpu.memory_space<vmem>>, vector<1x16xf32>,
        %get3A_544 = vector.shape_cast %get3A_543 : vector<1x16xf32> to vector<16xf32>
        %swap3A_545 = arith.constant 0 : i32
        %swap3A_546 = arith.index_cast %swap3A_545 : i32 to index
        %swap3A_547 = arith.index_cast %scan3A_518 : i32 to index
        %swap3A_548 = arith.constant 32 : index
        %swap3A_549 = tpu.vector_load %arg7[%swap3A_546, %swap3A_547, %swap3A_548] {strides = array<i32>} : memref<4x200x64xf32, #tpu.memory_space<vmem>>, vector<1x1x16xf32>,
        %swap3A_550 = vector.shape_cast %swap3A_549 : vector<1x1x16xf32> to vector<16xf32>
        %swap3A_551 = vector.shape_cast %get3A_544 : vector<16xf32> to vector<1x1x16xf32>
        tpu.vector_store %arg7[%swap3A_546, %swap3A_547, %swap3A_548], %swap3A_551 {add = true, strides = array<i32>} : memref<4x200x64xf32, #tpu.memory_space<vmem>>, vector<1x1x16xf32>,
        %get3A_552 = arith.index_cast %scan3A_518 : i32 to index
        %get3A_553 = arith.constant 48 : index
        %get3A_554 = tpu.vector_load %arg8[%get3A_552, %get3A_553] {strides = array<i32>} : memref<200x64xf32, #tpu.memory_space<vmem>>, vector<1x16xf32>,
        %get3A_555 = vector.shape_cast %get3A_554 : vector<1x16xf32> to vector<16xf32>
        %swap3A_556 = arith.constant 0 : i32
        %swap3A_557 = arith.index_cast %swap3A_556 : i32 to index
        %swap3A_558 = arith.index_cast %scan3A_518 : i32 to index
        %swap3A_559 = arith.constant 48 : index
        %swap3A_560 = tpu.vector_load %arg7[%swap3A_557, %swap3A_558, %swap3A_559] {strides = array<i32>} : memref<4x200x64xf32, #tpu.memory_space<vmem>>, vector<1x1x16xf32>,
        %swap3A_561 = vector.shape_cast %swap3A_560 : vector<1x1x16xf32> to vector<16xf32>
        %swap3A_562 = vector.shape_cast %get3A_555 : vector<16xf32> to vector<1x1x16xf32>
        tpu.vector_store %arg7[%swap3A_557, %swap3A_558, %swap3A_559], %swap3A_562 {add = true, strides = array<i32>} : memref<4x200x64xf32, #tpu.memory_space<vmem>>, vector<1x1x16xf32>,
      }
      %scan3A_140 = arith.constant 200 : i32
      %mul3A_141 = arith.constant 200 : i32
      %mul3A_142 = arith.muli %add3A_106, %mul3A_141 : i32
      %add3A_143 = arith.addi %mul3A_2, %mul3A_142 : i32
      %dma_start3A_144 = arith.constant 0 : i32
      %dma_start3A_145 = arith.constant 0 : i32
      %dma_start3A_146 = arith.constant 0 : i32
      %dma_start3A_147 = arith.constant 0 : i32
      %dma_start3A_148 = tpu.memref_slice %arg7[%dma_start3A_144, %dma_start3A_146, %dma_start3A_147] : memref<4x200x64xf32, #tpu.memory_space<vmem>> -> memref<1x200x64xf32, #tpu.memory_space<vmem>>
      %dma_start3A_149 = tpu.memref_squeeze %dma_start3A_148 : memref<1x200x64xf32, #tpu.memory_space<vmem>> -> memref<200x64xf32, #tpu.memory_space<vmem>>
      %dma_start3A_150 = arith.constant 0 : i32
      %dma_start3A_151 = tpu.memref_slice %arg5[%add3A_143, %dma_start3A_150] : memref<409600x64xf32, #tpu.memory_space<hbm>> -> memref<200x64xf32, #tpu.memory_space<hbm>>
      %dma_start3A_152 = tpu.memref_slice %arg10[%dma_start3A_145] : memref<4x!tpu.dma_semaphore, #tpu.memory_space<semaphore_mem>> -> memref<1x!tpu.dma_semaphore, #tpu.memory_space<semaphore_mem>>
      %dma_start3A_153 = tpu.memref_squeeze %dma_start3A_152 : memref<1x!tpu.dma_semaphore, #tpu.memory_space<semaphore_mem>> -> memref<!tpu.dma_semaphore, #tpu.memory_space<semaphore_mem>>
      %dma_start3A_154 = arith.constant 0 : i32
      %dma_start3A_155 = tpu.memref_slice %arg5[%add3A_143, %dma_start3A_154] : memref<409600x64xf32, #tpu.memory_space<hbm>> -> memref<200x64xf32, #tpu.memory_space<hbm>>
      %dma_start3A_156 = arith.constant 0 : i32
      %dma_start3A_157 = arith.constant 0 : i32
      %dma_start3A_158 = tpu.memref_slice %arg7[%dma_start3A_144, %dma_start3A_156, %dma_start3A_157] : memref<4x200x64xf32, #tpu.memory_space<vmem>> -> memref<1x200x64xf32, #tpu.memory_space<vmem>>
      %dma_start3A_159 = tpu.memref_squeeze %dma_start3A_158 : memref<1x200x64xf32, #tpu.memory_space<vmem>> -> memref<200x64xf32, #tpu.memory_space<vmem>>
      tpu.enqueue_dma source(%dma_start3A_159 : memref<200x64xf32, #tpu.memory_space<vmem>>) target(%dma_start3A_155 : memref<200x64xf32, #tpu.memory_space<hbm>>) target_semaphore(%dma_start3A_153 : memref<!tpu.dma_semaphore, #tpu.memory_space<semaphore_mem>>)
      %add3A_160 = arith.constant 4 : i32
      %add3A_161 = arith.addi %add3A_106, %add3A_160 : i32
      %sub3A = arith.constant 1 : i32
      %sub3A_162 = arith.subi %add3A_161, %sub3A : i32
      %ge3A = arith.constant 1 : i32
      %ge3A_163 = arith.cmpi sge, %add3A_106, %ge3A : i32
      %convert_element_type3A = arith.extui %ge3A_163 : i1 to i32
      %cond3A = arith.constant 0 : i32
      %cond3A_164 = arith.cmpi ne, %convert_element_type3A, %cond3A : i32
      scf.if %cond3A_164 {
        %sub3A_382 = arith.constant 1 : i32
        %sub3A_383 = arith.subi %add3A_106, %sub3A_382 : i32
        %mul3A_384 = arith.constant 200 : i32
        %mul3A_385 = arith.muli %sub3A_383, %mul3A_384 : i32
        %add3A_386 = arith.addi %mul3A_2, %mul3A_385 : i32
        %dma_wait3A_387 = arith.constant 3 : i32
        %dma_wait3A_388 = arith.constant 3 : i32
        %dma_wait3A_389 = arith.constant 0 : i32
        %dma_wait3A_390 = arith.constant 0 : i32
        %dma_wait3A_391 = tpu.memref_slice %arg7[%dma_wait3A_387, %dma_wait3A_389, %dma_wait3A_390] : memref<4x200x64xf32, #tpu.memory_space<vmem>> -> memref<1x200x64xf32, #tpu.memory_space<vmem>>
        %dma_wait3A_392 = tpu.memref_squeeze %dma_wait3A_391 : memref<1x200x64xf32, #tpu.memory_space<vmem>> -> memref<200x64xf32, #tpu.memory_space<vmem>>
        %dma_wait3A_393 = arith.constant 0 : i32
        %dma_wait3A_394 = tpu.memref_slice %arg5[%add3A_386, %dma_wait3A_393] : memref<409600x64xf32, #tpu.memory_space<hbm>> -> memref<200x64xf32, #tpu.memory_space<hbm>>
        %dma_wait3A_395 = tpu.memref_slice %arg10[%dma_wait3A_388] : memref<4x!tpu.dma_semaphore, #tpu.memory_space<semaphore_mem>> -> memref<1x!tpu.dma_semaphore, #tpu.memory_space<semaphore_mem>>
        %dma_wait3A_396 = tpu.memref_squeeze %dma_wait3A_395 : memref<1x!tpu.dma_semaphore, #tpu.memory_space<semaphore_mem>> -> memref<!tpu.dma_semaphore, #tpu.memory_space<semaphore_mem>>
        %dma_wait3A_397 = arith.constant 0 : i32
        %dma_wait3A_398 = tpu.memref_slice %arg5[%add3A_386, %dma_wait3A_397] : memref<409600x64xf32, #tpu.memory_space<hbm>> -> memref<200x64xf32, #tpu.memory_space<hbm>>
        %dma_wait3A_399 = arith.constant 0 : i32
        %dma_wait3A_400 = arith.constant 0 : i32
        %dma_wait3A_401 = tpu.memref_slice %arg7[%dma_wait3A_387, %dma_wait3A_399, %dma_wait3A_400] : memref<4x200x64xf32, #tpu.memory_space<vmem>> -> memref<1x200x64xf32, #tpu.memory_space<vmem>>
        %dma_wait3A_402 = tpu.memref_squeeze %dma_wait3A_401 : memref<1x200x64xf32, #tpu.memory_space<vmem>> -> memref<200x64xf32, #tpu.memory_space<vmem>>
        tpu.wait_dma2 semaphore(%dma_wait3A_396 : memref<!tpu.dma_semaphore, #tpu.memory_space<semaphore_mem>>) src(%dma_wait3A_402 : memref<200x64xf32, #tpu.memory_space<vmem>>) dst(%dma_wait3A_398 : memref<200x64xf32, #tpu.memory_space<hbm>>)
      } else {
      }
      %lt3A = arith.constant 64 : i32
      %lt3A_165 = arith.cmpi slt, %sub3A_162, %lt3A : i32
      %convert_element_type3A_166 = arith.extui %lt3A_165 : i1 to i32
      %cond3A_167 = arith.constant 0 : i32
      %cond3A_168 = arith.cmpi ne, %convert_element_type3A_166, %cond3A_167 : i32
      scf.if %cond3A_168 {
        %mul3A_382 = arith.constant 200 : i32
        %mul3A_383 = arith.muli %sub3A_162, %mul3A_382 : i32
        %dma_start3A_384 = arith.constant 3 : i32
        %dma_start3A_385 = arith.constant 3 : i32
        %dma_start3A_386 = arith.constant 0 : i32
        %dma_start3A_387 = arith.constant 0 : i32
        %dma_start3A_388 = tpu.memref_slice %arg7[%dma_start3A_384, %dma_start3A_386, %dma_start3A_387] : memref<4x200x64xf32, #tpu.memory_space<vmem>> -> memref<1x128x64xf32, #tpu.memory_space<vmem>>
        %dma_start3A_389 = tpu.memref_squeeze %dma_start3A_388 : memref<1x128x64xf32, #tpu.memory_space<vmem>> -> memref<128x64xf32, #tpu.memory_space<vmem>>
        %dma_start3A_390 = tpu.memref_slice %arg6[%mul3A_383] : memref<12800xi32, #tpu.memory_space<vmem>> -> memref<128xi32, #tpu.memory_space<vmem>>
        %dma_start3A_391 = arith.constant 0 : i32
        %dma_start3A_392 = arith.constant 0 : i32
        %dma_start3A_393 = tpu.memref_slice %arg3[%dma_start3A_391, %dma_start3A_392] : memref<1000000x64xf32, #tpu.memory_space<hbm>> -> memref<1000000x64xf32, #tpu.memory_space<hbm>>
        %dma_start3A_394 = tpu.memref_slice %arg9[%dma_start3A_385] : memref<4x!tpu.dma_semaphore, #tpu.memory_space<semaphore_mem>> -> memref<1x!tpu.dma_semaphore, #tpu.memory_space<semaphore_mem>>
        %dma_start3A_395 = tpu.memref_squeeze %dma_start3A_394 : memref<1x!tpu.dma_semaphore, #tpu.memory_space<semaphore_mem>> -> memref<!tpu.dma_semaphore, #tpu.memory_space<semaphore_mem>>
        tpu.enqueue_indirect_dma source(%dma_start3A_393 : memref<1000000x64xf32, #tpu.memory_space<hbm>>) target(%dma_start3A_389 : memref<128x64xf32, #tpu.memory_space<vmem>>) offsets(%dma_start3A_390 : memref<128xi32, #tpu.memory_space<vmem>>) semaphore(%dma_start3A_395 : memref<!tpu.dma_semaphore, #tpu.memory_space<semaphore_mem>>)
        %add3A_396 = arith.constant 128 : i32
        %add3A_397 = arith.addi %mul3A_383, %add3A_396 : i32
        %dma_start3A_398 = arith.constant 3 : i32
        %dma_start3A_399 = arith.constant 3 : i32
        %dma_start3A_400 = arith.constant 128 : i32
        %dma_start3A_401 = arith.constant 0 : i32
        %dma_start3A_402 = tpu.memref_slice %arg7[%dma_start3A_398, %dma_start3A_400, %dma_start3A_401] : memref<4x200x64xf32, #tpu.memory_space<vmem>> -> memref<1x72x64xf32, #tpu.memory_space<vmem>>
        %dma_start3A_403 = tpu.memref_squeeze %dma_start3A_402 : memref<1x72x64xf32, #tpu.memory_space<vmem>> -> memref<72x64xf32, #tpu.memory_space<vmem>>
        %dma_start3A_404 = tpu.memref_slice %arg6[%add3A_397] : memref<12800xi32, #tpu.memory_space<vmem>> -> memref<72xi32, #tpu.memory_space<vmem>>
        %dma_start3A_405 = arith.constant 0 : i32
        %dma_start3A_406 = arith.constant 0 : i32
        %dma_start3A_407 = tpu.memref_slice %arg3[%dma_start3A_405, %dma_start3A_406] : memref<1000000x64xf32, #tpu.memory_space<hbm>> -> memref<1000000x64xf32, #tpu.memory_space<hbm>>
        %dma_start3A_408 = tpu.memref_slice %arg9[%dma_start3A_399] : memref<4x!tpu.dma_semaphore, #tpu.memory_space<semaphore_mem>> -> memref<1x!tpu.dma_semaphore, #tpu.memory_space<semaphore_mem>>
        %dma_start3A_409 = tpu.memref_squeeze %dma_start3A_408 : memref<1x!tpu.dma_semaphore, #tpu.memory_space<semaphore_mem>> -> memref<!tpu.dma_semaphore, #tpu.memory_space<semaphore_mem>>
        tpu.enqueue_indirect_dma source(%dma_start3A_407 : memref<1000000x64xf32, #tpu.memory_space<hbm>>) target(%dma_start3A_403 : memref<72x64xf32, #tpu.memory_space<vmem>>) offsets(%dma_start3A_404 : memref<72xi32, #tpu.memory_space<vmem>>) semaphore(%dma_start3A_409 : memref<!tpu.dma_semaphore, #tpu.memory_space<semaphore_mem>>)
      } else {
      }
      %mul3A_169 = arith.constant 4 : i32
      %mul3A_170 = arith.muli %scan3A_102, %mul3A_169 : i32
      %add3A_171 = arith.constant 1 : i32
      %add3A_172 = arith.addi %mul3A_170, %add3A_171 : i32
      %mul3A_173 = arith.constant 200 : i32
      %mul3A_174 = arith.muli %add3A_172, %mul3A_173 : i32
      %dma_wait3A_175 = arith.constant 1 : i32
      %dma_wait3A_176 = arith.constant 1 : i32
      %dma_wait3A_177 = arith.constant 0 : i32
      %dma_wait3A_178 = arith.constant 0 : i32
      %dma_wait3A_179 = tpu.memref_slice %arg7[%dma_wait3A_175, %dma_wait3A_177, %dma_wait3A_178] : memref<4x200x64xf32, #tpu.memory_space<vmem>> -> memref<1x128x64xf32, #tpu.memory_space<vmem>>
      %dma_wait3A_180 = tpu.memref_squeeze %dma_wait3A_179 : memref<1x128x64xf32, #tpu.memory_space<vmem>> -> memref<128x64xf32, #tpu.memory_space<vmem>>
      %dma_wait3A_181 = tpu.memref_slice %arg6[%mul3A_174] : memref<12800xi32, #tpu.memory_space<vmem>> -> memref<128xi32, #tpu.memory_space<vmem>>
      %dma_wait3A_182 = arith.constant 0 : i32
      %dma_wait3A_183 = arith.constant 0 : i32
      %dma_wait3A_184 = tpu.memref_slice %arg3[%dma_wait3A_182, %dma_wait3A_183] : memref<1000000x64xf32, #tpu.memory_space<hbm>> -> memref<1000000x64xf32, #tpu.memory_space<hbm>>
      %dma_wait3A_185 = tpu.memref_slice %arg9[%dma_wait3A_176] : memref<4x!tpu.dma_semaphore, #tpu.memory_space<semaphore_mem>> -> memref<1x!tpu.dma_semaphore, #tpu.memory_space<semaphore_mem>>
      %dma_wait3A_186 = tpu.memref_squeeze %dma_wait3A_185 : memref<1x!tpu.dma_semaphore, #tpu.memory_space<semaphore_mem>> -> memref<!tpu.dma_semaphore, #tpu.memory_space<semaphore_mem>>
      tpu.wait_indirect_dma semaphore(%dma_wait3A_186 : memref<!tpu.dma_semaphore, #tpu.memory_space<semaphore_mem>>) src(%dma_wait3A_184 : memref<1000000x64xf32, #tpu.memory_space<hbm>>) dst(%dma_wait3A_180 : memref<128x64xf32, #tpu.memory_space<vmem>>)
      %add3A_187 = arith.constant 128 : i32
      %add3A_188 = arith.addi %mul3A_174, %add3A_187 : i32
      %dma_wait3A_189 = arith.constant 1 : i32
      %dma_wait3A_190 = arith.constant 1 : i32
      %dma_wait3A_191 = arith.constant 128 : i32
      %dma_wait3A_192 = arith.constant 0 : i32
      %dma_wait3A_193 = tpu.memref_slice %arg7[%dma_wait3A_189, %dma_wait3A_191, %dma_wait3A_192] : memref<4x200x64xf32, #tpu.memory_space<vmem>> -> memref<1x72x64xf32, #tpu.memory_space<vmem>>
      %dma_wait3A_194 = tpu.memref_squeeze %dma_wait3A_193 : memref<1x72x64xf32, #tpu.memory_space<vmem>> -> memref<72x64xf32, #tpu.memory_space<vmem>>
      %dma_wait3A_195 = tpu.memref_slice %arg6[%add3A_188] : memref<12800xi32, #tpu.memory_space<vmem>> -> memref<72xi32, #tpu.memory_space<vmem>>
      %dma_wait3A_196 = arith.constant 0 : i32
      %dma_wait3A_197 = arith.constant 0 : i32
      %dma_wait3A_198 = tpu.memref_slice %arg3[%dma_wait3A_196, %dma_wait3A_197] : memref<1000000x64xf32, #tpu.memory_space<hbm>> -> memref<1000000x64xf32, #tpu.memory_space<hbm>>
      %dma_wait3A_199 = tpu.memref_slice %arg9[%dma_wait3A_190] : memref<4x!tpu.dma_semaphore, #tpu.memory_space<semaphore_mem>> -> memref<1x!tpu.dma_semaphore, #tpu.memory_space<semaphore_mem>>
      %dma_wait3A_200 = tpu.memref_squeeze %dma_wait3A_199 : memref<1x!tpu.dma_semaphore, #tpu.memory_space<semaphore_mem>> -> memref<!tpu.dma_semaphore, #tpu.memory_space<semaphore_mem>>
      tpu.wait_indirect_dma semaphore(%dma_wait3A_200 : memref<!tpu.dma_semaphore, #tpu.memory_space<semaphore_mem>>) src(%dma_wait3A_198 : memref<1000000x64xf32, #tpu.memory_space<hbm>>) dst(%dma_wait3A_194 : memref<72x64xf32, #tpu.memory_space<vmem>>)
      %scan3A_201 = arith.constant 0 : i32
      %scan3A_202 = arith.constant 0 : i32
      %scan3A_203 = arith.constant 200 : i32
      %scan3A_204 = arith.addi %scan3A_202, %scan3A_203 : i32
      %scan3A_205 = arith.constant 4 : i32
      scf.for %scan3A_382 = %scan3A_202 to %scan3A_204 step %scan3A_205  : i32 {
        %get3A = arith.index_cast %scan3A_382 : i32 to index
        %get3A_383 = arith.constant 0 : index
        %get3A_384 = tpu.vector_load %arg8[%get3A, %get3A_383] {strides = array<i32>} : memref<200x64xf32, #tpu.memory_space<vmem>>, vector<1x16xf32>,
        %get3A_385 = vector.shape_cast %get3A_384 : vector<1x16xf32> to vector<16xf32>
        %swap3A = arith.constant 1 : i32
        %swap3A_386 = arith.index_cast %swap3A : i32 to index
        %swap3A_387 = arith.index_cast %scan3A_382 : i32 to index
        %swap3A_388 = arith.constant 0 : index
        %swap3A_389 = tpu.vector_load %arg7[%swap3A_386, %swap3A_387, %swap3A_388] {strides = array<i32>} : memref<4x200x64xf32, #tpu.memory_space<vmem>>, vector<1x1x16xf32>,
        %swap3A_390 = vector.shape_cast %swap3A_389 : vector<1x1x16xf32> to vector<16xf32>
        %swap3A_391 = vector.shape_cast %get3A_385 : vector<16xf32> to vector<1x1x16xf32>
        tpu.vector_store %arg7[%swap3A_386, %swap3A_387, %swap3A_388], %swap3A_391 {add = true, strides = array<i32>} : memref<4x200x64xf32, #tpu.memory_space<vmem>>, vector<1x1x16xf32>,
        %get3A_392 = arith.index_cast %scan3A_382 : i32 to index
        %get3A_393 = arith.constant 16 : index
        %get3A_394 = tpu.vector_load %arg8[%get3A_392, %get3A_393] {strides = array<i32>} : memref<200x64xf32, #tpu.memory_space<vmem>>, vector<1x16xf32>,
        %get3A_395 = vector.shape_cast %get3A_394 : vector<1x16xf32> to vector<16xf32>
        %swap3A_396 = arith.constant 1 : i32
        %swap3A_397 = arith.index_cast %swap3A_396 : i32 to index
        %swap3A_398 = arith.index_cast %scan3A_382 : i32 to index
        %swap3A_399 = arith.constant 16 : index
        %swap3A_400 = tpu.vector_load %arg7[%swap3A_397, %swap3A_398, %swap3A_399] {strides = array<i32>} : memref<4x200x64xf32, #tpu.memory_space<vmem>>, vector<1x1x16xf32>,
        %swap3A_401 = vector.shape_cast %swap3A_400 : vector<1x1x16xf32> to vector<16xf32>
        %swap3A_402 = vector.shape_cast %get3A_395 : vector<16xf32> to vector<1x1x16xf32>
        tpu.vector_store %arg7[%swap3A_397, %swap3A_398, %swap3A_399], %swap3A_402 {add = true, strides = array<i32>} : memref<4x200x64xf32, #tpu.memory_space<vmem>>, vector<1x1x16xf32>,
        %get3A_403 = arith.index_cast %scan3A_382 : i32 to index
        %get3A_404 = arith.constant 32 : index
        %get3A_405 = tpu.vector_load %arg8[%get3A_403, %get3A_404] {strides = array<i32>} : memref<200x64xf32, #tpu.memory_space<vmem>>, vector<1x16xf32>,
        %get3A_406 = vector.shape_cast %get3A_405 : vector<1x16xf32> to vector<16xf32>
        %swap3A_407 = arith.constant 1 : i32
        %swap3A_408 = arith.index_cast %swap3A_407 : i32 to index
        %swap3A_409 = arith.index_cast %scan3A_382 : i32 to index
        %swap3A_410 = arith.constant 32 : index
        %swap3A_411 = tpu.vector_load %arg7[%swap3A_408, %swap3A_409, %swap3A_410] {strides = array<i32>} : memref<4x200x64xf32, #tpu.memory_space<vmem>>, vector<1x1x16xf32>,
        %swap3A_412 = vector.shape_cast %swap3A_411 : vector<1x1x16xf32> to vector<16xf32>
        %swap3A_413 = vector.shape_cast %get3A_406 : vector<16xf32> to vector<1x1x16xf32>
        tpu.vector_store %arg7[%swap3A_408, %swap3A_409, %swap3A_410], %swap3A_413 {add = true, strides = array<i32>} : memref<4x200x64xf32, #tpu.memory_space<vmem>>, vector<1x1x16xf32>,
        %get3A_414 = arith.index_cast %scan3A_382 : i32 to index
        %get3A_415 = arith.constant 48 : index
        %get3A_416 = tpu.vector_load %arg8[%get3A_414, %get3A_415] {strides = array<i32>} : memref<200x64xf32, #tpu.memory_space<vmem>>, vector<1x16xf32>,
        %get3A_417 = vector.shape_cast %get3A_416 : vector<1x16xf32> to vector<16xf32>
        %swap3A_418 = arith.constant 1 : i32
        %swap3A_419 = arith.index_cast %swap3A_418 : i32 to index
        %swap3A_420 = arith.index_cast %scan3A_382 : i32 to index
        %swap3A_421 = arith.constant 48 : index
        %swap3A_422 = tpu.vector_load %arg7[%swap3A_419, %swap3A_420, %swap3A_421] {strides = array<i32>} : memref<4x200x64xf32, #tpu.memory_space<vmem>>, vector<1x1x16xf32>,
        %swap3A_423 = vector.shape_cast %swap3A_422 : vector<1x1x16xf32> to vector<16xf32>
        %swap3A_424 = vector.shape_cast %get3A_417 : vector<16xf32> to vector<1x1x16xf32>
        tpu.vector_store %arg7[%swap3A_419, %swap3A_420, %swap3A_421], %swap3A_424 {add = true, strides = array<i32>} : memref<4x200x64xf32, #tpu.memory_space<vmem>>, vector<1x1x16xf32>,
        %scan3A_425 = arith.constant 1 : i32
        %scan3A_426 = arith.addi %scan3A_382, %scan3A_425 : i32
        %get3A_427 = arith.index_cast %scan3A_426 : i32 to index
        %get3A_428 = arith.constant 0 : index
        %get3A_429 = tpu.vector_load %arg8[%get3A_427, %get3A_428] {strides = array<i32>} : memref<200x64xf32, #tpu.memory_space<vmem>>, vector<1x16xf32>,
        %get3A_430 = vector.shape_cast %get3A_429 : vector<1x16xf32> to vector<16xf32>
        %swap3A_431 = arith.constant 1 : i32
        %swap3A_432 = arith.index_cast %swap3A_431 : i32 to index
        %swap3A_433 = arith.index_cast %scan3A_426 : i32 to index
        %swap3A_434 = arith.constant 0 : index
        %swap3A_435 = tpu.vector_load %arg7[%swap3A_432, %swap3A_433, %swap3A_434] {strides = array<i32>} : memref<4x200x64xf32, #tpu.memory_space<vmem>>, vector<1x1x16xf32>,
        %swap3A_436 = vector.shape_cast %swap3A_435 : vector<1x1x16xf32> to vector<16xf32>
        %swap3A_437 = vector.shape_cast %get3A_430 : vector<16xf32> to vector<1x1x16xf32>
        tpu.vector_store %arg7[%swap3A_432, %swap3A_433, %swap3A_434], %swap3A_437 {add = true, strides = array<i32>} : memref<4x200x64xf32, #tpu.memory_space<vmem>>, vector<1x1x16xf32>,
        %get3A_438 = arith.index_cast %scan3A_426 : i32 to index
        %get3A_439 = arith.constant 16 : index
        %get3A_440 = tpu.vector_load %arg8[%get3A_438, %get3A_439] {strides = array<i32>} : memref<200x64xf32, #tpu.memory_space<vmem>>, vector<1x16xf32>,
        %get3A_441 = vector.shape_cast %get3A_440 : vector<1x16xf32> to vector<16xf32>
        %swap3A_442 = arith.constant 1 : i32
        %swap3A_443 = arith.index_cast %swap3A_442 : i32 to index
        %swap3A_444 = arith.index_cast %scan3A_426 : i32 to index
        %swap3A_445 = arith.constant 16 : index
        %swap3A_446 = tpu.vector_load %arg7[%swap3A_443, %swap3A_444, %swap3A_445] {strides = array<i32>} : memref<4x200x64xf32, #tpu.memory_space<vmem>>, vector<1x1x16xf32>,
        %swap3A_447 = vector.shape_cast %swap3A_446 : vector<1x1x16xf32> to vector<16xf32>
        %swap3A_448 = vector.shape_cast %get3A_441 : vector<16xf32> to vector<1x1x16xf32>
        tpu.vector_store %arg7[%swap3A_443, %swap3A_444, %swap3A_445], %swap3A_448 {add = true, strides = array<i32>} : memref<4x200x64xf32, #tpu.memory_space<vmem>>, vector<1x1x16xf32>,
        %get3A_449 = arith.index_cast %scan3A_426 : i32 to index
        %get3A_450 = arith.constant 32 : index
        %get3A_451 = tpu.vector_load %arg8[%get3A_449, %get3A_450] {strides = array<i32>} : memref<200x64xf32, #tpu.memory_space<vmem>>, vector<1x16xf32>,
        %get3A_452 = vector.shape_cast %get3A_451 : vector<1x16xf32> to vector<16xf32>
        %swap3A_453 = arith.constant 1 : i32
        %swap3A_454 = arith.index_cast %swap3A_453 : i32 to index
        %swap3A_455 = arith.index_cast %scan3A_426 : i32 to index
        %swap3A_456 = arith.constant 32 : index
        %swap3A_457 = tpu.vector_load %arg7[%swap3A_454, %swap3A_455, %swap3A_456] {strides = array<i32>} : memref<4x200x64xf32, #tpu.memory_space<vmem>>, vector<1x1x16xf32>,
        %swap3A_458 = vector.shape_cast %swap3A_457 : vector<1x1x16xf32> to vector<16xf32>
        %swap3A_459 = vector.shape_cast %get3A_452 : vector<16xf32> to vector<1x1x16xf32>
        tpu.vector_store %arg7[%swap3A_454, %swap3A_455, %swap3A_456], %swap3A_459 {add = true, strides = array<i32>} : memref<4x200x64xf32, #tpu.memory_space<vmem>>, vector<1x1x16xf32>,
        %get3A_460 = arith.index_cast %scan3A_426 : i32 to index
        %get3A_461 = arith.constant 48 : index
        %get3A_462 = tpu.vector_load %arg8[%get3A_460, %get3A_461] {strides = array<i32>} : memref<200x64xf32, #tpu.memory_space<vmem>>, vector<1x16xf32>,
        %get3A_463 = vector.shape_cast %get3A_462 : vector<1x16xf32> to vector<16xf32>
        %swap3A_464 = arith.constant 1 : i32
        %swap3A_465 = arith.index_cast %swap3A_464 : i32 to index
        %swap3A_466 = arith.index_cast %scan3A_426 : i32 to index
        %swap3A_467 = arith.constant 48 : index
        %swap3A_468 = tpu.vector_load %arg7[%swap3A_465, %swap3A_466, %swap3A_467] {strides = array<i32>} : memref<4x200x64xf32, #tpu.memory_space<vmem>>, vector<1x1x16xf32>,
        %swap3A_469 = vector.shape_cast %swap3A_468 : vector<1x1x16xf32> to vector<16xf32>
        %swap3A_470 = vector.shape_cast %get3A_463 : vector<16xf32> to vector<1x1x16xf32>
        tpu.vector_store %arg7[%swap3A_465, %swap3A_466, %swap3A_467], %swap3A_470 {add = true, strides = array<i32>} : memref<4x200x64xf32, #tpu.memory_space<vmem>>, vector<1x1x16xf32>,
        %scan3A_471 = arith.constant 2 : i32
        %scan3A_472 = arith.addi %scan3A_382, %scan3A_471 : i32
        %get3A_473 = arith.index_cast %scan3A_472 : i32 to index
        %get3A_474 = arith.constant 0 : index
        %get3A_475 = tpu.vector_load %arg8[%get3A_473, %get3A_474] {strides = array<i32>} : memref<200x64xf32, #tpu.memory_space<vmem>>, vector<1x16xf32>,
        %get3A_476 = vector.shape_cast %get3A_475 : vector<1x16xf32> to vector<16xf32>
        %swap3A_477 = arith.constant 1 : i32
        %swap3A_478 = arith.index_cast %swap3A_477 : i32 to index
        %swap3A_479 = arith.index_cast %scan3A_472 : i32 to index
        %swap3A_480 = arith.constant 0 : index
        %swap3A_481 = tpu.vector_load %arg7[%swap3A_478, %swap3A_479, %swap3A_480] {strides = array<i32>} : memref<4x200x64xf32, #tpu.memory_space<vmem>>, vector<1x1x16xf32>,
        %swap3A_482 = vector.shape_cast %swap3A_481 : vector<1x1x16xf32> to vector<16xf32>
        %swap3A_483 = vector.shape_cast %get3A_476 : vector<16xf32> to vector<1x1x16xf32>
        tpu.vector_store %arg7[%swap3A_478, %swap3A_479, %swap3A_480], %swap3A_483 {add = true, strides = array<i32>} : memref<4x200x64xf32, #tpu.memory_space<vmem>>, vector<1x1x16xf32>,
        %get3A_484 = arith.index_cast %scan3A_472 : i32 to index
        %get3A_485 = arith.constant 16 : index
        %get3A_486 = tpu.vector_load %arg8[%get3A_484, %get3A_485] {strides = array<i32>} : memref<200x64xf32, #tpu.memory_space<vmem>>, vector<1x16xf32>,
        %get3A_487 = vector.shape_cast %get3A_486 : vector<1x16xf32> to vector<16xf32>
        %swap3A_488 = arith.constant 1 : i32
        %swap3A_489 = arith.index_cast %swap3A_488 : i32 to index
        %swap3A_490 = arith.index_cast %scan3A_472 : i32 to index
        %swap3A_491 = arith.constant 16 : index
        %swap3A_492 = tpu.vector_load %arg7[%swap3A_489, %swap3A_490, %swap3A_491] {strides = array<i32>} : memref<4x200x64xf32, #tpu.memory_space<vmem>>, vector<1x1x16xf32>,
        %swap3A_493 = vector.shape_cast %swap3A_492 : vector<1x1x16xf32> to vector<16xf32>
        %swap3A_494 = vector.shape_cast %get3A_487 : vector<16xf32> to vector<1x1x16xf32>
        tpu.vector_store %arg7[%swap3A_489, %swap3A_490, %swap3A_491], %swap3A_494 {add = true, strides = array<i32>} : memref<4x200x64xf32, #tpu.memory_space<vmem>>, vector<1x1x16xf32>,
        %get3A_495 = arith.index_cast %scan3A_472 : i32 to index
        %get3A_496 = arith.constant 32 : index
        %get3A_497 = tpu.vector_load %arg8[%get3A_495, %get3A_496] {strides = array<i32>} : memref<200x64xf32, #tpu.memory_space<vmem>>, vector<1x16xf32>,
        %get3A_498 = vector.shape_cast %get3A_497 : vector<1x16xf32> to vector<16xf32>
        %swap3A_499 = arith.constant 1 : i32
        %swap3A_500 = arith.index_cast %swap3A_499 : i32 to index
        %swap3A_501 = arith.index_cast %scan3A_472 : i32 to index
        %swap3A_502 = arith.constant 32 : index
        %swap3A_503 = tpu.vector_load %arg7[%swap3A_500, %swap3A_501, %swap3A_502] {strides = array<i32>} : memref<4x200x64xf32, #tpu.memory_space<vmem>>, vector<1x1x16xf32>,
        %swap3A_504 = vector.shape_cast %swap3A_503 : vector<1x1x16xf32> to vector<16xf32>
        %swap3A_505 = vector.shape_cast %get3A_498 : vector<16xf32> to vector<1x1x16xf32>
        tpu.vector_store %arg7[%swap3A_500, %swap3A_501, %swap3A_502], %swap3A_505 {add = true, strides = array<i32>} : memref<4x200x64xf32, #tpu.memory_space<vmem>>, vector<1x1x16xf32>,
        %get3A_506 = arith.index_cast %scan3A_472 : i32 to index
        %get3A_507 = arith.constant 48 : index
        %get3A_508 = tpu.vector_load %arg8[%get3A_506, %get3A_507] {strides = array<i32>} : memref<200x64xf32, #tpu.memory_space<vmem>>, vector<1x16xf32>,
        %get3A_509 = vector.shape_cast %get3A_508 : vector<1x16xf32> to vector<16xf32>
        %swap3A_510 = arith.constant 1 : i32
        %swap3A_511 = arith.index_cast %swap3A_510 : i32 to index
        %swap3A_512 = arith.index_cast %scan3A_472 : i32 to index
        %swap3A_513 = arith.constant 48 : index
        %swap3A_514 = tpu.vector_load %arg7[%swap3A_511, %swap3A_512, %swap3A_513] {strides = array<i32>} : memref<4x200x64xf32, #tpu.memory_space<vmem>>, vector<1x1x16xf32>,
        %swap3A_515 = vector.shape_cast %swap3A_514 : vector<1x1x16xf32> to vector<16xf32>
        %swap3A_516 = vector.shape_cast %get3A_509 : vector<16xf32> to vector<1x1x16xf32>
        tpu.vector_store %arg7[%swap3A_511, %swap3A_512, %swap3A_513], %swap3A_516 {add = true, strides = array<i32>} : memref<4x200x64xf32, #tpu.memory_space<vmem>>, vector<1x1x16xf32>,
        %scan3A_517 = arith.constant 3 : i32
        %scan3A_518 = arith.addi %scan3A_382, %scan3A_517 : i32
        %get3A_519 = arith.index_cast %scan3A_518 : i32 to index
        %get3A_520 = arith.constant 0 : index
        %get3A_521 = tpu.vector_load %arg8[%get3A_519, %get3A_520] {strides = array<i32>} : memref<200x64xf32, #tpu.memory_space<vmem>>, vector<1x16xf32>,
        %get3A_522 = vector.shape_cast %get3A_521 : vector<1x16xf32> to vector<16xf32>
        %swap3A_523 = arith.constant 1 : i32
        %swap3A_524 = arith.index_cast %swap3A_523 : i32 to index
        %swap3A_525 = arith.index_cast %scan3A_518 : i32 to index
        %swap3A_526 = arith.constant 0 : index
        %swap3A_527 = tpu.vector_load %arg7[%swap3A_524, %swap3A_525, %swap3A_526] {strides = array<i32>} : memref<4x200x64xf32, #tpu.memory_space<vmem>>, vector<1x1x16xf32>,
        %swap3A_528 = vector.shape_cast %swap3A_527 : vector<1x1x16xf32> to vector<16xf32>
        %swap3A_529 = vector.shape_cast %get3A_522 : vector<16xf32> to vector<1x1x16xf32>
        tpu.vector_store %arg7[%swap3A_524, %swap3A_525, %swap3A_526], %swap3A_529 {add = true, strides = array<i32>} : memref<4x200x64xf32, #tpu.memory_space<vmem>>, vector<1x1x16xf32>,
        %get3A_530 = arith.index_cast %scan3A_518 : i32 to index
        %get3A_531 = arith.constant 16 : index
        %get3A_532 = tpu.vector_load %arg8[%get3A_530, %get3A_531] {strides = array<i32>} : memref<200x64xf32, #tpu.memory_space<vmem>>, vector<1x16xf32>,
        %get3A_533 = vector.shape_cast %get3A_532 : vector<1x16xf32> to vector<16xf32>
        %swap3A_534 = arith.constant 1 : i32
        %swap3A_535 = arith.index_cast %swap3A_534 : i32 to index
        %swap3A_536 = arith.index_cast %scan3A_518 : i32 to index
        %swap3A_537 = arith.constant 16 : index
        %swap3A_538 = tpu.vector_load %arg7[%swap3A_535, %swap3A_536, %swap3A_537] {strides = array<i32>} : memref<4x200x64xf32, #tpu.memory_space<vmem>>, vector<1x1x16xf32>,
        %swap3A_539 = vector.shape_cast %swap3A_538 : vector<1x1x16xf32> to vector<16xf32>
        %swap3A_540 = vector.shape_cast %get3A_533 : vector<16xf32> to vector<1x1x16xf32>
        tpu.vector_store %arg7[%swap3A_535, %swap3A_536, %swap3A_537], %swap3A_540 {add = true, strides = array<i32>} : memref<4x200x64xf32, #tpu.memory_space<vmem>>, vector<1x1x16xf32>,
        %get3A_541 = arith.index_cast %scan3A_518 : i32 to index
        %get3A_542 = arith.constant 32 : index
        %get3A_543 = tpu.vector_load %arg8[%get3A_541, %get3A_542] {strides = array<i32>} : memref<200x64xf32, #tpu.memory_space<vmem>>, vector<1x16xf32>,
        %get3A_544 = vector.shape_cast %get3A_543 : vector<1x16xf32> to vector<16xf32>
        %swap3A_545 = arith.constant 1 : i32
        %swap3A_546 = arith.index_cast %swap3A_545 : i32 to index
        %swap3A_547 = arith.index_cast %scan3A_518 : i32 to index
        %swap3A_548 = arith.constant 32 : index
        %swap3A_549 = tpu.vector_load %arg7[%swap3A_546, %swap3A_547, %swap3A_548] {strides = array<i32>} : memref<4x200x64xf32, #tpu.memory_space<vmem>>, vector<1x1x16xf32>,
        %swap3A_550 = vector.shape_cast %swap3A_549 : vector<1x1x16xf32> to vector<16xf32>
        %swap3A_551 = vector.shape_cast %get3A_544 : vector<16xf32> to vector<1x1x16xf32>
        tpu.vector_store %arg7[%swap3A_546, %swap3A_547, %swap3A_548], %swap3A_551 {add = true, strides = array<i32>} : memref<4x200x64xf32, #tpu.memory_space<vmem>>, vector<1x1x16xf32>,
        %get3A_552 = arith.index_cast %scan3A_518 : i32 to index
        %get3A_553 = arith.constant 48 : index
        %get3A_554 = tpu.vector_load %arg8[%get3A_552, %get3A_553] {strides = array<i32>} : memref<200x64xf32, #tpu.memory_space<vmem>>, vector<1x16xf32>,
        %get3A_555 = vector.shape_cast %get3A_554 : vector<1x16xf32> to vector<16xf32>
        %swap3A_556 = arith.constant 1 : i32
        %swap3A_557 = arith.index_cast %swap3A_556 : i32 to index
        %swap3A_558 = arith.index_cast %scan3A_518 : i32 to index
        %swap3A_559 = arith.constant 48 : index
        %swap3A_560 = tpu.vector_load %arg7[%swap3A_557, %swap3A_558, %swap3A_559] {strides = array<i32>} : memref<4x200x64xf32, #tpu.memory_space<vmem>>, vector<1x1x16xf32>,
        %swap3A_561 = vector.shape_cast %swap3A_560 : vector<1x1x16xf32> to vector<16xf32>
        %swap3A_562 = vector.shape_cast %get3A_555 : vector<16xf32> to vector<1x1x16xf32>
        tpu.vector_store %arg7[%swap3A_557, %swap3A_558, %swap3A_559], %swap3A_562 {add = true, strides = array<i32>} : memref<4x200x64xf32, #tpu.memory_space<vmem>>, vector<1x1x16xf32>,
      }
      %scan3A_206 = arith.constant 200 : i32
      %mul3A_207 = arith.constant 200 : i32
      %mul3A_208 = arith.muli %add3A_172, %mul3A_207 : i32
      %add3A_209 = arith.addi %mul3A_2, %mul3A_208 : i32
      %dma_start3A_210 = arith.constant 1 : i32
      %dma_start3A_211 = arith.constant 1 : i32
      %dma_start3A_212 = arith.constant 0 : i32
      %dma_start3A_213 = arith.constant 0 : i32
      %dma_start3A_214 = tpu.memref_slice %arg7[%dma_start3A_210, %dma_start3A_212, %dma_start3A_213] : memref<4x200x64xf32, #tpu.memory_space<vmem>> -> memref<1x200x64xf32, #tpu.memory_space<vmem>>
      %dma_start3A_215 = tpu.memref_squeeze %dma_start3A_214 : memref<1x200x64xf32, #tpu.memory_space<vmem>> -> memref<200x64xf32, #tpu.memory_space<vmem>>
      %dma_start3A_216 = arith.constant 0 : i32
      %dma_start3A_217 = tpu.memref_slice %arg5[%add3A_209, %dma_start3A_216] : memref<409600x64xf32, #tpu.memory_space<hbm>> -> memref<200x64xf32, #tpu.memory_space<hbm>>
      %dma_start3A_218 = tpu.memref_slice %arg10[%dma_start3A_211] : memref<4x!tpu.dma_semaphore, #tpu.memory_space<semaphore_mem>> -> memref<1x!tpu.dma_semaphore, #tpu.memory_space<semaphore_mem>>
      %dma_start3A_219 = tpu.memref_squeeze %dma_start3A_218 : memref<1x!tpu.dma_semaphore, #tpu.memory_space<semaphore_mem>> -> memref<!tpu.dma_semaphore, #tpu.memory_space<semaphore_mem>>
      %dma_start3A_220 = arith.constant 0 : i32
      %dma_start3A_221 = tpu.memref_slice %arg5[%add3A_209, %dma_start3A_220] : memref<409600x64xf32, #tpu.memory_space<hbm>> -> memref<200x64xf32, #tpu.memory_space<hbm>>
      %dma_start3A_222 = arith.constant 0 : i32
      %dma_start3A_223 = arith.constant 0 : i32
      %dma_start3A_224 = tpu.memref_slice %arg7[%dma_start3A_210, %dma_start3A_222, %dma_start3A_223] : memref<4x200x64xf32, #tpu.memory_space<vmem>> -> memref<1x200x64xf32, #tpu.memory_space<vmem>>
      %dma_start3A_225 = tpu.memref_squeeze %dma_start3A_224 : memref<1x200x64xf32, #tpu.memory_space<vmem>> -> memref<200x64xf32, #tpu.memory_space<vmem>>
      tpu.enqueue_dma source(%dma_start3A_225 : memref<200x64xf32, #tpu.memory_space<vmem>>) target(%dma_start3A_221 : memref<200x64xf32, #tpu.memory_space<hbm>>) target_semaphore(%dma_start3A_219 : memref<!tpu.dma_semaphore, #tpu.memory_space<semaphore_mem>>)
      %add3A_226 = arith.constant 4 : i32
      %add3A_227 = arith.addi %add3A_172, %add3A_226 : i32
      %sub3A_228 = arith.constant 1 : i32
      %sub3A_229 = arith.subi %add3A_227, %sub3A_228 : i32
      %ge3A_230 = arith.constant 1 : i32
      %ge3A_231 = arith.cmpi sge, %add3A_172, %ge3A_230 : i32
      %convert_element_type3A_232 = arith.extui %ge3A_231 : i1 to i32
      %cond3A_233 = arith.constant 0 : i32
      %cond3A_234 = arith.cmpi ne, %convert_element_type3A_232, %cond3A_233 : i32
      scf.if %cond3A_234 {
        %sub3A_382 = arith.constant 1 : i32
        %sub3A_383 = arith.subi %add3A_172, %sub3A_382 : i32
        %mul3A_384 = arith.constant 200 : i32
        %mul3A_385 = arith.muli %sub3A_383, %mul3A_384 : i32
        %add3A_386 = arith.addi %mul3A_2, %mul3A_385 : i32
        %dma_wait3A_387 = arith.constant 0 : i32
        %dma_wait3A_388 = arith.constant 0 : i32
        %dma_wait3A_389 = arith.constant 0 : i32
        %dma_wait3A_390 = arith.constant 0 : i32
        %dma_wait3A_391 = tpu.memref_slice %arg7[%dma_wait3A_387, %dma_wait3A_389, %dma_wait3A_390] : memref<4x200x64xf32, #tpu.memory_space<vmem>> -> memref<1x200x64xf32, #tpu.memory_space<vmem>>
        %dma_wait3A_392 = tpu.memref_squeeze %dma_wait3A_391 : memref<1x200x64xf32, #tpu.memory_space<vmem>> -> memref<200x64xf32, #tpu.memory_space<vmem>>
        %dma_wait3A_393 = arith.constant 0 : i32
        %dma_wait3A_394 = tpu.memref_slice %arg5[%add3A_386, %dma_wait3A_393] : memref<409600x64xf32, #tpu.memory_space<hbm>> -> memref<200x64xf32, #tpu.memory_space<hbm>>
        %dma_wait3A_395 = tpu.memref_slice %arg10[%dma_wait3A_388] : memref<4x!tpu.dma_semaphore, #tpu.memory_space<semaphore_mem>> -> memref<1x!tpu.dma_semaphore, #tpu.memory_space<semaphore_mem>>
        %dma_wait3A_396 = tpu.memref_squeeze %dma_wait3A_395 : memref<1x!tpu.dma_semaphore, #tpu.memory_space<semaphore_mem>> -> memref<!tpu.dma_semaphore, #tpu.memory_space<semaphore_mem>>
        %dma_wait3A_397 = arith.constant 0 : i32
        %dma_wait3A_398 = tpu.memref_slice %arg5[%add3A_386, %dma_wait3A_397] : memref<409600x64xf32, #tpu.memory_space<hbm>> -> memref<200x64xf32, #tpu.memory_space<hbm>>
        %dma_wait3A_399 = arith.constant 0 : i32
        %dma_wait3A_400 = arith.constant 0 : i32
        %dma_wait3A_401 = tpu.memref_slice %arg7[%dma_wait3A_387, %dma_wait3A_399, %dma_wait3A_400] : memref<4x200x64xf32, #tpu.memory_space<vmem>> -> memref<1x200x64xf32, #tpu.memory_space<vmem>>
        %dma_wait3A_402 = tpu.memref_squeeze %dma_wait3A_401 : memref<1x200x64xf32, #tpu.memory_space<vmem>> -> memref<200x64xf32, #tpu.memory_space<vmem>>
        tpu.wait_dma2 semaphore(%dma_wait3A_396 : memref<!tpu.dma_semaphore, #tpu.memory_space<semaphore_mem>>) src(%dma_wait3A_402 : memref<200x64xf32, #tpu.memory_space<vmem>>) dst(%dma_wait3A_398 : memref<200x64xf32, #tpu.memory_space<hbm>>)
      } else {
      }
      %lt3A_235 = arith.constant 64 : i32
      %lt3A_236 = arith.cmpi slt, %sub3A_229, %lt3A_235 : i32
      %convert_element_type3A_237 = arith.extui %lt3A_236 : i1 to i32
      %cond3A_238 = arith.constant 0 : i32
      %cond3A_239 = arith.cmpi ne, %convert_element_type3A_237, %cond3A_238 : i32
      scf.if %cond3A_239 {
        %mul3A_382 = arith.constant 200 : i32
        %mul3A_383 = arith.muli %sub3A_229, %mul3A_382 : i32
        %dma_start3A_384 = arith.constant 0 : i32
        %dma_start3A_385 = arith.constant 0 : i32
        %dma_start3A_386 = arith.constant 0 : i32
        %dma_start3A_387 = arith.constant 0 : i32
        %dma_start3A_388 = tpu.memref_slice %arg7[%dma_start3A_384, %dma_start3A_386, %dma_start3A_387] : memref<4x200x64xf32, #tpu.memory_space<vmem>> -> memref<1x128x64xf32, #tpu.memory_space<vmem>>
        %dma_start3A_389 = tpu.memref_squeeze %dma_start3A_388 : memref<1x128x64xf32, #tpu.memory_space<vmem>> -> memref<128x64xf32, #tpu.memory_space<vmem>>
        %dma_start3A_390 = tpu.memref_slice %arg6[%mul3A_383] : memref<12800xi32, #tpu.memory_space<vmem>> -> memref<128xi32, #tpu.memory_space<vmem>>
        %dma_start3A_391 = arith.constant 0 : i32
        %dma_start3A_392 = arith.constant 0 : i32
        %dma_start3A_393 = tpu.memref_slice %arg3[%dma_start3A_391, %dma_start3A_392] : memref<1000000x64xf32, #tpu.memory_space<hbm>> -> memref<1000000x64xf32, #tpu.memory_space<hbm>>
        %dma_start3A_394 = tpu.memref_slice %arg9[%dma_start3A_385] : memref<4x!tpu.dma_semaphore, #tpu.memory_space<semaphore_mem>> -> memref<1x!tpu.dma_semaphore, #tpu.memory_space<semaphore_mem>>
        %dma_start3A_395 = tpu.memref_squeeze %dma_start3A_394 : memref<1x!tpu.dma_semaphore, #tpu.memory_space<semaphore_mem>> -> memref<!tpu.dma_semaphore, #tpu.memory_space<semaphore_mem>>
        tpu.enqueue_indirect_dma source(%dma_start3A_393 : memref<1000000x64xf32, #tpu.memory_space<hbm>>) target(%dma_start3A_389 : memref<128x64xf32, #tpu.memory_space<vmem>>) offsets(%dma_start3A_390 : memref<128xi32, #tpu.memory_space<vmem>>) semaphore(%dma_start3A_395 : memref<!tpu.dma_semaphore, #tpu.memory_space<semaphore_mem>>)
        %add3A_396 = arith.constant 128 : i32
        %add3A_397 = arith.addi %mul3A_383, %add3A_396 : i32
        %dma_start3A_398 = arith.constant 0 : i32
        %dma_start3A_399 = arith.constant 0 : i32
        %dma_start3A_400 = arith.constant 128 : i32
        %dma_start3A_401 = arith.constant 0 : i32
        %dma_start3A_402 = tpu.memref_slice %arg7[%dma_start3A_398, %dma_start3A_400, %dma_start3A_401] : memref<4x200x64xf32, #tpu.memory_space<vmem>> -> memref<1x72x64xf32, #tpu.memory_space<vmem>>
        %dma_start3A_403 = tpu.memref_squeeze %dma_start3A_402 : memref<1x72x64xf32, #tpu.memory_space<vmem>> -> memref<72x64xf32, #tpu.memory_space<vmem>>
        %dma_start3A_404 = tpu.memref_slice %arg6[%add3A_397] : memref<12800xi32, #tpu.memory_space<vmem>> -> memref<72xi32, #tpu.memory_space<vmem>>
        %dma_start3A_405 = arith.constant 0 : i32
        %dma_start3A_406 = arith.constant 0 : i32
        %dma_start3A_407 = tpu.memref_slice %arg3[%dma_start3A_405, %dma_start3A_406] : memref<1000000x64xf32, #tpu.memory_space<hbm>> -> memref<1000000x64xf32, #tpu.memory_space<hbm>>
        %dma_start3A_408 = tpu.memref_slice %arg9[%dma_start3A_399] : memref<4x!tpu.dma_semaphore, #tpu.memory_space<semaphore_mem>> -> memref<1x!tpu.dma_semaphore, #tpu.memory_space<semaphore_mem>>
        %dma_start3A_409 = tpu.memref_squeeze %dma_start3A_408 : memref<1x!tpu.dma_semaphore, #tpu.memory_space<semaphore_mem>> -> memref<!tpu.dma_semaphore, #tpu.memory_space<semaphore_mem>>
        tpu.enqueue_indirect_dma source(%dma_start3A_407 : memref<1000000x64xf32, #tpu.memory_space<hbm>>) target(%dma_start3A_403 : memref<72x64xf32, #tpu.memory_space<vmem>>) offsets(%dma_start3A_404 : memref<72xi32, #tpu.memory_space<vmem>>) semaphore(%dma_start3A_409 : memref<!tpu.dma_semaphore, #tpu.memory_space<semaphore_mem>>)
      } else {
      }
      %mul3A_240 = arith.constant 4 : i32
      %mul3A_241 = arith.muli %scan3A_102, %mul3A_240 : i32
      %add3A_242 = arith.constant 2 : i32
      %add3A_243 = arith.addi %mul3A_241, %add3A_242 : i32
      %mul3A_244 = arith.constant 200 : i32
      %mul3A_245 = arith.muli %add3A_243, %mul3A_244 : i32
      %dma_wait3A_246 = arith.constant 2 : i32
      %dma_wait3A_247 = arith.constant 2 : i32
      %dma_wait3A_248 = arith.constant 0 : i32
      %dma_wait3A_249 = arith.constant 0 : i32
      %dma_wait3A_250 = tpu.memref_slice %arg7[%dma_wait3A_246, %dma_wait3A_248, %dma_wait3A_249] : memref<4x200x64xf32, #tpu.memory_space<vmem>> -> memref<1x128x64xf32, #tpu.memory_space<vmem>>
      %dma_wait3A_251 = tpu.memref_squeeze %dma_wait3A_250 : memref<1x128x64xf32, #tpu.memory_space<vmem>> -> memref<128x64xf32, #tpu.memory_space<vmem>>
      %dma_wait3A_252 = tpu.memref_slice %arg6[%mul3A_245] : memref<12800xi32, #tpu.memory_space<vmem>> -> memref<128xi32, #tpu.memory_space<vmem>>
      %dma_wait3A_253 = arith.constant 0 : i32
      %dma_wait3A_254 = arith.constant 0 : i32
      %dma_wait3A_255 = tpu.memref_slice %arg3[%dma_wait3A_253, %dma_wait3A_254] : memref<1000000x64xf32, #tpu.memory_space<hbm>> -> memref<1000000x64xf32, #tpu.memory_space<hbm>>
      %dma_wait3A_256 = tpu.memref_slice %arg9[%dma_wait3A_247] : memref<4x!tpu.dma_semaphore, #tpu.memory_space<semaphore_mem>> -> memref<1x!tpu.dma_semaphore, #tpu.memory_space<semaphore_mem>>
      %dma_wait3A_257 = tpu.memref_squeeze %dma_wait3A_256 : memref<1x!tpu.dma_semaphore, #tpu.memory_space<semaphore_mem>> -> memref<!tpu.dma_semaphore, #tpu.memory_space<semaphore_mem>>
      tpu.wait_indirect_dma semaphore(%dma_wait3A_257 : memref<!tpu.dma_semaphore, #tpu.memory_space<semaphore_mem>>) src(%dma_wait3A_255 : memref<1000000x64xf32, #tpu.memory_space<hbm>>) dst(%dma_wait3A_251 : memref<128x64xf32, #tpu.memory_space<vmem>>)
      %add3A_258 = arith.constant 128 : i32
      %add3A_259 = arith.addi %mul3A_245, %add3A_258 : i32
      %dma_wait3A_260 = arith.constant 2 : i32
      %dma_wait3A_261 = arith.constant 2 : i32
      %dma_wait3A_262 = arith.constant 128 : i32
      %dma_wait3A_263 = arith.constant 0 : i32
      %dma_wait3A_264 = tpu.memref_slice %arg7[%dma_wait3A_260, %dma_wait3A_262, %dma_wait3A_263] : memref<4x200x64xf32, #tpu.memory_space<vmem>> -> memref<1x72x64xf32, #tpu.memory_space<vmem>>
      %dma_wait3A_265 = tpu.memref_squeeze %dma_wait3A_264 : memref<1x72x64xf32, #tpu.memory_space<vmem>> -> memref<72x64xf32, #tpu.memory_space<vmem>>
      %dma_wait3A_266 = tpu.memref_slice %arg6[%add3A_259] : memref<12800xi32, #tpu.memory_space<vmem>> -> memref<72xi32, #tpu.memory_space<vmem>>
      %dma_wait3A_267 = arith.constant 0 : i32
      %dma_wait3A_268 = arith.constant 0 : i32
      %dma_wait3A_269 = tpu.memref_slice %arg3[%dma_wait3A_267, %dma_wait3A_268] : memref<1000000x64xf32, #tpu.memory_space<hbm>> -> memref<1000000x64xf32, #tpu.memory_space<hbm>>
      %dma_wait3A_270 = tpu.memref_slice %arg9[%dma_wait3A_261] : memref<4x!tpu.dma_semaphore, #tpu.memory_space<semaphore_mem>> -> memref<1x!tpu.dma_semaphore, #tpu.memory_space<semaphore_mem>>
      %dma_wait3A_271 = tpu.memref_squeeze %dma_wait3A_270 : memref<1x!tpu.dma_semaphore, #tpu.memory_space<semaphore_mem>> -> memref<!tpu.dma_semaphore, #tpu.memory_space<semaphore_mem>>
      tpu.wait_indirect_dma semaphore(%dma_wait3A_271 : memref<!tpu.dma_semaphore, #tpu.memory_space<semaphore_mem>>) src(%dma_wait3A_269 : memref<1000000x64xf32, #tpu.memory_space<hbm>>) dst(%dma_wait3A_265 : memref<72x64xf32, #tpu.memory_space<vmem>>)
      %scan3A_272 = arith.constant 0 : i32
      %scan3A_273 = arith.constant 0 : i32
      %scan3A_274 = arith.constant 200 : i32
      %scan3A_275 = arith.addi %scan3A_273, %scan3A_274 : i32
      %scan3A_276 = arith.constant 4 : i32
      scf.for %scan3A_382 = %scan3A_273 to %scan3A_275 step %scan3A_276  : i32 {
        %get3A = arith.index_cast %scan3A_382 : i32 to index
        %get3A_383 = arith.constant 0 : index
        %get3A_384 = tpu.vector_load %arg8[%get3A, %get3A_383] {strides = array<i32>} : memref<200x64xf32, #tpu.memory_space<vmem>>, vector<1x16xf32>,
        %get3A_385 = vector.shape_cast %get3A_384 : vector<1x16xf32> to vector<16xf32>
        %swap3A = arith.constant 2 : i32
        %swap3A_386 = arith.index_cast %swap3A : i32 to index
        %swap3A_387 = arith.index_cast %scan3A_382 : i32 to index
        %swap3A_388 = arith.constant 0 : index
        %swap3A_389 = tpu.vector_load %arg7[%swap3A_386, %swap3A_387, %swap3A_388] {strides = array<i32>} : memref<4x200x64xf32, #tpu.memory_space<vmem>>, vector<1x1x16xf32>,
        %swap3A_390 = vector.shape_cast %swap3A_389 : vector<1x1x16xf32> to vector<16xf32>
        %swap3A_391 = vector.shape_cast %get3A_385 : vector<16xf32> to vector<1x1x16xf32>
        tpu.vector_store %arg7[%swap3A_386, %swap3A_387, %swap3A_388], %swap3A_391 {add = true, strides = array<i32>} : memref<4x200x64xf32, #tpu.memory_space<vmem>>, vector<1x1x16xf32>,
        %get3A_392 = arith.index_cast %scan3A_382 : i32 to index
        %get3A_393 = arith.constant 16 : index
        %get3A_394 = tpu.vector_load %arg8[%get3A_392, %get3A_393] {strides = array<i32>} : memref<200x64xf32, #tpu.memory_space<vmem>>, vector<1x16xf32>,
        %get3A_395 = vector.shape_cast %get3A_394 : vector<1x16xf32> to vector<16xf32>
        %swap3A_396 = arith.constant 2 : i32
        %swap3A_397 = arith.index_cast %swap3A_396 : i32 to index
        %swap3A_398 = arith.index_cast %scan3A_382 : i32 to index
        %swap3A_399 = arith.constant 16 : index
        %swap3A_400 = tpu.vector_load %arg7[%swap3A_397, %swap3A_398, %swap3A_399] {strides = array<i32>} : memref<4x200x64xf32, #tpu.memory_space<vmem>>, vector<1x1x16xf32>,
        %swap3A_401 = vector.shape_cast %swap3A_400 : vector<1x1x16xf32> to vector<16xf32>
        %swap3A_402 = vector.shape_cast %get3A_395 : vector<16xf32> to vector<1x1x16xf32>
        tpu.vector_store %arg7[%swap3A_397, %swap3A_398, %swap3A_399], %swap3A_402 {add = true, strides = array<i32>} : memref<4x200x64xf32, #tpu.memory_space<vmem>>, vector<1x1x16xf32>,
        %get3A_403 = arith.index_cast %scan3A_382 : i32 to index
        %get3A_404 = arith.constant 32 : index
        %get3A_405 = tpu.vector_load %arg8[%get3A_403, %get3A_404] {strides = array<i32>} : memref<200x64xf32, #tpu.memory_space<vmem>>, vector<1x16xf32>,
        %get3A_406 = vector.shape_cast %get3A_405 : vector<1x16xf32> to vector<16xf32>
        %swap3A_407 = arith.constant 2 : i32
        %swap3A_408 = arith.index_cast %swap3A_407 : i32 to index
        %swap3A_409 = arith.index_cast %scan3A_382 : i32 to index
        %swap3A_410 = arith.constant 32 : index
        %swap3A_411 = tpu.vector_load %arg7[%swap3A_408, %swap3A_409, %swap3A_410] {strides = array<i32>} : memref<4x200x64xf32, #tpu.memory_space<vmem>>, vector<1x1x16xf32>,
        %swap3A_412 = vector.shape_cast %swap3A_411 : vector<1x1x16xf32> to vector<16xf32>
        %swap3A_413 = vector.shape_cast %get3A_406 : vector<16xf32> to vector<1x1x16xf32>
        tpu.vector_store %arg7[%swap3A_408, %swap3A_409, %swap3A_410], %swap3A_413 {add = true, strides = array<i32>} : memref<4x200x64xf32, #tpu.memory_space<vmem>>, vector<1x1x16xf32>,
        %get3A_414 = arith.index_cast %scan3A_382 : i32 to index
        %get3A_415 = arith.constant 48 : index
        %get3A_416 = tpu.vector_load %arg8[%get3A_414, %get3A_415] {strides = array<i32>} : memref<200x64xf32, #tpu.memory_space<vmem>>, vector<1x16xf32>,
        %get3A_417 = vector.shape_cast %get3A_416 : vector<1x16xf32> to vector<16xf32>
        %swap3A_418 = arith.constant 2 : i32
        %swap3A_419 = arith.index_cast %swap3A_418 : i32 to index
        %swap3A_420 = arith.index_cast %scan3A_382 : i32 to index
        %swap3A_421 = arith.constant 48 : index
        %swap3A_422 = tpu.vector_load %arg7[%swap3A_419, %swap3A_420, %swap3A_421] {strides = array<i32>} : memref<4x200x64xf32, #tpu.memory_space<vmem>>, vector<1x1x16xf32>,
        %swap3A_423 = vector.shape_cast %swap3A_422 : vector<1x1x16xf32> to vector<16xf32>
        %swap3A_424 = vector.shape_cast %get3A_417 : vector<16xf32> to vector<1x1x16xf32>
        tpu.vector_store %arg7[%swap3A_419, %swap3A_420, %swap3A_421], %swap3A_424 {add = true, strides = array<i32>} : memref<4x200x64xf32, #tpu.memory_space<vmem>>, vector<1x1x16xf32>,
        %scan3A_425 = arith.constant 1 : i32
        %scan3A_426 = arith.addi %scan3A_382, %scan3A_425 : i32
        %get3A_427 = arith.index_cast %scan3A_426 : i32 to index
        %get3A_428 = arith.constant 0 : index
        %get3A_429 = tpu.vector_load %arg8[%get3A_427, %get3A_428] {strides = array<i32>} : memref<200x64xf32, #tpu.memory_space<vmem>>, vector<1x16xf32>,
        %get3A_430 = vector.shape_cast %get3A_429 : vector<1x16xf32> to vector<16xf32>
        %swap3A_431 = arith.constant 2 : i32
        %swap3A_432 = arith.index_cast %swap3A_431 : i32 to index
        %swap3A_433 = arith.index_cast %scan3A_426 : i32 to index
        %swap3A_434 = arith.constant 0 : index
        %swap3A_435 = tpu.vector_load %arg7[%swap3A_432, %swap3A_433, %swap3A_434] {strides = array<i32>} : memref<4x200x64xf32, #tpu.memory_space<vmem>>, vector<1x1x16xf32>,
        %swap3A_436 = vector.shape_cast %swap3A_435 : vector<1x1x16xf32> to vector<16xf32>
        %swap3A_437 = vector.shape_cast %get3A_430 : vector<16xf32> to vector<1x1x16xf32>
        tpu.vector_store %arg7[%swap3A_432, %swap3A_433, %swap3A_434], %swap3A_437 {add = true, strides = array<i32>} : memref<4x200x64xf32, #tpu.memory_space<vmem>>, vector<1x1x16xf32>,
        %get3A_438 = arith.index_cast %scan3A_426 : i32 to index
        %get3A_439 = arith.constant 16 : index
        %get3A_440 = tpu.vector_load %arg8[%get3A_438, %get3A_439] {strides = array<i32>} : memref<200x64xf32, #tpu.memory_space<vmem>>, vector<1x16xf32>,
        %get3A_441 = vector.shape_cast %get3A_440 : vector<1x16xf32> to vector<16xf32>
        %swap3A_442 = arith.constant 2 : i32
        %swap3A_443 = arith.index_cast %swap3A_442 : i32 to index
        %swap3A_444 = arith.index_cast %scan3A_426 : i32 to index
        %swap3A_445 = arith.constant 16 : index
        %swap3A_446 = tpu.vector_load %arg7[%swap3A_443, %swap3A_444, %swap3A_445] {strides = array<i32>} : memref<4x200x64xf32, #tpu.memory_space<vmem>>, vector<1x1x16xf32>,
        %swap3A_447 = vector.shape_cast %swap3A_446 : vector<1x1x16xf32> to vector<16xf32>
        %swap3A_448 = vector.shape_cast %get3A_441 : vector<16xf32> to vector<1x1x16xf32>
        tpu.vector_store %arg7[%swap3A_443, %swap3A_444, %swap3A_445], %swap3A_448 {add = true, strides = array<i32>} : memref<4x200x64xf32, #tpu.memory_space<vmem>>, vector<1x1x16xf32>,
        %get3A_449 = arith.index_cast %scan3A_426 : i32 to index
        %get3A_450 = arith.constant 32 : index
        %get3A_451 = tpu.vector_load %arg8[%get3A_449, %get3A_450] {strides = array<i32>} : memref<200x64xf32, #tpu.memory_space<vmem>>, vector<1x16xf32>,
        %get3A_452 = vector.shape_cast %get3A_451 : vector<1x16xf32> to vector<16xf32>
        %swap3A_453 = arith.constant 2 : i32
        %swap3A_454 = arith.index_cast %swap3A_453 : i32 to index
        %swap3A_455 = arith.index_cast %scan3A_426 : i32 to index
        %swap3A_456 = arith.constant 32 : index
        %swap3A_457 = tpu.vector_load %arg7[%swap3A_454, %swap3A_455, %swap3A_456] {strides = array<i32>} : memref<4x200x64xf32, #tpu.memory_space<vmem>>, vector<1x1x16xf32>,
        %swap3A_458 = vector.shape_cast %swap3A_457 : vector<1x1x16xf32> to vector<16xf32>
        %swap3A_459 = vector.shape_cast %get3A_452 : vector<16xf32> to vector<1x1x16xf32>
        tpu.vector_store %arg7[%swap3A_454, %swap3A_455, %swap3A_456], %swap3A_459 {add = true, strides = array<i32>} : memref<4x200x64xf32, #tpu.memory_space<vmem>>, vector<1x1x16xf32>,
        %get3A_460 = arith.index_cast %scan3A_426 : i32 to index
        %get3A_461 = arith.constant 48 : index
        %get3A_462 = tpu.vector_load %arg8[%get3A_460, %get3A_461] {strides = array<i32>} : memref<200x64xf32, #tpu.memory_space<vmem>>, vector<1x16xf32>,
        %get3A_463 = vector.shape_cast %get3A_462 : vector<1x16xf32> to vector<16xf32>
        %swap3A_464 = arith.constant 2 : i32
        %swap3A_465 = arith.index_cast %swap3A_464 : i32 to index
        %swap3A_466 = arith.index_cast %scan3A_426 : i32 to index
        %swap3A_467 = arith.constant 48 : index
        %swap3A_468 = tpu.vector_load %arg7[%swap3A_465, %swap3A_466, %swap3A_467] {strides = array<i32>} : memref<4x200x64xf32, #tpu.memory_space<vmem>>, vector<1x1x16xf32>,
        %swap3A_469 = vector.shape_cast %swap3A_468 : vector<1x1x16xf32> to vector<16xf32>
        %swap3A_470 = vector.shape_cast %get3A_463 : vector<16xf32> to vector<1x1x16xf32>
        tpu.vector_store %arg7[%swap3A_465, %swap3A_466, %swap3A_467], %swap3A_470 {add = true, strides = array<i32>} : memref<4x200x64xf32, #tpu.memory_space<vmem>>, vector<1x1x16xf32>,
        %scan3A_471 = arith.constant 2 : i32
        %scan3A_472 = arith.addi %scan3A_382, %scan3A_471 : i32
        %get3A_473 = arith.index_cast %scan3A_472 : i32 to index
        %get3A_474 = arith.constant 0 : index
        %get3A_475 = tpu.vector_load %arg8[%get3A_473, %get3A_474] {strides = array<i32>} : memref<200x64xf32, #tpu.memory_space<vmem>>, vector<1x16xf32>,
        %get3A_476 = vector.shape_cast %get3A_475 : vector<1x16xf32> to vector<16xf32>
        %swap3A_477 = arith.constant 2 : i32
        %swap3A_478 = arith.index_cast %swap3A_477 : i32 to index
        %swap3A_479 = arith.index_cast %scan3A_472 : i32 to index
        %swap3A_480 = arith.constant 0 : index
        %swap3A_481 = tpu.vector_load %arg7[%swap3A_478, %swap3A_479, %swap3A_480] {strides = array<i32>} : memref<4x200x64xf32, #tpu.memory_space<vmem>>, vector<1x1x16xf32>,
        %swap3A_482 = vector.shape_cast %swap3A_481 : vector<1x1x16xf32> to vector<16xf32>
        %swap3A_483 = vector.shape_cast %get3A_476 : vector<16xf32> to vector<1x1x16xf32>
        tpu.vector_store %arg7[%swap3A_478, %swap3A_479, %swap3A_480], %swap3A_483 {add = true, strides = array<i32>} : memref<4x200x64xf32, #tpu.memory_space<vmem>>, vector<1x1x16xf32>,
        %get3A_484 = arith.index_cast %scan3A_472 : i32 to index
        %get3A_485 = arith.constant 16 : index
        %get3A_486 = tpu.vector_load %arg8[%get3A_484, %get3A_485] {strides = array<i32>} : memref<200x64xf32, #tpu.memory_space<vmem>>, vector<1x16xf32>,
        %get3A_487 = vector.shape_cast %get3A_486 : vector<1x16xf32> to vector<16xf32>
        %swap3A_488 = arith.constant 2 : i32
        %swap3A_489 = arith.index_cast %swap3A_488 : i32 to index
        %swap3A_490 = arith.index_cast %scan3A_472 : i32 to index
        %swap3A_491 = arith.constant 16 : index
        %swap3A_492 = tpu.vector_load %arg7[%swap3A_489, %swap3A_490, %swap3A_491] {strides = array<i32>} : memref<4x200x64xf32, #tpu.memory_space<vmem>>, vector<1x1x16xf32>,
        %swap3A_493 = vector.shape_cast %swap3A_492 : vector<1x1x16xf32> to vector<16xf32>
        %swap3A_494 = vector.shape_cast %get3A_487 : vector<16xf32> to vector<1x1x16xf32>
        tpu.vector_store %arg7[%swap3A_489, %swap3A_490, %swap3A_491], %swap3A_494 {add = true, strides = array<i32>} : memref<4x200x64xf32, #tpu.memory_space<vmem>>, vector<1x1x16xf32>,
        %get3A_495 = arith.index_cast %scan3A_472 : i32 to index
        %get3A_496 = arith.constant 32 : index
        %get3A_497 = tpu.vector_load %arg8[%get3A_495, %get3A_496] {strides = array<i32>} : memref<200x64xf32, #tpu.memory_space<vmem>>, vector<1x16xf32>,
        %get3A_498 = vector.shape_cast %get3A_497 : vector<1x16xf32> to vector<16xf32>
        %swap3A_499 = arith.constant 2 : i32
        %swap3A_500 = arith.index_cast %swap3A_499 : i32 to index
        %swap3A_501 = arith.index_cast %scan3A_472 : i32 to index
        %swap3A_502 = arith.constant 32 : index
        %swap3A_503 = tpu.vector_load %arg7[%swap3A_500, %swap3A_501, %swap3A_502] {strides = array<i32>} : memref<4x200x64xf32, #tpu.memory_space<vmem>>, vector<1x1x16xf32>,
        %swap3A_504 = vector.shape_cast %swap3A_503 : vector<1x1x16xf32> to vector<16xf32>
        %swap3A_505 = vector.shape_cast %get3A_498 : vector<16xf32> to vector<1x1x16xf32>
        tpu.vector_store %arg7[%swap3A_500, %swap3A_501, %swap3A_502], %swap3A_505 {add = true, strides = array<i32>} : memref<4x200x64xf32, #tpu.memory_space<vmem>>, vector<1x1x16xf32>,
        %get3A_506 = arith.index_cast %scan3A_472 : i32 to index
        %get3A_507 = arith.constant 48 : index
        %get3A_508 = tpu.vector_load %arg8[%get3A_506, %get3A_507] {strides = array<i32>} : memref<200x64xf32, #tpu.memory_space<vmem>>, vector<1x16xf32>,
        %get3A_509 = vector.shape_cast %get3A_508 : vector<1x16xf32> to vector<16xf32>
        %swap3A_510 = arith.constant 2 : i32
        %swap3A_511 = arith.index_cast %swap3A_510 : i32 to index
        %swap3A_512 = arith.index_cast %scan3A_472 : i32 to index
        %swap3A_513 = arith.constant 48 : index
        %swap3A_514 = tpu.vector_load %arg7[%swap3A_511, %swap3A_512, %swap3A_513] {strides = array<i32>} : memref<4x200x64xf32, #tpu.memory_space<vmem>>, vector<1x1x16xf32>,
        %swap3A_515 = vector.shape_cast %swap3A_514 : vector<1x1x16xf32> to vector<16xf32>
        %swap3A_516 = vector.shape_cast %get3A_509 : vector<16xf32> to vector<1x1x16xf32>
        tpu.vector_store %arg7[%swap3A_511, %swap3A_512, %swap3A_513], %swap3A_516 {add = true, strides = array<i32>} : memref<4x200x64xf32, #tpu.memory_space<vmem>>, vector<1x1x16xf32>,
        %scan3A_517 = arith.constant 3 : i32
        %scan3A_518 = arith.addi %scan3A_382, %scan3A_517 : i32
        %get3A_519 = arith.index_cast %scan3A_518 : i32 to index
        %get3A_520 = arith.constant 0 : index
        %get3A_521 = tpu.vector_load %arg8[%get3A_519, %get3A_520] {strides = array<i32>} : memref<200x64xf32, #tpu.memory_space<vmem>>, vector<1x16xf32>,
        %get3A_522 = vector.shape_cast %get3A_521 : vector<1x16xf32> to vector<16xf32>
        %swap3A_523 = arith.constant 2 : i32
        %swap3A_524 = arith.index_cast %swap3A_523 : i32 to index
        %swap3A_525 = arith.index_cast %scan3A_518 : i32 to index
        %swap3A_526 = arith.constant 0 : index
        %swap3A_527 = tpu.vector_load %arg7[%swap3A_524, %swap3A_525, %swap3A_526] {strides = array<i32>} : memref<4x200x64xf32, #tpu.memory_space<vmem>>, vector<1x1x16xf32>,
        %swap3A_528 = vector.shape_cast %swap3A_527 : vector<1x1x16xf32> to vector<16xf32>
        %swap3A_529 = vector.shape_cast %get3A_522 : vector<16xf32> to vector<1x1x16xf32>
        tpu.vector_store %arg7[%swap3A_524, %swap3A_525, %swap3A_526], %swap3A_529 {add = true, strides = array<i32>} : memref<4x200x64xf32, #tpu.memory_space<vmem>>, vector<1x1x16xf32>,
        %get3A_530 = arith.index_cast %scan3A_518 : i32 to index
        %get3A_531 = arith.constant 16 : index
        %get3A_532 = tpu.vector_load %arg8[%get3A_530, %get3A_531] {strides = array<i32>} : memref<200x64xf32, #tpu.memory_space<vmem>>, vector<1x16xf32>,
        %get3A_533 = vector.shape_cast %get3A_532 : vector<1x16xf32> to vector<16xf32>
        %swap3A_534 = arith.constant 2 : i32
        %swap3A_535 = arith.index_cast %swap3A_534 : i32 to index
        %swap3A_536 = arith.index_cast %scan3A_518 : i32 to index
        %swap3A_537 = arith.constant 16 : index
        %swap3A_538 = tpu.vector_load %arg7[%swap3A_535, %swap3A_536, %swap3A_537] {strides = array<i32>} : memref<4x200x64xf32, #tpu.memory_space<vmem>>, vector<1x1x16xf32>,
        %swap3A_539 = vector.shape_cast %swap3A_538 : vector<1x1x16xf32> to vector<16xf32>
        %swap3A_540 = vector.shape_cast %get3A_533 : vector<16xf32> to vector<1x1x16xf32>
        tpu.vector_store %arg7[%swap3A_535, %swap3A_536, %swap3A_537], %swap3A_540 {add = true, strides = array<i32>} : memref<4x200x64xf32, #tpu.memory_space<vmem>>, vector<1x1x16xf32>,
        %get3A_541 = arith.index_cast %scan3A_518 : i32 to index
        %get3A_542 = arith.constant 32 : index
        %get3A_543 = tpu.vector_load %arg8[%get3A_541, %get3A_542] {strides = array<i32>} : memref<200x64xf32, #tpu.memory_space<vmem>>, vector<1x16xf32>,
        %get3A_544 = vector.shape_cast %get3A_543 : vector<1x16xf32> to vector<16xf32>
        %swap3A_545 = arith.constant 2 : i32
        %swap3A_546 = arith.index_cast %swap3A_545 : i32 to index
        %swap3A_547 = arith.index_cast %scan3A_518 : i32 to index
        %swap3A_548 = arith.constant 32 : index
        %swap3A_549 = tpu.vector_load %arg7[%swap3A_546, %swap3A_547, %swap3A_548] {strides = array<i32>} : memref<4x200x64xf32, #tpu.memory_space<vmem>>, vector<1x1x16xf32>,
        %swap3A_550 = vector.shape_cast %swap3A_549 : vector<1x1x16xf32> to vector<16xf32>
        %swap3A_551 = vector.shape_cast %get3A_544 : vector<16xf32> to vector<1x1x16xf32>
        tpu.vector_store %arg7[%swap3A_546, %swap3A_547, %swap3A_548], %swap3A_551 {add = true, strides = array<i32>} : memref<4x200x64xf32, #tpu.memory_space<vmem>>, vector<1x1x16xf32>,
        %get3A_552 = arith.index_cast %scan3A_518 : i32 to index
        %get3A_553 = arith.constant 48 : index
        %get3A_554 = tpu.vector_load %arg8[%get3A_552, %get3A_553] {strides = array<i32>} : memref<200x64xf32, #tpu.memory_space<vmem>>, vector<1x16xf32>,
        %get3A_555 = vector.shape_cast %get3A_554 : vector<1x16xf32> to vector<16xf32>
        %swap3A_556 = arith.constant 2 : i32
        %swap3A_557 = arith.index_cast %swap3A_556 : i32 to index
        %swap3A_558 = arith.index_cast %scan3A_518 : i32 to index
        %swap3A_559 = arith.constant 48 : index
        %swap3A_560 = tpu.vector_load %arg7[%swap3A_557, %swap3A_558, %swap3A_559] {strides = array<i32>} : memref<4x200x64xf32, #tpu.memory_space<vmem>>, vector<1x1x16xf32>,
        %swap3A_561 = vector.shape_cast %swap3A_560 : vector<1x1x16xf32> to vector<16xf32>
        %swap3A_562 = vector.shape_cast %get3A_555 : vector<16xf32> to vector<1x1x16xf32>
        tpu.vector_store %arg7[%swap3A_557, %swap3A_558, %swap3A_559], %swap3A_562 {add = true, strides = array<i32>} : memref<4x200x64xf32, #tpu.memory_space<vmem>>, vector<1x1x16xf32>,
      }
      %scan3A_277 = arith.constant 200 : i32
      %mul3A_278 = arith.constant 200 : i32
      %mul3A_279 = arith.muli %add3A_243, %mul3A_278 : i32
      %add3A_280 = arith.addi %mul3A_2, %mul3A_279 : i32
      %dma_start3A_281 = arith.constant 2 : i32
      %dma_start3A_282 = arith.constant 2 : i32
      %dma_start3A_283 = arith.constant 0 : i32
      %dma_start3A_284 = arith.constant 0 : i32
      %dma_start3A_285 = tpu.memref_slice %arg7[%dma_start3A_281, %dma_start3A_283, %dma_start3A_284] : memref<4x200x64xf32, #tpu.memory_space<vmem>> -> memref<1x200x64xf32, #tpu.memory_space<vmem>>
      %dma_start3A_286 = tpu.memref_squeeze %dma_start3A_285 : memref<1x200x64xf32, #tpu.memory_space<vmem>> -> memref<200x64xf32, #tpu.memory_space<vmem>>
      %dma_start3A_287 = arith.constant 0 : i32
      %dma_start3A_288 = tpu.memref_slice %arg5[%add3A_280, %dma_start3A_287] : memref<409600x64xf32, #tpu.memory_space<hbm>> -> memref<200x64xf32, #tpu.memory_space<hbm>>
      %dma_start3A_289 = tpu.memref_slice %arg10[%dma_start3A_282] : memref<4x!tpu.dma_semaphore, #tpu.memory_space<semaphore_mem>> -> memref<1x!tpu.dma_semaphore, #tpu.memory_space<semaphore_mem>>
      %dma_start3A_290 = tpu.memref_squeeze %dma_start3A_289 : memref<1x!tpu.dma_semaphore, #tpu.memory_space<semaphore_mem>> -> memref<!tpu.dma_semaphore, #tpu.memory_space<semaphore_mem>>
      %dma_start3A_291 = arith.constant 0 : i32
      %dma_start3A_292 = tpu.memref_slice %arg5[%add3A_280, %dma_start3A_291] : memref<409600x64xf32, #tpu.memory_space<hbm>> -> memref<200x64xf32, #tpu.memory_space<hbm>>
      %dma_start3A_293 = arith.constant 0 : i32
      %dma_start3A_294 = arith.constant 0 : i32
      %dma_start3A_295 = tpu.memref_slice %arg7[%dma_start3A_281, %dma_start3A_293, %dma_start3A_294] : memref<4x200x64xf32, #tpu.memory_space<vmem>> -> memref<1x200x64xf32, #tpu.memory_space<vmem>>
      %dma_start3A_296 = tpu.memref_squeeze %dma_start3A_295 : memref<1x200x64xf32, #tpu.memory_space<vmem>> -> memref<200x64xf32, #tpu.memory_space<vmem>>
      tpu.enqueue_dma source(%dma_start3A_296 : memref<200x64xf32, #tpu.memory_space<vmem>>) target(%dma_start3A_292 : memref<200x64xf32, #tpu.memory_space<hbm>>) target_semaphore(%dma_start3A_290 : memref<!tpu.dma_semaphore, #tpu.memory_space<semaphore_mem>>)
      %add3A_297 = arith.constant 4 : i32
      %add3A_298 = arith.addi %add3A_243, %add3A_297 : i32
      %sub3A_299 = arith.constant 1 : i32
      %sub3A_300 = arith.subi %add3A_298, %sub3A_299 : i32
      %ge3A_301 = arith.constant 1 : i32
      %ge3A_302 = arith.cmpi sge, %add3A_243, %ge3A_301 : i32
      %convert_element_type3A_303 = arith.extui %ge3A_302 : i1 to i32
      %cond3A_304 = arith.constant 0 : i32
      %cond3A_305 = arith.cmpi ne, %convert_element_type3A_303, %cond3A_304 : i32
      scf.if %cond3A_305 {
        %sub3A_382 = arith.constant 1 : i32
        %sub3A_383 = arith.subi %add3A_243, %sub3A_382 : i32
        %mul3A_384 = arith.constant 200 : i32
        %mul3A_385 = arith.muli %sub3A_383, %mul3A_384 : i32
        %add3A_386 = arith.addi %mul3A_2, %mul3A_385 : i32
        %dma_wait3A_387 = arith.constant 1 : i32
        %dma_wait3A_388 = arith.constant 1 : i32
        %dma_wait3A_389 = arith.constant 0 : i32
        %dma_wait3A_390 = arith.constant 0 : i32
        %dma_wait3A_391 = tpu.memref_slice %arg7[%dma_wait3A_387, %dma_wait3A_389, %dma_wait3A_390] : memref<4x200x64xf32, #tpu.memory_space<vmem>> -> memref<1x200x64xf32, #tpu.memory_space<vmem>>
        %dma_wait3A_392 = tpu.memref_squeeze %dma_wait3A_391 : memref<1x200x64xf32, #tpu.memory_space<vmem>> -> memref<200x64xf32, #tpu.memory_space<vmem>>
        %dma_wait3A_393 = arith.constant 0 : i32
        %dma_wait3A_394 = tpu.memref_slice %arg5[%add3A_386, %dma_wait3A_393] : memref<409600x64xf32, #tpu.memory_space<hbm>> -> memref<200x64xf32, #tpu.memory_space<hbm>>
        %dma_wait3A_395 = tpu.memref_slice %arg10[%dma_wait3A_388] : memref<4x!tpu.dma_semaphore, #tpu.memory_space<semaphore_mem>> -> memref<1x!tpu.dma_semaphore, #tpu.memory_space<semaphore_mem>>
        %dma_wait3A_396 = tpu.memref_squeeze %dma_wait3A_395 : memref<1x!tpu.dma_semaphore, #tpu.memory_space<semaphore_mem>> -> memref<!tpu.dma_semaphore, #tpu.memory_space<semaphore_mem>>
        %dma_wait3A_397 = arith.constant 0 : i32
        %dma_wait3A_398 = tpu.memref_slice %arg5[%add3A_386, %dma_wait3A_397] : memref<409600x64xf32, #tpu.memory_space<hbm>> -> memref<200x64xf32, #tpu.memory_space<hbm>>
        %dma_wait3A_399 = arith.constant 0 : i32
        %dma_wait3A_400 = arith.constant 0 : i32
        %dma_wait3A_401 = tpu.memref_slice %arg7[%dma_wait3A_387, %dma_wait3A_399, %dma_wait3A_400] : memref<4x200x64xf32, #tpu.memory_space<vmem>> -> memref<1x200x64xf32, #tpu.memory_space<vmem>>
        %dma_wait3A_402 = tpu.memref_squeeze %dma_wait3A_401 : memref<1x200x64xf32, #tpu.memory_space<vmem>> -> memref<200x64xf32, #tpu.memory_space<vmem>>
        tpu.wait_dma2 semaphore(%dma_wait3A_396 : memref<!tpu.dma_semaphore, #tpu.memory_space<semaphore_mem>>) src(%dma_wait3A_402 : memref<200x64xf32, #tpu.memory_space<vmem>>) dst(%dma_wait3A_398 : memref<200x64xf32, #tpu.memory_space<hbm>>)
      } else {
      }
      %lt3A_306 = arith.constant 64 : i32
      %lt3A_307 = arith.cmpi slt, %sub3A_300, %lt3A_306 : i32
      %convert_element_type3A_308 = arith.extui %lt3A_307 : i1 to i32
      %cond3A_309 = arith.constant 0 : i32
      %cond3A_310 = arith.cmpi ne, %convert_element_type3A_308, %cond3A_309 : i32
      scf.if %cond3A_310 {
        %mul3A_382 = arith.constant 200 : i32
        %mul3A_383 = arith.muli %sub3A_300, %mul3A_382 : i32
        %dma_start3A_384 = arith.constant 1 : i32
        %dma_start3A_385 = arith.constant 1 : i32
        %dma_start3A_386 = arith.constant 0 : i32
        %dma_start3A_387 = arith.constant 0 : i32
        %dma_start3A_388 = tpu.memref_slice %arg7[%dma_start3A_384, %dma_start3A_386, %dma_start3A_387] : memref<4x200x64xf32, #tpu.memory_space<vmem>> -> memref<1x128x64xf32, #tpu.memory_space<vmem>>
        %dma_start3A_389 = tpu.memref_squeeze %dma_start3A_388 : memref<1x128x64xf32, #tpu.memory_space<vmem>> -> memref<128x64xf32, #tpu.memory_space<vmem>>
        %dma_start3A_390 = tpu.memref_slice %arg6[%mul3A_383] : memref<12800xi32, #tpu.memory_space<vmem>> -> memref<128xi32, #tpu.memory_space<vmem>>
        %dma_start3A_391 = arith.constant 0 : i32
        %dma_start3A_392 = arith.constant 0 : i32
        %dma_start3A_393 = tpu.memref_slice %arg3[%dma_start3A_391, %dma_start3A_392] : memref<1000000x64xf32, #tpu.memory_space<hbm>> -> memref<1000000x64xf32, #tpu.memory_space<hbm>>
        %dma_start3A_394 = tpu.memref_slice %arg9[%dma_start3A_385] : memref<4x!tpu.dma_semaphore, #tpu.memory_space<semaphore_mem>> -> memref<1x!tpu.dma_semaphore, #tpu.memory_space<semaphore_mem>>
        %dma_start3A_395 = tpu.memref_squeeze %dma_start3A_394 : memref<1x!tpu.dma_semaphore, #tpu.memory_space<semaphore_mem>> -> memref<!tpu.dma_semaphore, #tpu.memory_space<semaphore_mem>>
        tpu.enqueue_indirect_dma source(%dma_start3A_393 : memref<1000000x64xf32, #tpu.memory_space<hbm>>) target(%dma_start3A_389 : memref<128x64xf32, #tpu.memory_space<vmem>>) offsets(%dma_start3A_390 : memref<128xi32, #tpu.memory_space<vmem>>) semaphore(%dma_start3A_395 : memref<!tpu.dma_semaphore, #tpu.memory_space<semaphore_mem>>)
        %add3A_396 = arith.constant 128 : i32
        %add3A_397 = arith.addi %mul3A_383, %add3A_396 : i32
        %dma_start3A_398 = arith.constant 1 : i32
        %dma_start3A_399 = arith.constant 1 : i32
        %dma_start3A_400 = arith.constant 128 : i32
        %dma_start3A_401 = arith.constant 0 : i32
        %dma_start3A_402 = tpu.memref_slice %arg7[%dma_start3A_398, %dma_start3A_400, %dma_start3A_401] : memref<4x200x64xf32, #tpu.memory_space<vmem>> -> memref<1x72x64xf32, #tpu.memory_space<vmem>>
        %dma_start3A_403 = tpu.memref_squeeze %dma_start3A_402 : memref<1x72x64xf32, #tpu.memory_space<vmem>> -> memref<72x64xf32, #tpu.memory_space<vmem>>
        %dma_start3A_404 = tpu.memref_slice %arg6[%add3A_397] : memref<12800xi32, #tpu.memory_space<vmem>> -> memref<72xi32, #tpu.memory_space<vmem>>
        %dma_start3A_405 = arith.constant 0 : i32
        %dma_start3A_406 = arith.constant 0 : i32
        %dma_start3A_407 = tpu.memref_slice %arg3[%dma_start3A_405, %dma_start3A_406] : memref<1000000x64xf32, #tpu.memory_space<hbm>> -> memref<1000000x64xf32, #tpu.memory_space<hbm>>
        %dma_start3A_408 = tpu.memref_slice %arg9[%dma_start3A_399] : memref<4x!tpu.dma_semaphore, #tpu.memory_space<semaphore_mem>> -> memref<1x!tpu.dma_semaphore, #tpu.memory_space<semaphore_mem>>
        %dma_start3A_409 = tpu.memref_squeeze %dma_start3A_408 : memref<1x!tpu.dma_semaphore, #tpu.memory_space<semaphore_mem>> -> memref<!tpu.dma_semaphore, #tpu.memory_space<semaphore_mem>>
        tpu.enqueue_indirect_dma source(%dma_start3A_407 : memref<1000000x64xf32, #tpu.memory_space<hbm>>) target(%dma_start3A_403 : memref<72x64xf32, #tpu.memory_space<vmem>>) offsets(%dma_start3A_404 : memref<72xi32, #tpu.memory_space<vmem>>) semaphore(%dma_start3A_409 : memref<!tpu.dma_semaphore, #tpu.memory_space<semaphore_mem>>)
      } else {
      }
      %mul3A_311 = arith.constant 4 : i32
      %mul3A_312 = arith.muli %scan3A_102, %mul3A_311 : i32
      %add3A_313 = arith.constant 3 : i32
      %add3A_314 = arith.addi %mul3A_312, %add3A_313 : i32
      %mul3A_315 = arith.constant 200 : i32
      %mul3A_316 = arith.muli %add3A_314, %mul3A_315 : i32
      %dma_wait3A_317 = arith.constant 3 : i32
      %dma_wait3A_318 = arith.constant 3 : i32
      %dma_wait3A_319 = arith.constant 0 : i32
      %dma_wait3A_320 = arith.constant 0 : i32
      %dma_wait3A_321 = tpu.memref_slice %arg7[%dma_wait3A_317, %dma_wait3A_319, %dma_wait3A_320] : memref<4x200x64xf32, #tpu.memory_space<vmem>> -> memref<1x128x64xf32, #tpu.memory_space<vmem>>
      %dma_wait3A_322 = tpu.memref_squeeze %dma_wait3A_321 : memref<1x128x64xf32, #tpu.memory_space<vmem>> -> memref<128x64xf32, #tpu.memory_space<vmem>>
      %dma_wait3A_323 = tpu.memref_slice %arg6[%mul3A_316] : memref<12800xi32, #tpu.memory_space<vmem>> -> memref<128xi32, #tpu.memory_space<vmem>>
      %dma_wait3A_324 = arith.constant 0 : i32
      %dma_wait3A_325 = arith.constant 0 : i32
      %dma_wait3A_326 = tpu.memref_slice %arg3[%dma_wait3A_324, %dma_wait3A_325] : memref<1000000x64xf32, #tpu.memory_space<hbm>> -> memref<1000000x64xf32, #tpu.memory_space<hbm>>
      %dma_wait3A_327 = tpu.memref_slice %arg9[%dma_wait3A_318] : memref<4x!tpu.dma_semaphore, #tpu.memory_space<semaphore_mem>> -> memref<1x!tpu.dma_semaphore, #tpu.memory_space<semaphore_mem>>
      %dma_wait3A_328 = tpu.memref_squeeze %dma_wait3A_327 : memref<1x!tpu.dma_semaphore, #tpu.memory_space<semaphore_mem>> -> memref<!tpu.dma_semaphore, #tpu.memory_space<semaphore_mem>>
      tpu.wait_indirect_dma semaphore(%dma_wait3A_328 : memref<!tpu.dma_semaphore, #tpu.memory_space<semaphore_mem>>) src(%dma_wait3A_326 : memref<1000000x64xf32, #tpu.memory_space<hbm>>) dst(%dma_wait3A_322 : memref<128x64xf32, #tpu.memory_space<vmem>>)
      %add3A_329 = arith.constant 128 : i32
      %add3A_330 = arith.addi %mul3A_316, %add3A_329 : i32
      %dma_wait3A_331 = arith.constant 3 : i32
      %dma_wait3A_332 = arith.constant 3 : i32
      %dma_wait3A_333 = arith.constant 128 : i32
      %dma_wait3A_334 = arith.constant 0 : i32
      %dma_wait3A_335 = tpu.memref_slice %arg7[%dma_wait3A_331, %dma_wait3A_333, %dma_wait3A_334] : memref<4x200x64xf32, #tpu.memory_space<vmem>> -> memref<1x72x64xf32, #tpu.memory_space<vmem>>
      %dma_wait3A_336 = tpu.memref_squeeze %dma_wait3A_335 : memref<1x72x64xf32, #tpu.memory_space<vmem>> -> memref<72x64xf32, #tpu.memory_space<vmem>>
      %dma_wait3A_337 = tpu.memref_slice %arg6[%add3A_330] : memref<12800xi32, #tpu.memory_space<vmem>> -> memref<72xi32, #tpu.memory_space<vmem>>
      %dma_wait3A_338 = arith.constant 0 : i32
      %dma_wait3A_339 = arith.constant 0 : i32
      %dma_wait3A_340 = tpu.memref_slice %arg3[%dma_wait3A_338, %dma_wait3A_339] : memref<1000000x64xf32, #tpu.memory_space<hbm>> -> memref<1000000x64xf32, #tpu.memory_space<hbm>>
      %dma_wait3A_341 = tpu.memref_slice %arg9[%dma_wait3A_332] : memref<4x!tpu.dma_semaphore, #tpu.memory_space<semaphore_mem>> -> memref<1x!tpu.dma_semaphore, #tpu.memory_space<semaphore_mem>>
      %dma_wait3A_342 = tpu.memref_squeeze %dma_wait3A_341 : memref<1x!tpu.dma_semaphore, #tpu.memory_space<semaphore_mem>> -> memref<!tpu.dma_semaphore, #tpu.memory_space<semaphore_mem>>
      tpu.wait_indirect_dma semaphore(%dma_wait3A_342 : memref<!tpu.dma_semaphore, #tpu.memory_space<semaphore_mem>>) src(%dma_wait3A_340 : memref<1000000x64xf32, #tpu.memory_space<hbm>>) dst(%dma_wait3A_336 : memref<72x64xf32, #tpu.memory_space<vmem>>)
      %scan3A_343 = arith.constant 0 : i32
      %scan3A_344 = arith.constant 0 : i32
      %scan3A_345 = arith.constant 200 : i32
      %scan3A_346 = arith.addi %scan3A_344, %scan3A_345 : i32
      %scan3A_347 = arith.constant 4 : i32
      scf.for %scan3A_382 = %scan3A_344 to %scan3A_346 step %scan3A_347  : i32 {
        %get3A = arith.index_cast %scan3A_382 : i32 to index
        %get3A_383 = arith.constant 0 : index
        %get3A_384 = tpu.vector_load %arg8[%get3A, %get3A_383] {strides = array<i32>} : memref<200x64xf32, #tpu.memory_space<vmem>>, vector<1x16xf32>,
        %get3A_385 = vector.shape_cast %get3A_384 : vector<1x16xf32> to vector<16xf32>
        %swap3A = arith.constant 3 : i32
        %swap3A_386 = arith.index_cast %swap3A : i32 to index
        %swap3A_387 = arith.index_cast %scan3A_382 : i32 to index
        %swap3A_388 = arith.constant 0 : index
        %swap3A_389 = tpu.vector_load %arg7[%swap3A_386, %swap3A_387, %swap3A_388] {strides = array<i32>} : memref<4x200x64xf32, #tpu.memory_space<vmem>>, vector<1x1x16xf32>,
        %swap3A_390 = vector.shape_cast %swap3A_389 : vector<1x1x16xf32> to vector<16xf32>
        %swap3A_391 = vector.shape_cast %get3A_385 : vector<16xf32> to vector<1x1x16xf32>
        tpu.vector_store %arg7[%swap3A_386, %swap3A_387, %swap3A_388], %swap3A_391 {add = true, strides = array<i32>} : memref<4x200x64xf32, #tpu.memory_space<vmem>>, vector<1x1x16xf32>,
        %get3A_392 = arith.index_cast %scan3A_382 : i32 to index
        %get3A_393 = arith.constant 16 : index
        %get3A_394 = tpu.vector_load %arg8[%get3A_392, %get3A_393] {strides = array<i32>} : memref<200x64xf32, #tpu.memory_space<vmem>>, vector<1x16xf32>,
        %get3A_395 = vector.shape_cast %get3A_394 : vector<1x16xf32> to vector<16xf32>
        %swap3A_396 = arith.constant 3 : i32
        %swap3A_397 = arith.index_cast %swap3A_396 : i32 to index
        %swap3A_398 = arith.index_cast %scan3A_382 : i32 to index
        %swap3A_399 = arith.constant 16 : index
        %swap3A_400 = tpu.vector_load %arg7[%swap3A_397, %swap3A_398, %swap3A_399] {strides = array<i32>} : memref<4x200x64xf32, #tpu.memory_space<vmem>>, vector<1x1x16xf32>,
        %swap3A_401 = vector.shape_cast %swap3A_400 : vector<1x1x16xf32> to vector<16xf32>
        %swap3A_402 = vector.shape_cast %get3A_395 : vector<16xf32> to vector<1x1x16xf32>
        tpu.vector_store %arg7[%swap3A_397, %swap3A_398, %swap3A_399], %swap3A_402 {add = true, strides = array<i32>} : memref<4x200x64xf32, #tpu.memory_space<vmem>>, vector<1x1x16xf32>,
        %get3A_403 = arith.index_cast %scan3A_382 : i32 to index
        %get3A_404 = arith.constant 32 : index
        %get3A_405 = tpu.vector_load %arg8[%get3A_403, %get3A_404] {strides = array<i32>} : memref<200x64xf32, #tpu.memory_space<vmem>>, vector<1x16xf32>,
        %get3A_406 = vector.shape_cast %get3A_405 : vector<1x16xf32> to vector<16xf32>
        %swap3A_407 = arith.constant 3 : i32
        %swap3A_408 = arith.index_cast %swap3A_407 : i32 to index
        %swap3A_409 = arith.index_cast %scan3A_382 : i32 to index
        %swap3A_410 = arith.constant 32 : index
        %swap3A_411 = tpu.vector_load %arg7[%swap3A_408, %swap3A_409, %swap3A_410] {strides = array<i32>} : memref<4x200x64xf32, #tpu.memory_space<vmem>>, vector<1x1x16xf32>,
        %swap3A_412 = vector.shape_cast %swap3A_411 : vector<1x1x16xf32> to vector<16xf32>
        %swap3A_413 = vector.shape_cast %get3A_406 : vector<16xf32> to vector<1x1x16xf32>
        tpu.vector_store %arg7[%swap3A_408, %swap3A_409, %swap3A_410], %swap3A_413 {add = true, strides = array<i32>} : memref<4x200x64xf32, #tpu.memory_space<vmem>>, vector<1x1x16xf32>,
        %get3A_414 = arith.index_cast %scan3A_382 : i32 to index
        %get3A_415 = arith.constant 48 : index
        %get3A_416 = tpu.vector_load %arg8[%get3A_414, %get3A_415] {strides = array<i32>} : memref<200x64xf32, #tpu.memory_space<vmem>>, vector<1x16xf32>,
        %get3A_417 = vector.shape_cast %get3A_416 : vector<1x16xf32> to vector<16xf32>
        %swap3A_418 = arith.constant 3 : i32
        %swap3A_419 = arith.index_cast %swap3A_418 : i32 to index
        %swap3A_420 = arith.index_cast %scan3A_382 : i32 to index
        %swap3A_421 = arith.constant 48 : index
        %swap3A_422 = tpu.vector_load %arg7[%swap3A_419, %swap3A_420, %swap3A_421] {strides = array<i32>} : memref<4x200x64xf32, #tpu.memory_space<vmem>>, vector<1x1x16xf32>,
        %swap3A_423 = vector.shape_cast %swap3A_422 : vector<1x1x16xf32> to vector<16xf32>
        %swap3A_424 = vector.shape_cast %get3A_417 : vector<16xf32> to vector<1x1x16xf32>
        tpu.vector_store %arg7[%swap3A_419, %swap3A_420, %swap3A_421], %swap3A_424 {add = true, strides = array<i32>} : memref<4x200x64xf32, #tpu.memory_space<vmem>>, vector<1x1x16xf32>,
        %scan3A_425 = arith.constant 1 : i32
        %scan3A_426 = arith.addi %scan3A_382, %scan3A_425 : i32
        %get3A_427 = arith.index_cast %scan3A_426 : i32 to index
        %get3A_428 = arith.constant 0 : index
        %get3A_429 = tpu.vector_load %arg8[%get3A_427, %get3A_428] {strides = array<i32>} : memref<200x64xf32, #tpu.memory_space<vmem>>, vector<1x16xf32>,
        %get3A_430 = vector.shape_cast %get3A_429 : vector<1x16xf32> to vector<16xf32>
        %swap3A_431 = arith.constant 3 : i32
        %swap3A_432 = arith.index_cast %swap3A_431 : i32 to index
        %swap3A_433 = arith.index_cast %scan3A_426 : i32 to index
        %swap3A_434 = arith.constant 0 : index
        %swap3A_435 = tpu.vector_load %arg7[%swap3A_432, %swap3A_433, %swap3A_434] {strides = array<i32>} : memref<4x200x64xf32, #tpu.memory_space<vmem>>, vector<1x1x16xf32>,
        %swap3A_436 = vector.shape_cast %swap3A_435 : vector<1x1x16xf32> to vector<16xf32>
        %swap3A_437 = vector.shape_cast %get3A_430 : vector<16xf32> to vector<1x1x16xf32>
        tpu.vector_store %arg7[%swap3A_432, %swap3A_433, %swap3A_434], %swap3A_437 {add = true, strides = array<i32>} : memref<4x200x64xf32, #tpu.memory_space<vmem>>, vector<1x1x16xf32>,
        %get3A_438 = arith.index_cast %scan3A_426 : i32 to index
        %get3A_439 = arith.constant 16 : index
        %get3A_440 = tpu.vector_load %arg8[%get3A_438, %get3A_439] {strides = array<i32>} : memref<200x64xf32, #tpu.memory_space<vmem>>, vector<1x16xf32>,
        %get3A_441 = vector.shape_cast %get3A_440 : vector<1x16xf32> to vector<16xf32>
        %swap3A_442 = arith.constant 3 : i32
        %swap3A_443 = arith.index_cast %swap3A_442 : i32 to index
        %swap3A_444 = arith.index_cast %scan3A_426 : i32 to index
        %swap3A_445 = arith.constant 16 : index
        %swap3A_446 = tpu.vector_load %arg7[%swap3A_443, %swap3A_444, %swap3A_445] {strides = array<i32>} : memref<4x200x64xf32, #tpu.memory_space<vmem>>, vector<1x1x16xf32>,
        %swap3A_447 = vector.shape_cast %swap3A_446 : vector<1x1x16xf32> to vector<16xf32>
        %swap3A_448 = vector.shape_cast %get3A_441 : vector<16xf32> to vector<1x1x16xf32>
        tpu.vector_store %arg7[%swap3A_443, %swap3A_444, %swap3A_445], %swap3A_448 {add = true, strides = array<i32>} : memref<4x200x64xf32, #tpu.memory_space<vmem>>, vector<1x1x16xf32>,
        %get3A_449 = arith.index_cast %scan3A_426 : i32 to index
        %get3A_450 = arith.constant 32 : index
        %get3A_451 = tpu.vector_load %arg8[%get3A_449, %get3A_450] {strides = array<i32>} : memref<200x64xf32, #tpu.memory_space<vmem>>, vector<1x16xf32>,
        %get3A_452 = vector.shape_cast %get3A_451 : vector<1x16xf32> to vector<16xf32>
        %swap3A_453 = arith.constant 3 : i32
        %swap3A_454 = arith.index_cast %swap3A_453 : i32 to index
        %swap3A_455 = arith.index_cast %scan3A_426 : i32 to index
        %swap3A_456 = arith.constant 32 : index
        %swap3A_457 = tpu.vector_load %arg7[%swap3A_454, %swap3A_455, %swap3A_456] {strides = array<i32>} : memref<4x200x64xf32, #tpu.memory_space<vmem>>, vector<1x1x16xf32>,
        %swap3A_458 = vector.shape_cast %swap3A_457 : vector<1x1x16xf32> to vector<16xf32>
        %swap3A_459 = vector.shape_cast %get3A_452 : vector<16xf32> to vector<1x1x16xf32>
        tpu.vector_store %arg7[%swap3A_454, %swap3A_455, %swap3A_456], %swap3A_459 {add = true, strides = array<i32>} : memref<4x200x64xf32, #tpu.memory_space<vmem>>, vector<1x1x16xf32>,
        %get3A_460 = arith.index_cast %scan3A_426 : i32 to index
        %get3A_461 = arith.constant 48 : index
        %get3A_462 = tpu.vector_load %arg8[%get3A_460, %get3A_461] {strides = array<i32>} : memref<200x64xf32, #tpu.memory_space<vmem>>, vector<1x16xf32>,
        %get3A_463 = vector.shape_cast %get3A_462 : vector<1x16xf32> to vector<16xf32>
        %swap3A_464 = arith.constant 3 : i32
        %swap3A_465 = arith.index_cast %swap3A_464 : i32 to index
        %swap3A_466 = arith.index_cast %scan3A_426 : i32 to index
        %swap3A_467 = arith.constant 48 : index
        %swap3A_468 = tpu.vector_load %arg7[%swap3A_465, %swap3A_466, %swap3A_467] {strides = array<i32>} : memref<4x200x64xf32, #tpu.memory_space<vmem>>, vector<1x1x16xf32>,
        %swap3A_469 = vector.shape_cast %swap3A_468 : vector<1x1x16xf32> to vector<16xf32>
        %swap3A_470 = vector.shape_cast %get3A_463 : vector<16xf32> to vector<1x1x16xf32>
        tpu.vector_store %arg7[%swap3A_465, %swap3A_466, %swap3A_467], %swap3A_470 {add = true, strides = array<i32>} : memref<4x200x64xf32, #tpu.memory_space<vmem>>, vector<1x1x16xf32>,
        %scan3A_471 = arith.constant 2 : i32
        %scan3A_472 = arith.addi %scan3A_382, %scan3A_471 : i32
        %get3A_473 = arith.index_cast %scan3A_472 : i32 to index
        %get3A_474 = arith.constant 0 : index
        %get3A_475 = tpu.vector_load %arg8[%get3A_473, %get3A_474] {strides = array<i32>} : memref<200x64xf32, #tpu.memory_space<vmem>>, vector<1x16xf32>,
        %get3A_476 = vector.shape_cast %get3A_475 : vector<1x16xf32> to vector<16xf32>
        %swap3A_477 = arith.constant 3 : i32
        %swap3A_478 = arith.index_cast %swap3A_477 : i32 to index
        %swap3A_479 = arith.index_cast %scan3A_472 : i32 to index
        %swap3A_480 = arith.constant 0 : index
        %swap3A_481 = tpu.vector_load %arg7[%swap3A_478, %swap3A_479, %swap3A_480] {strides = array<i32>} : memref<4x200x64xf32, #tpu.memory_space<vmem>>, vector<1x1x16xf32>,
        %swap3A_482 = vector.shape_cast %swap3A_481 : vector<1x1x16xf32> to vector<16xf32>
        %swap3A_483 = vector.shape_cast %get3A_476 : vector<16xf32> to vector<1x1x16xf32>
        tpu.vector_store %arg7[%swap3A_478, %swap3A_479, %swap3A_480], %swap3A_483 {add = true, strides = array<i32>} : memref<4x200x64xf32, #tpu.memory_space<vmem>>, vector<1x1x16xf32>,
        %get3A_484 = arith.index_cast %scan3A_472 : i32 to index
        %get3A_485 = arith.constant 16 : index
        %get3A_486 = tpu.vector_load %arg8[%get3A_484, %get3A_485] {strides = array<i32>} : memref<200x64xf32, #tpu.memory_space<vmem>>, vector<1x16xf32>,
        %get3A_487 = vector.shape_cast %get3A_486 : vector<1x16xf32> to vector<16xf32>
        %swap3A_488 = arith.constant 3 : i32
        %swap3A_489 = arith.index_cast %swap3A_488 : i32 to index
        %swap3A_490 = arith.index_cast %scan3A_472 : i32 to index
        %swap3A_491 = arith.constant 16 : index
        %swap3A_492 = tpu.vector_load %arg7[%swap3A_489, %swap3A_490, %swap3A_491] {strides = array<i32>} : memref<4x200x64xf32, #tpu.memory_space<vmem>>, vector<1x1x16xf32>,
        %swap3A_493 = vector.shape_cast %swap3A_492 : vector<1x1x16xf32> to vector<16xf32>
        %swap3A_494 = vector.shape_cast %get3A_487 : vector<16xf32> to vector<1x1x16xf32>
        tpu.vector_store %arg7[%swap3A_489, %swap3A_490, %swap3A_491], %swap3A_494 {add = true, strides = array<i32>} : memref<4x200x64xf32, #tpu.memory_space<vmem>>, vector<1x1x16xf32>,
        %get3A_495 = arith.index_cast %scan3A_472 : i32 to index
        %get3A_496 = arith.constant 32 : index
        %get3A_497 = tpu.vector_load %arg8[%get3A_495, %get3A_496] {strides = array<i32>} : memref<200x64xf32, #tpu.memory_space<vmem>>, vector<1x16xf32>,
        %get3A_498 = vector.shape_cast %get3A_497 : vector<1x16xf32> to vector<16xf32>
        %swap3A_499 = arith.constant 3 : i32
        %swap3A_500 = arith.index_cast %swap3A_499 : i32 to index
        %swap3A_501 = arith.index_cast %scan3A_472 : i32 to index
        %swap3A_502 = arith.constant 32 : index
        %swap3A_503 = tpu.vector_load %arg7[%swap3A_500, %swap3A_501, %swap3A_502] {strides = array<i32>} : memref<4x200x64xf32, #tpu.memory_space<vmem>>, vector<1x1x16xf32>,
        %swap3A_504 = vector.shape_cast %swap3A_503 : vector<1x1x16xf32> to vector<16xf32>
        %swap3A_505 = vector.shape_cast %get3A_498 : vector<16xf32> to vector<1x1x16xf32>
        tpu.vector_store %arg7[%swap3A_500, %swap3A_501, %swap3A_502], %swap3A_505 {add = true, strides = array<i32>} : memref<4x200x64xf32, #tpu.memory_space<vmem>>, vector<1x1x16xf32>,
        %get3A_506 = arith.index_cast %scan3A_472 : i32 to index
        %get3A_507 = arith.constant 48 : index
        %get3A_508 = tpu.vector_load %arg8[%get3A_506, %get3A_507] {strides = array<i32>} : memref<200x64xf32, #tpu.memory_space<vmem>>, vector<1x16xf32>,
        %get3A_509 = vector.shape_cast %get3A_508 : vector<1x16xf32> to vector<16xf32>
        %swap3A_510 = arith.constant 3 : i32
        %swap3A_511 = arith.index_cast %swap3A_510 : i32 to index
        %swap3A_512 = arith.index_cast %scan3A_472 : i32 to index
        %swap3A_513 = arith.constant 48 : index
        %swap3A_514 = tpu.vector_load %arg7[%swap3A_511, %swap3A_512, %swap3A_513] {strides = array<i32>} : memref<4x200x64xf32, #tpu.memory_space<vmem>>, vector<1x1x16xf32>,
        %swap3A_515 = vector.shape_cast %swap3A_514 : vector<1x1x16xf32> to vector<16xf32>
        %swap3A_516 = vector.shape_cast %get3A_509 : vector<16xf32> to vector<1x1x16xf32>
        tpu.vector_store %arg7[%swap3A_511, %swap3A_512, %swap3A_513], %swap3A_516 {add = true, strides = array<i32>} : memref<4x200x64xf32, #tpu.memory_space<vmem>>, vector<1x1x16xf32>,
        %scan3A_517 = arith.constant 3 : i32
        %scan3A_518 = arith.addi %scan3A_382, %scan3A_517 : i32
        %get3A_519 = arith.index_cast %scan3A_518 : i32 to index
        %get3A_520 = arith.constant 0 : index
        %get3A_521 = tpu.vector_load %arg8[%get3A_519, %get3A_520] {strides = array<i32>} : memref<200x64xf32, #tpu.memory_space<vmem>>, vector<1x16xf32>,
        %get3A_522 = vector.shape_cast %get3A_521 : vector<1x16xf32> to vector<16xf32>
        %swap3A_523 = arith.constant 3 : i32
        %swap3A_524 = arith.index_cast %swap3A_523 : i32 to index
        %swap3A_525 = arith.index_cast %scan3A_518 : i32 to index
        %swap3A_526 = arith.constant 0 : index
        %swap3A_527 = tpu.vector_load %arg7[%swap3A_524, %swap3A_525, %swap3A_526] {strides = array<i32>} : memref<4x200x64xf32, #tpu.memory_space<vmem>>, vector<1x1x16xf32>,
        %swap3A_528 = vector.shape_cast %swap3A_527 : vector<1x1x16xf32> to vector<16xf32>
        %swap3A_529 = vector.shape_cast %get3A_522 : vector<16xf32> to vector<1x1x16xf32>
        tpu.vector_store %arg7[%swap3A_524, %swap3A_525, %swap3A_526], %swap3A_529 {add = true, strides = array<i32>} : memref<4x200x64xf32, #tpu.memory_space<vmem>>, vector<1x1x16xf32>,
        %get3A_530 = arith.index_cast %scan3A_518 : i32 to index
        %get3A_531 = arith.constant 16 : index
        %get3A_532 = tpu.vector_load %arg8[%get3A_530, %get3A_531] {strides = array<i32>} : memref<200x64xf32, #tpu.memory_space<vmem>>, vector<1x16xf32>,
        %get3A_533 = vector.shape_cast %get3A_532 : vector<1x16xf32> to vector<16xf32>
        %swap3A_534 = arith.constant 3 : i32
        %swap3A_535 = arith.index_cast %swap3A_534 : i32 to index
        %swap3A_536 = arith.index_cast %scan3A_518 : i32 to index
        %swap3A_537 = arith.constant 16 : index
        %swap3A_538 = tpu.vector_load %arg7[%swap3A_535, %swap3A_536, %swap3A_537] {strides = array<i32>} : memref<4x200x64xf32, #tpu.memory_space<vmem>>, vector<1x1x16xf32>,
        %swap3A_539 = vector.shape_cast %swap3A_538 : vector<1x1x16xf32> to vector<16xf32>
        %swap3A_540 = vector.shape_cast %get3A_533 : vector<16xf32> to vector<1x1x16xf32>
        tpu.vector_store %arg7[%swap3A_535, %swap3A_536, %swap3A_537], %swap3A_540 {add = true, strides = array<i32>} : memref<4x200x64xf32, #tpu.memory_space<vmem>>, vector<1x1x16xf32>,
        %get3A_541 = arith.index_cast %scan3A_518 : i32 to index
        %get3A_542 = arith.constant 32 : index
        %get3A_543 = tpu.vector_load %arg8[%get3A_541, %get3A_542] {strides = array<i32>} : memref<200x64xf32, #tpu.memory_space<vmem>>, vector<1x16xf32>,
        %get3A_544 = vector.shape_cast %get3A_543 : vector<1x16xf32> to vector<16xf32>
        %swap3A_545 = arith.constant 3 : i32
        %swap3A_546 = arith.index_cast %swap3A_545 : i32 to index
        %swap3A_547 = arith.index_cast %scan3A_518 : i32 to index
        %swap3A_548 = arith.constant 32 : index
        %swap3A_549 = tpu.vector_load %arg7[%swap3A_546, %swap3A_547, %swap3A_548] {strides = array<i32>} : memref<4x200x64xf32, #tpu.memory_space<vmem>>, vector<1x1x16xf32>,
        %swap3A_550 = vector.shape_cast %swap3A_549 : vector<1x1x16xf32> to vector<16xf32>
        %swap3A_551 = vector.shape_cast %get3A_544 : vector<16xf32> to vector<1x1x16xf32>
        tpu.vector_store %arg7[%swap3A_546, %swap3A_547, %swap3A_548], %swap3A_551 {add = true, strides = array<i32>} : memref<4x200x64xf32, #tpu.memory_space<vmem>>, vector<1x1x16xf32>,
        %get3A_552 = arith.index_cast %scan3A_518 : i32 to index
        %get3A_553 = arith.constant 48 : index
        %get3A_554 = tpu.vector_load %arg8[%get3A_552, %get3A_553] {strides = array<i32>} : memref<200x64xf32, #tpu.memory_space<vmem>>, vector<1x16xf32>,
        %get3A_555 = vector.shape_cast %get3A_554 : vector<1x16xf32> to vector<16xf32>
        %swap3A_556 = arith.constant 3 : i32
        %swap3A_557 = arith.index_cast %swap3A_556 : i32 to index
        %swap3A_558 = arith.index_cast %scan3A_518 : i32 to index
        %swap3A_559 = arith.constant 48 : index
        %swap3A_560 = tpu.vector_load %arg7[%swap3A_557, %swap3A_558, %swap3A_559] {strides = array<i32>} : memref<4x200x64xf32, #tpu.memory_space<vmem>>, vector<1x1x16xf32>,
        %swap3A_561 = vector.shape_cast %swap3A_560 : vector<1x1x16xf32> to vector<16xf32>
        %swap3A_562 = vector.shape_cast %get3A_555 : vector<16xf32> to vector<1x1x16xf32>
        tpu.vector_store %arg7[%swap3A_557, %swap3A_558, %swap3A_559], %swap3A_562 {add = true, strides = array<i32>} : memref<4x200x64xf32, #tpu.memory_space<vmem>>, vector<1x1x16xf32>,
      }
      %scan3A_348 = arith.constant 200 : i32
      %mul3A_349 = arith.constant 200 : i32
      %mul3A_350 = arith.muli %add3A_314, %mul3A_349 : i32
      %add3A_351 = arith.addi %mul3A_2, %mul3A_350 : i32
      %dma_start3A_352 = arith.constant 3 : i32
      %dma_start3A_353 = arith.constant 3 : i32
      %dma_start3A_354 = arith.constant 0 : i32
      %dma_start3A_355 = arith.constant 0 : i32
      %dma_start3A_356 = tpu.memref_slice %arg7[%dma_start3A_352, %dma_start3A_354, %dma_start3A_355] : memref<4x200x64xf32, #tpu.memory_space<vmem>> -> memref<1x200x64xf32, #tpu.memory_space<vmem>>
      %dma_start3A_357 = tpu.memref_squeeze %dma_start3A_356 : memref<1x200x64xf32, #tpu.memory_space<vmem>> -> memref<200x64xf32, #tpu.memory_space<vmem>>
      %dma_start3A_358 = arith.constant 0 : i32
      %dma_start3A_359 = tpu.memref_slice %arg5[%add3A_351, %dma_start3A_358] : memref<409600x64xf32, #tpu.memory_space<hbm>> -> memref<200x64xf32, #tpu.memory_space<hbm>>
      %dma_start3A_360 = tpu.memref_slice %arg10[%dma_start3A_353] : memref<4x!tpu.dma_semaphore, #tpu.memory_space<semaphore_mem>> -> memref<1x!tpu.dma_semaphore, #tpu.memory_space<semaphore_mem>>
      %dma_start3A_361 = tpu.memref_squeeze %dma_start3A_360 : memref<1x!tpu.dma_semaphore, #tpu.memory_space<semaphore_mem>> -> memref<!tpu.dma_semaphore, #tpu.memory_space<semaphore_mem>>
      %dma_start3A_362 = arith.constant 0 : i32
      %dma_start3A_363 = tpu.memref_slice %arg5[%add3A_351, %dma_start3A_362] : memref<409600x64xf32, #tpu.memory_space<hbm>> -> memref<200x64xf32, #tpu.memory_space<hbm>>
      %dma_start3A_364 = arith.constant 0 : i32
      %dma_start3A_365 = arith.constant 0 : i32
      %dma_start3A_366 = tpu.memref_slice %arg7[%dma_start3A_352, %dma_start3A_364, %dma_start3A_365] : memref<4x200x64xf32, #tpu.memory_space<vmem>> -> memref<1x200x64xf32, #tpu.memory_space<vmem>>
      %dma_start3A_367 = tpu.memref_squeeze %dma_start3A_366 : memref<1x200x64xf32, #tpu.memory_space<vmem>> -> memref<200x64xf32, #tpu.memory_space<vmem>>
      tpu.enqueue_dma source(%dma_start3A_367 : memref<200x64xf32, #tpu.memory_space<vmem>>) target(%dma_start3A_363 : memref<200x64xf32, #tpu.memory_space<hbm>>) target_semaphore(%dma_start3A_361 : memref<!tpu.dma_semaphore, #tpu.memory_space<semaphore_mem>>)
      %add3A_368 = arith.constant 4 : i32
      %add3A_369 = arith.addi %add3A_314, %add3A_368 : i32
      %sub3A_370 = arith.constant 1 : i32
      %sub3A_371 = arith.subi %add3A_369, %sub3A_370 : i32
      %ge3A_372 = arith.constant 1 : i32
      %ge3A_373 = arith.cmpi sge, %add3A_314, %ge3A_372 : i32
      %convert_element_type3A_374 = arith.extui %ge3A_373 : i1 to i32
      %cond3A_375 = arith.constant 0 : i32
      %cond3A_376 = arith.cmpi ne, %convert_element_type3A_374, %cond3A_375 : i32
      scf.if %cond3A_376 {
        %sub3A_382 = arith.constant 1 : i32
        %sub3A_383 = arith.subi %add3A_314, %sub3A_382 : i32
        %mul3A_384 = arith.constant 200 : i32
        %mul3A_385 = arith.muli %sub3A_383, %mul3A_384 : i32
        %add3A_386 = arith.addi %mul3A_2, %mul3A_385 : i32
        %dma_wait3A_387 = arith.constant 2 : i32
        %dma_wait3A_388 = arith.constant 2 : i32
        %dma_wait3A_389 = arith.constant 0 : i32
        %dma_wait3A_390 = arith.constant 0 : i32
        %dma_wait3A_391 = tpu.memref_slice %arg7[%dma_wait3A_387, %dma_wait3A_389, %dma_wait3A_390] : memref<4x200x64xf32, #tpu.memory_space<vmem>> -> memref<1x200x64xf32, #tpu.memory_space<vmem>>
        %dma_wait3A_392 = tpu.memref_squeeze %dma_wait3A_391 : memref<1x200x64xf32, #tpu.memory_space<vmem>> -> memref<200x64xf32, #tpu.memory_space<vmem>>
        %dma_wait3A_393 = arith.constant 0 : i32
        %dma_wait3A_394 = tpu.memref_slice %arg5[%add3A_386, %dma_wait3A_393] : memref<409600x64xf32, #tpu.memory_space<hbm>> -> memref<200x64xf32, #tpu.memory_space<hbm>>
        %dma_wait3A_395 = tpu.memref_slice %arg10[%dma_wait3A_388] : memref<4x!tpu.dma_semaphore, #tpu.memory_space<semaphore_mem>> -> memref<1x!tpu.dma_semaphore, #tpu.memory_space<semaphore_mem>>
        %dma_wait3A_396 = tpu.memref_squeeze %dma_wait3A_395 : memref<1x!tpu.dma_semaphore, #tpu.memory_space<semaphore_mem>> -> memref<!tpu.dma_semaphore, #tpu.memory_space<semaphore_mem>>
        %dma_wait3A_397 = arith.constant 0 : i32
        %dma_wait3A_398 = tpu.memref_slice %arg5[%add3A_386, %dma_wait3A_397] : memref<409600x64xf32, #tpu.memory_space<hbm>> -> memref<200x64xf32, #tpu.memory_space<hbm>>
        %dma_wait3A_399 = arith.constant 0 : i32
        %dma_wait3A_400 = arith.constant 0 : i32
        %dma_wait3A_401 = tpu.memref_slice %arg7[%dma_wait3A_387, %dma_wait3A_399, %dma_wait3A_400] : memref<4x200x64xf32, #tpu.memory_space<vmem>> -> memref<1x200x64xf32, #tpu.memory_space<vmem>>
        %dma_wait3A_402 = tpu.memref_squeeze %dma_wait3A_401 : memref<1x200x64xf32, #tpu.memory_space<vmem>> -> memref<200x64xf32, #tpu.memory_space<vmem>>
        tpu.wait_dma2 semaphore(%dma_wait3A_396 : memref<!tpu.dma_semaphore, #tpu.memory_space<semaphore_mem>>) src(%dma_wait3A_402 : memref<200x64xf32, #tpu.memory_space<vmem>>) dst(%dma_wait3A_398 : memref<200x64xf32, #tpu.memory_space<hbm>>)
      } else {
      }
      %lt3A_377 = arith.constant 64 : i32
      %lt3A_378 = arith.cmpi slt, %sub3A_371, %lt3A_377 : i32
      %convert_element_type3A_379 = arith.extui %lt3A_378 : i1 to i32
      %cond3A_380 = arith.constant 0 : i32
      %cond3A_381 = arith.cmpi ne, %convert_element_type3A_379, %cond3A_380 : i32
      scf.if %cond3A_381 {
        %mul3A_382 = arith.constant 200 : i32
        %mul3A_383 = arith.muli %sub3A_371, %mul3A_382 : i32
        %dma_start3A_384 = arith.constant 2 : i32
        %dma_start3A_385 = arith.constant 2 : i32
        %dma_start3A_386 = arith.constant 0 : i32
        %dma_start3A_387 = arith.constant 0 : i32
        %dma_start3A_388 = tpu.memref_slice %arg7[%dma_start3A_384, %dma_start3A_386, %dma_start3A_387] : memref<4x200x64xf32, #tpu.memory_space<vmem>> -> memref<1x128x64xf32, #tpu.memory_space<vmem>>
        %dma_start3A_389 = tpu.memref_squeeze %dma_start3A_388 : memref<1x128x64xf32, #tpu.memory_space<vmem>> -> memref<128x64xf32, #tpu.memory_space<vmem>>
        %dma_start3A_390 = tpu.memref_slice %arg6[%mul3A_383] : memref<12800xi32, #tpu.memory_space<vmem>> -> memref<128xi32, #tpu.memory_space<vmem>>
        %dma_start3A_391 = arith.constant 0 : i32
        %dma_start3A_392 = arith.constant 0 : i32
        %dma_start3A_393 = tpu.memref_slice %arg3[%dma_start3A_391, %dma_start3A_392] : memref<1000000x64xf32, #tpu.memory_space<hbm>> -> memref<1000000x64xf32, #tpu.memory_space<hbm>>
        %dma_start3A_394 = tpu.memref_slice %arg9[%dma_start3A_385] : memref<4x!tpu.dma_semaphore, #tpu.memory_space<semaphore_mem>> -> memref<1x!tpu.dma_semaphore, #tpu.memory_space<semaphore_mem>>
        %dma_start3A_395 = tpu.memref_squeeze %dma_start3A_394 : memref<1x!tpu.dma_semaphore, #tpu.memory_space<semaphore_mem>> -> memref<!tpu.dma_semaphore, #tpu.memory_space<semaphore_mem>>
        tpu.enqueue_indirect_dma source(%dma_start3A_393 : memref<1000000x64xf32, #tpu.memory_space<hbm>>) target(%dma_start3A_389 : memref<128x64xf32, #tpu.memory_space<vmem>>) offsets(%dma_start3A_390 : memref<128xi32, #tpu.memory_space<vmem>>) semaphore(%dma_start3A_395 : memref<!tpu.dma_semaphore, #tpu.memory_space<semaphore_mem>>)
        %add3A_396 = arith.constant 128 : i32
        %add3A_397 = arith.addi %mul3A_383, %add3A_396 : i32
        %dma_start3A_398 = arith.constant 2 : i32
        %dma_start3A_399 = arith.constant 2 : i32
        %dma_start3A_400 = arith.constant 128 : i32
        %dma_start3A_401 = arith.constant 0 : i32
        %dma_start3A_402 = tpu.memref_slice %arg7[%dma_start3A_398, %dma_start3A_400, %dma_start3A_401] : memref<4x200x64xf32, #tpu.memory_space<vmem>> -> memref<1x72x64xf32, #tpu.memory_space<vmem>>
        %dma_start3A_403 = tpu.memref_squeeze %dma_start3A_402 : memref<1x72x64xf32, #tpu.memory_space<vmem>> -> memref<72x64xf32, #tpu.memory_space<vmem>>
        %dma_start3A_404 = tpu.memref_slice %arg6[%add3A_397] : memref<12800xi32, #tpu.memory_space<vmem>> -> memref<72xi32, #tpu.memory_space<vmem>>
        %dma_start3A_405 = arith.constant 0 : i32
        %dma_start3A_406 = arith.constant 0 : i32
        %dma_start3A_407 = tpu.memref_slice %arg3[%dma_start3A_405, %dma_start3A_406] : memref<1000000x64xf32, #tpu.memory_space<hbm>> -> memref<1000000x64xf32, #tpu.memory_space<hbm>>
        %dma_start3A_408 = tpu.memref_slice %arg9[%dma_start3A_399] : memref<4x!tpu.dma_semaphore, #tpu.memory_space<semaphore_mem>> -> memref<1x!tpu.dma_semaphore, #tpu.memory_space<semaphore_mem>>
        %dma_start3A_409 = tpu.memref_squeeze %dma_start3A_408 : memref<1x!tpu.dma_semaphore, #tpu.memory_space<semaphore_mem>> -> memref<!tpu.dma_semaphore, #tpu.memory_space<semaphore_mem>>
        tpu.enqueue_indirect_dma source(%dma_start3A_407 : memref<1000000x64xf32, #tpu.memory_space<hbm>>) target(%dma_start3A_403 : memref<72x64xf32, #tpu.memory_space<vmem>>) offsets(%dma_start3A_404 : memref<72xi32, #tpu.memory_space<vmem>>) semaphore(%dma_start3A_409 : memref<!tpu.dma_semaphore, #tpu.memory_space<semaphore_mem>>)
      } else {
      }
    }
    %scan3A_84 = arith.constant 16 : i32
    %add3A_85 = arith.constant 12600 : i32
    %add3A_86 = arith.addi %mul3A_2, %add3A_85 : i32
    %dma_wait3A = arith.constant 3 : i32
    %dma_wait3A_87 = arith.constant 3 : i32
    %dma_wait3A_88 = arith.constant 0 : i32
    %dma_wait3A_89 = arith.constant 0 : i32
    %dma_wait3A_90 = tpu.memref_slice %arg7[%dma_wait3A, %dma_wait3A_88, %dma_wait3A_89] : memref<4x200x64xf32, #tpu.memory_space<vmem>> -> memref<1x200x64xf32, #tpu.memory_space<vmem>>
    %dma_wait3A_91 = tpu.memref_squeeze %dma_wait3A_90 : memref<1x200x64xf32, #tpu.memory_space<vmem>> -> memref<200x64xf32, #tpu.memory_space<vmem>>
    %dma_wait3A_92 = arith.constant 0 : i32
    %dma_wait3A_93 = tpu.memref_slice %arg5[%add3A_86, %dma_wait3A_92] : memref<409600x64xf32, #tpu.memory_space<hbm>> -> memref<200x64xf32, #tpu.memory_space<hbm>>
    %dma_wait3A_94 = tpu.memref_slice %arg10[%dma_wait3A_87] : memref<4x!tpu.dma_semaphore, #tpu.memory_space<semaphore_mem>> -> memref<1x!tpu.dma_semaphore, #tpu.memory_space<semaphore_mem>>
    %dma_wait3A_95 = tpu.memref_squeeze %dma_wait3A_94 : memref<1x!tpu.dma_semaphore, #tpu.memory_space<semaphore_mem>> -> memref<!tpu.dma_semaphore, #tpu.memory_space<semaphore_mem>>
    %dma_wait3A_96 = arith.constant 0 : i32
    %dma_wait3A_97 = tpu.memref_slice %arg5[%add3A_86, %dma_wait3A_96] : memref<409600x64xf32, #tpu.memory_space<hbm>> -> memref<200x64xf32, #tpu.memory_space<hbm>>
    %dma_wait3A_98 = arith.constant 0 : i32
    %dma_wait3A_99 = arith.constant 0 : i32
    %dma_wait3A_100 = tpu.memref_slice %arg7[%dma_wait3A, %dma_wait3A_98, %dma_wait3A_99] : memref<4x200x64xf32, #tpu.memory_space<vmem>> -> memref<1x200x64xf32, #tpu.memory_space<vmem>>
    %dma_wait3A_101 = tpu.memref_squeeze %dma_wait3A_100 : memref<1x200x64xf32, #tpu.memory_space<vmem>> -> memref<200x64xf32, #tpu.memory_space<vmem>>
    tpu.wait_dma2 semaphore(%dma_wait3A_95 : memref<!tpu.dma_semaphore, #tpu.memory_space<semaphore_mem>>) src(%dma_wait3A_101 : memref<200x64xf32, #tpu.memory_space<vmem>>) dst(%dma_wait3A_97 : memref<200x64xf32, #tpu.memory_space<hbm>>)
    return
  }
}

#map = affine_map<(d0, d1) -> (0)>
#map1 = affine_map<(d0, d1) -> (0, 0)>
module attributes {stable_mosaic.version = 14 : i64} {
  func.func @_emb_lookup(%arg0: i32, %arg1: i32, %arg2: memref<409600xi32, #tpu.memory_space<hbm>>, %arg3: memref<1000000x64xf32, #tpu.memory_space<hbm>>, %arg4: memref<200x64xf32, #tpu.memory_space<hbm>>, %arg5: memref<409600x64xf32, #tpu.memory_space<hbm>>, %arg6: memref<12800xi32, #tpu.memory_space<vmem>>, %arg7: memref<4x200x64xf32, #tpu.memory_space<vmem>>, %arg8: memref<200x64xf32, #tpu.memory_space<vmem>>, %arg9: memref<4x!tpu.dma_semaphore, #tpu.memory_space<semaphore_mem>>, %arg10: memref<4x!tpu.dma_semaphore, #tpu.memory_space<semaphore_mem>>) attributes {dimension_semantics = [#tpu.dimension_semantics<core_parallel>, #tpu.dimension_semantics<subcore_parallel>], iteration_bounds = array<i64: 2, 16>, scalar_prefetch = 0 : i64, scratch_operands = 5 : i64, tpu.core_type = #tpu.core_type<sc_vector_subcore>, window_params = [{transform_indices = #map}, {transform_indices = #map1}, {transform_indices = #map1}, {transform_indices = #map1}]} {
    %mul3A = arith.constant 2 : i32
    %mul3A_0 = arith.muli %arg1, %mul3A : i32
    %add3A = arith.addi %mul3A_0, %arg0 : i32
    %mul3A_1 = arith.constant 12800 : i32
    %mul3A_2 = arith.muli %add3A, %mul3A_1 : i32
    "tpu.region"() ({
      %run_scoped3A = tpu.sem_alloc : memref<!tpu.dma_semaphore, #tpu.memory_space<semaphore_mem>>
      %dma_start3A_102 = tpu.memref_slice %arg2[%mul3A_2] : memref<409600xi32, #tpu.memory_space<hbm>> -> memref<12800xi32, #tpu.memory_space<hbm>>
      %dma_start3A_103 = tpu.memref_slice %arg2[%mul3A_2] : memref<409600xi32, #tpu.memory_space<hbm>> -> memref<12800xi32, #tpu.memory_space<hbm>>
      tpu.enqueue_dma source(%dma_start3A_103 : memref<12800xi32, #tpu.memory_space<hbm>>) target(%arg6 : memref<12800xi32, #tpu.memory_space<vmem>>) target_semaphore(%run_scoped3A : memref<!tpu.dma_semaphore, #tpu.memory_space<semaphore_mem>>)
      %dma_wait3A_104 = tpu.memref_slice %arg2[%mul3A_2] : memref<409600xi32, #tpu.memory_space<hbm>> -> memref<12800xi32, #tpu.memory_space<hbm>>
      %dma_wait3A_105 = tpu.memref_slice %arg2[%mul3A_2] : memref<409600xi32, #tpu.memory_space<hbm>> -> memref<12800xi32, #tpu.memory_space<hbm>>
      tpu.wait_dma2 semaphore(%run_scoped3A : memref<!tpu.dma_semaphore, #tpu.memory_space<semaphore_mem>>) src(%dma_wait3A_105 : memref<12800xi32, #tpu.memory_space<hbm>>) dst(%arg6 : memref<12800xi32, #tpu.memory_space<vmem>>)
      tpu.yield
    }) : () -> ()
    "tpu.region"() ({
      %run_scoped3A = tpu.sem_alloc : memref<!tpu.dma_semaphore, #tpu.memory_space<semaphore_mem>>
      tpu.enqueue_dma source(%arg4 : memref<200x64xf32, #tpu.memory_space<hbm>>) target(%arg8 : memref<200x64xf32, #tpu.memory_space<vmem>>) target_semaphore(%run_scoped3A : memref<!tpu.dma_semaphore, #tpu.memory_space<semaphore_mem>>)
      tpu.wait_dma2 semaphore(%run_scoped3A : memref<!tpu.dma_semaphore, #tpu.memory_space<semaphore_mem>>) src(%arg4 : memref<200x64xf32, #tpu.memory_space<hbm>>) dst(%arg8 : memref<200x64xf32, #tpu.memory_space<vmem>>)
      tpu.yield
    }) : () -> ()
    %dma_start3A = arith.constant 0 : i32
    %dma_start3A_3 = arith.constant 0 : i32
    %dma_start3A_4 = arith.constant 0 : i32
    %dma_start3A_5 = arith.constant 0 : i32
    %dma_start3A_6 = tpu.memref_slice %arg7[%dma_start3A, %dma_start3A_4, %dma_start3A_5] : memref<4x200x64xf32, #tpu.memory_space<vmem>> -> memref<1x128x64xf32, #tpu.memory_space<vmem>>
    %dma_start3A_7 = tpu.memref_squeeze %dma_start3A_6 : memref<1x128x64xf32, #tpu.memory_space<vmem>> -> memref<128x64xf32, #tpu.memory_space<vmem>>
    %dma_start3A_8 = arith.constant 0 : i32
    %dma_start3A_9 = tpu.memref_slice %arg6[%dma_start3A_8] : memref<12800xi32, #tpu.memory_space<vmem>> -> memref<128xi32, #tpu.memory_space<vmem>>
    %dma_start3A_10 = arith.constant 0 : i32
    %dma_start3A_11 = arith.constant 0 : i32
    %dma_start3A_12 = tpu.memref_slice %arg3[%dma_start3A_10, %dma_start3A_11] : memref<1000000x64xf32, #tpu.memory_space<hbm>> -> memref<1000000x64xf32, #tpu.memory_space<hbm>>
    %dma_start3A_13 = tpu.memref_slice %arg9[%dma_start3A_3] : memref<4x!tpu.dma_semaphore, #tpu.memory_space<semaphore_mem>> -> memref<1x!tpu.dma_semaphore, #tpu.memory_space<semaphore_mem>>
    %dma_start3A_14 = tpu.memref_squeeze %dma_start3A_13 : memref<1x!tpu.dma_semaphore, #tpu.memory_space<semaphore_mem>> -> memref<!tpu.dma_semaphore, #tpu.memory_space<semaphore_mem>>
    tpu.enqueue_indirect_dma source(%dma_start3A_12 : memref<1000000x64xf32, #tpu.memory_space<hbm>>) target(%dma_start3A_7 : memref<128x64xf32, #tpu.memory_space<vmem>>) offsets(%dma_start3A_9 : memref<128xi32, #tpu.memory_space<vmem>>) semaphore(%dma_start3A_14 : memref<!tpu.dma_semaphore, #tpu.memory_space<semaphore_mem>>)
    %dma_start3A_15 = arith.constant 0 : i32
    %dma_start3A_16 = arith.constant 0 : i32
    %dma_start3A_17 = arith.constant 128 : i32
    %dma_start3A_18 = arith.constant 0 : i32
    %dma_start3A_19 = tpu.memref_slice %arg7[%dma_start3A_15, %dma_start3A_17, %dma_start3A_18] : memref<4x200x64xf32, #tpu.memory_space<vmem>> -> memref<1x72x64xf32, #tpu.memory_space<vmem>>
    %dma_start3A_20 = tpu.memref_squeeze %dma_start3A_19 : memref<1x72x64xf32, #tpu.memory_space<vmem>> -> memref<72x64xf32, #tpu.memory_space<vmem>>
    %dma_start3A_21 = arith.constant 128 : i32
    %dma_start3A_22 = tpu.memref_slice %arg6[%dma_start3A_21] : memref<12800xi32, #tpu.memory_space<vmem>> -> memref<72xi32, #tpu.memory_space<vmem>>
    %dma_start3A_23 = arith.constant 0 : i32
    %dma_start3A_24 = arith.constant 0 : i32
    %dma_start3A_25 = tpu.memref_slice %arg3[%dma_start3A_23, %dma_start3A_24] : memref<1000000x64xf32, #tpu.memory_space<hbm>> -> memref<1000000x64xf32, #tpu.memory_space<hbm>>
    %dma_start3A_26 = tpu.memref_slice %arg9[%dma_start3A_16] : memref<4x!tpu.dma_semaphore, #tpu.memory_space<semaphore_mem>> -> memref<1x!tpu.dma_semaphore, #tpu.memory_space<semaphore_mem>>
    %dma_start3A_27 = tpu.memref_squeeze %dma_start3A_26 : memref<1x!tpu.dma_semaphore, #tpu.memory_space<semaphore_mem>> -> memref<!tpu.dma_semaphore, #tpu.memory_space<semaphore_mem>>
    tpu.enqueue_indirect_dma source(%dma_start3A_25 : memref<1000000x64xf32, #tpu.memory_space<hbm>>) target(%dma_start3A_20 : memref<72x64xf32, #tpu.memory_space<vmem>>) offsets(%dma_start3A_22 : memref<72xi32, #tpu.memory_space<vmem>>) semaphore(%dma_start3A_27 : memref<!tpu.dma_semaphore, #tpu.memory_space<semaphore_mem>>)
    %dma_start3A_28 = arith.constant 1 : i32
    %dma_start3A_29 = arith.constant 1 : i32
    %dma_start3A_30 = arith.constant 0 : i32
    %dma_start3A_31 = arith.constant 0 : i32
    %dma_start3A_32 = tpu.memref_slice %arg7[%dma_start3A_28, %dma_start3A_30, %dma_start3A_31] : memref<4x200x64xf32, #tpu.memory_space<vmem>> -> memref<1x128x64xf32, #tpu.memory_space<vmem>>
    %dma_start3A_33 = tpu.memref_squeeze %dma_start3A_32 : memref<1x128x64xf32, #tpu.memory_space<vmem>> -> memref<128x64xf32, #tpu.memory_space<vmem>>
    %dma_start3A_34 = arith.constant 200 : i32
    %dma_start3A_35 = tpu.memref_slice %arg6[%dma_start3A_34] : memref<12800xi32, #tpu.memory_space<vmem>> -> memref<128xi32, #tpu.memory_space<vmem>>
    %dma_start3A_36 = arith.constant 0 : i32
    %dma_start3A_37 = arith.constant 0 : i32
    %dma_start3A_38 = tpu.memref_slice %arg3[%dma_start3A_36, %dma_start3A_37] : memref<1000000x64xf32, #tpu.memory_space<hbm>> -> memref<1000000x64xf32, #tpu.memory_space<hbm>>
    %dma_start3A_39 = tpu.memref_slice %arg9[%dma_start3A_29] : memref<4x!tpu.dma_semaphore, #tpu.memory_space<semaphore_mem>> -> memref<1x!tpu.dma_semaphore, #tpu.memory_space<semaphore_mem>>
    %dma_start3A_40 = tpu.memref_squeeze %dma_start3A_39 : memref<1x!tpu.dma_semaphore, #tpu.memory_space<semaphore_mem>> -> memref<!tpu.dma_semaphore, #tpu.memory_space<semaphore_mem>>
    tpu.enqueue_indirect_dma source(%dma_start3A_38 : memref<1000000x64xf32, #tpu.memory_space<hbm>>) target(%dma_start3A_33 : memref<128x64xf32, #tpu.memory_space<vmem>>) offsets(%dma_start3A_35 : memref<128xi32, #tpu.memory_space<vmem>>) semaphore(%dma_start3A_40 : memref<!tpu.dma_semaphore, #tpu.memory_space<semaphore_mem>>)
    %dma_start3A_41 = arith.constant 1 : i32
    %dma_start3A_42 = arith.constant 1 : i32
    %dma_start3A_43 = arith.constant 128 : i32
    %dma_start3A_44 = arith.constant 0 : i32
    %dma_start3A_45 = tpu.memref_slice %arg7[%dma_start3A_41, %dma_start3A_43, %dma_start3A_44] : memref<4x200x64xf32, #tpu.memory_space<vmem>> -> memref<1x72x64xf32, #tpu.memory_space<vmem>>
    %dma_start3A_46 = tpu.memref_squeeze %dma_start3A_45 : memref<1x72x64xf32, #tpu.memory_space<vmem>> -> memref<72x64xf32, #tpu.memory_space<vmem>>
    %dma_start3A_47 = arith.constant 328 : i32
    %dma_start3A_48 = tpu.memref_slice %arg6[%dma_start3A_47] : memref<12800xi32, #tpu.memory_space<vmem>> -> memref<72xi32, #tpu.memory_space<vmem>>
    %dma_start3A_49 = arith.constant 0 : i32
    %dma_start3A_50 = arith.constant 0 : i32
    %dma_start3A_51 = tpu.memref_slice %arg3[%dma_start3A_49, %dma_start3A_50] : memref<1000000x64xf32, #tpu.memory_space<hbm>> -> memref<1000000x64xf32, #tpu.memory_space<hbm>>
    %dma_start3A_52 = tpu.memref_slice %arg9[%dma_start3A_42] : memref<4x!tpu.dma_semaphore, #tpu.memory_space<semaphore_mem>> -> memref<1x!tpu.dma_semaphore, #tpu.memory_space<semaphore_mem>>
    %dma_start3A_53 = tpu.memref_squeeze %dma_start3A_52 : memref<1x!tpu.dma_semaphore, #tpu.memory_space<semaphore_mem>> -> memref<!tpu.dma_semaphore, #tpu.memory_space<semaphore_mem>>
    tpu.enqueue_indirect_dma source(%dma_start3A_51 : memref<1000000x64xf32, #tpu.memory_space<hbm>>) target(%dma_start3A_46 : memref<72x64xf32, #tpu.memory_space<vmem>>) offsets(%dma_start3A_48 : memref<72xi32, #tpu.memory_space<vmem>>) semaphore(%dma_start3A_53 : memref<!tpu.dma_semaphore, #tpu.memory_space<semaphore_mem>>)
    %dma_start3A_54 = arith.constant 2 : i32
    %dma_start3A_55 = arith.constant 2 : i32
    %dma_start3A_56 = arith.constant 0 : i32
    %dma_start3A_57 = arith.constant 0 : i32
    %dma_start3A_58 = tpu.memref_slice %arg7[%dma_start3A_54, %dma_start3A_56, %dma_start3A_57] : memref<4x200x64xf32, #tpu.memory_space<vmem>> -> memref<1x128x64xf32, #tpu.memory_space<vmem>>
    %dma_start3A_59 = tpu.memref_squeeze %dma_start3A_58 : memref<1x128x64xf32, #tpu.memory_space<vmem>> -> memref<128x64xf32, #tpu.memory_space<vmem>>
    %dma_start3A_60 = arith.constant 400 : i32
    %dma_start3A_61 = tpu.memref_slice %arg6[%dma_start3A_60] : memref<12800xi32, #tpu.memory_space<vmem>> -> memref<128xi32, #tpu.memory_space<vmem>>
    %dma_start3A_62 = arith.constant 0 : i32
    %dma_start3A_63 = arith.constant 0 : i32
    %dma_start3A_64 = tpu.memref_slice %arg3[%dma_start3A_62, %dma_start3A_63] : memref<1000000x64xf32, #tpu.memory_space<hbm>> -> memref<1000000x64xf32, #tpu.memory_space<hbm>>
    %dma_start3A_65 = tpu.memref_slice %arg9[%dma_start3A_55] : memref<4x!tpu.dma_semaphore, #tpu.memory_space<semaphore_mem>> -> memref<1x!tpu.dma_semaphore, #tpu.memory_space<semaphore_mem>>
    %dma_start3A_66 = tpu.memref_squeeze %dma_start3A_65 : memref<1x!tpu.dma_semaphore, #tpu.memory_space<semaphore_mem>> -> memref<!tpu.dma_semaphore, #tpu.memory_space<semaphore_mem>>
    tpu.enqueue_indirect_dma source(%dma_start3A_64 : memref<1000000x64xf32, #tpu.memory_space<hbm>>) target(%dma_start3A_59 : memref<128x64xf32, #tpu.memory_space<vmem>>) offsets(%dma_start3A_61 : memref<128xi32, #tpu.memory_space<vmem>>) semaphore(%dma_start3A_66 : memref<!tpu.dma_semaphore, #tpu.memory_space<semaphore_mem>>)
    %dma_start3A_67 = arith.constant 2 : i32
    %dma_start3A_68 = arith.constant 2 : i32
    %dma_start3A_69 = arith.constant 128 : i32
    %dma_start3A_70 = arith.constant 0 : i32
    %dma_start3A_71 = tpu.memref_slice %arg7[%dma_start3A_67, %dma_start3A_69, %dma_start3A_70] : memref<4x200x64xf32, #tpu.memory_space<vmem>> -> memref<1x72x64xf32, #tpu.memory_space<vmem>>
    %dma_start3A_72 = tpu.memref_squeeze %dma_start3A_71 : memref<1x72x64xf32, #tpu.memory_space<vmem>> -> memref<72x64xf32, #tpu.memory_space<vmem>>
    %dma_start3A_73 = arith.constant 528 : i32
    %dma_start3A_74 = tpu.memref_slice %arg6[%dma_start3A_73] : memref<12800xi32, #tpu.memory_space<vmem>> -> memref<72xi32, #tpu.memory_space<vmem>>
    %dma_start3A_75 = arith.constant 0 : i32
    %dma_start3A_76 = arith.constant 0 : i32
    %dma_start3A_77 = tpu.memref_slice %arg3[%dma_start3A_75, %dma_start3A_76] : memref<1000000x64xf32, #tpu.memory_space<hbm>> -> memref<1000000x64xf32, #tpu.memory_space<hbm>>
    %dma_start3A_78 = tpu.memref_slice %arg9[%dma_start3A_68] : memref<4x!tpu.dma_semaphore, #tpu.memory_space<semaphore_mem>> -> memref<1x!tpu.dma_semaphore, #tpu.memory_space<semaphore_mem>>
    %dma_start3A_79 = tpu.memref_squeeze %dma_start3A_78 : memref<1x!tpu.dma_semaphore, #tpu.memory_space<semaphore_mem>> -> memref<!tpu.dma_semaphore, #tpu.memory_space<semaphore_mem>>
    tpu.enqueue_indirect_dma source(%dma_start3A_77 : memref<1000000x64xf32, #tpu.memory_space<hbm>>) target(%dma_start3A_72 : memref<72x64xf32, #tpu.memory_space<vmem>>) offsets(%dma_start3A_74 : memref<72xi32, #tpu.memory_space<vmem>>) semaphore(%dma_start3A_79 : memref<!tpu.dma_semaphore, #tpu.memory_space<semaphore_mem>>)
    %scan3A = arith.constant 0 : i32
    %scan3A_80 = arith.constant 0 : i32
    %scan3A_81 = arith.constant 16 : i32
    %scan3A_82 = arith.addi %scan3A_80, %scan3A_81 : i32
    %scan3A_83 = arith.constant 1 : i32
    scf.for %scan3A_102 = %scan3A_80 to %scan3A_82 step %scan3A_83  : i32 {
      %mul3A_103 = arith.constant 4 : i32
      %mul3A_104 = arith.muli %scan3A_102, %mul3A_103 : i32
      %add3A_105 = arith.constant 0 : i32
      %add3A_106 = arith.addi %mul3A_104, %add3A_105 : i32
      %mul3A_107 = arith.constant 200 : i32
      %mul3A_108 = arith.muli %add3A_106, %mul3A_107 : i32
      %dma_wait3A_109 = arith.constant 0 : i32
      %dma_wait3A_110 = arith.constant 0 : i32
      %dma_wait3A_111 = arith.constant 0 : i32
      %dma_wait3A_112 = arith.constant 0 : i32
      %dma_wait3A_113 = tpu.memref_slice %arg7[%dma_wait3A_109, %dma_wait3A_111, %dma_wait3A_112] : memref<4x200x64xf32, #tpu.memory_space<vmem>> -> memref<1x128x64xf32, #tpu.memory_space<vmem>>
      %dma_wait3A_114 = tpu.memref_squeeze %dma_wait3A_113 : memref<1x128x64xf32, #tpu.memory_space<vmem>> -> memref<128x64xf32, #tpu.memory_space<vmem>>
      %dma_wait3A_115 = tpu.memref_slice %arg6[%mul3A_108] : memref<12800xi32, #tpu.memory_space<vmem>> -> memref<128xi32, #tpu.memory_space<vmem>>
      %dma_wait3A_116 = arith.constant 0 : i32
      %dma_wait3A_117 = arith.constant 0 : i32
      %dma_wait3A_118 = tpu.memref_slice %arg3[%dma_wait3A_116, %dma_wait3A_117] : memref<1000000x64xf32, #tpu.memory_space<hbm>> -> memref<1000000x64xf32, #tpu.memory_space<hbm>>
      %dma_wait3A_119 = tpu.memref_slice %arg9[%dma_wait3A_110] : memref<4x!tpu.dma_semaphore, #tpu.memory_space<semaphore_mem>> -> memref<1x!tpu.dma_semaphore, #tpu.memory_space<semaphore_mem>>
      %dma_wait3A_120 = tpu.memref_squeeze %dma_wait3A_119 : memref<1x!tpu.dma_semaphore, #tpu.memory_space<semaphore_mem>> -> memref<!tpu.dma_semaphore, #tpu.memory_space<semaphore_mem>>
      tpu.wait_indirect_dma semaphore(%dma_wait3A_120 : memref<!tpu.dma_semaphore, #tpu.memory_space<semaphore_mem>>) src(%dma_wait3A_118 : memref<1000000x64xf32, #tpu.memory_space<hbm>>) dst(%dma_wait3A_114 : memref<128x64xf32, #tpu.memory_space<vmem>>)
      %add3A_121 = arith.constant 128 : i32
      %add3A_122 = arith.addi %mul3A_108, %add3A_121 : i32
      %dma_wait3A_123 = arith.constant 0 : i32
      %dma_wait3A_124 = arith.constant 0 : i32
      %dma_wait3A_125 = arith.constant 128 : i32
      %dma_wait3A_126 = arith.constant 0 : i32
      %dma_wait3A_127 = tpu.memref_slice %arg7[%dma_wait3A_123, %dma_wait3A_125, %dma_wait3A_126] : memref<4x200x64xf32, #tpu.memory_space<vmem>> -> memref<1x72x64xf32, #tpu.memory_space<vmem>>
      %dma_wait3A_128 = tpu.memref_squeeze %dma_wait3A_127 : memref<1x72x64xf32, #tpu.memory_space<vmem>> -> memref<72x64xf32, #tpu.memory_space<vmem>>
      %dma_wait3A_129 = tpu.memref_slice %arg6[%add3A_122] : memref<12800xi32, #tpu.memory_space<vmem>> -> memref<72xi32, #tpu.memory_space<vmem>>
      %dma_wait3A_130 = arith.constant 0 : i32
      %dma_wait3A_131 = arith.constant 0 : i32
      %dma_wait3A_132 = tpu.memref_slice %arg3[%dma_wait3A_130, %dma_wait3A_131] : memref<1000000x64xf32, #tpu.memory_space<hbm>> -> memref<1000000x64xf32, #tpu.memory_space<hbm>>
      %dma_wait3A_133 = tpu.memref_slice %arg9[%dma_wait3A_124] : memref<4x!tpu.dma_semaphore, #tpu.memory_space<semaphore_mem>> -> memref<1x!tpu.dma_semaphore, #tpu.memory_space<semaphore_mem>>
      %dma_wait3A_134 = tpu.memref_squeeze %dma_wait3A_133 : memref<1x!tpu.dma_semaphore, #tpu.memory_space<semaphore_mem>> -> memref<!tpu.dma_semaphore, #tpu.memory_space<semaphore_mem>>
      tpu.wait_indirect_dma semaphore(%dma_wait3A_134 : memref<!tpu.dma_semaphore, #tpu.memory_space<semaphore_mem>>) src(%dma_wait3A_132 : memref<1000000x64xf32, #tpu.memory_space<hbm>>) dst(%dma_wait3A_128 : memref<72x64xf32, #tpu.memory_space<vmem>>)
      %scan3A_135 = arith.constant 0 : i32
      %scan3A_136 = arith.constant 0 : i32
      %scan3A_137 = arith.constant 200 : i32
      %scan3A_138 = arith.addi %scan3A_136, %scan3A_137 : i32
      %scan3A_139 = arith.constant 4 : i32
      scf.for %scan3A_382 = %scan3A_136 to %scan3A_138 step %scan3A_139  : i32 {
        %get3A = arith.index_cast %scan3A_382 : i32 to index
        %get3A_383 = arith.constant 0 : index
        %get3A_384 = tpu.vector_load %arg8[%get3A, %get3A_383] {strides = array<i32>} : memref<200x64xf32, #tpu.memory_space<vmem>>, vector<1x16xf32>,
        %get3A_385 = vector.shape_cast %get3A_384 : vector<1x16xf32> to vector<16xf32>
        %swap3A = arith.constant 0 : i32
        %swap3A_386 = arith.index_cast %swap3A : i32 to index
        %swap3A_387 = arith.index_cast %scan3A_382 : i32 to index
        %swap3A_388 = arith.constant 0 : index
        %swap3A_389 = tpu.vector_load %arg7[%swap3A_386, %swap3A_387, %swap3A_388] {strides = array<i32>} : memref<4x200x64xf32, #tpu.memory_space<vmem>>, vector<1x1x16xf32>,
        %swap3A_390 = vector.shape_cast %swap3A_389 : vector<1x1x16xf32> to vector<16xf32>
        %swap3A_391 = vector.shape_cast %get3A_385 : vector<16xf32> to vector<1x1x16xf32>
        tpu.vector_store %arg7[%swap3A_386, %swap3A_387, %swap3A_388], %swap3A_391 {add = true, strides = array<i32>} : memref<4x200x64xf32, #tpu.memory_space<vmem>>, vector<1x1x16xf32>,
        %get3A_392 = arith.index_cast %scan3A_382 : i32 to index
        %get3A_393 = arith.constant 16 : index
        %get3A_394 = tpu.vector_load %arg8[%get3A_392, %get3A_393] {strides = array<i32>} : memref<200x64xf32, #tpu.memory_space<vmem>>, vector<1x16xf32>,
        %get3A_395 = vector.shape_cast %get3A_394 : vector<1x16xf32> to vector<16xf32>
        %swap3A_396 = arith.constant 0 : i32
        %swap3A_397 = arith.index_cast %swap3A_396 : i32 to index
        %swap3A_398 = arith.index_cast %scan3A_382 : i32 to index
        %swap3A_399 = arith.constant 16 : index
        %swap3A_400 = tpu.vector_load %arg7[%swap3A_397, %swap3A_398, %swap3A_399] {strides = array<i32>} : memref<4x200x64xf32, #tpu.memory_space<vmem>>, vector<1x1x16xf32>,
        %swap3A_401 = vector.shape_cast %swap3A_400 : vector<1x1x16xf32> to vector<16xf32>
        %swap3A_402 = vector.shape_cast %get3A_395 : vector<16xf32> to vector<1x1x16xf32>
        tpu.vector_store %arg7[%swap3A_397, %swap3A_398, %swap3A_399], %swap3A_402 {add = true, strides = array<i32>} : memref<4x200x64xf32, #tpu.memory_space<vmem>>, vector<1x1x16xf32>,
        %get3A_403 = arith.index_cast %scan3A_382 : i32 to index
        %get3A_404 = arith.constant 32 : index
        %get3A_405 = tpu.vector_load %arg8[%get3A_403, %get3A_404] {strides = array<i32>} : memref<200x64xf32, #tpu.memory_space<vmem>>, vector<1x16xf32>,
        %get3A_406 = vector.shape_cast %get3A_405 : vector<1x16xf32> to vector<16xf32>
        %swap3A_407 = arith.constant 0 : i32
        %swap3A_408 = arith.index_cast %swap3A_407 : i32 to index
        %swap3A_409 = arith.index_cast %scan3A_382 : i32 to index
        %swap3A_410 = arith.constant 32 : index
        %swap3A_411 = tpu.vector_load %arg7[%swap3A_408, %swap3A_409, %swap3A_410] {strides = array<i32>} : memref<4x200x64xf32, #tpu.memory_space<vmem>>, vector<1x1x16xf32>,
        %swap3A_412 = vector.shape_cast %swap3A_411 : vector<1x1x16xf32> to vector<16xf32>
        %swap3A_413 = vector.shape_cast %get3A_406 : vector<16xf32> to vector<1x1x16xf32>
        tpu.vector_store %arg7[%swap3A_408, %swap3A_409, %swap3A_410], %swap3A_413 {add = true, strides = array<i32>} : memref<4x200x64xf32, #tpu.memory_space<vmem>>, vector<1x1x16xf32>,
        %get3A_414 = arith.index_cast %scan3A_382 : i32 to index
        %get3A_415 = arith.constant 48 : index
        %get3A_416 = tpu.vector_load %arg8[%get3A_414, %get3A_415] {strides = array<i32>} : memref<200x64xf32, #tpu.memory_space<vmem>>, vector<1x16xf32>,
        %get3A_417 = vector.shape_cast %get3A_416 : vector<1x16xf32> to vector<16xf32>
        %swap3A_418 = arith.constant 0 : i32
        %swap3A_419 = arith.index_cast %swap3A_418 : i32 to index
        %swap3A_420 = arith.index_cast %scan3A_382 : i32 to index
        %swap3A_421 = arith.constant 48 : index
        %swap3A_422 = tpu.vector_load %arg7[%swap3A_419, %swap3A_420, %swap3A_421] {strides = array<i32>} : memref<4x200x64xf32, #tpu.memory_space<vmem>>, vector<1x1x16xf32>,
        %swap3A_423 = vector.shape_cast %swap3A_422 : vector<1x1x16xf32> to vector<16xf32>
        %swap3A_424 = vector.shape_cast %get3A_417 : vector<16xf32> to vector<1x1x16xf32>
        tpu.vector_store %arg7[%swap3A_419, %swap3A_420, %swap3A_421], %swap3A_424 {add = true, strides = array<i32>} : memref<4x200x64xf32, #tpu.memory_space<vmem>>, vector<1x1x16xf32>,
        %scan3A_425 = arith.constant 1 : i32
        %scan3A_426 = arith.addi %scan3A_382, %scan3A_425 : i32
        %get3A_427 = arith.index_cast %scan3A_426 : i32 to index
        %get3A_428 = arith.constant 0 : index
        %get3A_429 = tpu.vector_load %arg8[%get3A_427, %get3A_428] {strides = array<i32>} : memref<200x64xf32, #tpu.memory_space<vmem>>, vector<1x16xf32>,
        %get3A_430 = vector.shape_cast %get3A_429 : vector<1x16xf32> to vector<16xf32>
        %swap3A_431 = arith.constant 0 : i32
        %swap3A_432 = arith.index_cast %swap3A_431 : i32 to index
        %swap3A_433 = arith.index_cast %scan3A_426 : i32 to index
        %swap3A_434 = arith.constant 0 : index
        %swap3A_435 = tpu.vector_load %arg7[%swap3A_432, %swap3A_433, %swap3A_434] {strides = array<i32>} : memref<4x200x64xf32, #tpu.memory_space<vmem>>, vector<1x1x16xf32>,
        %swap3A_436 = vector.shape_cast %swap3A_435 : vector<1x1x16xf32> to vector<16xf32>
        %swap3A_437 = vector.shape_cast %get3A_430 : vector<16xf32> to vector<1x1x16xf32>
        tpu.vector_store %arg7[%swap3A_432, %swap3A_433, %swap3A_434], %swap3A_437 {add = true, strides = array<i32>} : memref<4x200x64xf32, #tpu.memory_space<vmem>>, vector<1x1x16xf32>,
        %get3A_438 = arith.index_cast %scan3A_426 : i32 to index
        %get3A_439 = arith.constant 16 : index
        %get3A_440 = tpu.vector_load %arg8[%get3A_438, %get3A_439] {strides = array<i32>} : memref<200x64xf32, #tpu.memory_space<vmem>>, vector<1x16xf32>,
        %get3A_441 = vector.shape_cast %get3A_440 : vector<1x16xf32> to vector<16xf32>
        %swap3A_442 = arith.constant 0 : i32
        %swap3A_443 = arith.index_cast %swap3A_442 : i32 to index
        %swap3A_444 = arith.index_cast %scan3A_426 : i32 to index
        %swap3A_445 = arith.constant 16 : index
        %swap3A_446 = tpu.vector_load %arg7[%swap3A_443, %swap3A_444, %swap3A_445] {strides = array<i32>} : memref<4x200x64xf32, #tpu.memory_space<vmem>>, vector<1x1x16xf32>,
        %swap3A_447 = vector.shape_cast %swap3A_446 : vector<1x1x16xf32> to vector<16xf32>
        %swap3A_448 = vector.shape_cast %get3A_441 : vector<16xf32> to vector<1x1x16xf32>
        tpu.vector_store %arg7[%swap3A_443, %swap3A_444, %swap3A_445], %swap3A_448 {add = true, strides = array<i32>} : memref<4x200x64xf32, #tpu.memory_space<vmem>>, vector<1x1x16xf32>,
        %get3A_449 = arith.index_cast %scan3A_426 : i32 to index
        %get3A_450 = arith.constant 32 : index
        %get3A_451 = tpu.vector_load %arg8[%get3A_449, %get3A_450] {strides = array<i32>} : memref<200x64xf32, #tpu.memory_space<vmem>>, vector<1x16xf32>,
        %get3A_452 = vector.shape_cast %get3A_451 : vector<1x16xf32> to vector<16xf32>
        %swap3A_453 = arith.constant 0 : i32
        %swap3A_454 = arith.index_cast %swap3A_453 : i32 to index
        %swap3A_455 = arith.index_cast %scan3A_426 : i32 to index
        %swap3A_456 = arith.constant 32 : index
        %swap3A_457 = tpu.vector_load %arg7[%swap3A_454, %swap3A_455, %swap3A_456] {strides = array<i32>} : memref<4x200x64xf32, #tpu.memory_space<vmem>>, vector<1x1x16xf32>,
        %swap3A_458 = vector.shape_cast %swap3A_457 : vector<1x1x16xf32> to vector<16xf32>
        %swap3A_459 = vector.shape_cast %get3A_452 : vector<16xf32> to vector<1x1x16xf32>
        tpu.vector_store %arg7[%swap3A_454, %swap3A_455, %swap3A_456], %swap3A_459 {add = true, strides = array<i32>} : memref<4x200x64xf32, #tpu.memory_space<vmem>>, vector<1x1x16xf32>,
        %get3A_460 = arith.index_cast %scan3A_426 : i32 to index
        %get3A_461 = arith.constant 48 : index
        %get3A_462 = tpu.vector_load %arg8[%get3A_460, %get3A_461] {strides = array<i32>} : memref<200x64xf32, #tpu.memory_space<vmem>>, vector<1x16xf32>,
        %get3A_463 = vector.shape_cast %get3A_462 : vector<1x16xf32> to vector<16xf32>
        %swap3A_464 = arith.constant 0 : i32
        %swap3A_465 = arith.index_cast %swap3A_464 : i32 to index
        %swap3A_466 = arith.index_cast %scan3A_426 : i32 to index
        %swap3A_467 = arith.constant 48 : index
        %swap3A_468 = tpu.vector_load %arg7[%swap3A_465, %swap3A_466, %swap3A_467] {strides = array<i32>} : memref<4x200x64xf32, #tpu.memory_space<vmem>>, vector<1x1x16xf32>,
        %swap3A_469 = vector.shape_cast %swap3A_468 : vector<1x1x16xf32> to vector<16xf32>
        %swap3A_470 = vector.shape_cast %get3A_463 : vector<16xf32> to vector<1x1x16xf32>
        tpu.vector_store %arg7[%swap3A_465, %swap3A_466, %swap3A_467], %swap3A_470 {add = true, strides = array<i32>} : memref<4x200x64xf32, #tpu.memory_space<vmem>>, vector<1x1x16xf32>,
        %scan3A_471 = arith.constant 2 : i32
        %scan3A_472 = arith.addi %scan3A_382, %scan3A_471 : i32
        %get3A_473 = arith.index_cast %scan3A_472 : i32 to index
        %get3A_474 = arith.constant 0 : index
        %get3A_475 = tpu.vector_load %arg8[%get3A_473, %get3A_474] {strides = array<i32>} : memref<200x64xf32, #tpu.memory_space<vmem>>, vector<1x16xf32>,
        %get3A_476 = vector.shape_cast %get3A_475 : vector<1x16xf32> to vector<16xf32>
        %swap3A_477 = arith.constant 0 : i32
        %swap3A_478 = arith.index_cast %swap3A_477 : i32 to index
        %swap3A_479 = arith.index_cast %scan3A_472 : i32 to index
        %swap3A_480 = arith.constant 0 : index
        %swap3A_481 = tpu.vector_load %arg7[%swap3A_478, %swap3A_479, %swap3A_480] {strides = array<i32>} : memref<4x200x64xf32, #tpu.memory_space<vmem>>, vector<1x1x16xf32>,
        %swap3A_482 = vector.shape_cast %swap3A_481 : vector<1x1x16xf32> to vector<16xf32>
        %swap3A_483 = vector.shape_cast %get3A_476 : vector<16xf32> to vector<1x1x16xf32>
        tpu.vector_store %arg7[%swap3A_478, %swap3A_479, %swap3A_480], %swap3A_483 {add = true, strides = array<i32>} : memref<4x200x64xf32, #tpu.memory_space<vmem>>, vector<1x1x16xf32>,
        %get3A_484 = arith.index_cast %scan3A_472 : i32 to index
        %get3A_485 = arith.constant 16 : index
        %get3A_486 = tpu.vector_load %arg8[%get3A_484, %get3A_485] {strides = array<i32>} : memref<200x64xf32, #tpu.memory_space<vmem>>, vector<1x16xf32>,
        %get3A_487 = vector.shape_cast %get3A_486 : vector<1x16xf32> to vector<16xf32>
        %swap3A_488 = arith.constant 0 : i32
        %swap3A_489 = arith.index_cast %swap3A_488 : i32 to index
        %swap3A_490 = arith.index_cast %scan3A_472 : i32 to index
        %swap3A_491 = arith.constant 16 : index
        %swap3A_492 = tpu.vector_load %arg7[%swap3A_489, %swap3A_490, %swap3A_491] {strides = array<i32>} : memref<4x200x64xf32, #tpu.memory_space<vmem>>, vector<1x1x16xf32>,
        %swap3A_493 = vector.shape_cast %swap3A_492 : vector<1x1x16xf32> to vector<16xf32>
        %swap3A_494 = vector.shape_cast %get3A_487 : vector<16xf32> to vector<1x1x16xf32>
        tpu.vector_store %arg7[%swap3A_489, %swap3A_490, %swap3A_491], %swap3A_494 {add = true, strides = array<i32>} : memref<4x200x64xf32, #tpu.memory_space<vmem>>, vector<1x1x16xf32>,
        %get3A_495 = arith.index_cast %scan3A_472 : i32 to index
        %get3A_496 = arith.constant 32 : index
        %get3A_497 = tpu.vector_load %arg8[%get3A_495, %get3A_496] {strides = array<i32>} : memref<200x64xf32, #tpu.memory_space<vmem>>, vector<1x16xf32>,
        %get3A_498 = vector.shape_cast %get3A_497 : vector<1x16xf32> to vector<16xf32>
        %swap3A_499 = arith.constant 0 : i32
        %swap3A_500 = arith.index_cast %swap3A_499 : i32 to index
        %swap3A_501 = arith.index_cast %scan3A_472 : i32 to index
        %swap3A_502 = arith.constant 32 : index
        %swap3A_503 = tpu.vector_load %arg7[%swap3A_500, %swap3A_501, %swap3A_502] {strides = array<i32>} : memref<4x200x64xf32, #tpu.memory_space<vmem>>, vector<1x1x16xf32>,
        %swap3A_504 = vector.shape_cast %swap3A_503 : vector<1x1x16xf32> to vector<16xf32>
        %swap3A_505 = vector.shape_cast %get3A_498 : vector<16xf32> to vector<1x1x16xf32>
        tpu.vector_store %arg7[%swap3A_500, %swap3A_501, %swap3A_502], %swap3A_505 {add = true, strides = array<i32>} : memref<4x200x64xf32, #tpu.memory_space<vmem>>, vector<1x1x16xf32>,
        %get3A_506 = arith.index_cast %scan3A_472 : i32 to index
        %get3A_507 = arith.constant 48 : index
        %get3A_508 = tpu.vector_load %arg8[%get3A_506, %get3A_507] {strides = array<i32>} : memref<200x64xf32, #tpu.memory_space<vmem>>, vector<1x16xf32>,
        %get3A_509 = vector.shape_cast %get3A_508 : vector<1x16xf32> to vector<16xf32>
        %swap3A_510 = arith.constant 0 : i32
        %swap3A_511 = arith.index_cast %swap3A_510 : i32 to index
        %swap3A_512 = arith.index_cast %scan3A_472 : i32 to index
        %swap3A_513 = arith.constant 48 : index
        %swap3A_514 = tpu.vector_load %arg7[%swap3A_511, %swap3A_512, %swap3A_513] {strides = array<i32>} : memref<4x200x64xf32, #tpu.memory_space<vmem>>, vector<1x1x16xf32>,
        %swap3A_515 = vector.shape_cast %swap3A_514 : vector<1x1x16xf32> to vector<16xf32>
        %swap3A_516 = vector.shape_cast %get3A_509 : vector<16xf32> to vector<1x1x16xf32>
        tpu.vector_store %arg7[%swap3A_511, %swap3A_512, %swap3A_513], %swap3A_516 {add = true, strides = array<i32>} : memref<4x200x64xf32, #tpu.memory_space<vmem>>, vector<1x1x16xf32>,
        %scan3A_517 = arith.constant 3 : i32
        %scan3A_518 = arith.addi %scan3A_382, %scan3A_517 : i32
        %get3A_519 = arith.index_cast %scan3A_518 : i32 to index
        %get3A_520 = arith.constant 0 : index
        %get3A_521 = tpu.vector_load %arg8[%get3A_519, %get3A_520] {strides = array<i32>} : memref<200x64xf32, #tpu.memory_space<vmem>>, vector<1x16xf32>,
        %get3A_522 = vector.shape_cast %get3A_521 : vector<1x16xf32> to vector<16xf32>
        %swap3A_523 = arith.constant 0 : i32
        %swap3A_524 = arith.index_cast %swap3A_523 : i32 to index
        %swap3A_525 = arith.index_cast %scan3A_518 : i32 to index
        %swap3A_526 = arith.constant 0 : index
        %swap3A_527 = tpu.vector_load %arg7[%swap3A_524, %swap3A_525, %swap3A_526] {strides = array<i32>} : memref<4x200x64xf32, #tpu.memory_space<vmem>>, vector<1x1x16xf32>,
        %swap3A_528 = vector.shape_cast %swap3A_527 : vector<1x1x16xf32> to vector<16xf32>
        %swap3A_529 = vector.shape_cast %get3A_522 : vector<16xf32> to vector<1x1x16xf32>
        tpu.vector_store %arg7[%swap3A_524, %swap3A_525, %swap3A_526], %swap3A_529 {add = true, strides = array<i32>} : memref<4x200x64xf32, #tpu.memory_space<vmem>>, vector<1x1x16xf32>,
        %get3A_530 = arith.index_cast %scan3A_518 : i32 to index
        %get3A_531 = arith.constant 16 : index
        %get3A_532 = tpu.vector_load %arg8[%get3A_530, %get3A_531] {strides = array<i32>} : memref<200x64xf32, #tpu.memory_space<vmem>>, vector<1x16xf32>,
        %get3A_533 = vector.shape_cast %get3A_532 : vector<1x16xf32> to vector<16xf32>
        %swap3A_534 = arith.constant 0 : i32
        %swap3A_535 = arith.index_cast %swap3A_534 : i32 to index
        %swap3A_536 = arith.index_cast %scan3A_518 : i32 to index
        %swap3A_537 = arith.constant 16 : index
        %swap3A_538 = tpu.vector_load %arg7[%swap3A_535, %swap3A_536, %swap3A_537] {strides = array<i32>} : memref<4x200x64xf32, #tpu.memory_space<vmem>>, vector<1x1x16xf32>,
        %swap3A_539 = vector.shape_cast %swap3A_538 : vector<1x1x16xf32> to vector<16xf32>
        %swap3A_540 = vector.shape_cast %get3A_533 : vector<16xf32> to vector<1x1x16xf32>
        tpu.vector_store %arg7[%swap3A_535, %swap3A_536, %swap3A_537], %swap3A_540 {add = true, strides = array<i32>} : memref<4x200x64xf32, #tpu.memory_space<vmem>>, vector<1x1x16xf32>,
        %get3A_541 = arith.index_cast %scan3A_518 : i32 to index
        %get3A_542 = arith.constant 32 : index
        %get3A_543 = tpu.vector_load %arg8[%get3A_541, %get3A_542] {strides = array<i32>} : memref<200x64xf32, #tpu.memory_space<vmem>>, vector<1x16xf32>,
        %get3A_544 = vector.shape_cast %get3A_543 : vector<1x16xf32> to vector<16xf32>
        %swap3A_545 = arith.constant 0 : i32
        %swap3A_546 = arith.index_cast %swap3A_545 : i32 to index
        %swap3A_547 = arith.index_cast %scan3A_518 : i32 to index
        %swap3A_548 = arith.constant 32 : index
        %swap3A_549 = tpu.vector_load %arg7[%swap3A_546, %swap3A_547, %swap3A_548] {strides = array<i32>} : memref<4x200x64xf32, #tpu.memory_space<vmem>>, vector<1x1x16xf32>,
        %swap3A_550 = vector.shape_cast %swap3A_549 : vector<1x1x16xf32> to vector<16xf32>
        %swap3A_551 = vector.shape_cast %get3A_544 : vector<16xf32> to vector<1x1x16xf32>
        tpu.vector_store %arg7[%swap3A_546, %swap3A_547, %swap3A_548], %swap3A_551 {add = true, strides = array<i32>} : memref<4x200x64xf32, #tpu.memory_space<vmem>>, vector<1x1x16xf32>,
        %get3A_552 = arith.index_cast %scan3A_518 : i32 to index
        %get3A_553 = arith.constant 48 : index
        %get3A_554 = tpu.vector_load %arg8[%get3A_552, %get3A_553] {strides = array<i32>} : memref<200x64xf32, #tpu.memory_space<vmem>>, vector<1x16xf32>,
        %get3A_555 = vector.shape_cast %get3A_554 : vector<1x16xf32> to vector<16xf32>
        %swap3A_556 = arith.constant 0 : i32
        %swap3A_557 = arith.index_cast %swap3A_556 : i32 to index
        %swap3A_558 = arith.index_cast %scan3A_518 : i32 to index
        %swap3A_559 = arith.constant 48 : index
        %swap3A_560 = tpu.vector_load %arg7[%swap3A_557, %swap3A_558, %swap3A_559] {strides = array<i32>} : memref<4x200x64xf32, #tpu.memory_space<vmem>>, vector<1x1x16xf32>,
        %swap3A_561 = vector.shape_cast %swap3A_560 : vector<1x1x16xf32> to vector<16xf32>
        %swap3A_562 = vector.shape_cast %get3A_555 : vector<16xf32> to vector<1x1x16xf32>
        tpu.vector_store %arg7[%swap3A_557, %swap3A_558, %swap3A_559], %swap3A_562 {add = true, strides = array<i32>} : memref<4x200x64xf32, #tpu.memory_space<vmem>>, vector<1x1x16xf32>,
      }
      %scan3A_140 = arith.constant 200 : i32
      %mul3A_141 = arith.constant 200 : i32
      %mul3A_142 = arith.muli %add3A_106, %mul3A_141 : i32
      %add3A_143 = arith.addi %mul3A_2, %mul3A_142 : i32
      %dma_start3A_144 = arith.constant 0 : i32
      %dma_start3A_145 = arith.constant 0 : i32
      %dma_start3A_146 = arith.constant 0 : i32
      %dma_start3A_147 = arith.constant 0 : i32
      %dma_start3A_148 = tpu.memref_slice %arg7[%dma_start3A_144, %dma_start3A_146, %dma_start3A_147] : memref<4x200x64xf32, #tpu.memory_space<vmem>> -> memref<1x200x64xf32, #tpu.memory_space<vmem>>
      %dma_start3A_149 = tpu.memref_squeeze %dma_start3A_148 : memref<1x200x64xf32, #tpu.memory_space<vmem>> -> memref<200x64xf32, #tpu.memory_space<vmem>>
      %dma_start3A_150 = arith.constant 0 : i32
      %dma_start3A_151 = tpu.memref_slice %arg5[%add3A_143, %dma_start3A_150] : memref<409600x64xf32, #tpu.memory_space<hbm>> -> memref<200x64xf32, #tpu.memory_space<hbm>>
      %dma_start3A_152 = tpu.memref_slice %arg10[%dma_start3A_145] : memref<4x!tpu.dma_semaphore, #tpu.memory_space<semaphore_mem>> -> memref<1x!tpu.dma_semaphore, #tpu.memory_space<semaphore_mem>>
      %dma_start3A_153 = tpu.memref_squeeze %dma_start3A_152 : memref<1x!tpu.dma_semaphore, #tpu.memory_space<semaphore_mem>> -> memref<!tpu.dma_semaphore, #tpu.memory_space<semaphore_mem>>
      %dma_start3A_154 = arith.constant 0 : i32
      %dma_start3A_155 = tpu.memref_slice %arg5[%add3A_143, %dma_start3A_154] : memref<409600x64xf32, #tpu.memory_space<hbm>> -> memref<200x64xf32, #tpu.memory_space<hbm>>
      %dma_start3A_156 = arith.constant 0 : i32
      %dma_start3A_157 = arith.constant 0 : i32
      %dma_start3A_158 = tpu.memref_slice %arg7[%dma_start3A_144, %dma_start3A_156, %dma_start3A_157] : memref<4x200x64xf32, #tpu.memory_space<vmem>> -> memref<1x200x64xf32, #tpu.memory_space<vmem>>
      %dma_start3A_159 = tpu.memref_squeeze %dma_start3A_158 : memref<1x200x64xf32, #tpu.memory_space<vmem>> -> memref<200x64xf32, #tpu.memory_space<vmem>>
      tpu.enqueue_dma source(%dma_start3A_159 : memref<200x64xf32, #tpu.memory_space<vmem>>) target(%dma_start3A_155 : memref<200x64xf32, #tpu.memory_space<hbm>>) target_semaphore(%dma_start3A_153 : memref<!tpu.dma_semaphore, #tpu.memory_space<semaphore_mem>>)
      %add3A_160 = arith.constant 4 : i32
      %add3A_161 = arith.addi %add3A_106, %add3A_160 : i32
      %sub3A = arith.constant 1 : i32
      %sub3A_162 = arith.subi %add3A_161, %sub3A : i32
      %ge3A = arith.constant 1 : i32
      %ge3A_163 = arith.cmpi sge, %add3A_106, %ge3A : i32
      %convert_element_type3A = arith.extui %ge3A_163 : i1 to i32
      %cond3A = arith.constant 0 : i32
      %cond3A_164 = arith.cmpi ne, %convert_element_type3A, %cond3A : i32
      scf.if %cond3A_164 {
        %sub3A_382 = arith.constant 1 : i32
        %sub3A_383 = arith.subi %add3A_106, %sub3A_382 : i32
        %mul3A_384 = arith.constant 200 : i32
        %mul3A_385 = arith.muli %sub3A_383, %mul3A_384 : i32
        %add3A_386 = arith.addi %mul3A_2, %mul3A_385 : i32
        %dma_wait3A_387 = arith.constant 3 : i32
        %dma_wait3A_388 = arith.constant 3 : i32
        %dma_wait3A_389 = arith.constant 0 : i32
        %dma_wait3A_390 = arith.constant 0 : i32
        %dma_wait3A_391 = tpu.memref_slice %arg7[%dma_wait3A_387, %dma_wait3A_389, %dma_wait3A_390] : memref<4x200x64xf32, #tpu.memory_space<vmem>> -> memref<1x200x64xf32, #tpu.memory_space<vmem>>
        %dma_wait3A_392 = tpu.memref_squeeze %dma_wait3A_391 : memref<1x200x64xf32, #tpu.memory_space<vmem>> -> memref<200x64xf32, #tpu.memory_space<vmem>>
        %dma_wait3A_393 = arith.constant 0 : i32
        %dma_wait3A_394 = tpu.memref_slice %arg5[%add3A_386, %dma_wait3A_393] : memref<409600x64xf32, #tpu.memory_space<hbm>> -> memref<200x64xf32, #tpu.memory_space<hbm>>
        %dma_wait3A_395 = tpu.memref_slice %arg10[%dma_wait3A_388] : memref<4x!tpu.dma_semaphore, #tpu.memory_space<semaphore_mem>> -> memref<1x!tpu.dma_semaphore, #tpu.memory_space<semaphore_mem>>
        %dma_wait3A_396 = tpu.memref_squeeze %dma_wait3A_395 : memref<1x!tpu.dma_semaphore, #tpu.memory_space<semaphore_mem>> -> memref<!tpu.dma_semaphore, #tpu.memory_space<semaphore_mem>>
        %dma_wait3A_397 = arith.constant 0 : i32
        %dma_wait3A_398 = tpu.memref_slice %arg5[%add3A_386, %dma_wait3A_397] : memref<409600x64xf32, #tpu.memory_space<hbm>> -> memref<200x64xf32, #tpu.memory_space<hbm>>
        %dma_wait3A_399 = arith.constant 0 : i32
        %dma_wait3A_400 = arith.constant 0 : i32
        %dma_wait3A_401 = tpu.memref_slice %arg7[%dma_wait3A_387, %dma_wait3A_399, %dma_wait3A_400] : memref<4x200x64xf32, #tpu.memory_space<vmem>> -> memref<1x200x64xf32, #tpu.memory_space<vmem>>
        %dma_wait3A_402 = tpu.memref_squeeze %dma_wait3A_401 : memref<1x200x64xf32, #tpu.memory_space<vmem>> -> memref<200x64xf32, #tpu.memory_space<vmem>>
        tpu.wait_dma2 semaphore(%dma_wait3A_396 : memref<!tpu.dma_semaphore, #tpu.memory_space<semaphore_mem>>) src(%dma_wait3A_402 : memref<200x64xf32, #tpu.memory_space<vmem>>) dst(%dma_wait3A_398 : memref<200x64xf32, #tpu.memory_space<hbm>>)
      } else {
      }
      %lt3A = arith.constant 64 : i32
      %lt3A_165 = arith.cmpi slt, %sub3A_162, %lt3A : i32
      %convert_element_type3A_166 = arith.extui %lt3A_165 : i1 to i32
      %cond3A_167 = arith.constant 0 : i32
      %cond3A_168 = arith.cmpi ne, %convert_element_type3A_166, %cond3A_167 : i32
      scf.if %cond3A_168 {
        %mul3A_382 = arith.constant 200 : i32
        %mul3A_383 = arith.muli %sub3A_162, %mul3A_382 : i32
        %dma_start3A_384 = arith.constant 3 : i32
        %dma_start3A_385 = arith.constant 3 : i32
        %dma_start3A_386 = arith.constant 0 : i32
        %dma_start3A_387 = arith.constant 0 : i32
        %dma_start3A_388 = tpu.memref_slice %arg7[%dma_start3A_384, %dma_start3A_386, %dma_start3A_387] : memref<4x200x64xf32, #tpu.memory_space<vmem>> -> memref<1x128x64xf32, #tpu.memory_space<vmem>>
        %dma_start3A_389 = tpu.memref_squeeze %dma_start3A_388 : memref<1x128x64xf32, #tpu.memory_space<vmem>> -> memref<128x64xf32, #tpu.memory_space<vmem>>
        %dma_start3A_390 = tpu.memref_slice %arg6[%mul3A_383] : memref<12800xi32, #tpu.memory_space<vmem>> -> memref<128xi32, #tpu.memory_space<vmem>>
        %dma_start3A_391 = arith.constant 0 : i32
        %dma_start3A_392 = arith.constant 0 : i32
        %dma_start3A_393 = tpu.memref_slice %arg3[%dma_start3A_391, %dma_start3A_392] : memref<1000000x64xf32, #tpu.memory_space<hbm>> -> memref<1000000x64xf32, #tpu.memory_space<hbm>>
        %dma_start3A_394 = tpu.memref_slice %arg9[%dma_start3A_385] : memref<4x!tpu.dma_semaphore, #tpu.memory_space<semaphore_mem>> -> memref<1x!tpu.dma_semaphore, #tpu.memory_space<semaphore_mem>>
        %dma_start3A_395 = tpu.memref_squeeze %dma_start3A_394 : memref<1x!tpu.dma_semaphore, #tpu.memory_space<semaphore_mem>> -> memref<!tpu.dma_semaphore, #tpu.memory_space<semaphore_mem>>
        tpu.enqueue_indirect_dma source(%dma_start3A_393 : memref<1000000x64xf32, #tpu.memory_space<hbm>>) target(%dma_start3A_389 : memref<128x64xf32, #tpu.memory_space<vmem>>) offsets(%dma_start3A_390 : memref<128xi32, #tpu.memory_space<vmem>>) semaphore(%dma_start3A_395 : memref<!tpu.dma_semaphore, #tpu.memory_space<semaphore_mem>>)
        %add3A_396 = arith.constant 128 : i32
        %add3A_397 = arith.addi %mul3A_383, %add3A_396 : i32
        %dma_start3A_398 = arith.constant 3 : i32
        %dma_start3A_399 = arith.constant 3 : i32
        %dma_start3A_400 = arith.constant 128 : i32
        %dma_start3A_401 = arith.constant 0 : i32
        %dma_start3A_402 = tpu.memref_slice %arg7[%dma_start3A_398, %dma_start3A_400, %dma_start3A_401] : memref<4x200x64xf32, #tpu.memory_space<vmem>> -> memref<1x72x64xf32, #tpu.memory_space<vmem>>
        %dma_start3A_403 = tpu.memref_squeeze %dma_start3A_402 : memref<1x72x64xf32, #tpu.memory_space<vmem>> -> memref<72x64xf32, #tpu.memory_space<vmem>>
        %dma_start3A_404 = tpu.memref_slice %arg6[%add3A_397] : memref<12800xi32, #tpu.memory_space<vmem>> -> memref<72xi32, #tpu.memory_space<vmem>>
        %dma_start3A_405 = arith.constant 0 : i32
        %dma_start3A_406 = arith.constant 0 : i32
        %dma_start3A_407 = tpu.memref_slice %arg3[%dma_start3A_405, %dma_start3A_406] : memref<1000000x64xf32, #tpu.memory_space<hbm>> -> memref<1000000x64xf32, #tpu.memory_space<hbm>>
        %dma_start3A_408 = tpu.memref_slice %arg9[%dma_start3A_399] : memref<4x!tpu.dma_semaphore, #tpu.memory_space<semaphore_mem>> -> memref<1x!tpu.dma_semaphore, #tpu.memory_space<semaphore_mem>>
        %dma_start3A_409 = tpu.memref_squeeze %dma_start3A_408 : memref<1x!tpu.dma_semaphore, #tpu.memory_space<semaphore_mem>> -> memref<!tpu.dma_semaphore, #tpu.memory_space<semaphore_mem>>
        tpu.enqueue_indirect_dma source(%dma_start3A_407 : memref<1000000x64xf32, #tpu.memory_space<hbm>>) target(%dma_start3A_403 : memref<72x64xf32, #tpu.memory_space<vmem>>) offsets(%dma_start3A_404 : memref<72xi32, #tpu.memory_space<vmem>>) semaphore(%dma_start3A_409 : memref<!tpu.dma_semaphore, #tpu.memory_space<semaphore_mem>>)
      } else {
      }
      %mul3A_169 = arith.constant 4 : i32
      %mul3A_170 = arith.muli %scan3A_102, %mul3A_169 : i32
      %add3A_171 = arith.constant 1 : i32
      %add3A_172 = arith.addi %mul3A_170, %add3A_171 : i32
      %mul3A_173 = arith.constant 200 : i32
      %mul3A_174 = arith.muli %add3A_172, %mul3A_173 : i32
      %dma_wait3A_175 = arith.constant 1 : i32
      %dma_wait3A_176 = arith.constant 1 : i32
      %dma_wait3A_177 = arith.constant 0 : i32
      %dma_wait3A_178 = arith.constant 0 : i32
      %dma_wait3A_179 = tpu.memref_slice %arg7[%dma_wait3A_175, %dma_wait3A_177, %dma_wait3A_178] : memref<4x200x64xf32, #tpu.memory_space<vmem>> -> memref<1x128x64xf32, #tpu.memory_space<vmem>>
      %dma_wait3A_180 = tpu.memref_squeeze %dma_wait3A_179 : memref<1x128x64xf32, #tpu.memory_space<vmem>> -> memref<128x64xf32, #tpu.memory_space<vmem>>
      %dma_wait3A_181 = tpu.memref_slice %arg6[%mul3A_174] : memref<12800xi32, #tpu.memory_space<vmem>> -> memref<128xi32, #tpu.memory_space<vmem>>
      %dma_wait3A_182 = arith.constant 0 : i32
      %dma_wait3A_183 = arith.constant 0 : i32
      %dma_wait3A_184 = tpu.memref_slice %arg3[%dma_wait3A_182, %dma_wait3A_183] : memref<1000000x64xf32, #tpu.memory_space<hbm>> -> memref<1000000x64xf32, #tpu.memory_space<hbm>>
      %dma_wait3A_185 = tpu.memref_slice %arg9[%dma_wait3A_176] : memref<4x!tpu.dma_semaphore, #tpu.memory_space<semaphore_mem>> -> memref<1x!tpu.dma_semaphore, #tpu.memory_space<semaphore_mem>>
      %dma_wait3A_186 = tpu.memref_squeeze %dma_wait3A_185 : memref<1x!tpu.dma_semaphore, #tpu.memory_space<semaphore_mem>> -> memref<!tpu.dma_semaphore, #tpu.memory_space<semaphore_mem>>
      tpu.wait_indirect_dma semaphore(%dma_wait3A_186 : memref<!tpu.dma_semaphore, #tpu.memory_space<semaphore_mem>>) src(%dma_wait3A_184 : memref<1000000x64xf32, #tpu.memory_space<hbm>>) dst(%dma_wait3A_180 : memref<128x64xf32, #tpu.memory_space<vmem>>)
      %add3A_187 = arith.constant 128 : i32
      %add3A_188 = arith.addi %mul3A_174, %add3A_187 : i32
      %dma_wait3A_189 = arith.constant 1 : i32
      %dma_wait3A_190 = arith.constant 1 : i32
      %dma_wait3A_191 = arith.constant 128 : i32
      %dma_wait3A_192 = arith.constant 0 : i32
      %dma_wait3A_193 = tpu.memref_slice %arg7[%dma_wait3A_189, %dma_wait3A_191, %dma_wait3A_192] : memref<4x200x64xf32, #tpu.memory_space<vmem>> -> memref<1x72x64xf32, #tpu.memory_space<vmem>>
      %dma_wait3A_194 = tpu.memref_squeeze %dma_wait3A_193 : memref<1x72x64xf32, #tpu.memory_space<vmem>> -> memref<72x64xf32, #tpu.memory_space<vmem>>
      %dma_wait3A_195 = tpu.memref_slice %arg6[%add3A_188] : memref<12800xi32, #tpu.memory_space<vmem>> -> memref<72xi32, #tpu.memory_space<vmem>>
      %dma_wait3A_196 = arith.constant 0 : i32
      %dma_wait3A_197 = arith.constant 0 : i32
      %dma_wait3A_198 = tpu.memref_slice %arg3[%dma_wait3A_196, %dma_wait3A_197] : memref<1000000x64xf32, #tpu.memory_space<hbm>> -> memref<1000000x64xf32, #tpu.memory_space<hbm>>
      %dma_wait3A_199 = tpu.memref_slice %arg9[%dma_wait3A_190] : memref<4x!tpu.dma_semaphore, #tpu.memory_space<semaphore_mem>> -> memref<1x!tpu.dma_semaphore, #tpu.memory_space<semaphore_mem>>
      %dma_wait3A_200 = tpu.memref_squeeze %dma_wait3A_199 : memref<1x!tpu.dma_semaphore, #tpu.memory_space<semaphore_mem>> -> memref<!tpu.dma_semaphore, #tpu.memory_space<semaphore_mem>>
      tpu.wait_indirect_dma semaphore(%dma_wait3A_200 : memref<!tpu.dma_semaphore, #tpu.memory_space<semaphore_mem>>) src(%dma_wait3A_198 : memref<1000000x64xf32, #tpu.memory_space<hbm>>) dst(%dma_wait3A_194 : memref<72x64xf32, #tpu.memory_space<vmem>>)
      %scan3A_201 = arith.constant 0 : i32
      %scan3A_202 = arith.constant 0 : i32
      %scan3A_203 = arith.constant 200 : i32
      %scan3A_204 = arith.addi %scan3A_202, %scan3A_203 : i32
      %scan3A_205 = arith.constant 4 : i32
      scf.for %scan3A_382 = %scan3A_202 to %scan3A_204 step %scan3A_205  : i32 {
        %get3A = arith.index_cast %scan3A_382 : i32 to index
        %get3A_383 = arith.constant 0 : index
        %get3A_384 = tpu.vector_load %arg8[%get3A, %get3A_383] {strides = array<i32>} : memref<200x64xf32, #tpu.memory_space<vmem>>, vector<1x16xf32>,
        %get3A_385 = vector.shape_cast %get3A_384 : vector<1x16xf32> to vector<16xf32>
        %swap3A = arith.constant 1 : i32
        %swap3A_386 = arith.index_cast %swap3A : i32 to index
        %swap3A_387 = arith.index_cast %scan3A_382 : i32 to index
        %swap3A_388 = arith.constant 0 : index
        %swap3A_389 = tpu.vector_load %arg7[%swap3A_386, %swap3A_387, %swap3A_388] {strides = array<i32>} : memref<4x200x64xf32, #tpu.memory_space<vmem>>, vector<1x1x16xf32>,
        %swap3A_390 = vector.shape_cast %swap3A_389 : vector<1x1x16xf32> to vector<16xf32>
        %swap3A_391 = vector.shape_cast %get3A_385 : vector<16xf32> to vector<1x1x16xf32>
        tpu.vector_store %arg7[%swap3A_386, %swap3A_387, %swap3A_388], %swap3A_391 {add = true, strides = array<i32>} : memref<4x200x64xf32, #tpu.memory_space<vmem>>, vector<1x1x16xf32>,
        %get3A_392 = arith.index_cast %scan3A_382 : i32 to index
        %get3A_393 = arith.constant 16 : index
        %get3A_394 = tpu.vector_load %arg8[%get3A_392, %get3A_393] {strides = array<i32>} : memref<200x64xf32, #tpu.memory_space<vmem>>, vector<1x16xf32>,
        %get3A_395 = vector.shape_cast %get3A_394 : vector<1x16xf32> to vector<16xf32>
        %swap3A_396 = arith.constant 1 : i32
        %swap3A_397 = arith.index_cast %swap3A_396 : i32 to index
        %swap3A_398 = arith.index_cast %scan3A_382 : i32 to index
        %swap3A_399 = arith.constant 16 : index
        %swap3A_400 = tpu.vector_load %arg7[%swap3A_397, %swap3A_398, %swap3A_399] {strides = array<i32>} : memref<4x200x64xf32, #tpu.memory_space<vmem>>, vector<1x1x16xf32>,
        %swap3A_401 = vector.shape_cast %swap3A_400 : vector<1x1x16xf32> to vector<16xf32>
        %swap3A_402 = vector.shape_cast %get3A_395 : vector<16xf32> to vector<1x1x16xf32>
        tpu.vector_store %arg7[%swap3A_397, %swap3A_398, %swap3A_399], %swap3A_402 {add = true, strides = array<i32>} : memref<4x200x64xf32, #tpu.memory_space<vmem>>, vector<1x1x16xf32>,
        %get3A_403 = arith.index_cast %scan3A_382 : i32 to index
        %get3A_404 = arith.constant 32 : index
        %get3A_405 = tpu.vector_load %arg8[%get3A_403, %get3A_404] {strides = array<i32>} : memref<200x64xf32, #tpu.memory_space<vmem>>, vector<1x16xf32>,
        %get3A_406 = vector.shape_cast %get3A_405 : vector<1x16xf32> to vector<16xf32>
        %swap3A_407 = arith.constant 1 : i32
        %swap3A_408 = arith.index_cast %swap3A_407 : i32 to index
        %swap3A_409 = arith.index_cast %scan3A_382 : i32 to index
        %swap3A_410 = arith.constant 32 : index
        %swap3A_411 = tpu.vector_load %arg7[%swap3A_408, %swap3A_409, %swap3A_410] {strides = array<i32>} : memref<4x200x64xf32, #tpu.memory_space<vmem>>, vector<1x1x16xf32>,
        %swap3A_412 = vector.shape_cast %swap3A_411 : vector<1x1x16xf32> to vector<16xf32>
        %swap3A_413 = vector.shape_cast %get3A_406 : vector<16xf32> to vector<1x1x16xf32>
        tpu.vector_store %arg7[%swap3A_408, %swap3A_409, %swap3A_410], %swap3A_413 {add = true, strides = array<i32>} : memref<4x200x64xf32, #tpu.memory_space<vmem>>, vector<1x1x16xf32>,
        %get3A_414 = arith.index_cast %scan3A_382 : i32 to index
        %get3A_415 = arith.constant 48 : index
        %get3A_416 = tpu.vector_load %arg8[%get3A_414, %get3A_415] {strides = array<i32>} : memref<200x64xf32, #tpu.memory_space<vmem>>, vector<1x16xf32>,
        %get3A_417 = vector.shape_cast %get3A_416 : vector<1x16xf32> to vector<16xf32>
        %swap3A_418 = arith.constant 1 : i32
        %swap3A_419 = arith.index_cast %swap3A_418 : i32 to index
        %swap3A_420 = arith.index_cast %scan3A_382 : i32 to index
        %swap3A_421 = arith.constant 48 : index
        %swap3A_422 = tpu.vector_load %arg7[%swap3A_419, %swap3A_420, %swap3A_421] {strides = array<i32>} : memref<4x200x64xf32, #tpu.memory_space<vmem>>, vector<1x1x16xf32>,
        %swap3A_423 = vector.shape_cast %swap3A_422 : vector<1x1x16xf32> to vector<16xf32>
        %swap3A_424 = vector.shape_cast %get3A_417 : vector<16xf32> to vector<1x1x16xf32>
        tpu.vector_store %arg7[%swap3A_419, %swap3A_420, %swap3A_421], %swap3A_424 {add = true, strides = array<i32>} : memref<4x200x64xf32, #tpu.memory_space<vmem>>, vector<1x1x16xf32>,
        %scan3A_425 = arith.constant 1 : i32
        %scan3A_426 = arith.addi %scan3A_382, %scan3A_425 : i32
        %get3A_427 = arith.index_cast %scan3A_426 : i32 to index
        %get3A_428 = arith.constant 0 : index
        %get3A_429 = tpu.vector_load %arg8[%get3A_427, %get3A_428] {strides = array<i32>} : memref<200x64xf32, #tpu.memory_space<vmem>>, vector<1x16xf32>,
        %get3A_430 = vector.shape_cast %get3A_429 : vector<1x16xf32> to vector<16xf32>
        %swap3A_431 = arith.constant 1 : i32
        %swap3A_432 = arith.index_cast %swap3A_431 : i32 to index
        %swap3A_433 = arith.index_cast %scan3A_426 : i32 to index
        %swap3A_434 = arith.constant 0 : index
        %swap3A_435 = tpu.vector_load %arg7[%swap3A_432, %swap3A_433, %swap3A_434] {strides = array<i32>} : memref<4x200x64xf32, #tpu.memory_space<vmem>>, vector<1x1x16xf32>,
        %swap3A_436 = vector.shape_cast %swap3A_435 : vector<1x1x16xf32> to vector<16xf32>
        %swap3A_437 = vector.shape_cast %get3A_430 : vector<16xf32> to vector<1x1x16xf32>
        tpu.vector_store %arg7[%swap3A_432, %swap3A_433, %swap3A_434], %swap3A_437 {add = true, strides = array<i32>} : memref<4x200x64xf32, #tpu.memory_space<vmem>>, vector<1x1x16xf32>,
        %get3A_438 = arith.index_cast %scan3A_426 : i32 to index
        %get3A_439 = arith.constant 16 : index
        %get3A_440 = tpu.vector_load %arg8[%get3A_438, %get3A_439] {strides = array<i32>} : memref<200x64xf32, #tpu.memory_space<vmem>>, vector<1x16xf32>,
        %get3A_441 = vector.shape_cast %get3A_440 : vector<1x16xf32> to vector<16xf32>
        %swap3A_442 = arith.constant 1 : i32
        %swap3A_443 = arith.index_cast %swap3A_442 : i32 to index
        %swap3A_444 = arith.index_cast %scan3A_426 : i32 to index
        %swap3A_445 = arith.constant 16 : index
        %swap3A_446 = tpu.vector_load %arg7[%swap3A_443, %swap3A_444, %swap3A_445] {strides = array<i32>} : memref<4x200x64xf32, #tpu.memory_space<vmem>>, vector<1x1x16xf32>,
        %swap3A_447 = vector.shape_cast %swap3A_446 : vector<1x1x16xf32> to vector<16xf32>
        %swap3A_448 = vector.shape_cast %get3A_441 : vector<16xf32> to vector<1x1x16xf32>
        tpu.vector_store %arg7[%swap3A_443, %swap3A_444, %swap3A_445], %swap3A_448 {add = true, strides = array<i32>} : memref<4x200x64xf32, #tpu.memory_space<vmem>>, vector<1x1x16xf32>,
        %get3A_449 = arith.index_cast %scan3A_426 : i32 to index
        %get3A_450 = arith.constant 32 : index
        %get3A_451 = tpu.vector_load %arg8[%get3A_449, %get3A_450] {strides = array<i32>} : memref<200x64xf32, #tpu.memory_space<vmem>>, vector<1x16xf32>,
        %get3A_452 = vector.shape_cast %get3A_451 : vector<1x16xf32> to vector<16xf32>
        %swap3A_453 = arith.constant 1 : i32
        %swap3A_454 = arith.index_cast %swap3A_453 : i32 to index
        %swap3A_455 = arith.index_cast %scan3A_426 : i32 to index
        %swap3A_456 = arith.constant 32 : index
        %swap3A_457 = tpu.vector_load %arg7[%swap3A_454, %swap3A_455, %swap3A_456] {strides = array<i32>} : memref<4x200x64xf32, #tpu.memory_space<vmem>>, vector<1x1x16xf32>,
        %swap3A_458 = vector.shape_cast %swap3A_457 : vector<1x1x16xf32> to vector<16xf32>
        %swap3A_459 = vector.shape_cast %get3A_452 : vector<16xf32> to vector<1x1x16xf32>
        tpu.vector_store %arg7[%swap3A_454, %swap3A_455, %swap3A_456], %swap3A_459 {add = true, strides = array<i32>} : memref<4x200x64xf32, #tpu.memory_space<vmem>>, vector<1x1x16xf32>,
        %get3A_460 = arith.index_cast %scan3A_426 : i32 to index
        %get3A_461 = arith.constant 48 : index
        %get3A_462 = tpu.vector_load %arg8[%get3A_460, %get3A_461] {strides = array<i32>} : memref<200x64xf32, #tpu.memory_space<vmem>>, vector<1x16xf32>,
        %get3A_463 = vector.shape_cast %get3A_462 : vector<1x16xf32> to vector<16xf32>
        %swap3A_464 = arith.constant 1 : i32
        %swap3A_465 = arith.index_cast %swap3A_464 : i32 to index
        %swap3A_466 = arith.index_cast %scan3A_426 : i32 to index
        %swap3A_467 = arith.constant 48 : index
        %swap3A_468 = tpu.vector_load %arg7[%swap3A_465, %swap3A_466, %swap3A_467] {strides = array<i32>} : memref<4x200x64xf32, #tpu.memory_space<vmem>>, vector<1x1x16xf32>,
        %swap3A_469 = vector.shape_cast %swap3A_468 : vector<1x1x16xf32> to vector<16xf32>
        %swap3A_470 = vector.shape_cast %get3A_463 : vector<16xf32> to vector<1x1x16xf32>
        tpu.vector_store %arg7[%swap3A_465, %swap3A_466, %swap3A_467], %swap3A_470 {add = true, strides = array<i32>} : memref<4x200x64xf32, #tpu.memory_space<vmem>>, vector<1x1x16xf32>,
        %scan3A_471 = arith.constant 2 : i32
        %scan3A_472 = arith.addi %scan3A_382, %scan3A_471 : i32
        %get3A_473 = arith.index_cast %scan3A_472 : i32 to index
        %get3A_474 = arith.constant 0 : index
        %get3A_475 = tpu.vector_load %arg8[%get3A_473, %get3A_474] {strides = array<i32>} : memref<200x64xf32, #tpu.memory_space<vmem>>, vector<1x16xf32>,
        %get3A_476 = vector.shape_cast %get3A_475 : vector<1x16xf32> to vector<16xf32>
        %swap3A_477 = arith.constant 1 : i32
        %swap3A_478 = arith.index_cast %swap3A_477 : i32 to index
        %swap3A_479 = arith.index_cast %scan3A_472 : i32 to index
        %swap3A_480 = arith.constant 0 : index
        %swap3A_481 = tpu.vector_load %arg7[%swap3A_478, %swap3A_479, %swap3A_480] {strides = array<i32>} : memref<4x200x64xf32, #tpu.memory_space<vmem>>, vector<1x1x16xf32>,
        %swap3A_482 = vector.shape_cast %swap3A_481 : vector<1x1x16xf32> to vector<16xf32>
        %swap3A_483 = vector.shape_cast %get3A_476 : vector<16xf32> to vector<1x1x16xf32>
        tpu.vector_store %arg7[%swap3A_478, %swap3A_479, %swap3A_480], %swap3A_483 {add = true, strides = array<i32>} : memref<4x200x64xf32, #tpu.memory_space<vmem>>, vector<1x1x16xf32>,
        %get3A_484 = arith.index_cast %scan3A_472 : i32 to index
        %get3A_485 = arith.constant 16 : index
        %get3A_486 = tpu.vector_load %arg8[%get3A_484, %get3A_485] {strides = array<i32>} : memref<200x64xf32, #tpu.memory_space<vmem>>, vector<1x16xf32>,
        %get3A_487 = vector.shape_cast %get3A_486 : vector<1x16xf32> to vector<16xf32>
        %swap3A_488 = arith.constant 1 : i32
        %swap3A_489 = arith.index_cast %swap3A_488 : i32 to index
        %swap3A_490 = arith.index_cast %scan3A_472 : i32 to index
        %swap3A_491 = arith.constant 16 : index
        %swap3A_492 = tpu.vector_load %arg7[%swap3A_489, %swap3A_490, %swap3A_491] {strides = array<i32>} : memref<4x200x64xf32, #tpu.memory_space<vmem>>, vector<1x1x16xf32>,
        %swap3A_493 = vector.shape_cast %swap3A_492 : vector<1x1x16xf32> to vector<16xf32>
        %swap3A_494 = vector.shape_cast %get3A_487 : vector<16xf32> to vector<1x1x16xf32>
        tpu.vector_store %arg7[%swap3A_489, %swap3A_490, %swap3A_491], %swap3A_494 {add = true, strides = array<i32>} : memref<4x200x64xf32, #tpu.memory_space<vmem>>, vector<1x1x16xf32>,
        %get3A_495 = arith.index_cast %scan3A_472 : i32 to index
        %get3A_496 = arith.constant 32 : index
        %get3A_497 = tpu.vector_load %arg8[%get3A_495, %get3A_496] {strides = array<i32>} : memref<200x64xf32, #tpu.memory_space<vmem>>, vector<1x16xf32>,
        %get3A_498 = vector.shape_cast %get3A_497 : vector<1x16xf32> to vector<16xf32>
        %swap3A_499 = arith.constant 1 : i32
        %swap3A_500 = arith.index_cast %swap3A_499 : i32 to index
        %swap3A_501 = arith.index_cast %scan3A_472 : i32 to index
        %swap3A_502 = arith.constant 32 : index
        %swap3A_503 = tpu.vector_load %arg7[%swap3A_500, %swap3A_501, %swap3A_502] {strides = array<i32>} : memref<4x200x64xf32, #tpu.memory_space<vmem>>, vector<1x1x16xf32>,
        %swap3A_504 = vector.shape_cast %swap3A_503 : vector<1x1x16xf32> to vector<16xf32>
        %swap3A_505 = vector.shape_cast %get3A_498 : vector<16xf32> to vector<1x1x16xf32>
        tpu.vector_store %arg7[%swap3A_500, %swap3A_501, %swap3A_502], %swap3A_505 {add = true, strides = array<i32>} : memref<4x200x64xf32, #tpu.memory_space<vmem>>, vector<1x1x16xf32>,
        %get3A_506 = arith.index_cast %scan3A_472 : i32 to index
        %get3A_507 = arith.constant 48 : index
        %get3A_508 = tpu.vector_load %arg8[%get3A_506, %get3A_507] {strides = array<i32>} : memref<200x64xf32, #tpu.memory_space<vmem>>, vector<1x16xf32>,
        %get3A_509 = vector.shape_cast %get3A_508 : vector<1x16xf32> to vector<16xf32>
        %swap3A_510 = arith.constant 1 : i32
        %swap3A_511 = arith.index_cast %swap3A_510 : i32 to index
        %swap3A_512 = arith.index_cast %scan3A_472 : i32 to index
        %swap3A_513 = arith.constant 48 : index
        %swap3A_514 = tpu.vector_load %arg7[%swap3A_511, %swap3A_512, %swap3A_513] {strides = array<i32>} : memref<4x200x64xf32, #tpu.memory_space<vmem>>, vector<1x1x16xf32>,
        %swap3A_515 = vector.shape_cast %swap3A_514 : vector<1x1x16xf32> to vector<16xf32>
        %swap3A_516 = vector.shape_cast %get3A_509 : vector<16xf32> to vector<1x1x16xf32>
        tpu.vector_store %arg7[%swap3A_511, %swap3A_512, %swap3A_513], %swap3A_516 {add = true, strides = array<i32>} : memref<4x200x64xf32, #tpu.memory_space<vmem>>, vector<1x1x16xf32>,
        %scan3A_517 = arith.constant 3 : i32
        %scan3A_518 = arith.addi %scan3A_382, %scan3A_517 : i32
        %get3A_519 = arith.index_cast %scan3A_518 : i32 to index
        %get3A_520 = arith.constant 0 : index
        %get3A_521 = tpu.vector_load %arg8[%get3A_519, %get3A_520] {strides = array<i32>} : memref<200x64xf32, #tpu.memory_space<vmem>>, vector<1x16xf32>,
        %get3A_522 = vector.shape_cast %get3A_521 : vector<1x16xf32> to vector<16xf32>
        %swap3A_523 = arith.constant 1 : i32
        %swap3A_524 = arith.index_cast %swap3A_523 : i32 to index
        %swap3A_525 = arith.index_cast %scan3A_518 : i32 to index
        %swap3A_526 = arith.constant 0 : index
        %swap3A_527 = tpu.vector_load %arg7[%swap3A_524, %swap3A_525, %swap3A_526] {strides = array<i32>} : memref<4x200x64xf32, #tpu.memory_space<vmem>>, vector<1x1x16xf32>,
        %swap3A_528 = vector.shape_cast %swap3A_527 : vector<1x1x16xf32> to vector<16xf32>
        %swap3A_529 = vector.shape_cast %get3A_522 : vector<16xf32> to vector<1x1x16xf32>
        tpu.vector_store %arg7[%swap3A_524, %swap3A_525, %swap3A_526], %swap3A_529 {add = true, strides = array<i32>} : memref<4x200x64xf32, #tpu.memory_space<vmem>>, vector<1x1x16xf32>,
        %get3A_530 = arith.index_cast %scan3A_518 : i32 to index
        %get3A_531 = arith.constant 16 : index
        %get3A_532 = tpu.vector_load %arg8[%get3A_530, %get3A_531] {strides = array<i32>} : memref<200x64xf32, #tpu.memory_space<vmem>>, vector<1x16xf32>,
        %get3A_533 = vector.shape_cast %get3A_532 : vector<1x16xf32> to vector<16xf32>
        %swap3A_534 = arith.constant 1 : i32
        %swap3A_535 = arith.index_cast %swap3A_534 : i32 to index
        %swap3A_536 = arith.index_cast %scan3A_518 : i32 to index
        %swap3A_537 = arith.constant 16 : index
        %swap3A_538 = tpu.vector_load %arg7[%swap3A_535, %swap3A_536, %swap3A_537] {strides = array<i32>} : memref<4x200x64xf32, #tpu.memory_space<vmem>>, vector<1x1x16xf32>,
        %swap3A_539 = vector.shape_cast %swap3A_538 : vector<1x1x16xf32> to vector<16xf32>
        %swap3A_540 = vector.shape_cast %get3A_533 : vector<16xf32> to vector<1x1x16xf32>
        tpu.vector_store %arg7[%swap3A_535, %swap3A_536, %swap3A_537], %swap3A_540 {add = true, strides = array<i32>} : memref<4x200x64xf32, #tpu.memory_space<vmem>>, vector<1x1x16xf32>,
        %get3A_541 = arith.index_cast %scan3A_518 : i32 to index
        %get3A_542 = arith.constant 32 : index
        %get3A_543 = tpu.vector_load %arg8[%get3A_541, %get3A_542] {strides = array<i32>} : memref<200x64xf32, #tpu.memory_space<vmem>>, vector<1x16xf32>,
        %get3A_544 = vector.shape_cast %get3A_543 : vector<1x16xf32> to vector<16xf32>
        %swap3A_545 = arith.constant 1 : i32
        %swap3A_546 = arith.index_cast %swap3A_545 : i32 to index
        %swap3A_547 = arith.index_cast %scan3A_518 : i32 to index
        %swap3A_548 = arith.constant 32 : index
        %swap3A_549 = tpu.vector_load %arg7[%swap3A_546, %swap3A_547, %swap3A_548] {strides = array<i32>} : memref<4x200x64xf32, #tpu.memory_space<vmem>>, vector<1x1x16xf32>,
        %swap3A_550 = vector.shape_cast %swap3A_549 : vector<1x1x16xf32> to vector<16xf32>
        %swap3A_551 = vector.shape_cast %get3A_544 : vector<16xf32> to vector<1x1x16xf32>
        tpu.vector_store %arg7[%swap3A_546, %swap3A_547, %swap3A_548], %swap3A_551 {add = true, strides = array<i32>} : memref<4x200x64xf32, #tpu.memory_space<vmem>>, vector<1x1x16xf32>,
        %get3A_552 = arith.index_cast %scan3A_518 : i32 to index
        %get3A_553 = arith.constant 48 : index
        %get3A_554 = tpu.vector_load %arg8[%get3A_552, %get3A_553] {strides = array<i32>} : memref<200x64xf32, #tpu.memory_space<vmem>>, vector<1x16xf32>,
        %get3A_555 = vector.shape_cast %get3A_554 : vector<1x16xf32> to vector<16xf32>
        %swap3A_556 = arith.constant 1 : i32
        %swap3A_557 = arith.index_cast %swap3A_556 : i32 to index
        %swap3A_558 = arith.index_cast %scan3A_518 : i32 to index
        %swap3A_559 = arith.constant 48 : index
        %swap3A_560 = tpu.vector_load %arg7[%swap3A_557, %swap3A_558, %swap3A_559] {strides = array<i32>} : memref<4x200x64xf32, #tpu.memory_space<vmem>>, vector<1x1x16xf32>,
        %swap3A_561 = vector.shape_cast %swap3A_560 : vector<1x1x16xf32> to vector<16xf32>
        %swap3A_562 = vector.shape_cast %get3A_555 : vector<16xf32> to vector<1x1x16xf32>
        tpu.vector_store %arg7[%swap3A_557, %swap3A_558, %swap3A_559], %swap3A_562 {add = true, strides = array<i32>} : memref<4x200x64xf32, #tpu.memory_space<vmem>>, vector<1x1x16xf32>,
      }
      %scan3A_206 = arith.constant 200 : i32
      %mul3A_207 = arith.constant 200 : i32
      %mul3A_208 = arith.muli %add3A_172, %mul3A_207 : i32
      %add3A_209 = arith.addi %mul3A_2, %mul3A_208 : i32
      %dma_start3A_210 = arith.constant 1 : i32
      %dma_start3A_211 = arith.constant 1 : i32
      %dma_start3A_212 = arith.constant 0 : i32
      %dma_start3A_213 = arith.constant 0 : i32
      %dma_start3A_214 = tpu.memref_slice %arg7[%dma_start3A_210, %dma_start3A_212, %dma_start3A_213] : memref<4x200x64xf32, #tpu.memory_space<vmem>> -> memref<1x200x64xf32, #tpu.memory_space<vmem>>
      %dma_start3A_215 = tpu.memref_squeeze %dma_start3A_214 : memref<1x200x64xf32, #tpu.memory_space<vmem>> -> memref<200x64xf32, #tpu.memory_space<vmem>>
      %dma_start3A_216 = arith.constant 0 : i32
      %dma_start3A_217 = tpu.memref_slice %arg5[%add3A_209, %dma_start3A_216] : memref<409600x64xf32, #tpu.memory_space<hbm>> -> memref<200x64xf32, #tpu.memory_space<hbm>>
      %dma_start3A_218 = tpu.memref_slice %arg10[%dma_start3A_211] : memref<4x!tpu.dma_semaphore, #tpu.memory_space<semaphore_mem>> -> memref<1x!tpu.dma_semaphore, #tpu.memory_space<semaphore_mem>>
      %dma_start3A_219 = tpu.memref_squeeze %dma_start3A_218 : memref<1x!tpu.dma_semaphore, #tpu.memory_space<semaphore_mem>> -> memref<!tpu.dma_semaphore, #tpu.memory_space<semaphore_mem>>
      %dma_start3A_220 = arith.constant 0 : i32
      %dma_start3A_221 = tpu.memref_slice %arg5[%add3A_209, %dma_start3A_220] : memref<409600x64xf32, #tpu.memory_space<hbm>> -> memref<200x64xf32, #tpu.memory_space<hbm>>
      %dma_start3A_222 = arith.constant 0 : i32
      %dma_start3A_223 = arith.constant 0 : i32
      %dma_start3A_224 = tpu.memref_slice %arg7[%dma_start3A_210, %dma_start3A_222, %dma_start3A_223] : memref<4x200x64xf32, #tpu.memory_space<vmem>> -> memref<1x200x64xf32, #tpu.memory_space<vmem>>
      %dma_start3A_225 = tpu.memref_squeeze %dma_start3A_224 : memref<1x200x64xf32, #tpu.memory_space<vmem>> -> memref<200x64xf32, #tpu.memory_space<vmem>>
      tpu.enqueue_dma source(%dma_start3A_225 : memref<200x64xf32, #tpu.memory_space<vmem>>) target(%dma_start3A_221 : memref<200x64xf32, #tpu.memory_space<hbm>>) target_semaphore(%dma_start3A_219 : memref<!tpu.dma_semaphore, #tpu.memory_space<semaphore_mem>>)
      %add3A_226 = arith.constant 4 : i32
      %add3A_227 = arith.addi %add3A_172, %add3A_226 : i32
      %sub3A_228 = arith.constant 1 : i32
      %sub3A_229 = arith.subi %add3A_227, %sub3A_228 : i32
      %ge3A_230 = arith.constant 1 : i32
      %ge3A_231 = arith.cmpi sge, %add3A_172, %ge3A_230 : i32
      %convert_element_type3A_232 = arith.extui %ge3A_231 : i1 to i32
      %cond3A_233 = arith.constant 0 : i32
      %cond3A_234 = arith.cmpi ne, %convert_element_type3A_232, %cond3A_233 : i32
      scf.if %cond3A_234 {
        %sub3A_382 = arith.constant 1 : i32
        %sub3A_383 = arith.subi %add3A_172, %sub3A_382 : i32
        %mul3A_384 = arith.constant 200 : i32
        %mul3A_385 = arith.muli %sub3A_383, %mul3A_384 : i32
        %add3A_386 = arith.addi %mul3A_2, %mul3A_385 : i32
        %dma_wait3A_387 = arith.constant 0 : i32
        %dma_wait3A_388 = arith.constant 0 : i32
        %dma_wait3A_389 = arith.constant 0 : i32
        %dma_wait3A_390 = arith.constant 0 : i32
        %dma_wait3A_391 = tpu.memref_slice %arg7[%dma_wait3A_387, %dma_wait3A_389, %dma_wait3A_390] : memref<4x200x64xf32, #tpu.memory_space<vmem>> -> memref<1x200x64xf32, #tpu.memory_space<vmem>>
        %dma_wait3A_392 = tpu.memref_squeeze %dma_wait3A_391 : memref<1x200x64xf32, #tpu.memory_space<vmem>> -> memref<200x64xf32, #tpu.memory_space<vmem>>
        %dma_wait3A_393 = arith.constant 0 : i32
        %dma_wait3A_394 = tpu.memref_slice %arg5[%add3A_386, %dma_wait3A_393] : memref<409600x64xf32, #tpu.memory_space<hbm>> -> memref<200x64xf32, #tpu.memory_space<hbm>>
        %dma_wait3A_395 = tpu.memref_slice %arg10[%dma_wait3A_388] : memref<4x!tpu.dma_semaphore, #tpu.memory_space<semaphore_mem>> -> memref<1x!tpu.dma_semaphore, #tpu.memory_space<semaphore_mem>>
        %dma_wait3A_396 = tpu.memref_squeeze %dma_wait3A_395 : memref<1x!tpu.dma_semaphore, #tpu.memory_space<semaphore_mem>> -> memref<!tpu.dma_semaphore, #tpu.memory_space<semaphore_mem>>
        %dma_wait3A_397 = arith.constant 0 : i32
        %dma_wait3A_398 = tpu.memref_slice %arg5[%add3A_386, %dma_wait3A_397] : memref<409600x64xf32, #tpu.memory_space<hbm>> -> memref<200x64xf32, #tpu.memory_space<hbm>>
        %dma_wait3A_399 = arith.constant 0 : i32
        %dma_wait3A_400 = arith.constant 0 : i32
        %dma_wait3A_401 = tpu.memref_slice %arg7[%dma_wait3A_387, %dma_wait3A_399, %dma_wait3A_400] : memref<4x200x64xf32, #tpu.memory_space<vmem>> -> memref<1x200x64xf32, #tpu.memory_space<vmem>>
        %dma_wait3A_402 = tpu.memref_squeeze %dma_wait3A_401 : memref<1x200x64xf32, #tpu.memory_space<vmem>> -> memref<200x64xf32, #tpu.memory_space<vmem>>
        tpu.wait_dma2 semaphore(%dma_wait3A_396 : memref<!tpu.dma_semaphore, #tpu.memory_space<semaphore_mem>>) src(%dma_wait3A_402 : memref<200x64xf32, #tpu.memory_space<vmem>>) dst(%dma_wait3A_398 : memref<200x64xf32, #tpu.memory_space<hbm>>)
      } else {
      }
      %lt3A_235 = arith.constant 64 : i32
      %lt3A_236 = arith.cmpi slt, %sub3A_229, %lt3A_235 : i32
      %convert_element_type3A_237 = arith.extui %lt3A_236 : i1 to i32
      %cond3A_238 = arith.constant 0 : i32
      %cond3A_239 = arith.cmpi ne, %convert_element_type3A_237, %cond3A_238 : i32
      scf.if %cond3A_239 {
        %mul3A_382 = arith.constant 200 : i32
        %mul3A_383 = arith.muli %sub3A_229, %mul3A_382 : i32
        %dma_start3A_384 = arith.constant 0 : i32
        %dma_start3A_385 = arith.constant 0 : i32
        %dma_start3A_386 = arith.constant 0 : i32
        %dma_start3A_387 = arith.constant 0 : i32
        %dma_start3A_388 = tpu.memref_slice %arg7[%dma_start3A_384, %dma_start3A_386, %dma_start3A_387] : memref<4x200x64xf32, #tpu.memory_space<vmem>> -> memref<1x128x64xf32, #tpu.memory_space<vmem>>
        %dma_start3A_389 = tpu.memref_squeeze %dma_start3A_388 : memref<1x128x64xf32, #tpu.memory_space<vmem>> -> memref<128x64xf32, #tpu.memory_space<vmem>>
        %dma_start3A_390 = tpu.memref_slice %arg6[%mul3A_383] : memref<12800xi32, #tpu.memory_space<vmem>> -> memref<128xi32, #tpu.memory_space<vmem>>
        %dma_start3A_391 = arith.constant 0 : i32
        %dma_start3A_392 = arith.constant 0 : i32
        %dma_start3A_393 = tpu.memref_slice %arg3[%dma_start3A_391, %dma_start3A_392] : memref<1000000x64xf32, #tpu.memory_space<hbm>> -> memref<1000000x64xf32, #tpu.memory_space<hbm>>
        %dma_start3A_394 = tpu.memref_slice %arg9[%dma_start3A_385] : memref<4x!tpu.dma_semaphore, #tpu.memory_space<semaphore_mem>> -> memref<1x!tpu.dma_semaphore, #tpu.memory_space<semaphore_mem>>
        %dma_start3A_395 = tpu.memref_squeeze %dma_start3A_394 : memref<1x!tpu.dma_semaphore, #tpu.memory_space<semaphore_mem>> -> memref<!tpu.dma_semaphore, #tpu.memory_space<semaphore_mem>>
        tpu.enqueue_indirect_dma source(%dma_start3A_393 : memref<1000000x64xf32, #tpu.memory_space<hbm>>) target(%dma_start3A_389 : memref<128x64xf32, #tpu.memory_space<vmem>>) offsets(%dma_start3A_390 : memref<128xi32, #tpu.memory_space<vmem>>) semaphore(%dma_start3A_395 : memref<!tpu.dma_semaphore, #tpu.memory_space<semaphore_mem>>)
        %add3A_396 = arith.constant 128 : i32
        %add3A_397 = arith.addi %mul3A_383, %add3A_396 : i32
        %dma_start3A_398 = arith.constant 0 : i32
        %dma_start3A_399 = arith.constant 0 : i32
        %dma_start3A_400 = arith.constant 128 : i32
        %dma_start3A_401 = arith.constant 0 : i32
        %dma_start3A_402 = tpu.memref_slice %arg7[%dma_start3A_398, %dma_start3A_400, %dma_start3A_401] : memref<4x200x64xf32, #tpu.memory_space<vmem>> -> memref<1x72x64xf32, #tpu.memory_space<vmem>>
        %dma_start3A_403 = tpu.memref_squeeze %dma_start3A_402 : memref<1x72x64xf32, #tpu.memory_space<vmem>> -> memref<72x64xf32, #tpu.memory_space<vmem>>
        %dma_start3A_404 = tpu.memref_slice %arg6[%add3A_397] : memref<12800xi32, #tpu.memory_space<vmem>> -> memref<72xi32, #tpu.memory_space<vmem>>
        %dma_start3A_405 = arith.constant 0 : i32
        %dma_start3A_406 = arith.constant 0 : i32
        %dma_start3A_407 = tpu.memref_slice %arg3[%dma_start3A_405, %dma_start3A_406] : memref<1000000x64xf32, #tpu.memory_space<hbm>> -> memref<1000000x64xf32, #tpu.memory_space<hbm>>
        %dma_start3A_408 = tpu.memref_slice %arg9[%dma_start3A_399] : memref<4x!tpu.dma_semaphore, #tpu.memory_space<semaphore_mem>> -> memref<1x!tpu.dma_semaphore, #tpu.memory_space<semaphore_mem>>
        %dma_start3A_409 = tpu.memref_squeeze %dma_start3A_408 : memref<1x!tpu.dma_semaphore, #tpu.memory_space<semaphore_mem>> -> memref<!tpu.dma_semaphore, #tpu.memory_space<semaphore_mem>>
        tpu.enqueue_indirect_dma source(%dma_start3A_407 : memref<1000000x64xf32, #tpu.memory_space<hbm>>) target(%dma_start3A_403 : memref<72x64xf32, #tpu.memory_space<vmem>>) offsets(%dma_start3A_404 : memref<72xi32, #tpu.memory_space<vmem>>) semaphore(%dma_start3A_409 : memref<!tpu.dma_semaphore, #tpu.memory_space<semaphore_mem>>)
      } else {
      }
      %mul3A_240 = arith.constant 4 : i32
      %mul3A_241 = arith.muli %scan3A_102, %mul3A_240 : i32
      %add3A_242 = arith.constant 2 : i32
      %add3A_243 = arith.addi %mul3A_241, %add3A_242 : i32
      %mul3A_244 = arith.constant 200 : i32
      %mul3A_245 = arith.muli %add3A_243, %mul3A_244 : i32
      %dma_wait3A_246 = arith.constant 2 : i32
      %dma_wait3A_247 = arith.constant 2 : i32
      %dma_wait3A_248 = arith.constant 0 : i32
      %dma_wait3A_249 = arith.constant 0 : i32
      %dma_wait3A_250 = tpu.memref_slice %arg7[%dma_wait3A_246, %dma_wait3A_248, %dma_wait3A_249] : memref<4x200x64xf32, #tpu.memory_space<vmem>> -> memref<1x128x64xf32, #tpu.memory_space<vmem>>
      %dma_wait3A_251 = tpu.memref_squeeze %dma_wait3A_250 : memref<1x128x64xf32, #tpu.memory_space<vmem>> -> memref<128x64xf32, #tpu.memory_space<vmem>>
      %dma_wait3A_252 = tpu.memref_slice %arg6[%mul3A_245] : memref<12800xi32, #tpu.memory_space<vmem>> -> memref<128xi32, #tpu.memory_space<vmem>>
      %dma_wait3A_253 = arith.constant 0 : i32
      %dma_wait3A_254 = arith.constant 0 : i32
      %dma_wait3A_255 = tpu.memref_slice %arg3[%dma_wait3A_253, %dma_wait3A_254] : memref<1000000x64xf32, #tpu.memory_space<hbm>> -> memref<1000000x64xf32, #tpu.memory_space<hbm>>
      %dma_wait3A_256 = tpu.memref_slice %arg9[%dma_wait3A_247] : memref<4x!tpu.dma_semaphore, #tpu.memory_space<semaphore_mem>> -> memref<1x!tpu.dma_semaphore, #tpu.memory_space<semaphore_mem>>
      %dma_wait3A_257 = tpu.memref_squeeze %dma_wait3A_256 : memref<1x!tpu.dma_semaphore, #tpu.memory_space<semaphore_mem>> -> memref<!tpu.dma_semaphore, #tpu.memory_space<semaphore_mem>>
      tpu.wait_indirect_dma semaphore(%dma_wait3A_257 : memref<!tpu.dma_semaphore, #tpu.memory_space<semaphore_mem>>) src(%dma_wait3A_255 : memref<1000000x64xf32, #tpu.memory_space<hbm>>) dst(%dma_wait3A_251 : memref<128x64xf32, #tpu.memory_space<vmem>>)
      %add3A_258 = arith.constant 128 : i32
      %add3A_259 = arith.addi %mul3A_245, %add3A_258 : i32
      %dma_wait3A_260 = arith.constant 2 : i32
      %dma_wait3A_261 = arith.constant 2 : i32
      %dma_wait3A_262 = arith.constant 128 : i32
      %dma_wait3A_263 = arith.constant 0 : i32
      %dma_wait3A_264 = tpu.memref_slice %arg7[%dma_wait3A_260, %dma_wait3A_262, %dma_wait3A_263] : memref<4x200x64xf32, #tpu.memory_space<vmem>> -> memref<1x72x64xf32, #tpu.memory_space<vmem>>
      %dma_wait3A_265 = tpu.memref_squeeze %dma_wait3A_264 : memref<1x72x64xf32, #tpu.memory_space<vmem>> -> memref<72x64xf32, #tpu.memory_space<vmem>>
      %dma_wait3A_266 = tpu.memref_slice %arg6[%add3A_259] : memref<12800xi32, #tpu.memory_space<vmem>> -> memref<72xi32, #tpu.memory_space<vmem>>
      %dma_wait3A_267 = arith.constant 0 : i32
      %dma_wait3A_268 = arith.constant 0 : i32
      %dma_wait3A_269 = tpu.memref_slice %arg3[%dma_wait3A_267, %dma_wait3A_268] : memref<1000000x64xf32, #tpu.memory_space<hbm>> -> memref<1000000x64xf32, #tpu.memory_space<hbm>>
      %dma_wait3A_270 = tpu.memref_slice %arg9[%dma_wait3A_261] : memref<4x!tpu.dma_semaphore, #tpu.memory_space<semaphore_mem>> -> memref<1x!tpu.dma_semaphore, #tpu.memory_space<semaphore_mem>>
      %dma_wait3A_271 = tpu.memref_squeeze %dma_wait3A_270 : memref<1x!tpu.dma_semaphore, #tpu.memory_space<semaphore_mem>> -> memref<!tpu.dma_semaphore, #tpu.memory_space<semaphore_mem>>
      tpu.wait_indirect_dma semaphore(%dma_wait3A_271 : memref<!tpu.dma_semaphore, #tpu.memory_space<semaphore_mem>>) src(%dma_wait3A_269 : memref<1000000x64xf32, #tpu.memory_space<hbm>>) dst(%dma_wait3A_265 : memref<72x64xf32, #tpu.memory_space<vmem>>)
      %scan3A_272 = arith.constant 0 : i32
      %scan3A_273 = arith.constant 0 : i32
      %scan3A_274 = arith.constant 200 : i32
      %scan3A_275 = arith.addi %scan3A_273, %scan3A_274 : i32
      %scan3A_276 = arith.constant 4 : i32
      scf.for %scan3A_382 = %scan3A_273 to %scan3A_275 step %scan3A_276  : i32 {
        %get3A = arith.index_cast %scan3A_382 : i32 to index
        %get3A_383 = arith.constant 0 : index
        %get3A_384 = tpu.vector_load %arg8[%get3A, %get3A_383] {strides = array<i32>} : memref<200x64xf32, #tpu.memory_space<vmem>>, vector<1x16xf32>,
        %get3A_385 = vector.shape_cast %get3A_384 : vector<1x16xf32> to vector<16xf32>
        %swap3A = arith.constant 2 : i32
        %swap3A_386 = arith.index_cast %swap3A : i32 to index
        %swap3A_387 = arith.index_cast %scan3A_382 : i32 to index
        %swap3A_388 = arith.constant 0 : index
        %swap3A_389 = tpu.vector_load %arg7[%swap3A_386, %swap3A_387, %swap3A_388] {strides = array<i32>} : memref<4x200x64xf32, #tpu.memory_space<vmem>>, vector<1x1x16xf32>,
        %swap3A_390 = vector.shape_cast %swap3A_389 : vector<1x1x16xf32> to vector<16xf32>
        %swap3A_391 = vector.shape_cast %get3A_385 : vector<16xf32> to vector<1x1x16xf32>
        tpu.vector_store %arg7[%swap3A_386, %swap3A_387, %swap3A_388], %swap3A_391 {add = true, strides = array<i32>} : memref<4x200x64xf32, #tpu.memory_space<vmem>>, vector<1x1x16xf32>,
        %get3A_392 = arith.index_cast %scan3A_382 : i32 to index
        %get3A_393 = arith.constant 16 : index
        %get3A_394 = tpu.vector_load %arg8[%get3A_392, %get3A_393] {strides = array<i32>} : memref<200x64xf32, #tpu.memory_space<vmem>>, vector<1x16xf32>,
        %get3A_395 = vector.shape_cast %get3A_394 : vector<1x16xf32> to vector<16xf32>
        %swap3A_396 = arith.constant 2 : i32
        %swap3A_397 = arith.index_cast %swap3A_396 : i32 to index
        %swap3A_398 = arith.index_cast %scan3A_382 : i32 to index
        %swap3A_399 = arith.constant 16 : index
        %swap3A_400 = tpu.vector_load %arg7[%swap3A_397, %swap3A_398, %swap3A_399] {strides = array<i32>} : memref<4x200x64xf32, #tpu.memory_space<vmem>>, vector<1x1x16xf32>,
        %swap3A_401 = vector.shape_cast %swap3A_400 : vector<1x1x16xf32> to vector<16xf32>
        %swap3A_402 = vector.shape_cast %get3A_395 : vector<16xf32> to vector<1x1x16xf32>
        tpu.vector_store %arg7[%swap3A_397, %swap3A_398, %swap3A_399], %swap3A_402 {add = true, strides = array<i32>} : memref<4x200x64xf32, #tpu.memory_space<vmem>>, vector<1x1x16xf32>,
        %get3A_403 = arith.index_cast %scan3A_382 : i32 to index
        %get3A_404 = arith.constant 32 : index
        %get3A_405 = tpu.vector_load %arg8[%get3A_403, %get3A_404] {strides = array<i32>} : memref<200x64xf32, #tpu.memory_space<vmem>>, vector<1x16xf32>,
        %get3A_406 = vector.shape_cast %get3A_405 : vector<1x16xf32> to vector<16xf32>
        %swap3A_407 = arith.constant 2 : i32
        %swap3A_408 = arith.index_cast %swap3A_407 : i32 to index
        %swap3A_409 = arith.index_cast %scan3A_382 : i32 to index
        %swap3A_410 = arith.constant 32 : index
        %swap3A_411 = tpu.vector_load %arg7[%swap3A_408, %swap3A_409, %swap3A_410] {strides = array<i32>} : memref<4x200x64xf32, #tpu.memory_space<vmem>>, vector<1x1x16xf32>,
        %swap3A_412 = vector.shape_cast %swap3A_411 : vector<1x1x16xf32> to vector<16xf32>
        %swap3A_413 = vector.shape_cast %get3A_406 : vector<16xf32> to vector<1x1x16xf32>
        tpu.vector_store %arg7[%swap3A_408, %swap3A_409, %swap3A_410], %swap3A_413 {add = true, strides = array<i32>} : memref<4x200x64xf32, #tpu.memory_space<vmem>>, vector<1x1x16xf32>,
        %get3A_414 = arith.index_cast %scan3A_382 : i32 to index
        %get3A_415 = arith.constant 48 : index
        %get3A_416 = tpu.vector_load %arg8[%get3A_414, %get3A_415] {strides = array<i32>} : memref<200x64xf32, #tpu.memory_space<vmem>>, vector<1x16xf32>,
        %get3A_417 = vector.shape_cast %get3A_416 : vector<1x16xf32> to vector<16xf32>
        %swap3A_418 = arith.constant 2 : i32
        %swap3A_419 = arith.index_cast %swap3A_418 : i32 to index
        %swap3A_420 = arith.index_cast %scan3A_382 : i32 to index
        %swap3A_421 = arith.constant 48 : index
        %swap3A_422 = tpu.vector_load %arg7[%swap3A_419, %swap3A_420, %swap3A_421] {strides = array<i32>} : memref<4x200x64xf32, #tpu.memory_space<vmem>>, vector<1x1x16xf32>,
        %swap3A_423 = vector.shape_cast %swap3A_422 : vector<1x1x16xf32> to vector<16xf32>
        %swap3A_424 = vector.shape_cast %get3A_417 : vector<16xf32> to vector<1x1x16xf32>
        tpu.vector_store %arg7[%swap3A_419, %swap3A_420, %swap3A_421], %swap3A_424 {add = true, strides = array<i32>} : memref<4x200x64xf32, #tpu.memory_space<vmem>>, vector<1x1x16xf32>,
        %scan3A_425 = arith.constant 1 : i32
        %scan3A_426 = arith.addi %scan3A_382, %scan3A_425 : i32
        %get3A_427 = arith.index_cast %scan3A_426 : i32 to index
        %get3A_428 = arith.constant 0 : index
        %get3A_429 = tpu.vector_load %arg8[%get3A_427, %get3A_428] {strides = array<i32>} : memref<200x64xf32, #tpu.memory_space<vmem>>, vector<1x16xf32>,
        %get3A_430 = vector.shape_cast %get3A_429 : vector<1x16xf32> to vector<16xf32>
        %swap3A_431 = arith.constant 2 : i32
        %swap3A_432 = arith.index_cast %swap3A_431 : i32 to index
        %swap3A_433 = arith.index_cast %scan3A_426 : i32 to index
        %swap3A_434 = arith.constant 0 : index
        %swap3A_435 = tpu.vector_load %arg7[%swap3A_432, %swap3A_433, %swap3A_434] {strides = array<i32>} : memref<4x200x64xf32, #tpu.memory_space<vmem>>, vector<1x1x16xf32>,
        %swap3A_436 = vector.shape_cast %swap3A_435 : vector<1x1x16xf32> to vector<16xf32>
        %swap3A_437 = vector.shape_cast %get3A_430 : vector<16xf32> to vector<1x1x16xf32>
        tpu.vector_store %arg7[%swap3A_432, %swap3A_433, %swap3A_434], %swap3A_437 {add = true, strides = array<i32>} : memref<4x200x64xf32, #tpu.memory_space<vmem>>, vector<1x1x16xf32>,
        %get3A_438 = arith.index_cast %scan3A_426 : i32 to index
        %get3A_439 = arith.constant 16 : index
        %get3A_440 = tpu.vector_load %arg8[%get3A_438, %get3A_439] {strides = array<i32>} : memref<200x64xf32, #tpu.memory_space<vmem>>, vector<1x16xf32>,
        %get3A_441 = vector.shape_cast %get3A_440 : vector<1x16xf32> to vector<16xf32>
        %swap3A_442 = arith.constant 2 : i32
        %swap3A_443 = arith.index_cast %swap3A_442 : i32 to index
        %swap3A_444 = arith.index_cast %scan3A_426 : i32 to index
        %swap3A_445 = arith.constant 16 : index
        %swap3A_446 = tpu.vector_load %arg7[%swap3A_443, %swap3A_444, %swap3A_445] {strides = array<i32>} : memref<4x200x64xf32, #tpu.memory_space<vmem>>, vector<1x1x16xf32>,
        %swap3A_447 = vector.shape_cast %swap3A_446 : vector<1x1x16xf32> to vector<16xf32>
        %swap3A_448 = vector.shape_cast %get3A_441 : vector<16xf32> to vector<1x1x16xf32>
        tpu.vector_store %arg7[%swap3A_443, %swap3A_444, %swap3A_445], %swap3A_448 {add = true, strides = array<i32>} : memref<4x200x64xf32, #tpu.memory_space<vmem>>, vector<1x1x16xf32>,
        %get3A_449 = arith.index_cast %scan3A_426 : i32 to index
        %get3A_450 = arith.constant 32 : index
        %get3A_451 = tpu.vector_load %arg8[%get3A_449, %get3A_450] {strides = array<i32>} : memref<200x64xf32, #tpu.memory_space<vmem>>, vector<1x16xf32>,
        %get3A_452 = vector.shape_cast %get3A_451 : vector<1x16xf32> to vector<16xf32>
        %swap3A_453 = arith.constant 2 : i32
        %swap3A_454 = arith.index_cast %swap3A_453 : i32 to index
        %swap3A_455 = arith.index_cast %scan3A_426 : i32 to index
        %swap3A_456 = arith.constant 32 : index
        %swap3A_457 = tpu.vector_load %arg7[%swap3A_454, %swap3A_455, %swap3A_456] {strides = array<i32>} : memref<4x200x64xf32, #tpu.memory_space<vmem>>, vector<1x1x16xf32>,
        %swap3A_458 = vector.shape_cast %swap3A_457 : vector<1x1x16xf32> to vector<16xf32>
        %swap3A_459 = vector.shape_cast %get3A_452 : vector<16xf32> to vector<1x1x16xf32>
        tpu.vector_store %arg7[%swap3A_454, %swap3A_455, %swap3A_456], %swap3A_459 {add = true, strides = array<i32>} : memref<4x200x64xf32, #tpu.memory_space<vmem>>, vector<1x1x16xf32>,
        %get3A_460 = arith.index_cast %scan3A_426 : i32 to index
        %get3A_461 = arith.constant 48 : index
        %get3A_462 = tpu.vector_load %arg8[%get3A_460, %get3A_461] {strides = array<i32>} : memref<200x64xf32, #tpu.memory_space<vmem>>, vector<1x16xf32>,
        %get3A_463 = vector.shape_cast %get3A_462 : vector<1x16xf32> to vector<16xf32>
        %swap3A_464 = arith.constant 2 : i32
        %swap3A_465 = arith.index_cast %swap3A_464 : i32 to index
        %swap3A_466 = arith.index_cast %scan3A_426 : i32 to index
        %swap3A_467 = arith.constant 48 : index
        %swap3A_468 = tpu.vector_load %arg7[%swap3A_465, %swap3A_466, %swap3A_467] {strides = array<i32>} : memref<4x200x64xf32, #tpu.memory_space<vmem>>, vector<1x1x16xf32>,
        %swap3A_469 = vector.shape_cast %swap3A_468 : vector<1x1x16xf32> to vector<16xf32>
        %swap3A_470 = vector.shape_cast %get3A_463 : vector<16xf32> to vector<1x1x16xf32>
        tpu.vector_store %arg7[%swap3A_465, %swap3A_466, %swap3A_467], %swap3A_470 {add = true, strides = array<i32>} : memref<4x200x64xf32, #tpu.memory_space<vmem>>, vector<1x1x16xf32>,
        %scan3A_471 = arith.constant 2 : i32
        %scan3A_472 = arith.addi %scan3A_382, %scan3A_471 : i32
        %get3A_473 = arith.index_cast %scan3A_472 : i32 to index
        %get3A_474 = arith.constant 0 : index
        %get3A_475 = tpu.vector_load %arg8[%get3A_473, %get3A_474] {strides = array<i32>} : memref<200x64xf32, #tpu.memory_space<vmem>>, vector<1x16xf32>,
        %get3A_476 = vector.shape_cast %get3A_475 : vector<1x16xf32> to vector<16xf32>
        %swap3A_477 = arith.constant 2 : i32
        %swap3A_478 = arith.index_cast %swap3A_477 : i32 to index
        %swap3A_479 = arith.index_cast %scan3A_472 : i32 to index
        %swap3A_480 = arith.constant 0 : index
        %swap3A_481 = tpu.vector_load %arg7[%swap3A_478, %swap3A_479, %swap3A_480] {strides = array<i32>} : memref<4x200x64xf32, #tpu.memory_space<vmem>>, vector<1x1x16xf32>,
        %swap3A_482 = vector.shape_cast %swap3A_481 : vector<1x1x16xf32> to vector<16xf32>
        %swap3A_483 = vector.shape_cast %get3A_476 : vector<16xf32> to vector<1x1x16xf32>
        tpu.vector_store %arg7[%swap3A_478, %swap3A_479, %swap3A_480], %swap3A_483 {add = true, strides = array<i32>} : memref<4x200x64xf32, #tpu.memory_space<vmem>>, vector<1x1x16xf32>,
        %get3A_484 = arith.index_cast %scan3A_472 : i32 to index
        %get3A_485 = arith.constant 16 : index
        %get3A_486 = tpu.vector_load %arg8[%get3A_484, %get3A_485] {strides = array<i32>} : memref<200x64xf32, #tpu.memory_space<vmem>>, vector<1x16xf32>,
        %get3A_487 = vector.shape_cast %get3A_486 : vector<1x16xf32> to vector<16xf32>
        %swap3A_488 = arith.constant 2 : i32
        %swap3A_489 = arith.index_cast %swap3A_488 : i32 to index
        %swap3A_490 = arith.index_cast %scan3A_472 : i32 to index
        %swap3A_491 = arith.constant 16 : index
        %swap3A_492 = tpu.vector_load %arg7[%swap3A_489, %swap3A_490, %swap3A_491] {strides = array<i32>} : memref<4x200x64xf32, #tpu.memory_space<vmem>>, vector<1x1x16xf32>,
        %swap3A_493 = vector.shape_cast %swap3A_492 : vector<1x1x16xf32> to vector<16xf32>
        %swap3A_494 = vector.shape_cast %get3A_487 : vector<16xf32> to vector<1x1x16xf32>
        tpu.vector_store %arg7[%swap3A_489, %swap3A_490, %swap3A_491], %swap3A_494 {add = true, strides = array<i32>} : memref<4x200x64xf32, #tpu.memory_space<vmem>>, vector<1x1x16xf32>,
        %get3A_495 = arith.index_cast %scan3A_472 : i32 to index
        %get3A_496 = arith.constant 32 : index
        %get3A_497 = tpu.vector_load %arg8[%get3A_495, %get3A_496] {strides = array<i32>} : memref<200x64xf32, #tpu.memory_space<vmem>>, vector<1x16xf32>,
        %get3A_498 = vector.shape_cast %get3A_497 : vector<1x16xf32> to vector<16xf32>
        %swap3A_499 = arith.constant 2 : i32
        %swap3A_500 = arith.index_cast %swap3A_499 : i32 to index
        %swap3A_501 = arith.index_cast %scan3A_472 : i32 to index
        %swap3A_502 = arith.constant 32 : index
        %swap3A_503 = tpu.vector_load %arg7[%swap3A_500, %swap3A_501, %swap3A_502] {strides = array<i32>} : memref<4x200x64xf32, #tpu.memory_space<vmem>>, vector<1x1x16xf32>,
        %swap3A_504 = vector.shape_cast %swap3A_503 : vector<1x1x16xf32> to vector<16xf32>
        %swap3A_505 = vector.shape_cast %get3A_498 : vector<16xf32> to vector<1x1x16xf32>
        tpu.vector_store %arg7[%swap3A_500, %swap3A_501, %swap3A_502], %swap3A_505 {add = true, strides = array<i32>} : memref<4x200x64xf32, #tpu.memory_space<vmem>>, vector<1x1x16xf32>,
        %get3A_506 = arith.index_cast %scan3A_472 : i32 to index
        %get3A_507 = arith.constant 48 : index
        %get3A_508 = tpu.vector_load %arg8[%get3A_506, %get3A_507] {strides = array<i32>} : memref<200x64xf32, #tpu.memory_space<vmem>>, vector<1x16xf32>,
        %get3A_509 = vector.shape_cast %get3A_508 : vector<1x16xf32> to vector<16xf32>
        %swap3A_510 = arith.constant 2 : i32
        %swap3A_511 = arith.index_cast %swap3A_510 : i32 to index
        %swap3A_512 = arith.index_cast %scan3A_472 : i32 to index
        %swap3A_513 = arith.constant 48 : index
        %swap3A_514 = tpu.vector_load %arg7[%swap3A_511, %swap3A_512, %swap3A_513] {strides = array<i32>} : memref<4x200x64xf32, #tpu.memory_space<vmem>>, vector<1x1x16xf32>,
        %swap3A_515 = vector.shape_cast %swap3A_514 : vector<1x1x16xf32> to vector<16xf32>
        %swap3A_516 = vector.shape_cast %get3A_509 : vector<16xf32> to vector<1x1x16xf32>
        tpu.vector_store %arg7[%swap3A_511, %swap3A_512, %swap3A_513], %swap3A_516 {add = true, strides = array<i32>} : memref<4x200x64xf32, #tpu.memory_space<vmem>>, vector<1x1x16xf32>,
        %scan3A_517 = arith.constant 3 : i32
        %scan3A_518 = arith.addi %scan3A_382, %scan3A_517 : i32
        %get3A_519 = arith.index_cast %scan3A_518 : i32 to index
        %get3A_520 = arith.constant 0 : index
        %get3A_521 = tpu.vector_load %arg8[%get3A_519, %get3A_520] {strides = array<i32>} : memref<200x64xf32, #tpu.memory_space<vmem>>, vector<1x16xf32>,
        %get3A_522 = vector.shape_cast %get3A_521 : vector<1x16xf32> to vector<16xf32>
        %swap3A_523 = arith.constant 2 : i32
        %swap3A_524 = arith.index_cast %swap3A_523 : i32 to index
        %swap3A_525 = arith.index_cast %scan3A_518 : i32 to index
        %swap3A_526 = arith.constant 0 : index
        %swap3A_527 = tpu.vector_load %arg7[%swap3A_524, %swap3A_525, %swap3A_526] {strides = array<i32>} : memref<4x200x64xf32, #tpu.memory_space<vmem>>, vector<1x1x16xf32>,
        %swap3A_528 = vector.shape_cast %swap3A_527 : vector<1x1x16xf32> to vector<16xf32>
        %swap3A_529 = vector.shape_cast %get3A_522 : vector<16xf32> to vector<1x1x16xf32>
        tpu.vector_store %arg7[%swap3A_524, %swap3A_525, %swap3A_526], %swap3A_529 {add = true, strides = array<i32>} : memref<4x200x64xf32, #tpu.memory_space<vmem>>, vector<1x1x16xf32>,
        %get3A_530 = arith.index_cast %scan3A_518 : i32 to index
        %get3A_531 = arith.constant 16 : index
        %get3A_532 = tpu.vector_load %arg8[%get3A_530, %get3A_531] {strides = array<i32>} : memref<200x64xf32, #tpu.memory_space<vmem>>, vector<1x16xf32>,
        %get3A_533 = vector.shape_cast %get3A_532 : vector<1x16xf32> to vector<16xf32>
        %swap3A_534 = arith.constant 2 : i32
        %swap3A_535 = arith.index_cast %swap3A_534 : i32 to index
        %swap3A_536 = arith.index_cast %scan3A_518 : i32 to index
        %swap3A_537 = arith.constant 16 : index
        %swap3A_538 = tpu.vector_load %arg7[%swap3A_535, %swap3A_536, %swap3A_537] {strides = array<i32>} : memref<4x200x64xf32, #tpu.memory_space<vmem>>, vector<1x1x16xf32>,
        %swap3A_539 = vector.shape_cast %swap3A_538 : vector<1x1x16xf32> to vector<16xf32>
        %swap3A_540 = vector.shape_cast %get3A_533 : vector<16xf32> to vector<1x1x16xf32>
        tpu.vector_store %arg7[%swap3A_535, %swap3A_536, %swap3A_537], %swap3A_540 {add = true, strides = array<i32>} : memref<4x200x64xf32, #tpu.memory_space<vmem>>, vector<1x1x16xf32>,
        %get3A_541 = arith.index_cast %scan3A_518 : i32 to index
        %get3A_542 = arith.constant 32 : index
        %get3A_543 = tpu.vector_load %arg8[%get3A_541, %get3A_542] {strides = array<i32>} : memref<200x64xf32, #tpu.memory_space<vmem>>, vector<1x16xf32>,
        %get3A_544 = vector.shape_cast %get3A_543 : vector<1x16xf32> to vector<16xf32>
        %swap3A_545 = arith.constant 2 : i32
        %swap3A_546 = arith.index_cast %swap3A_545 : i32 to index
        %swap3A_547 = arith.index_cast %scan3A_518 : i32 to index
        %swap3A_548 = arith.constant 32 : index
        %swap3A_549 = tpu.vector_load %arg7[%swap3A_546, %swap3A_547, %swap3A_548] {strides = array<i32>} : memref<4x200x64xf32, #tpu.memory_space<vmem>>, vector<1x1x16xf32>,
        %swap3A_550 = vector.shape_cast %swap3A_549 : vector<1x1x16xf32> to vector<16xf32>
        %swap3A_551 = vector.shape_cast %get3A_544 : vector<16xf32> to vector<1x1x16xf32>
        tpu.vector_store %arg7[%swap3A_546, %swap3A_547, %swap3A_548], %swap3A_551 {add = true, strides = array<i32>} : memref<4x200x64xf32, #tpu.memory_space<vmem>>, vector<1x1x16xf32>,
        %get3A_552 = arith.index_cast %scan3A_518 : i32 to index
        %get3A_553 = arith.constant 48 : index
        %get3A_554 = tpu.vector_load %arg8[%get3A_552, %get3A_553] {strides = array<i32>} : memref<200x64xf32, #tpu.memory_space<vmem>>, vector<1x16xf32>,
        %get3A_555 = vector.shape_cast %get3A_554 : vector<1x16xf32> to vector<16xf32>
        %swap3A_556 = arith.constant 2 : i32
        %swap3A_557 = arith.index_cast %swap3A_556 : i32 to index
        %swap3A_558 = arith.index_cast %scan3A_518 : i32 to index
        %swap3A_559 = arith.constant 48 : index
        %swap3A_560 = tpu.vector_load %arg7[%swap3A_557, %swap3A_558, %swap3A_559] {strides = array<i32>} : memref<4x200x64xf32, #tpu.memory_space<vmem>>, vector<1x1x16xf32>,
        %swap3A_561 = vector.shape_cast %swap3A_560 : vector<1x1x16xf32> to vector<16xf32>
        %swap3A_562 = vector.shape_cast %get3A_555 : vector<16xf32> to vector<1x1x16xf32>
        tpu.vector_store %arg7[%swap3A_557, %swap3A_558, %swap3A_559], %swap3A_562 {add = true, strides = array<i32>} : memref<4x200x64xf32, #tpu.memory_space<vmem>>, vector<1x1x16xf32>,
      }
      %scan3A_277 = arith.constant 200 : i32
      %mul3A_278 = arith.constant 200 : i32
      %mul3A_279 = arith.muli %add3A_243, %mul3A_278 : i32
      %add3A_280 = arith.addi %mul3A_2, %mul3A_279 : i32
      %dma_start3A_281 = arith.constant 2 : i32
      %dma_start3A_282 = arith.constant 2 : i32
      %dma_start3A_283 = arith.constant 0 : i32
      %dma_start3A_284 = arith.constant 0 : i32
      %dma_start3A_285 = tpu.memref_slice %arg7[%dma_start3A_281, %dma_start3A_283, %dma_start3A_284] : memref<4x200x64xf32, #tpu.memory_space<vmem>> -> memref<1x200x64xf32, #tpu.memory_space<vmem>>
      %dma_start3A_286 = tpu.memref_squeeze %dma_start3A_285 : memref<1x200x64xf32, #tpu.memory_space<vmem>> -> memref<200x64xf32, #tpu.memory_space<vmem>>
      %dma_start3A_287 = arith.constant 0 : i32
      %dma_start3A_288 = tpu.memref_slice %arg5[%add3A_280, %dma_start3A_287] : memref<409600x64xf32, #tpu.memory_space<hbm>> -> memref<200x64xf32, #tpu.memory_space<hbm>>
      %dma_start3A_289 = tpu.memref_slice %arg10[%dma_start3A_282] : memref<4x!tpu.dma_semaphore, #tpu.memory_space<semaphore_mem>> -> memref<1x!tpu.dma_semaphore, #tpu.memory_space<semaphore_mem>>
      %dma_start3A_290 = tpu.memref_squeeze %dma_start3A_289 : memref<1x!tpu.dma_semaphore, #tpu.memory_space<semaphore_mem>> -> memref<!tpu.dma_semaphore, #tpu.memory_space<semaphore_mem>>
      %dma_start3A_291 = arith.constant 0 : i32
      %dma_start3A_292 = tpu.memref_slice %arg5[%add3A_280, %dma_start3A_291] : memref<409600x64xf32, #tpu.memory_space<hbm>> -> memref<200x64xf32, #tpu.memory_space<hbm>>
      %dma_start3A_293 = arith.constant 0 : i32
      %dma_start3A_294 = arith.constant 0 : i32
      %dma_start3A_295 = tpu.memref_slice %arg7[%dma_start3A_281, %dma_start3A_293, %dma_start3A_294] : memref<4x200x64xf32, #tpu.memory_space<vmem>> -> memref<1x200x64xf32, #tpu.memory_space<vmem>>
      %dma_start3A_296 = tpu.memref_squeeze %dma_start3A_295 : memref<1x200x64xf32, #tpu.memory_space<vmem>> -> memref<200x64xf32, #tpu.memory_space<vmem>>
      tpu.enqueue_dma source(%dma_start3A_296 : memref<200x64xf32, #tpu.memory_space<vmem>>) target(%dma_start3A_292 : memref<200x64xf32, #tpu.memory_space<hbm>>) target_semaphore(%dma_start3A_290 : memref<!tpu.dma_semaphore, #tpu.memory_space<semaphore_mem>>)
      %add3A_297 = arith.constant 4 : i32
      %add3A_298 = arith.addi %add3A_243, %add3A_297 : i32
      %sub3A_299 = arith.constant 1 : i32
      %sub3A_300 = arith.subi %add3A_298, %sub3A_299 : i32
      %ge3A_301 = arith.constant 1 : i32
      %ge3A_302 = arith.cmpi sge, %add3A_243, %ge3A_301 : i32
      %convert_element_type3A_303 = arith.extui %ge3A_302 : i1 to i32
      %cond3A_304 = arith.constant 0 : i32
      %cond3A_305 = arith.cmpi ne, %convert_element_type3A_303, %cond3A_304 : i32
      scf.if %cond3A_305 {
        %sub3A_382 = arith.constant 1 : i32
        %sub3A_383 = arith.subi %add3A_243, %sub3A_382 : i32
        %mul3A_384 = arith.constant 200 : i32
        %mul3A_385 = arith.muli %sub3A_383, %mul3A_384 : i32
        %add3A_386 = arith.addi %mul3A_2, %mul3A_385 : i32
        %dma_wait3A_387 = arith.constant 1 : i32
        %dma_wait3A_388 = arith.constant 1 : i32
        %dma_wait3A_389 = arith.constant 0 : i32
        %dma_wait3A_390 = arith.constant 0 : i32
        %dma_wait3A_391 = tpu.memref_slice %arg7[%dma_wait3A_387, %dma_wait3A_389, %dma_wait3A_390] : memref<4x200x64xf32, #tpu.memory_space<vmem>> -> memref<1x200x64xf32, #tpu.memory_space<vmem>>
        %dma_wait3A_392 = tpu.memref_squeeze %dma_wait3A_391 : memref<1x200x64xf32, #tpu.memory_space<vmem>> -> memref<200x64xf32, #tpu.memory_space<vmem>>
        %dma_wait3A_393 = arith.constant 0 : i32
        %dma_wait3A_394 = tpu.memref_slice %arg5[%add3A_386, %dma_wait3A_393] : memref<409600x64xf32, #tpu.memory_space<hbm>> -> memref<200x64xf32, #tpu.memory_space<hbm>>
        %dma_wait3A_395 = tpu.memref_slice %arg10[%dma_wait3A_388] : memref<4x!tpu.dma_semaphore, #tpu.memory_space<semaphore_mem>> -> memref<1x!tpu.dma_semaphore, #tpu.memory_space<semaphore_mem>>
        %dma_wait3A_396 = tpu.memref_squeeze %dma_wait3A_395 : memref<1x!tpu.dma_semaphore, #tpu.memory_space<semaphore_mem>> -> memref<!tpu.dma_semaphore, #tpu.memory_space<semaphore_mem>>
        %dma_wait3A_397 = arith.constant 0 : i32
        %dma_wait3A_398 = tpu.memref_slice %arg5[%add3A_386, %dma_wait3A_397] : memref<409600x64xf32, #tpu.memory_space<hbm>> -> memref<200x64xf32, #tpu.memory_space<hbm>>
        %dma_wait3A_399 = arith.constant 0 : i32
        %dma_wait3A_400 = arith.constant 0 : i32
        %dma_wait3A_401 = tpu.memref_slice %arg7[%dma_wait3A_387, %dma_wait3A_399, %dma_wait3A_400] : memref<4x200x64xf32, #tpu.memory_space<vmem>> -> memref<1x200x64xf32, #tpu.memory_space<vmem>>
        %dma_wait3A_402 = tpu.memref_squeeze %dma_wait3A_401 : memref<1x200x64xf32, #tpu.memory_space<vmem>> -> memref<200x64xf32, #tpu.memory_space<vmem>>
        tpu.wait_dma2 semaphore(%dma_wait3A_396 : memref<!tpu.dma_semaphore, #tpu.memory_space<semaphore_mem>>) src(%dma_wait3A_402 : memref<200x64xf32, #tpu.memory_space<vmem>>) dst(%dma_wait3A_398 : memref<200x64xf32, #tpu.memory_space<hbm>>)
      } else {
      }
      %lt3A_306 = arith.constant 64 : i32
      %lt3A_307 = arith.cmpi slt, %sub3A_300, %lt3A_306 : i32
      %convert_element_type3A_308 = arith.extui %lt3A_307 : i1 to i32
      %cond3A_309 = arith.constant 0 : i32
      %cond3A_310 = arith.cmpi ne, %convert_element_type3A_308, %cond3A_309 : i32
      scf.if %cond3A_310 {
        %mul3A_382 = arith.constant 200 : i32
        %mul3A_383 = arith.muli %sub3A_300, %mul3A_382 : i32
        %dma_start3A_384 = arith.constant 1 : i32
        %dma_start3A_385 = arith.constant 1 : i32
        %dma_start3A_386 = arith.constant 0 : i32
        %dma_start3A_387 = arith.constant 0 : i32
        %dma_start3A_388 = tpu.memref_slice %arg7[%dma_start3A_384, %dma_start3A_386, %dma_start3A_387] : memref<4x200x64xf32, #tpu.memory_space<vmem>> -> memref<1x128x64xf32, #tpu.memory_space<vmem>>
        %dma_start3A_389 = tpu.memref_squeeze %dma_start3A_388 : memref<1x128x64xf32, #tpu.memory_space<vmem>> -> memref<128x64xf32, #tpu.memory_space<vmem>>
        %dma_start3A_390 = tpu.memref_slice %arg6[%mul3A_383] : memref<12800xi32, #tpu.memory_space<vmem>> -> memref<128xi32, #tpu.memory_space<vmem>>
        %dma_start3A_391 = arith.constant 0 : i32
        %dma_start3A_392 = arith.constant 0 : i32
        %dma_start3A_393 = tpu.memref_slice %arg3[%dma_start3A_391, %dma_start3A_392] : memref<1000000x64xf32, #tpu.memory_space<hbm>> -> memref<1000000x64xf32, #tpu.memory_space<hbm>>
        %dma_start3A_394 = tpu.memref_slice %arg9[%dma_start3A_385] : memref<4x!tpu.dma_semaphore, #tpu.memory_space<semaphore_mem>> -> memref<1x!tpu.dma_semaphore, #tpu.memory_space<semaphore_mem>>
        %dma_start3A_395 = tpu.memref_squeeze %dma_start3A_394 : memref<1x!tpu.dma_semaphore, #tpu.memory_space<semaphore_mem>> -> memref<!tpu.dma_semaphore, #tpu.memory_space<semaphore_mem>>
        tpu.enqueue_indirect_dma source(%dma_start3A_393 : memref<1000000x64xf32, #tpu.memory_space<hbm>>) target(%dma_start3A_389 : memref<128x64xf32, #tpu.memory_space<vmem>>) offsets(%dma_start3A_390 : memref<128xi32, #tpu.memory_space<vmem>>) semaphore(%dma_start3A_395 : memref<!tpu.dma_semaphore, #tpu.memory_space<semaphore_mem>>)
        %add3A_396 = arith.constant 128 : i32
        %add3A_397 = arith.addi %mul3A_383, %add3A_396 : i32
        %dma_start3A_398 = arith.constant 1 : i32
        %dma_start3A_399 = arith.constant 1 : i32
        %dma_start3A_400 = arith.constant 128 : i32
        %dma_start3A_401 = arith.constant 0 : i32
        %dma_start3A_402 = tpu.memref_slice %arg7[%dma_start3A_398, %dma_start3A_400, %dma_start3A_401] : memref<4x200x64xf32, #tpu.memory_space<vmem>> -> memref<1x72x64xf32, #tpu.memory_space<vmem>>
        %dma_start3A_403 = tpu.memref_squeeze %dma_start3A_402 : memref<1x72x64xf32, #tpu.memory_space<vmem>> -> memref<72x64xf32, #tpu.memory_space<vmem>>
        %dma_start3A_404 = tpu.memref_slice %arg6[%add3A_397] : memref<12800xi32, #tpu.memory_space<vmem>> -> memref<72xi32, #tpu.memory_space<vmem>>
        %dma_start3A_405 = arith.constant 0 : i32
        %dma_start3A_406 = arith.constant 0 : i32
        %dma_start3A_407 = tpu.memref_slice %arg3[%dma_start3A_405, %dma_start3A_406] : memref<1000000x64xf32, #tpu.memory_space<hbm>> -> memref<1000000x64xf32, #tpu.memory_space<hbm>>
        %dma_start3A_408 = tpu.memref_slice %arg9[%dma_start3A_399] : memref<4x!tpu.dma_semaphore, #tpu.memory_space<semaphore_mem>> -> memref<1x!tpu.dma_semaphore, #tpu.memory_space<semaphore_mem>>
        %dma_start3A_409 = tpu.memref_squeeze %dma_start3A_408 : memref<1x!tpu.dma_semaphore, #tpu.memory_space<semaphore_mem>> -> memref<!tpu.dma_semaphore, #tpu.memory_space<semaphore_mem>>
        tpu.enqueue_indirect_dma source(%dma_start3A_407 : memref<1000000x64xf32, #tpu.memory_space<hbm>>) target(%dma_start3A_403 : memref<72x64xf32, #tpu.memory_space<vmem>>) offsets(%dma_start3A_404 : memref<72xi32, #tpu.memory_space<vmem>>) semaphore(%dma_start3A_409 : memref<!tpu.dma_semaphore, #tpu.memory_space<semaphore_mem>>)
      } else {
      }
      %mul3A_311 = arith.constant 4 : i32
      %mul3A_312 = arith.muli %scan3A_102, %mul3A_311 : i32
      %add3A_313 = arith.constant 3 : i32
      %add3A_314 = arith.addi %mul3A_312, %add3A_313 : i32
      %mul3A_315 = arith.constant 200 : i32
      %mul3A_316 = arith.muli %add3A_314, %mul3A_315 : i32
      %dma_wait3A_317 = arith.constant 3 : i32
      %dma_wait3A_318 = arith.constant 3 : i32
      %dma_wait3A_319 = arith.constant 0 : i32
      %dma_wait3A_320 = arith.constant 0 : i32
      %dma_wait3A_321 = tpu.memref_slice %arg7[%dma_wait3A_317, %dma_wait3A_319, %dma_wait3A_320] : memref<4x200x64xf32, #tpu.memory_space<vmem>> -> memref<1x128x64xf32, #tpu.memory_space<vmem>>
      %dma_wait3A_322 = tpu.memref_squeeze %dma_wait3A_321 : memref<1x128x64xf32, #tpu.memory_space<vmem>> -> memref<128x64xf32, #tpu.memory_space<vmem>>
      %dma_wait3A_323 = tpu.memref_slice %arg6[%mul3A_316] : memref<12800xi32, #tpu.memory_space<vmem>> -> memref<128xi32, #tpu.memory_space<vmem>>
      %dma_wait3A_324 = arith.constant 0 : i32
      %dma_wait3A_325 = arith.constant 0 : i32
      %dma_wait3A_326 = tpu.memref_slice %arg3[%dma_wait3A_324, %dma_wait3A_325] : memref<1000000x64xf32, #tpu.memory_space<hbm>> -> memref<1000000x64xf32, #tpu.memory_space<hbm>>
      %dma_wait3A_327 = tpu.memref_slice %arg9[%dma_wait3A_318] : memref<4x!tpu.dma_semaphore, #tpu.memory_space<semaphore_mem>> -> memref<1x!tpu.dma_semaphore, #tpu.memory_space<semaphore_mem>>
      %dma_wait3A_328 = tpu.memref_squeeze %dma_wait3A_327 : memref<1x!tpu.dma_semaphore, #tpu.memory_space<semaphore_mem>> -> memref<!tpu.dma_semaphore, #tpu.memory_space<semaphore_mem>>
      tpu.wait_indirect_dma semaphore(%dma_wait3A_328 : memref<!tpu.dma_semaphore, #tpu.memory_space<semaphore_mem>>) src(%dma_wait3A_326 : memref<1000000x64xf32, #tpu.memory_space<hbm>>) dst(%dma_wait3A_322 : memref<128x64xf32, #tpu.memory_space<vmem>>)
      %add3A_329 = arith.constant 128 : i32
      %add3A_330 = arith.addi %mul3A_316, %add3A_329 : i32
      %dma_wait3A_331 = arith.constant 3 : i32
      %dma_wait3A_332 = arith.constant 3 : i32
      %dma_wait3A_333 = arith.constant 128 : i32
      %dma_wait3A_334 = arith.constant 0 : i32
      %dma_wait3A_335 = tpu.memref_slice %arg7[%dma_wait3A_331, %dma_wait3A_333, %dma_wait3A_334] : memref<4x200x64xf32, #tpu.memory_space<vmem>> -> memref<1x72x64xf32, #tpu.memory_space<vmem>>
      %dma_wait3A_336 = tpu.memref_squeeze %dma_wait3A_335 : memref<1x72x64xf32, #tpu.memory_space<vmem>> -> memref<72x64xf32, #tpu.memory_space<vmem>>
      %dma_wait3A_337 = tpu.memref_slice %arg6[%add3A_330] : memref<12800xi32, #tpu.memory_space<vmem>> -> memref<72xi32, #tpu.memory_space<vmem>>
      %dma_wait3A_338 = arith.constant 0 : i32
      %dma_wait3A_339 = arith.constant 0 : i32
      %dma_wait3A_340 = tpu.memref_slice %arg3[%dma_wait3A_338, %dma_wait3A_339] : memref<1000000x64xf32, #tpu.memory_space<hbm>> -> memref<1000000x64xf32, #tpu.memory_space<hbm>>
      %dma_wait3A_341 = tpu.memref_slice %arg9[%dma_wait3A_332] : memref<4x!tpu.dma_semaphore, #tpu.memory_space<semaphore_mem>> -> memref<1x!tpu.dma_semaphore, #tpu.memory_space<semaphore_mem>>
      %dma_wait3A_342 = tpu.memref_squeeze %dma_wait3A_341 : memref<1x!tpu.dma_semaphore, #tpu.memory_space<semaphore_mem>> -> memref<!tpu.dma_semaphore, #tpu.memory_space<semaphore_mem>>
      tpu.wait_indirect_dma semaphore(%dma_wait3A_342 : memref<!tpu.dma_semaphore, #tpu.memory_space<semaphore_mem>>) src(%dma_wait3A_340 : memref<1000000x64xf32, #tpu.memory_space<hbm>>) dst(%dma_wait3A_336 : memref<72x64xf32, #tpu.memory_space<vmem>>)
      %scan3A_343 = arith.constant 0 : i32
      %scan3A_344 = arith.constant 0 : i32
      %scan3A_345 = arith.constant 200 : i32
      %scan3A_346 = arith.addi %scan3A_344, %scan3A_345 : i32
      %scan3A_347 = arith.constant 4 : i32
      scf.for %scan3A_382 = %scan3A_344 to %scan3A_346 step %scan3A_347  : i32 {
        %get3A = arith.index_cast %scan3A_382 : i32 to index
        %get3A_383 = arith.constant 0 : index
        %get3A_384 = tpu.vector_load %arg8[%get3A, %get3A_383] {strides = array<i32>} : memref<200x64xf32, #tpu.memory_space<vmem>>, vector<1x16xf32>,
        %get3A_385 = vector.shape_cast %get3A_384 : vector<1x16xf32> to vector<16xf32>
        %swap3A = arith.constant 3 : i32
        %swap3A_386 = arith.index_cast %swap3A : i32 to index
        %swap3A_387 = arith.index_cast %scan3A_382 : i32 to index
        %swap3A_388 = arith.constant 0 : index
        %swap3A_389 = tpu.vector_load %arg7[%swap3A_386, %swap3A_387, %swap3A_388] {strides = array<i32>} : memref<4x200x64xf32, #tpu.memory_space<vmem>>, vector<1x1x16xf32>,
        %swap3A_390 = vector.shape_cast %swap3A_389 : vector<1x1x16xf32> to vector<16xf32>
        %swap3A_391 = vector.shape_cast %get3A_385 : vector<16xf32> to vector<1x1x16xf32>
        tpu.vector_store %arg7[%swap3A_386, %swap3A_387, %swap3A_388], %swap3A_391 {add = true, strides = array<i32>} : memref<4x200x64xf32, #tpu.memory_space<vmem>>, vector<1x1x16xf32>,
        %get3A_392 = arith.index_cast %scan3A_382 : i32 to index
        %get3A_393 = arith.constant 16 : index
        %get3A_394 = tpu.vector_load %arg8[%get3A_392, %get3A_393] {strides = array<i32>} : memref<200x64xf32, #tpu.memory_space<vmem>>, vector<1x16xf32>,
        %get3A_395 = vector.shape_cast %get3A_394 : vector<1x16xf32> to vector<16xf32>
        %swap3A_396 = arith.constant 3 : i32
        %swap3A_397 = arith.index_cast %swap3A_396 : i32 to index
        %swap3A_398 = arith.index_cast %scan3A_382 : i32 to index
        %swap3A_399 = arith.constant 16 : index
        %swap3A_400 = tpu.vector_load %arg7[%swap3A_397, %swap3A_398, %swap3A_399] {strides = array<i32>} : memref<4x200x64xf32, #tpu.memory_space<vmem>>, vector<1x1x16xf32>,
        %swap3A_401 = vector.shape_cast %swap3A_400 : vector<1x1x16xf32> to vector<16xf32>
        %swap3A_402 = vector.shape_cast %get3A_395 : vector<16xf32> to vector<1x1x16xf32>
        tpu.vector_store %arg7[%swap3A_397, %swap3A_398, %swap3A_399], %swap3A_402 {add = true, strides = array<i32>} : memref<4x200x64xf32, #tpu.memory_space<vmem>>, vector<1x1x16xf32>,
        %get3A_403 = arith.index_cast %scan3A_382 : i32 to index
        %get3A_404 = arith.constant 32 : index
        %get3A_405 = tpu.vector_load %arg8[%get3A_403, %get3A_404] {strides = array<i32>} : memref<200x64xf32, #tpu.memory_space<vmem>>, vector<1x16xf32>,
        %get3A_406 = vector.shape_cast %get3A_405 : vector<1x16xf32> to vector<16xf32>
        %swap3A_407 = arith.constant 3 : i32
        %swap3A_408 = arith.index_cast %swap3A_407 : i32 to index
        %swap3A_409 = arith.index_cast %scan3A_382 : i32 to index
        %swap3A_410 = arith.constant 32 : index
        %swap3A_411 = tpu.vector_load %arg7[%swap3A_408, %swap3A_409, %swap3A_410] {strides = array<i32>} : memref<4x200x64xf32, #tpu.memory_space<vmem>>, vector<1x1x16xf32>,
        %swap3A_412 = vector.shape_cast %swap3A_411 : vector<1x1x16xf32> to vector<16xf32>
        %swap3A_413 = vector.shape_cast %get3A_406 : vector<16xf32> to vector<1x1x16xf32>
        tpu.vector_store %arg7[%swap3A_408, %swap3A_409, %swap3A_410], %swap3A_413 {add = true, strides = array<i32>} : memref<4x200x64xf32, #tpu.memory_space<vmem>>, vector<1x1x16xf32>,
        %get3A_414 = arith.index_cast %scan3A_382 : i32 to index
        %get3A_415 = arith.constant 48 : index
        %get3A_416 = tpu.vector_load %arg8[%get3A_414, %get3A_415] {strides = array<i32>} : memref<200x64xf32, #tpu.memory_space<vmem>>, vector<1x16xf32>,
        %get3A_417 = vector.shape_cast %get3A_416 : vector<1x16xf32> to vector<16xf32>
        %swap3A_418 = arith.constant 3 : i32
        %swap3A_419 = arith.index_cast %swap3A_418 : i32 to index
        %swap3A_420 = arith.index_cast %scan3A_382 : i32 to index
        %swap3A_421 = arith.constant 48 : index
        %swap3A_422 = tpu.vector_load %arg7[%swap3A_419, %swap3A_420, %swap3A_421] {strides = array<i32>} : memref<4x200x64xf32, #tpu.memory_space<vmem>>, vector<1x1x16xf32>,
        %swap3A_423 = vector.shape_cast %swap3A_422 : vector<1x1x16xf32> to vector<16xf32>
        %swap3A_424 = vector.shape_cast %get3A_417 : vector<16xf32> to vector<1x1x16xf32>
        tpu.vector_store %arg7[%swap3A_419, %swap3A_420, %swap3A_421], %swap3A_424 {add = true, strides = array<i32>} : memref<4x200x64xf32, #tpu.memory_space<vmem>>, vector<1x1x16xf32>,
        %scan3A_425 = arith.constant 1 : i32
        %scan3A_426 = arith.addi %scan3A_382, %scan3A_425 : i32
        %get3A_427 = arith.index_cast %scan3A_426 : i32 to index
        %get3A_428 = arith.constant 0 : index
        %get3A_429 = tpu.vector_load %arg8[%get3A_427, %get3A_428] {strides = array<i32>} : memref<200x64xf32, #tpu.memory_space<vmem>>, vector<1x16xf32>,
        %get3A_430 = vector.shape_cast %get3A_429 : vector<1x16xf32> to vector<16xf32>
        %swap3A_431 = arith.constant 3 : i32
        %swap3A_432 = arith.index_cast %swap3A_431 : i32 to index
        %swap3A_433 = arith.index_cast %scan3A_426 : i32 to index
        %swap3A_434 = arith.constant 0 : index
        %swap3A_435 = tpu.vector_load %arg7[%swap3A_432, %swap3A_433, %swap3A_434] {strides = array<i32>} : memref<4x200x64xf32, #tpu.memory_space<vmem>>, vector<1x1x16xf32>,
        %swap3A_436 = vector.shape_cast %swap3A_435 : vector<1x1x16xf32> to vector<16xf32>
        %swap3A_437 = vector.shape_cast %get3A_430 : vector<16xf32> to vector<1x1x16xf32>
        tpu.vector_store %arg7[%swap3A_432, %swap3A_433, %swap3A_434], %swap3A_437 {add = true, strides = array<i32>} : memref<4x200x64xf32, #tpu.memory_space<vmem>>, vector<1x1x16xf32>,
        %get3A_438 = arith.index_cast %scan3A_426 : i32 to index
        %get3A_439 = arith.constant 16 : index
        %get3A_440 = tpu.vector_load %arg8[%get3A_438, %get3A_439] {strides = array<i32>} : memref<200x64xf32, #tpu.memory_space<vmem>>, vector<1x16xf32>,
        %get3A_441 = vector.shape_cast %get3A_440 : vector<1x16xf32> to vector<16xf32>
        %swap3A_442 = arith.constant 3 : i32
        %swap3A_443 = arith.index_cast %swap3A_442 : i32 to index
        %swap3A_444 = arith.index_cast %scan3A_426 : i32 to index
        %swap3A_445 = arith.constant 16 : index
        %swap3A_446 = tpu.vector_load %arg7[%swap3A_443, %swap3A_444, %swap3A_445] {strides = array<i32>} : memref<4x200x64xf32, #tpu.memory_space<vmem>>, vector<1x1x16xf32>,
        %swap3A_447 = vector.shape_cast %swap3A_446 : vector<1x1x16xf32> to vector<16xf32>
        %swap3A_448 = vector.shape_cast %get3A_441 : vector<16xf32> to vector<1x1x16xf32>
        tpu.vector_store %arg7[%swap3A_443, %swap3A_444, %swap3A_445], %swap3A_448 {add = true, strides = array<i32>} : memref<4x200x64xf32, #tpu.memory_space<vmem>>, vector<1x1x16xf32>,
        %get3A_449 = arith.index_cast %scan3A_426 : i32 to index
        %get3A_450 = arith.constant 32 : index
        %get3A_451 = tpu.vector_load %arg8[%get3A_449, %get3A_450] {strides = array<i32>} : memref<200x64xf32, #tpu.memory_space<vmem>>, vector<1x16xf32>,
        %get3A_452 = vector.shape_cast %get3A_451 : vector<1x16xf32> to vector<16xf32>
        %swap3A_453 = arith.constant 3 : i32
        %swap3A_454 = arith.index_cast %swap3A_453 : i32 to index
        %swap3A_455 = arith.index_cast %scan3A_426 : i32 to index
        %swap3A_456 = arith.constant 32 : index
        %swap3A_457 = tpu.vector_load %arg7[%swap3A_454, %swap3A_455, %swap3A_456] {strides = array<i32>} : memref<4x200x64xf32, #tpu.memory_space<vmem>>, vector<1x1x16xf32>,
        %swap3A_458 = vector.shape_cast %swap3A_457 : vector<1x1x16xf32> to vector<16xf32>
        %swap3A_459 = vector.shape_cast %get3A_452 : vector<16xf32> to vector<1x1x16xf32>
        tpu.vector_store %arg7[%swap3A_454, %swap3A_455, %swap3A_456], %swap3A_459 {add = true, strides = array<i32>} : memref<4x200x64xf32, #tpu.memory_space<vmem>>, vector<1x1x16xf32>,
        %get3A_460 = arith.index_cast %scan3A_426 : i32 to index
        %get3A_461 = arith.constant 48 : index
        %get3A_462 = tpu.vector_load %arg8[%get3A_460, %get3A_461] {strides = array<i32>} : memref<200x64xf32, #tpu.memory_space<vmem>>, vector<1x16xf32>,
        %get3A_463 = vector.shape_cast %get3A_462 : vector<1x16xf32> to vector<16xf32>
        %swap3A_464 = arith.constant 3 : i32
        %swap3A_465 = arith.index_cast %swap3A_464 : i32 to index
        %swap3A_466 = arith.index_cast %scan3A_426 : i32 to index
        %swap3A_467 = arith.constant 48 : index
        %swap3A_468 = tpu.vector_load %arg7[%swap3A_465, %swap3A_466, %swap3A_467] {strides = array<i32>} : memref<4x200x64xf32, #tpu.memory_space<vmem>>, vector<1x1x16xf32>,
        %swap3A_469 = vector.shape_cast %swap3A_468 : vector<1x1x16xf32> to vector<16xf32>
        %swap3A_470 = vector.shape_cast %get3A_463 : vector<16xf32> to vector<1x1x16xf32>
        tpu.vector_store %arg7[%swap3A_465, %swap3A_466, %swap3A_467], %swap3A_470 {add = true, strides = array<i32>} : memref<4x200x64xf32, #tpu.memory_space<vmem>>, vector<1x1x16xf32>,
        %scan3A_471 = arith.constant 2 : i32
        %scan3A_472 = arith.addi %scan3A_382, %scan3A_471 : i32
        %get3A_473 = arith.index_cast %scan3A_472 : i32 to index
        %get3A_474 = arith.constant 0 : index
        %get3A_475 = tpu.vector_load %arg8[%get3A_473, %get3A_474] {strides = array<i32>} : memref<200x64xf32, #tpu.memory_space<vmem>>, vector<1x16xf32>,
        %get3A_476 = vector.shape_cast %get3A_475 : vector<1x16xf32> to vector<16xf32>
        %swap3A_477 = arith.constant 3 : i32
        %swap3A_478 = arith.index_cast %swap3A_477 : i32 to index
        %swap3A_479 = arith.index_cast %scan3A_472 : i32 to index
        %swap3A_480 = arith.constant 0 : index
        %swap3A_481 = tpu.vector_load %arg7[%swap3A_478, %swap3A_479, %swap3A_480] {strides = array<i32>} : memref<4x200x64xf32, #tpu.memory_space<vmem>>, vector<1x1x16xf32>,
        %swap3A_482 = vector.shape_cast %swap3A_481 : vector<1x1x16xf32> to vector<16xf32>
        %swap3A_483 = vector.shape_cast %get3A_476 : vector<16xf32> to vector<1x1x16xf32>
        tpu.vector_store %arg7[%swap3A_478, %swap3A_479, %swap3A_480], %swap3A_483 {add = true, strides = array<i32>} : memref<4x200x64xf32, #tpu.memory_space<vmem>>, vector<1x1x16xf32>,
        %get3A_484 = arith.index_cast %scan3A_472 : i32 to index
        %get3A_485 = arith.constant 16 : index
        %get3A_486 = tpu.vector_load %arg8[%get3A_484, %get3A_485] {strides = array<i32>} : memref<200x64xf32, #tpu.memory_space<vmem>>, vector<1x16xf32>,
        %get3A_487 = vector.shape_cast %get3A_486 : vector<1x16xf32> to vector<16xf32>
        %swap3A_488 = arith.constant 3 : i32
        %swap3A_489 = arith.index_cast %swap3A_488 : i32 to index
        %swap3A_490 = arith.index_cast %scan3A_472 : i32 to index
        %swap3A_491 = arith.constant 16 : index
        %swap3A_492 = tpu.vector_load %arg7[%swap3A_489, %swap3A_490, %swap3A_491] {strides = array<i32>} : memref<4x200x64xf32, #tpu.memory_space<vmem>>, vector<1x1x16xf32>,
        %swap3A_493 = vector.shape_cast %swap3A_492 : vector<1x1x16xf32> to vector<16xf32>
        %swap3A_494 = vector.shape_cast %get3A_487 : vector<16xf32> to vector<1x1x16xf32>
        tpu.vector_store %arg7[%swap3A_489, %swap3A_490, %swap3A_491], %swap3A_494 {add = true, strides = array<i32>} : memref<4x200x64xf32, #tpu.memory_space<vmem>>, vector<1x1x16xf32>,
        %get3A_495 = arith.index_cast %scan3A_472 : i32 to index
        %get3A_496 = arith.constant 32 : index
        %get3A_497 = tpu.vector_load %arg8[%get3A_495, %get3A_496] {strides = array<i32>} : memref<200x64xf32, #tpu.memory_space<vmem>>, vector<1x16xf32>,
        %get3A_498 = vector.shape_cast %get3A_497 : vector<1x16xf32> to vector<16xf32>
        %swap3A_499 = arith.constant 3 : i32
        %swap3A_500 = arith.index_cast %swap3A_499 : i32 to index
        %swap3A_501 = arith.index_cast %scan3A_472 : i32 to index
        %swap3A_502 = arith.constant 32 : index
        %swap3A_503 = tpu.vector_load %arg7[%swap3A_500, %swap3A_501, %swap3A_502] {strides = array<i32>} : memref<4x200x64xf32, #tpu.memory_space<vmem>>, vector<1x1x16xf32>,
        %swap3A_504 = vector.shape_cast %swap3A_503 : vector<1x1x16xf32> to vector<16xf32>
        %swap3A_505 = vector.shape_cast %get3A_498 : vector<16xf32> to vector<1x1x16xf32>
        tpu.vector_store %arg7[%swap3A_500, %swap3A_501, %swap3A_502], %swap3A_505 {add = true, strides = array<i32>} : memref<4x200x64xf32, #tpu.memory_space<vmem>>, vector<1x1x16xf32>,
        %get3A_506 = arith.index_cast %scan3A_472 : i32 to index
        %get3A_507 = arith.constant 48 : index
        %get3A_508 = tpu.vector_load %arg8[%get3A_506, %get3A_507] {strides = array<i32>} : memref<200x64xf32, #tpu.memory_space<vmem>>, vector<1x16xf32>,
        %get3A_509 = vector.shape_cast %get3A_508 : vector<1x16xf32> to vector<16xf32>
        %swap3A_510 = arith.constant 3 : i32
        %swap3A_511 = arith.index_cast %swap3A_510 : i32 to index
        %swap3A_512 = arith.index_cast %scan3A_472 : i32 to index
        %swap3A_513 = arith.constant 48 : index
        %swap3A_514 = tpu.vector_load %arg7[%swap3A_511, %swap3A_512, %swap3A_513] {strides = array<i32>} : memref<4x200x64xf32, #tpu.memory_space<vmem>>, vector<1x1x16xf32>,
        %swap3A_515 = vector.shape_cast %swap3A_514 : vector<1x1x16xf32> to vector<16xf32>
        %swap3A_516 = vector.shape_cast %get3A_509 : vector<16xf32> to vector<1x1x16xf32>
        tpu.vector_store %arg7[%swap3A_511, %swap3A_512, %swap3A_513], %swap3A_516 {add = true, strides = array<i32>} : memref<4x200x64xf32, #tpu.memory_space<vmem>>, vector<1x1x16xf32>,
        %scan3A_517 = arith.constant 3 : i32
        %scan3A_518 = arith.addi %scan3A_382, %scan3A_517 : i32
        %get3A_519 = arith.index_cast %scan3A_518 : i32 to index
        %get3A_520 = arith.constant 0 : index
        %get3A_521 = tpu.vector_load %arg8[%get3A_519, %get3A_520] {strides = array<i32>} : memref<200x64xf32, #tpu.memory_space<vmem>>, vector<1x16xf32>,
        %get3A_522 = vector.shape_cast %get3A_521 : vector<1x16xf32> to vector<16xf32>
        %swap3A_523 = arith.constant 3 : i32
        %swap3A_524 = arith.index_cast %swap3A_523 : i32 to index
        %swap3A_525 = arith.index_cast %scan3A_518 : i32 to index
        %swap3A_526 = arith.constant 0 : index
        %swap3A_527 = tpu.vector_load %arg7[%swap3A_524, %swap3A_525, %swap3A_526] {strides = array<i32>} : memref<4x200x64xf32, #tpu.memory_space<vmem>>, vector<1x1x16xf32>,
        %swap3A_528 = vector.shape_cast %swap3A_527 : vector<1x1x16xf32> to vector<16xf32>
        %swap3A_529 = vector.shape_cast %get3A_522 : vector<16xf32> to vector<1x1x16xf32>
        tpu.vector_store %arg7[%swap3A_524, %swap3A_525, %swap3A_526], %swap3A_529 {add = true, strides = array<i32>} : memref<4x200x64xf32, #tpu.memory_space<vmem>>, vector<1x1x16xf32>,
        %get3A_530 = arith.index_cast %scan3A_518 : i32 to index
        %get3A_531 = arith.constant 16 : index
        %get3A_532 = tpu.vector_load %arg8[%get3A_530, %get3A_531] {strides = array<i32>} : memref<200x64xf32, #tpu.memory_space<vmem>>, vector<1x16xf32>,
        %get3A_533 = vector.shape_cast %get3A_532 : vector<1x16xf32> to vector<16xf32>
        %swap3A_534 = arith.constant 3 : i32
        %swap3A_535 = arith.index_cast %swap3A_534 : i32 to index
        %swap3A_536 = arith.index_cast %scan3A_518 : i32 to index
        %swap3A_537 = arith.constant 16 : index
        %swap3A_538 = tpu.vector_load %arg7[%swap3A_535, %swap3A_536, %swap3A_537] {strides = array<i32>} : memref<4x200x64xf32, #tpu.memory_space<vmem>>, vector<1x1x16xf32>,
        %swap3A_539 = vector.shape_cast %swap3A_538 : vector<1x1x16xf32> to vector<16xf32>
        %swap3A_540 = vector.shape_cast %get3A_533 : vector<16xf32> to vector<1x1x16xf32>
        tpu.vector_store %arg7[%swap3A_535, %swap3A_536, %swap3A_537], %swap3A_540 {add = true, strides = array<i32>} : memref<4x200x64xf32, #tpu.memory_space<vmem>>, vector<1x1x16xf32>,
        %get3A_541 = arith.index_cast %scan3A_518 : i32 to index
        %get3A_542 = arith.constant 32 : index
        %get3A_543 = tpu.vector_load %arg8[%get3A_541, %get3A_542] {strides = array<i32>} : memref<200x64xf32, #tpu.memory_space<vmem>>, vector<1x16xf32>,
        %get3A_544 = vector.shape_cast %get3A_543 : vector<1x16xf32> to vector<16xf32>
        %swap3A_545 = arith.constant 3 : i32
        %swap3A_546 = arith.index_cast %swap3A_545 : i32 to index
        %swap3A_547 = arith.index_cast %scan3A_518 : i32 to index
        %swap3A_548 = arith.constant 32 : index
        %swap3A_549 = tpu.vector_load %arg7[%swap3A_546, %swap3A_547, %swap3A_548] {strides = array<i32>} : memref<4x200x64xf32, #tpu.memory_space<vmem>>, vector<1x1x16xf32>,
        %swap3A_550 = vector.shape_cast %swap3A_549 : vector<1x1x16xf32> to vector<16xf32>
        %swap3A_551 = vector.shape_cast %get3A_544 : vector<16xf32> to vector<1x1x16xf32>
        tpu.vector_store %arg7[%swap3A_546, %swap3A_547, %swap3A_548], %swap3A_551 {add = true, strides = array<i32>} : memref<4x200x64xf32, #tpu.memory_space<vmem>>, vector<1x1x16xf32>,
        %get3A_552 = arith.index_cast %scan3A_518 : i32 to index
        %get3A_553 = arith.constant 48 : index
        %get3A_554 = tpu.vector_load %arg8[%get3A_552, %get3A_553] {strides = array<i32>} : memref<200x64xf32, #tpu.memory_space<vmem>>, vector<1x16xf32>,
        %get3A_555 = vector.shape_cast %get3A_554 : vector<1x16xf32> to vector<16xf32>
        %swap3A_556 = arith.constant 3 : i32
        %swap3A_557 = arith.index_cast %swap3A_556 : i32 to index
        %swap3A_558 = arith.index_cast %scan3A_518 : i32 to index
        %swap3A_559 = arith.constant 48 : index
        %swap3A_560 = tpu.vector_load %arg7[%swap3A_557, %swap3A_558, %swap3A_559] {strides = array<i32>} : memref<4x200x64xf32, #tpu.memory_space<vmem>>, vector<1x1x16xf32>,
        %swap3A_561 = vector.shape_cast %swap3A_560 : vector<1x1x16xf32> to vector<16xf32>
        %swap3A_562 = vector.shape_cast %get3A_555 : vector<16xf32> to vector<1x1x16xf32>
        tpu.vector_store %arg7[%swap3A_557, %swap3A_558, %swap3A_559], %swap3A_562 {add = true, strides = array<i32>} : memref<4x200x64xf32, #tpu.memory_space<vmem>>, vector<1x1x16xf32>,
      }
      %scan3A_348 = arith.constant 200 : i32
      %mul3A_349 = arith.constant 200 : i32
      %mul3A_350 = arith.muli %add3A_314, %mul3A_349 : i32
      %add3A_351 = arith.addi %mul3A_2, %mul3A_350 : i32
      %dma_start3A_352 = arith.constant 3 : i32
      %dma_start3A_353 = arith.constant 3 : i32
      %dma_start3A_354 = arith.constant 0 : i32
      %dma_start3A_355 = arith.constant 0 : i32
      %dma_start3A_356 = tpu.memref_slice %arg7[%dma_start3A_352, %dma_start3A_354, %dma_start3A_355] : memref<4x200x64xf32, #tpu.memory_space<vmem>> -> memref<1x200x64xf32, #tpu.memory_space<vmem>>
      %dma_start3A_357 = tpu.memref_squeeze %dma_start3A_356 : memref<1x200x64xf32, #tpu.memory_space<vmem>> -> memref<200x64xf32, #tpu.memory_space<vmem>>
      %dma_start3A_358 = arith.constant 0 : i32
      %dma_start3A_359 = tpu.memref_slice %arg5[%add3A_351, %dma_start3A_358] : memref<409600x64xf32, #tpu.memory_space<hbm>> -> memref<200x64xf32, #tpu.memory_space<hbm>>
      %dma_start3A_360 = tpu.memref_slice %arg10[%dma_start3A_353] : memref<4x!tpu.dma_semaphore, #tpu.memory_space<semaphore_mem>> -> memref<1x!tpu.dma_semaphore, #tpu.memory_space<semaphore_mem>>
      %dma_start3A_361 = tpu.memref_squeeze %dma_start3A_360 : memref<1x!tpu.dma_semaphore, #tpu.memory_space<semaphore_mem>> -> memref<!tpu.dma_semaphore, #tpu.memory_space<semaphore_mem>>
      %dma_start3A_362 = arith.constant 0 : i32
      %dma_start3A_363 = tpu.memref_slice %arg5[%add3A_351, %dma_start3A_362] : memref<409600x64xf32, #tpu.memory_space<hbm>> -> memref<200x64xf32, #tpu.memory_space<hbm>>
      %dma_start3A_364 = arith.constant 0 : i32
      %dma_start3A_365 = arith.constant 0 : i32
      %dma_start3A_366 = tpu.memref_slice %arg7[%dma_start3A_352, %dma_start3A_364, %dma_start3A_365] : memref<4x200x64xf32, #tpu.memory_space<vmem>> -> memref<1x200x64xf32, #tpu.memory_space<vmem>>
      %dma_start3A_367 = tpu.memref_squeeze %dma_start3A_366 : memref<1x200x64xf32, #tpu.memory_space<vmem>> -> memref<200x64xf32, #tpu.memory_space<vmem>>
      tpu.enqueue_dma source(%dma_start3A_367 : memref<200x64xf32, #tpu.memory_space<vmem>>) target(%dma_start3A_363 : memref<200x64xf32, #tpu.memory_space<hbm>>) target_semaphore(%dma_start3A_361 : memref<!tpu.dma_semaphore, #tpu.memory_space<semaphore_mem>>)
      %add3A_368 = arith.constant 4 : i32
      %add3A_369 = arith.addi %add3A_314, %add3A_368 : i32
      %sub3A_370 = arith.constant 1 : i32
      %sub3A_371 = arith.subi %add3A_369, %sub3A_370 : i32
      %ge3A_372 = arith.constant 1 : i32
      %ge3A_373 = arith.cmpi sge, %add3A_314, %ge3A_372 : i32
      %convert_element_type3A_374 = arith.extui %ge3A_373 : i1 to i32
      %cond3A_375 = arith.constant 0 : i32
      %cond3A_376 = arith.cmpi ne, %convert_element_type3A_374, %cond3A_375 : i32
      scf.if %cond3A_376 {
        %sub3A_382 = arith.constant 1 : i32
        %sub3A_383 = arith.subi %add3A_314, %sub3A_382 : i32
        %mul3A_384 = arith.constant 200 : i32
        %mul3A_385 = arith.muli %sub3A_383, %mul3A_384 : i32
        %add3A_386 = arith.addi %mul3A_2, %mul3A_385 : i32
        %dma_wait3A_387 = arith.constant 2 : i32
        %dma_wait3A_388 = arith.constant 2 : i32
        %dma_wait3A_389 = arith.constant 0 : i32
        %dma_wait3A_390 = arith.constant 0 : i32
        %dma_wait3A_391 = tpu.memref_slice %arg7[%dma_wait3A_387, %dma_wait3A_389, %dma_wait3A_390] : memref<4x200x64xf32, #tpu.memory_space<vmem>> -> memref<1x200x64xf32, #tpu.memory_space<vmem>>
        %dma_wait3A_392 = tpu.memref_squeeze %dma_wait3A_391 : memref<1x200x64xf32, #tpu.memory_space<vmem>> -> memref<200x64xf32, #tpu.memory_space<vmem>>
        %dma_wait3A_393 = arith.constant 0 : i32
        %dma_wait3A_394 = tpu.memref_slice %arg5[%add3A_386, %dma_wait3A_393] : memref<409600x64xf32, #tpu.memory_space<hbm>> -> memref<200x64xf32, #tpu.memory_space<hbm>>
        %dma_wait3A_395 = tpu.memref_slice %arg10[%dma_wait3A_388] : memref<4x!tpu.dma_semaphore, #tpu.memory_space<semaphore_mem>> -> memref<1x!tpu.dma_semaphore, #tpu.memory_space<semaphore_mem>>
        %dma_wait3A_396 = tpu.memref_squeeze %dma_wait3A_395 : memref<1x!tpu.dma_semaphore, #tpu.memory_space<semaphore_mem>> -> memref<!tpu.dma_semaphore, #tpu.memory_space<semaphore_mem>>
        %dma_wait3A_397 = arith.constant 0 : i32
        %dma_wait3A_398 = tpu.memref_slice %arg5[%add3A_386, %dma_wait3A_397] : memref<409600x64xf32, #tpu.memory_space<hbm>> -> memref<200x64xf32, #tpu.memory_space<hbm>>
        %dma_wait3A_399 = arith.constant 0 : i32
        %dma_wait3A_400 = arith.constant 0 : i32
        %dma_wait3A_401 = tpu.memref_slice %arg7[%dma_wait3A_387, %dma_wait3A_399, %dma_wait3A_400] : memref<4x200x64xf32, #tpu.memory_space<vmem>> -> memref<1x200x64xf32, #tpu.memory_space<vmem>>
        %dma_wait3A_402 = tpu.memref_squeeze %dma_wait3A_401 : memref<1x200x64xf32, #tpu.memory_space<vmem>> -> memref<200x64xf32, #tpu.memory_space<vmem>>
        tpu.wait_dma2 semaphore(%dma_wait3A_396 : memref<!tpu.dma_semaphore, #tpu.memory_space<semaphore_mem>>) src(%dma_wait3A_402 : memref<200x64xf32, #tpu.memory_space<vmem>>) dst(%dma_wait3A_398 : memref<200x64xf32, #tpu.memory_space<hbm>>)
      } else {
      }
      %lt3A_377 = arith.constant 64 : i32
      %lt3A_378 = arith.cmpi slt, %sub3A_371, %lt3A_377 : i32
      %convert_element_type3A_379 = arith.extui %lt3A_378 : i1 to i32
      %cond3A_380 = arith.constant 0 : i32
      %cond3A_381 = arith.cmpi ne, %convert_element_type3A_379, %cond3A_380 : i32
      scf.if %cond3A_381 {
        %mul3A_382 = arith.constant 200 : i32
        %mul3A_383 = arith.muli %sub3A_371, %mul3A_382 : i32
        %dma_start3A_384 = arith.constant 2 : i32
        %dma_start3A_385 = arith.constant 2 : i32
        %dma_start3A_386 = arith.constant 0 : i32
        %dma_start3A_387 = arith.constant 0 : i32
        %dma_start3A_388 = tpu.memref_slice %arg7[%dma_start3A_384, %dma_start3A_386, %dma_start3A_387] : memref<4x200x64xf32, #tpu.memory_space<vmem>> -> memref<1x128x64xf32, #tpu.memory_space<vmem>>
        %dma_start3A_389 = tpu.memref_squeeze %dma_start3A_388 : memref<1x128x64xf32, #tpu.memory_space<vmem>> -> memref<128x64xf32, #tpu.memory_space<vmem>>
        %dma_start3A_390 = tpu.memref_slice %arg6[%mul3A_383] : memref<12800xi32, #tpu.memory_space<vmem>> -> memref<128xi32, #tpu.memory_space<vmem>>
        %dma_start3A_391 = arith.constant 0 : i32
        %dma_start3A_392 = arith.constant 0 : i32
        %dma_start3A_393 = tpu.memref_slice %arg3[%dma_start3A_391, %dma_start3A_392] : memref<1000000x64xf32, #tpu.memory_space<hbm>> -> memref<1000000x64xf32, #tpu.memory_space<hbm>>
        %dma_start3A_394 = tpu.memref_slice %arg9[%dma_start3A_385] : memref<4x!tpu.dma_semaphore, #tpu.memory_space<semaphore_mem>> -> memref<1x!tpu.dma_semaphore, #tpu.memory_space<semaphore_mem>>
        %dma_start3A_395 = tpu.memref_squeeze %dma_start3A_394 : memref<1x!tpu.dma_semaphore, #tpu.memory_space<semaphore_mem>> -> memref<!tpu.dma_semaphore, #tpu.memory_space<semaphore_mem>>
        tpu.enqueue_indirect_dma source(%dma_start3A_393 : memref<1000000x64xf32, #tpu.memory_space<hbm>>) target(%dma_start3A_389 : memref<128x64xf32, #tpu.memory_space<vmem>>) offsets(%dma_start3A_390 : memref<128xi32, #tpu.memory_space<vmem>>) semaphore(%dma_start3A_395 : memref<!tpu.dma_semaphore, #tpu.memory_space<semaphore_mem>>)
        %add3A_396 = arith.constant 128 : i32
        %add3A_397 = arith.addi %mul3A_383, %add3A_396 : i32
        %dma_start3A_398 = arith.constant 2 : i32
        %dma_start3A_399 = arith.constant 2 : i32
        %dma_start3A_400 = arith.constant 128 : i32
        %dma_start3A_401 = arith.constant 0 : i32
        %dma_start3A_402 = tpu.memref_slice %arg7[%dma_start3A_398, %dma_start3A_400, %dma_start3A_401] : memref<4x200x64xf32, #tpu.memory_space<vmem>> -> memref<1x72x64xf32, #tpu.memory_space<vmem>>
        %dma_start3A_403 = tpu.memref_squeeze %dma_start3A_402 : memref<1x72x64xf32, #tpu.memory_space<vmem>> -> memref<72x64xf32, #tpu.memory_space<vmem>>
        %dma_start3A_404 = tpu.memref_slice %arg6[%add3A_397] : memref<12800xi32, #tpu.memory_space<vmem>> -> memref<72xi32, #tpu.memory_space<vmem>>
        %dma_start3A_405 = arith.constant 0 : i32
        %dma_start3A_406 = arith.constant 0 : i32
        %dma_start3A_407 = tpu.memref_slice %arg3[%dma_start3A_405, %dma_start3A_406] : memref<1000000x64xf32, #tpu.memory_space<hbm>> -> memref<1000000x64xf32, #tpu.memory_space<hbm>>
        %dma_start3A_408 = tpu.memref_slice %arg9[%dma_start3A_399] : memref<4x!tpu.dma_semaphore, #tpu.memory_space<semaphore_mem>> -> memref<1x!tpu.dma_semaphore, #tpu.memory_space<semaphore_mem>>
        %dma_start3A_409 = tpu.memref_squeeze %dma_start3A_408 : memref<1x!tpu.dma_semaphore, #tpu.memory_space<semaphore_mem>> -> memref<!tpu.dma_semaphore, #tpu.memory_space<semaphore_mem>>
        tpu.enqueue_indirect_dma source(%dma_start3A_407 : memref<1000000x64xf32, #tpu.memory_space<hbm>>) target(%dma_start3A_403 : memref<72x64xf32, #tpu.memory_space<vmem>>) offsets(%dma_start3A_404 : memref<72xi32, #tpu.memory_space<vmem>>) semaphore(%dma_start3A_409 : memref<!tpu.dma_semaphore, #tpu.memory_space<semaphore_mem>>)
      } else {
      }
    }
    %scan3A_84 = arith.constant 16 : i32
    %add3A_85 = arith.constant 12600 : i32
    %add3A_86 = arith.addi %mul3A_2, %add3A_85 : i32
    %dma_wait3A = arith.constant 3 : i32
    %dma_wait3A_87 = arith.constant 3 : i32
    %dma_wait3A_88 = arith.constant 0 : i32
    %dma_wait3A_89 = arith.constant 0 : i32
    %dma_wait3A_90 = tpu.memref_slice %arg7[%dma_wait3A, %dma_wait3A_88, %dma_wait3A_89] : memref<4x200x64xf32, #tpu.memory_space<vmem>> -> memref<1x200x64xf32, #tpu.memory_space<vmem>>
    %dma_wait3A_91 = tpu.memref_squeeze %dma_wait3A_90 : memref<1x200x64xf32, #tpu.memory_space<vmem>> -> memref<200x64xf32, #tpu.memory_space<vmem>>
    %dma_wait3A_92 = arith.constant 0 : i32
    %dma_wait3A_93 = tpu.memref_slice %arg5[%add3A_86, %dma_wait3A_92] : memref<409600x64xf32, #tpu.memory_space<hbm>> -> memref<200x64xf32, #tpu.memory_space<hbm>>
    %dma_wait3A_94 = tpu.memref_slice %arg10[%dma_wait3A_87] : memref<4x!tpu.dma_semaphore, #tpu.memory_space<semaphore_mem>> -> memref<1x!tpu.dma_semaphore, #tpu.memory_space<semaphore_mem>>
    %dma_wait3A_95 = tpu.memref_squeeze %dma_wait3A_94 : memref<1x!tpu.dma_semaphore, #tpu.memory_space<semaphore_mem>> -> memref<!tpu.dma_semaphore, #tpu.memory_space<semaphore_mem>>
    %dma_wait3A_96 = arith.constant 0 : i32
    %dma_wait3A_97 = tpu.memref_slice %arg5[%add3A_86, %dma_wait3A_96] : memref<409600x64xf32, #tpu.memory_space<hbm>> -> memref<200x64xf32, #tpu.memory_space<hbm>>
    %dma_wait3A_98 = arith.constant 0 : i32
    %dma_wait3A_99 = arith.constant 0 : i32
    %dma_wait3A_100 = tpu.memref_slice %arg7[%dma_wait3A, %dma_wait3A_98, %dma_wait3A_99] : memref<4x200x64xf32, #tpu.memory_space<vmem>> -> memref<1x200x64xf32, #tpu.memory_space<vmem>>
    %dma_wait3A_101 = tpu.memref_squeeze %dma_wait3A_100 : memref<1x200x64xf32, #tpu.memory_space<vmem>> -> memref<200x64xf32, #tpu.memory_space<vmem>>
    tpu.wait_dma2 semaphore(%dma_wait3A_95 : memref<!tpu.dma_semaphore, #tpu.memory_space<semaphore_mem>>) src(%dma_wait3A_101 : memref<200x64xf32, #tpu.memory_space<vmem>>) dst(%dma_wait3A_97 : memref<200x64xf32, #tpu.memory_space<hbm>>)
    return
  }
}

</mosaic_0001>

<sc_bundles>
// kernel: kernel.4.cloned.1.call-start
scs
__scs_entry_jumppad:
0x0: {  	(pc) =	sbr.rel $0x88, $3  }
0x1: {  	(tag) =	ssettag $0x0;
	lr =	simm.s32 $0x1  }
0x2: {  	[smem:$0x3F9E] =	sst lr;
	_ =	strace $0xD0000000  }
0x3: {  	_ = 	snop  }
0x4: {  	_ = 	snop  }
0x5: {  	_ = 	snop  }
0x6: {  	_ = 	snop  }
0x7: {  	_ = 	snop  }
__scs_overlays_trampoline_lowered:
0x8: {  	[smem:$0x3FAD] =	sst s0  }
0x9: {  	[smem:$0x3FAE] =	sst s1  }
0xa: {  	[smem:$0x3FAF] =	sst s2  }
0xb: {  	[smem:$0x3FB0] =	sst s3  }
0xc: {  	[smem:$0x3FB1] =	sst s4  }
0xd: {  	[smem:$0x3FB2] =	sst s5  }
0xe: {  	[smem:$0x3FB3] =	sst s6  }
0xf: {  	[smem:$0x3FB4] =	sst s7  }
0x10: {  	[smem:$0x3FB5] =	sst s8  }
0x11: {  	[smem:$0x3FB6] =	sst s9;
	s0 =	simm.s32 @!p0 $0x0  }
0x12: {  	s1 =	sld [smem:$0x3F9C];
	s0 =	simm.s32 @p0 $0x1  }
0x13: {  	[smem:$0x3FB7] =	sst s0;
	s0 =	simm.s32 @!p1 $0x0  }
0x14: {  	s2 =	sld [smem:$0x3F9B];
	s0 =	simm.s32 @p1 $0x1  }
0x15: {  	[smem:$0x3FB8] =	sst s0;
	s0 =	simm.s32 @!p2 $0x0  }
0x16: {  	s3 =	sld [smem:$0x3FDB];
	s0 =	simm.s32 @p2 $0x1  }
0x17: {  	s4 =	simm.s32 $0x1BF5;
	[smem:$0x3FBA] =	sst s0  }
0x18: {  	s0 =	sld [smem:$0x3F9D];
	_ =	swait.ge [sflag:s4], $0x0  }
0x19: {  	s7 =	sld [smem:$0x3F9E]  }
0x1a: {  	s8 =	sadd.s32 $0xFFFFE003, lr  }
0x1b: {  	s9 =	sadd.s32 $0xFFFFFEF7, lr;
	s5 =	simm.s32 $0xFFFFFFFF;
	p2 =	slt.u32 s8, $0xFFFFF086  }
0x1c: {  	p1 =	slt.u32 s9, $0xF7A;
	s5 =	simm.s32 @!p2 $0x0  }
0x1d: {  	s5 =	simm.s32 @p1 $0x1;
	p0 =	seq.s32 s7, s2  }
0x1e: {  	s7 =	smul.u32 @!p0 $0xF7A, s2;
	p2 =	seq.s32 @!p0 s5, $0x0  }
0x1f: {  	s9 =	smul.u32 $0xF7A, s1;
	s8 =	simm.s32 @!p0 $0x1BF5;
	p2 =	por !p2, p0  }
0x20: {  	[sflag:s8] =	ssyncset.s32 @!p0 $0xFFFFF086;
	s6 =	sadd.s32 @!p0 s3, s7;
	s7 =	simm.s32 @!p0 $0x108  }
0x21: {  	s3 =	sadd.s32 s3, s9;
	s6 =	sadd.s32 @!p0 $0x88, s6;
	s7 =	simm.s32 @p2 $0x1082  }
0x22: {  	[simem:s7], [sflag:s8] =	dma.local @!p0 [hbm:s6], $0xF7A  }
0x23: {  	s9 =	sor.u32 $0xD0000000, s2;
	s6 =	simm.s32 $0x108;
	_ =	swait.ge @!p0 [sflag:s8], $0x0  }
0x24: {  	s3 =	sadd.s32 $0x88, s3;
	s6 =	simm.s32 @!p1 $0x1082;
	[sflag:s4] =	ssyncset.s32 $0xFFFFF086  }
0x25: {  	[simem:s6], [sflag:s4] =	dma.local [hbm:s3], $0xF7A  }
0x26: {  	[smem:$0x3F9E] =	sst s1;
	(tag) =	ssettag s2;
	_ =	strace s9  }
0x27: {  	s1 =	sld [smem:$0x3FAE]  }
0x28: {  	s2 =	sld [smem:$0x3FAF]  }
0x29: {  	s4 =	sld [smem:$0x3FB1]  }
0x2a: {  	p0 =	seq.s32 s5, $0x0;
	s5 =	sld [smem:$0x3FB2]  }
0x2b: {  	s6 =	sld [smem:$0x3FB3]  }
0x2c: {  	s7 =	sld [smem:$0x3FB4]  }
0x2d: {  	s3 =	simm.s32 $0x108;
	s8 =	sld [smem:$0x3FB5]  }
0x2e: {  	s3 =	simm.s32 @!p0 $0x1082;
	s9 =	sld [smem:$0x3FB6]  }
0x2f: {  	lr =	sadd.s32 s0, s3;
	s0 =	sld [smem:$0x3FAD]  }
0x30: {  	s3 =	sld [smem:$0x3FB0]  }
0x31: {  	[smem:$0x3FB9] =	sst s10  }
0x32: {  	s10 =	sld [smem:$0x3FB7];
	_ =	sdelay $0x3  }
0x33: {  	p0 =	seq.s32 s10, $0x1;
	s10 =	sld [smem:$0x3FB9];
	_ =	sdelay $0x3  }
0x34: {  	[smem:$0x3FB9] =	sst s10  }
0x35: {  	s10 =	sld [smem:$0x3FB8];
	_ =	sdelay $0x3  }
0x36: {  	p1 =	seq.s32 s10, $0x1;
	s10 =	sld [smem:$0x3FB9];
	_ =	sdelay $0x3  }
0x37: {  	[smem:$0x3FB9] =	sst s10  }
0x38: {  	s10 =	sld [smem:$0x3FBA]  }
0x39: {  	_ = 	snop;
	(pc) =	sbr.ind lr, $3  }
0x3a: {  	_ = 	snop  }
0x3b: {  	_ = 	snop  }
0x3c: {  	p2 =	seq.s32 s10, $0x1;
	s10 =	sld [smem:$0x3FB9]  }
0x3d: {  	_ =	shalt  }
0x3e: {  	_ =	shalt  }
0x3f: {  	_ =	shalt  }
0x40: {  	_ =	shalt  }
0x41: {  	_ =	shalt  }
0x42: {  	_ =	shalt  }
0x43: {  	_ =	shalt  }
0x44: {  	_ =	shalt  }
0x45: {  	_ =	shalt  }
0x46: {  	_ =	shalt  }
0x47: {  	_ =	shalt  }
0x48: {  	_ =	shalt  }
0x49: {  	_ =	shalt  }
0x4a: {  	_ =	shalt  }
0x4b: {  	_ =	shalt  }
0x4c: {  	_ =	shalt  }
0x4d: {  	_ =	shalt  }
0x4e: {  	_ =	shalt  }
0x4f: {  	_ =	shalt  }
0x50: {  	_ =	shalt  }
0x51: {  	_ =	shalt  }
0x52: {  	_ =	shalt  }
0x53: {  	_ =	shalt  }
0x54: {  	_ =	shalt  }
0x55: {  	_ =	shalt  }
0x56: {  	_ =	shalt  }
0x57: {  	_ =	shalt  }
0x58: {  	_ =	shalt  }
0x59: {  	_ =	shalt  }
0x5a: {  	_ =	shalt  }
0x5b: {  	_ =	shalt  }
0x5c: {  	_ =	shalt  }
0x5d: {  	_ =	shalt  }
0x5e: {  	_ =	shalt  }
0x5f: {  	_ =	shalt  }
0x60: {  	_ =	shalt  }
0x61: {  	_ =	shalt  }
0x62: {  	_ =	shalt  }
0x63: {  	_ =	shalt  }
0x64: {  	_ =	shalt  }
0x65: {  	_ =	shalt  }
0x66: {  	_ =	shalt  }
0x67: {  	_ =	shalt  }
0x68: {  	_ =	shalt  }
0x69: {  	_ =	shalt  }
0x6a: {  	_ =	shalt  }
0x6b: {  	_ =	shalt  }
0x6c: {  	_ =	shalt  }
0x6d: {  	_ =	shalt  }
0x6e: {  	_ =	shalt  }
0x6f: {  	_ =	shalt  }
0x70: {  	_ =	shalt  }
0x71: {  	_ =	shalt  }
0x72: {  	_ =	shalt  }
0x73: {  	_ =	shalt  }
0x74: {  	_ =	shalt  }
0x75: {  	_ =	shalt  }
0x76: {  	_ =	shalt  }
0x77: {  	_ =	shalt  }
0x78: {  	_ =	shalt  }
0x79: {  	_ =	shalt  }
0x7a: {  	_ =	shalt  }
0x7b: {  	_ =	shalt  }
0x7c: {  	_ =	shalt  }
0x7d: {  	_ =	shalt  }
0x7e: {  	_ =	shalt  }
0x7f: {  	_ =	shalt  }
0x80: {  	_ =	shalt  }
0x81: {  	_ =	shalt  }
0x82: {  	_ =	shalt  }
0x83: {  	_ =	shalt  }
0x84: {  	_ =	shalt  }
0x85: {  	_ =	shalt  }
0x86: {  	_ =	shalt  }
0x87: {  	_ =	shalt  }
.Lfunc_end0:
.L_simem_size_0:
called_computation.1_lowered:
.L_overlay_start_0:
0x88: {  	s2 =	sld [smem:$0x3FD9]  }
0x89: {  	s3 =	sld [smem:$0x3FFE];
	_ =	sdelay $0x1  }
0x8a: {  	s1 =	srdreg.scid  }
0x8b: {  	s0 =	sand.u32 $0x1, s1  }
0x8c: {  	s17 =	sshll.u32 s0, $0xA;
	s2 =	sadd.s32 s3, s2  }
0x8d: {  	s2 =	sadd.s32 s2, s17  }
0x8e: {  	[smem:$0x3FC5] =	sst s2  }
0x8f: {  	_ = 	snop  }
0x90: {  	(tm) =	ssettm $0x1  }
0x91: {  	s18 =	sld [smem:$0x3FFB];
	_ =	sdelay $0x3  }
0x92: {  	_ =	strace s18  }
0x93: {  	s2 =	sld [smem:$0x3FFC];
	_ =	sdelay $0x3  }
0x94: {  	_ =	strace s2  }
0x95: {  	s2 =	sld [smem:$0x3FFD];
	_ =	sdelay $0x3  }
0x96: {  	_ =	strace s2  }
0x97: {  	_ =	strace $0x8FFFFFFF  }
0x98: {  	s19 =	sld [smem:$0x3FDB];
	_ =	sdelay $0x1  }
0x99: {  	s20 =	simm.s32 $_scs_section_size  }
0x9a: {  	s4 =	simm.s32 $_size__tile_overlayer_lowered;
	s5 =	simm.s32 $_tile_overlayer_lowered  }
0x9b: {  	s6 =	simm.s32 $0x1BFF;
	s21 =	sshll.u32 s5, $0x1;
	s3 =	sadd.s32 s20, s19  }
0x9c: {  	s22 =	simm.s32 $0x0;
	s4 =	sshll.u32 s4, $0x1;
	s5 =	sadd.s32 s21, s3  }
0x9d: {  	[timem:s22], [sflag:s6] =	dma.local [hbm:s5], s4  }
0x9e: {  	_ =	swait.ge [sflag:s6], s4  }
0x9f: {  	s4 =	ssub.s32 $0x0, s4;
	[sflag:s6] =	ssyncset.done $0x0  }
0xa0: {  	[sflag:s6] =	ssyncadd.s32 s4;
	_ =	sdelay $0x1  }
0xa1: {  	s23 =	simm.s32 $0x1B8B  }
0xa2: {  	_ =	swait.ge [sflag:s23], $0x1  }
0xa3: {  	[sflag:s23] =	ssyncset.done $0x0  }
0xa4: {  	[sflag:s23] =	ssyncadd.s32 $0xFFFFFFFF  }
0xa5: {  	s4 =	sld [smem:$0x0]  }
0xa6: {  	s5 =	sand.u32 $0xFFFFFFFE, s1  }
0xa7: {  	p0 =	sne.s32 s1, s5  }
0xa8: {  	s5 =	sshll.u32 @p0 s5, $0xE  }
0xa9: {  	s5 =	sadd.s32 @p0 $0x11B8D, s5;
	s6 =	sshll.u32 @p0 s4, $0x11  }
0xaa: {  	s5 =	sor.u32 @p0 s6, s5  }
0xab: {  	[sflag:s5] =	ssyncadd.remote.s32 @p0 $0x1;
	_ =	sdelay $0x1  }
0xac: {  	s5 =	simm.s32 @p0 $0x1B8D  }
0xad: {  	_ =	swait.eq @p0 [sflag:s5], $0x1  }
0xae: {  	[sflag:s5] =	ssyncadd.s32 @p0 $0xFFFFFFFF  }
0xaf: {  	s6 =	sshll.u32 @!p0 s1, $0xE  }
0xb0: {  	s6 =	sor.u32 @!p0 $0x4000, s6;
	s5 =	simm.s32 @!p0 $0x1B8D  }
0xb1: {  	s4 =	sshll.u32 @!p0 s4, $0x11;
	s6 =	sadd.s32 @!p0 $0x11B8D, s6;
	_ =	swait.eq @!p0 [sflag:s5], $0x1  }
0xb2: {  	s4 =	sor.u32 @!p0 s4, s6;
	[sflag:s5] =	ssyncadd.s32 @!p0 $0xFFFFFFFF  }
0xb3: {  	s25 =	simm.s32 $0x1B8E;
	s24 =	sld [smem:$0x3FFE];
	[sflag:s4] =	ssyncadd.remote.s32 @!p0 $0x1  }
0xb4: {  	s26 =	simm.s32 $execute0_lowered;
	[smem:$0x3FD2] =	sst s25  }
0xb5: {  	s5 =	sshll.u32 s26, $0x1;
	_ =	strace $0x80000049;
	[dreg:$0x1] =	wrdreg $0xFFFFFFFF  }
0xb6: {  	s28 =	simm.s32 $_size_execute0_lowered;
	s3 =	sadd.s32 s3, s5;
	[dreg:$0x0] =	wrdreg $0x0  }
0xb7: {  	s5 =	sshll.u32 s28, $0x1;
	[dreg:$0x2] =	wrdreg s3  }
0xb8: {  	[dreg:$0x3] =	wrdreg s5  }
0xb9: {  	[dreg:$0x4] =	wrdreg $0xC0  }
0xba: {  	_ =	task [dreg:s22], $0x5FFFF  }
0xbb: {  	[dreg:$0x1] =	wrdreg $0xFFFFFFFF  }
0xbc: {  	[dreg:$0x0] =	wrdreg $0x60  }
0xbd: {  	[dreg:$0x2] =	wrdreg s24  }
0xbe: {  	[dreg:$0x3] =	wrdreg $0x9  }
0xbf: {  	_ =	task.clear_ibuf [dreg:s22], $0x4FFFF;
	_ =	strace $0x90000049  }
0xc0: {  	s29 =	simm.s32 $0x9;
	_ =	strace $0x8000004B  }
0xc1: {  	_ =	swait.ge [sflag:s29], $0x1  }
0xc2: {  	[sflag:s29] =	ssyncadd.s32 $0xFFFFFFFF  }
0xc3: {  	_ =	strace $0x9000004B  }
0xc4: {  	_ =	sfence  }
0xc5: {  	s30 =	sld [smem:$0x0];
	_ =	sdelay $0x2  }
0xc6: {  	s31 =	sshll.u32 s1, $0xD;
	s1 =	sshrl.u32 s1, $0x2  }
0xc7: {  	s4 =	sand.u32 $0x4000, s31;
	s1 =	sadd.s32 s1, s30  }
0xc8: {  	s0 =	sor.u32 s4, s0;
	s1 =	sshll.u32 s1, $0x11  }
0xc9: {  	s0 =	sor.u32 s1, s0  }
0xca: {  	s0 =	sadd.s32 $0x8F2B, s0  }
0xcb: {  	[sflag:s0] =	ssyncadd.remote.s32 $0x1  }
0xcc: {  	_ =	sfence.sel $0xFFFF  }
0xcd: {  	[dreg:$0x0] =	wrdreg $0xFFFFFFFF;
	(pc) =	sbr.abs _section_cstart, $3  }
0xce: {  	[dreg:$0x1] =	wrdreg $0xFFFFFFFF  }
0xcf: {  	_ =	task.clear_ibuf [dreg:s22], $0x2FFFF;
	_ =	strace $0x9FFFFFFF  }
0xd0: {  	(tm) =	ssettm $0x7FFFFFFF  }
0xd1: {  	_ =	shalt  }
tec
execute0_lowered:
.L_overlay_start_1:
0x0: {  	(tag) =	ssettag $0x1  }
0x1: {  	s0 =	srdreg.scid  }
0x2: {  	s1 =	stileid.u32;
	s5 =	rddreg [dreg:$0x0];
	s2 =	simm.s32 $0x0  }
0x3: {  	s11 =	simm.s32 $0x9;
	s13 =	simm.s32 $0x80;
	s14 =	simm.s32 $0x3200  }
0x4: {  	s15 =	simm.s32 $0x48;
	s18 =	simm.s32 $0x6400;
	s22 =	simm.s32 $0x9600  }
0x5: {  	s24 =	simm.s32 $0xB600;
	s25 =	simm.s32 $0x1;
	s28 =	simm.s32 $0xE800  }
0x6: {  	s29 =	simm.s32 $0x2;
	s30 =	simm.s32 $0x5;
	s31 =	simm.s32 $0x3  }
0x7: {  	s12 =	simm.s32 $0x7;
	s16 =	simm.s32 $0x8;
	s17 =	simm.s32 $0x0  }
0x8: {  	s0 =	sand.u32 $0x1, s0;
	s1 =	sshll.u32 s1, $0x1;
	[smem:$0x7FF] =	sst s2  }
0x9: {  	s4 =	sadd.s32 $0xF43C00, s5;
	s6 =	sadd.s32 $0x1000, s5;
	s1 =	sor.u32 s0, s1  }
0xa: {  	_ =	strace $0x8000004A;
	s0 =	ssub.s32 $0x2, s0;
	s3 =	smul.u32 $0x3200, s1  }
.Ltmp0:
0xb: {  	[dreg:$0x2] =	wrdreg s6;
	s26 =	sshrl.u32 s0, $0x1;
	(pc) =	sbr.rel .LBB2_1-.Ltmp0, $4  }
0xc: {  	s6 =	sadd.s32 $0x32E000, s5;
	s0 =	ssub.s32 s0, s26;
	s1 =	sshrl.u32 s3, $0x3  }
0xd: {  	s26 =	simm.s32 $0xC800;
	s8 =	sor.u32 $0xC8, s3;
	s1 =	sadd.s32 s1, s5  }
0xe: {  	s9 =	sor.u32 $0x190, s3;
	s10 =	smax.u32 s0, $0x1;
	s1 =	sadd.s32 $0x321800, s1  }
0xf: {  	s0 =	simm.s32 $0x4;
	[dreg:$0x3] =	wrdreg s1;
	s1 =	simm.s32 $0x6  }
.LBB2_12:
0x10: {  	s17 =	sadd.s32 $0x1, s17  }
0x11: {  	p0 =	sne.s32 s17, s10  }
.Ltmp1:
0x12: {  	_ = 	snop;
	(pc) =	sbr.rel @!p0 .LBB2_13-.Ltmp1, $4  }
0x13: {  	_ = 	snop  }
0x14: {  	_ =	swait.ge [sflag:s16], $0x3200  }
0x15: {  	[sflag:s16] =	ssyncset.done $0x0  }
0x16: {  	[sflag:s16] =	ssyncadd.s32 $0xFFFFCE00  }
.LBB2_1:
0x17: {  	s5 =	rddreg [dreg:$0x3]  }
0x18: {  	[tilespmem:s2], [sflag:$0x9] =	stream.linear.gather [hbm4b:s5+s2], $0x3200, $0x38;
	[tilespmem:$0x12C00] =	vst v63  }
0x19: {  	_ =	swait.ge [sflag:s11], $0x3200  }
0x1a: {  	[sflag:s11] =	ssyncset.done $0x0  }
0x1b: {  	s7 =	simm.s32 $0xFA00;
	s21 =	rddreg [dreg:$0x2];
	[sflag:s11] =	ssyncadd.s32 $0xFFFFCE00  }
0x1c: {  	[tilespmem:s7], [sflag:$0x9] =	stream.linear.gather [hbm4b:s21+s2], $0x3200, $0x38;
	[tilespmem:$0x12C00] =	vst v63  }
0x1d: {  	_ =	swait.ge [sflag:s11], $0x3200  }
0x1e: {  	[sflag:s11] =	ssyncset.done $0x0  }
0x1f: {  	[sflag:s11] =	ssyncadd.s32 $0xFFFFCE00  }
0x20: {  	[tilespmem:s14], [sflag:$0x1] =	stream.indirect.gather [hbm4b:s4+s13], $0x40, s2, s13, $0xb8;
	[tilespmem:$0x12C00] =	vst v63  }
0x21: {  	s23 =	simm.s32 $0x5200  }
0x22: {  	[tilespmem:s23], [sflag:$0x1] =	stream.indirect.gather [hbm4b:s4+s15], $0x40, s13, s15, $0xb8;
	[tilespmem:$0x12C00] =	vst v63  }
0x23: {  	s7 =	simm.s32 $0xC8  }
0x24: {  	[tilespmem:s18], [sflag:$0x2] =	stream.indirect.gather [hbm4b:s4+s13], $0x40, s7, s13, $0xb8;
	[tilespmem:$0x12C00] =	vst v63  }
0x25: {  	s19 =	simm.s32 $0x148;
	s20 =	simm.s32 $0x8400  }
0x26: {  	[tilespmem:s20], [sflag:$0x2] =	stream.indirect.gather [hbm4b:s4+s15], $0x40, s19, s15, $0xb8;
	[tilespmem:$0x12C00] =	vst v63  }
0x27: {  	s21 =	simm.s32 $0x190  }
0x28: {  	[tilespmem:s22], [sflag:$0x3] =	stream.indirect.gather [hbm4b:s4+s13], $0x40, s21, s13, $0xb8;
	[tilespmem:$0x12C00] =	vst v63  }
0x29: {  	s23 =	simm.s32 $0x210;
	s19 =	simm.s32 $0x0  }
0x2a: {  	[tilespmem:s24], [sflag:$0x3] =	stream.indirect.gather [hbm4b:s4+s15], $0x40, s23, s15, $0xb8;
	[tilespmem:$0x12C00] =	vst v63  }
.LBB2_2:
0x2b: {  	_ =	swait.ge [sflag:s25], $0x2000  }
0x2c: {  	[sflag:s25] =	ssyncset.done $0x0  }
0x2d: {  	[sflag:s25] =	ssyncadd.s32 $0xFFFFE000  }
0x2e: {  	_ =	swait.ge [sflag:s25], $0x1200  }
0x2f: {  	[sflag:s25] =	ssyncset.done $0x0  }
0x30: {  	s21 =	simm.s32 $0x0;
	[sflag:s25] =	ssyncadd.s32 $0xFFFFEE00  }
0x31: {  	v0 =	vld [tilespmem:s21+$0xFAF0]  }
0x32: {  	v1 =	vld [tilespmem:s21+$0xFA00]  }
0x33: {  	v2 =	vld [tilespmem:s21+$0xFA10]  }
0x34: {  	v3 =	vld [tilespmem:s21+$0xFA20]  }
0x35: {  	v4 =	vld [tilespmem:s21+$0xFA30]  }
0x36: {  	v5 =	vld [tilespmem:s21+$0xFA40]  }
0x37: {  	v6 =	vld [tilespmem:s21+$0xFA50]  }
0x38: {  	v7 =	vld [tilespmem:s21+$0xFA60]  }
0x39: {  	v8 =	vld [tilespmem:s21+$0xFA70]  }
0x3a: {  	v9 =	vld [tilespmem:s21+$0xFA80]  }
0x3b: {  	v10 =	vld [tilespmem:s21+$0xFA90]  }
0x3c: {  	v11 =	vld [tilespmem:s21+$0xFAA0]  }
0x3d: {  	v12 =	vld [tilespmem:s21+$0xFAB0]  }
0x3e: {  	v13 =	vld [tilespmem:s21+$0xFAC0]  }
0x3f: {  	v14 =	vld [tilespmem:s21+$0xFAD0]  }
0x40: {  	[tilespmem:s21+$0x32F0] =	vst.add.f32.msk $0xffff, v0  }
0x41: {  	v0 =	vld [tilespmem:s21+$0xFAE0]  }
0x42: {  	[tilespmem:s21+$0x3200] =	vst.add.f32.msk $0xffff, v1  }
0x43: {  	[tilespmem:s21+$0x3210] =	vst.add.f32.msk $0xffff, v2  }
0x44: {  	[tilespmem:s21+$0x3220] =	vst.add.f32.msk $0xffff, v3  }
0x45: {  	[tilespmem:s21+$0x3230] =	vst.add.f32.msk $0xffff, v4  }
0x46: {  	[tilespmem:s21+$0x3240] =	vst.add.f32.msk $0xffff, v5  }
0x47: {  	[tilespmem:s21+$0x3250] =	vst.add.f32.msk $0xffff, v6  }
0x48: {  	[tilespmem:s21+$0x3260] =	vst.add.f32.msk $0xffff, v7  }
0x49: {  	[tilespmem:s21+$0x3270] =	vst.add.f32.msk $0xffff, v8  }
0x4a: {  	[tilespmem:s21+$0x3280] =	vst.add.f32.msk $0xffff, v9  }
0x4b: {  	[tilespmem:s21+$0x3290] =	vst.add.f32.msk $0xffff, v10  }
0x4c: {  	[tilespmem:s21+$0x32A0] =	vst.add.f32.msk $0xffff, v11  }
0x4d: {  	[tilespmem:s21+$0x32B0] =	vst.add.f32.msk $0xffff, v12  }
0x4e: {  	[tilespmem:s21+$0x32C0] =	vst.add.f32.msk $0xffff, v13  }
0x4f: {  	s20 =	simm.s32 $0x0;
	s5 =	simm.s32 $0x400;
	[tilespmem:s21+$0x32D0] =	vst.add.f32.msk $0xffff, v14  }
.LBB2_3:
0x50: {  	s20 =	sadd.s32 $0x4, s20;
	[tilespmem:s21+$0x32E0] =	vst.add.f32.msk $0xffff, v0;
	s21 =	sshra.s32 s5, $0x2  }
0x51: {  	v0 =	vld [tilespmem:s21+$0xFAF0];
	p0 =	slt.u32 s20, $0xC4  }
0x52: {  	v1 =	vld [tilespmem:s21+$0xFA00]  }
0x53: {  	v2 =	vld [tilespmem:s21+$0xFA10]  }
0x54: {  	v3 =	vld [tilespmem:s21+$0xFA20]  }
0x55: {  	v4 =	vld [tilespmem:s21+$0xFA30]  }
0x56: {  	[tilespmem:s21+$0x32F0] =	vst.add.f32.msk $0xffff, v0  }
0x57: {  	v5 =	vld [tilespmem:s21+$0xFA40]  }
0x58: {  	v6 =	vld [tilespmem:s21+$0xFA50]  }
0x59: {  	v7 =	vld [tilespmem:s21+$0xFA60]  }
0x5a: {  	v8 =	vld [tilespmem:s21+$0xFA70]  }
0x5b: {  	v9 =	vld [tilespmem:s21+$0xFA80]  }
0x5c: {  	v10 =	vld [tilespmem:s21+$0xFA90]  }
0x5d: {  	v11 =	vld [tilespmem:s21+$0xFAA0]  }
0x5e: {  	v12 =	vld [tilespmem:s21+$0xFAB0]  }
0x5f: {  	v13 =	vld [tilespmem:s21+$0xFAC0]  }
0x60: {  	v14 =	vld [tilespmem:s21+$0xFAD0]  }
0x61: {  	v0 =	vld [tilespmem:s21+$0xFAE0]  }
0x62: {  	[tilespmem:s21+$0x3200] =	vst.add.f32.msk $0xffff, v1  }
0x63: {  	[tilespmem:s21+$0x3210] =	vst.add.f32.msk $0xffff, v2  }
0x64: {  	[tilespmem:s21+$0x3220] =	vst.add.f32.msk $0xffff, v3  }
0x65: {  	[tilespmem:s21+$0x3230] =	vst.add.f32.msk $0xffff, v4  }
0x66: {  	[tilespmem:s21+$0x3240] =	vst.add.f32.msk $0xffff, v5  }
0x67: {  	[tilespmem:s21+$0x3250] =	vst.add.f32.msk $0xffff, v6  }
0x68: {  	[tilespmem:s21+$0x3260] =	vst.add.f32.msk $0xffff, v7  }
0x69: {  	[tilespmem:s21+$0x3270] =	vst.add.f32.msk $0xffff, v8  }
0x6a: {  	[tilespmem:s21+$0x3280] =	vst.add.f32.msk $0xffff, v9  }
.Ltmp2:
0x6b: {  	[tilespmem:s21+$0x3290] =	vst.add.f32.msk $0xffff, v10;
	(pc) =	sbr.rel @p0 .LBB2_3-.Ltmp2, $4  }
0x6c: {  	[tilespmem:s21+$0x32A0] =	vst.add.f32.msk $0xffff, v11  }
0x6d: {  	[tilespmem:s21+$0x32B0] =	vst.add.f32.msk $0xffff, v12  }
0x6e: {  	[tilespmem:s21+$0x32C0] =	vst.add.f32.msk $0xffff, v13  }
0x6f: {  	s5 =	sadd.s32 $0x400, s5;
	[tilespmem:s21+$0x32D0] =	vst.add.f32.msk $0xffff, v14  }
0x70: {  	s20 =	smul.u32 $0x320, s19;
	_ =	sdelay $0x1  }
0x71: {  	s5 =	sadd.s32 s3, s20  }
0x72: {  	s5 =	sshll.u32 s5, $0x3  }
0x73: {  	[tilespmem:s21+$0x32E0] =	vst.add.f32.msk $0xffff, v0;
	p0 =	seq.s32 s19, $0x0;
	s5 =	sadd.s32 s6, s5  }
0x74: {  	[hbm4b:s5+s2] =	stream.linear.scatter [tilespmem:s14], [sflag:$0x5], $0x3200, $0x38;
	[tilespmem:$0x12C00] =	vst v63  }
0x75: {  	s5 =	simm.s32 @!p0 $0x8  }
0x76: {  	_ =	swait.ge @!p0 [sflag:s5], $0x3200  }
0x77: {  	[sflag:s5] =	ssyncset.done @!p0 $0x0  }
0x78: {  	s21 =	sadd.s32 $0x258, s20;
	[sflag:s5] =	ssyncadd.s32 @!p0 $0xFFFFCE00  }
0x79: {  	[tilespmem:s26], [sflag:$0x4] =	stream.indirect.gather [hbm4b:s4+s13], $0x40, s21, s13, $0xb8;
	[tilespmem:$0x12C00] =	vst v63  }
0x7a: {  	s23 =	sadd.s32 $0x2D8, s20  }
0x7b: {  	[tilespmem:s28], [sflag:$0x4] =	stream.indirect.gather [hbm4b:s4+s15], $0x40, s23, s15, $0xb8;
	[tilespmem:$0x12C00] =	vst v63  }
0x7c: {  	_ =	swait.ge [sflag:s29], $0x2000  }
0x7d: {  	[sflag:s29] =	ssyncset.done $0x0  }
0x7e: {  	[sflag:s29] =	ssyncadd.s32 $0xFFFFE000  }
0x7f: {  	_ =	swait.ge [sflag:s29], $0x1200  }
0x80: {  	[sflag:s29] =	ssyncset.done $0x0  }
0x81: {  	s23 =	simm.s32 $0x0;
	[sflag:s29] =	ssyncadd.s32 $0xFFFFEE00  }
0x82: {  	v0 =	vld [tilespmem:s23+$0xFAF0]  }
0x83: {  	v1 =	vld [tilespmem:s23+$0xFA00]  }
0x84: {  	v2 =	vld [tilespmem:s23+$0xFA10]  }
0x85: {  	v3 =	vld [tilespmem:s23+$0xFA20]  }
0x86: {  	v4 =	vld [tilespmem:s23+$0xFA30]  }
0x87: {  	v5 =	vld [tilespmem:s23+$0xFA40]  }
0x88: {  	v6 =	vld [tilespmem:s23+$0xFA50]  }
0x89: {  	v7 =	vld [tilespmem:s23+$0xFA60]  }
0x8a: {  	v8 =	vld [tilespmem:s23+$0xFA70]  }
0x8b: {  	v9 =	vld [tilespmem:s23+$0xFA80]  }
0x8c: {  	v10 =	vld [tilespmem:s23+$0xFA90]  }
0x8d: {  	v11 =	vld [tilespmem:s23+$0xFAA0]  }
0x8e: {  	v12 =	vld [tilespmem:s23+$0xFAB0]  }
0x8f: {  	v13 =	vld [tilespmem:s23+$0xFAC0]  }
0x90: {  	v14 =	vld [tilespmem:s23+$0xFAD0]  }
0x91: {  	[tilespmem:s23+$0x64F0] =	vst.add.f32.msk $0xffff, v0  }
0x92: {  	v0 =	vld [tilespmem:s23+$0xFAE0]  }
0x93: {  	[tilespmem:s23+$0x6400] =	vst.add.f32.msk $0xffff, v1  }
0x94: {  	[tilespmem:s23+$0x6410] =	vst.add.f32.msk $0xffff, v2  }
0x95: {  	[tilespmem:s23+$0x6420] =	vst.add.f32.msk $0xffff, v3  }
0x96: {  	[tilespmem:s23+$0x6430] =	vst.add.f32.msk $0xffff, v4  }
0x97: {  	[tilespmem:s23+$0x6440] =	vst.add.f32.msk $0xffff, v5  }
0x98: {  	[tilespmem:s23+$0x6450] =	vst.add.f32.msk $0xffff, v6  }
0x99: {  	[tilespmem:s23+$0x6460] =	vst.add.f32.msk $0xffff, v7  }
0x9a: {  	[tilespmem:s23+$0x6470] =	vst.add.f32.msk $0xffff, v8  }
0x9b: {  	[tilespmem:s23+$0x6480] =	vst.add.f32.msk $0xffff, v9  }
0x9c: {  	[tilespmem:s23+$0x6490] =	vst.add.f32.msk $0xffff, v10  }
0x9d: {  	[tilespmem:s23+$0x64A0] =	vst.add.f32.msk $0xffff, v11  }
0x9e: {  	[tilespmem:s23+$0x64B0] =	vst.add.f32.msk $0xffff, v12  }
0x9f: {  	[tilespmem:s23+$0x64C0] =	vst.add.f32.msk $0xffff, v13  }
0xa0: {  	s7 =	simm.s32 $0x400;
	s5 =	simm.s32 $0x0;
	[tilespmem:s23+$0x64D0] =	vst.add.f32.msk $0xffff, v14  }
.LBB2_5:
0xa1: {  	s5 =	sadd.s32 $0x4, s5;
	[tilespmem:s23+$0x64E0] =	vst.add.f32.msk $0xffff, v0;
	s23 =	sshra.s32 s7, $0x2  }
0xa2: {  	v0 =	vld [tilespmem:s23+$0xFAF0];
	p0 =	slt.u32 s5, $0xC4  }
0xa3: {  	v1 =	vld [tilespmem:s23+$0xFA00]  }
0xa4: {  	v2 =	vld [tilespmem:s23+$0xFA10]  }
0xa5: {  	v3 =	vld [tilespmem:s23+$0xFA20]  }
0xa6: {  	v4 =	vld [tilespmem:s23+$0xFA30]  }
0xa7: {  	[tilespmem:s23+$0x64F0] =	vst.add.f32.msk $0xffff, v0  }
0xa8: {  	v5 =	vld [tilespmem:s23+$0xFA40]  }
0xa9: {  	v6 =	vld [tilespmem:s23+$0xFA50]  }
0xaa: {  	v7 =	vld [tilespmem:s23+$0xFA60]  }
0xab: {  	v8 =	vld [tilespmem:s23+$0xFA70]  }
0xac: {  	v9 =	vld [tilespmem:s23+$0xFA80]  }
0xad: {  	v10 =	vld [tilespmem:s23+$0xFA90]  }
0xae: {  	v11 =	vld [tilespmem:s23+$0xFAA0]  }
0xaf: {  	v12 =	vld [tilespmem:s23+$0xFAB0]  }
0xb0: {  	v13 =	vld [tilespmem:s23+$0xFAC0]  }
0xb1: {  	v14 =	vld [tilespmem:s23+$0xFAD0]  }
0xb2: {  	v0 =	vld [tilespmem:s23+$0xFAE0]  }
0xb3: {  	[tilespmem:s23+$0x6400] =	vst.add.f32.msk $0xffff, v1  }
0xb4: {  	[tilespmem:s23+$0x6410] =	vst.add.f32.msk $0xffff, v2  }
0xb5: {  	[tilespmem:s23+$0x6420] =	vst.add.f32.msk $0xffff, v3  }
0xb6: {  	[tilespmem:s23+$0x6430] =	vst.add.f32.msk $0xffff, v4  }
0xb7: {  	[tilespmem:s23+$0x6440] =	vst.add.f32.msk $0xffff, v5  }
0xb8: {  	[tilespmem:s23+$0x6450] =	vst.add.f32.msk $0xffff, v6  }
0xb9: {  	[tilespmem:s23+$0x6460] =	vst.add.f32.msk $0xffff, v7  }
0xba: {  	[tilespmem:s23+$0x6470] =	vst.add.f32.msk $0xffff, v8  }
0xbb: {  	[tilespmem:s23+$0x6480] =	vst.add.f32.msk $0xffff, v9  }
.Ltmp3:
0xbc: {  	[tilespmem:s23+$0x6490] =	vst.add.f32.msk $0xffff, v10;
	(pc) =	sbr.rel @p0 .LBB2_5-.Ltmp3, $4  }
0xbd: {  	[tilespmem:s23+$0x64A0] =	vst.add.f32.msk $0xffff, v11  }
0xbe: {  	[tilespmem:s23+$0x64B0] =	vst.add.f32.msk $0xffff, v12  }
0xbf: {  	[tilespmem:s23+$0x64C0] =	vst.add.f32.msk $0xffff, v13  }
0xc0: {  	s7 =	sadd.s32 $0x400, s7;
	[tilespmem:s23+$0x64D0] =	vst.add.f32.msk $0xffff, v14  }
0xc1: {  	s5 =	sadd.s32 s20, s8  }
0xc2: {  	s5 =	sshll.u32 s5, $0x3  }
0xc3: {  	s5 =	sand.u32 $0x1FFFFF40, s5  }
0xc4: {  	[tilespmem:s23+$0x64E0] =	vst.add.f32.msk $0xffff, v0;
	s5 =	sadd.s32 s6, s5  }
0xc5: {  	[hbm4b:s5+s2] =	stream.linear.scatter [tilespmem:s18], [sflag:$0x6], $0x3200, $0x38;
	[tilespmem:$0x12C00] =	vst v63  }
0xc6: {  	p0 =	seq.s32 s19, $0xF;
	_ =	swait.ge [sflag:s30], $0x3200  }
0xc7: {  	s7 =	simm.s32 @!p0 $0x80;
	[sflag:s30] =	ssyncset.done $0x0  }
0xc8: {  	s23 =	simm.s32 @!p0 $0x3200;
	s5 =	sadd.s32 @!p0 $0x320, s20;
	[sflag:s30] =	ssyncadd.s32 $0xFFFFCE00  }
0xc9: {  	[tilespmem:s23], [sflag:$0x1] =	stream.indirect.gather @!p0 [hbm4b:s4+s7], $0x40, s5, s7, $0xb8;
	[tilespmem:$0x12C00] =	vst v63  }
0xca: {  	s5 =	sadd.s32 @!p0 $0x3A0, s20;
	s7 =	simm.s32 @!p0 $0x48;
	s23 =	simm.s32 @!p0 $0x5200  }
0xcb: {  	[tilespmem:s23], [sflag:$0x1] =	stream.indirect.gather @!p0 [hbm4b:s4+s7], $0x40, s5, s7, $0xb8;
	[tilespmem:$0x12C00] =	vst v63  }
0xcc: {  	_ =	swait.ge [sflag:s31], $0x2000  }
0xcd: {  	[sflag:s31] =	ssyncset.done $0x0  }
0xce: {  	[sflag:s31] =	ssyncadd.s32 $0xFFFFE000  }
0xcf: {  	_ =	swait.ge [sflag:s31], $0x1200  }
0xd0: {  	[sflag:s31] =	ssyncset.done $0x0  }
0xd1: {  	s23 =	simm.s32 $0x0;
	[sflag:s31] =	ssyncadd.s32 $0xFFFFEE00  }
0xd2: {  	v0 =	vld [tilespmem:s23+$0xFAF0]  }
0xd3: {  	v1 =	vld [tilespmem:s23+$0xFA00]  }
0xd4: {  	v2 =	vld [tilespmem:s23+$0xFA10]  }
0xd5: {  	v3 =	vld [tilespmem:s23+$0xFA20]  }
0xd6: {  	v4 =	vld [tilespmem:s23+$0xFA30]  }
0xd7: {  	v5 =	vld [tilespmem:s23+$0xFA40]  }
0xd8: {  	v6 =	vld [tilespmem:s23+$0xFA50]  }
0xd9: {  	v7 =	vld [tilespmem:s23+$0xFA60]  }
0xda: {  	v8 =	vld [tilespmem:s23+$0xFA70]  }
0xdb: {  	v9 =	vld [tilespmem:s23+$0xFA80]  }
0xdc: {  	v10 =	vld [tilespmem:s23+$0xFA90]  }
0xdd: {  	v11 =	vld [tilespmem:s23+$0xFAA0]  }
0xde: {  	v12 =	vld [tilespmem:s23+$0xFAB0]  }
0xdf: {  	v13 =	vld [tilespmem:s23+$0xFAC0]  }
0xe0: {  	v14 =	vld [tilespmem:s23+$0xFAD0]  }
0xe1: {  	[tilespmem:s23+$0x96F0] =	vst.add.f32.msk $0xffff, v0  }
0xe2: {  	v0 =	vld [tilespmem:s23+$0xFAE0]  }
0xe3: {  	[tilespmem:s23+$0x9600] =	vst.add.f32.msk $0xffff, v1  }
0xe4: {  	[tilespmem:s23+$0x9610] =	vst.add.f32.msk $0xffff, v2  }
0xe5: {  	[tilespmem:s23+$0x9620] =	vst.add.f32.msk $0xffff, v3  }
0xe6: {  	[tilespmem:s23+$0x9630] =	vst.add.f32.msk $0xffff, v4  }
0xe7: {  	[tilespmem:s23+$0x9640] =	vst.add.f32.msk $0xffff, v5  }
0xe8: {  	[tilespmem:s23+$0x9650] =	vst.add.f32.msk $0xffff, v6  }
0xe9: {  	[tilespmem:s23+$0x9660] =	vst.add.f32.msk $0xffff, v7  }
0xea: {  	[tilespmem:s23+$0x9670] =	vst.add.f32.msk $0xffff, v8  }
0xeb: {  	[tilespmem:s23+$0x9680] =	vst.add.f32.msk $0xffff, v9  }
0xec: {  	[tilespmem:s23+$0x9690] =	vst.add.f32.msk $0xffff, v10  }
0xed: {  	[tilespmem:s23+$0x96A0] =	vst.add.f32.msk $0xffff, v11  }
0xee: {  	[tilespmem:s23+$0x96B0] =	vst.add.f32.msk $0xffff, v12  }
0xef: {  	[tilespmem:s23+$0x96C0] =	vst.add.f32.msk $0xffff, v13  }
0xf0: {  	s5 =	simm.s32 $0x0;
	s7 =	simm.s32 $0x400;
	[tilespmem:s23+$0x96D0] =	vst.add.f32.msk $0xffff, v14  }
.LBB2_7:
0xf1: {  	s5 =	sadd.s32 $0x4, s5;
	[tilespmem:s23+$0x96E0] =	vst.add.f32.msk $0xffff, v0;
	s23 =	sshra.s32 s7, $0x2  }
0xf2: {  	v0 =	vld [tilespmem:s23+$0xFAF0];
	p1 =	slt.u32 s5, $0xC4  }
0xf3: {  	v1 =	vld [tilespmem:s23+$0xFA00]  }
0xf4: {  	v2 =	vld [tilespmem:s23+$0xFA10]  }
0xf5: {  	v3 =	vld [tilespmem:s23+$0xFA20]  }
0xf6: {  	v4 =	vld [tilespmem:s23+$0xFA30]  }
0xf7: {  	[tilespmem:s23+$0x96F0] =	vst.add.f32.msk $0xffff, v0  }
0xf8: {  	v5 =	vld [tilespmem:s23+$0xFA40]  }
0xf9: {  	v6 =	vld [tilespmem:s23+$0xFA50]  }
0xfa: {  	v7 =	vld [tilespmem:s23+$0xFA60]  }
0xfb: {  	v8 =	vld [tilespmem:s23+$0xFA70]  }
0xfc: {  	v9 =	vld [tilespmem:s23+$0xFA80]  }
0xfd: {  	v10 =	vld [tilespmem:s23+$0xFA90]  }
0xfe: {  	v11 =	vld [tilespmem:s23+$0xFAA0]  }
0xff: {  	v12 =	vld [tilespmem:s23+$0xFAB0]  }
0x100: {  	v13 =	vld [tilespmem:s23+$0xFAC0]  }
0x101: {  	v14 =	vld [tilespmem:s23+$0xFAD0]  }
0x102: {  	v0 =	vld [tilespmem:s23+$0xFAE0]  }
0x103: {  	[tilespmem:s23+$0x9600] =	vst.add.f32.msk $0xffff, v1  }
0x104: {  	[tilespmem:s23+$0x9610] =	vst.add.f32.msk $0xffff, v2  }
0x105: {  	[tilespmem:s23+$0x9620] =	vst.add.f32.msk $0xffff, v3  }
0x106: {  	[tilespmem:s23+$0x9630] =	vst.add.f32.msk $0xffff, v4  }
0x107: {  	[tilespmem:s23+$0x9640] =	vst.add.f32.msk $0xffff, v5  }
0x108: {  	[tilespmem:s23+$0x9650] =	vst.add.f32.msk $0xffff, v6  }
0x109: {  	[tilespmem:s23+$0x9660] =	vst.add.f32.msk $0xffff, v7  }
0x10a: {  	[tilespmem:s23+$0x9670] =	vst.add.f32.msk $0xffff, v8  }
0x10b: {  	[tilespmem:s23+$0x9680] =	vst.add.f32.msk $0xffff, v9  }
.Ltmp4:
0x10c: {  	[tilespmem:s23+$0x9690] =	vst.add.f32.msk $0xffff, v10;
	(pc) =	sbr.rel @p1 .LBB2_7-.Ltmp4, $4  }
0x10d: {  	[tilespmem:s23+$0x96A0] =	vst.add.f32.msk $0xffff, v11  }
0x10e: {  	[tilespmem:s23+$0x96B0] =	vst.add.f32.msk $0xffff, v12  }
0x10f: {  	[tilespmem:s23+$0x96C0] =	vst.add.f32.msk $0xffff, v13  }
0x110: {  	s7 =	sadd.s32 $0x400, s7;
	[tilespmem:s23+$0x96D0] =	vst.add.f32.msk $0xffff, v14  }
0x111: {  	s5 =	sadd.s32 s20, s9  }
0x112: {  	s5 =	sshll.u32 s5, $0x3  }
0x113: {  	s5 =	sand.u32 $0x1FFFFF80, s5  }
0x114: {  	[tilespmem:s23+$0x96E0] =	vst.add.f32.msk $0xffff, v0;
	s5 =	sadd.s32 s6, s5  }
0x115: {  	[hbm4b:s5+s2] =	stream.linear.scatter [tilespmem:s22], [sflag:$0x7], $0x3200, $0x38;
	[tilespmem:$0x12C00] =	vst v63  }
0x116: {  	_ =	swait.ge [sflag:s1], $0x3200  }
0x117: {  	s7 =	simm.s32 @!p0 $0x80;
	[sflag:s1] =	ssyncset.done $0x0  }
0x118: {  	s23 =	simm.s32 @!p0 $0x6400;
	s5 =	sadd.s32 @!p0 $0x3E8, s20;
	[sflag:s1] =	ssyncadd.s32 $0xFFFFCE00  }
0x119: {  	[tilespmem:s23], [sflag:$0x2] =	stream.indirect.gather @!p0 [hbm4b:s4+s7], $0x40, s5, s7, $0xb8;
	[tilespmem:$0x12C00] =	vst v63  }
0x11a: {  	s5 =	sadd.s32 @!p0 $0x468, s20;
	s7 =	simm.s32 @!p0 $0x48;
	s23 =	simm.s32 @!p0 $0x8400  }
0x11b: {  	[tilespmem:s23], [sflag:$0x2] =	stream.indirect.gather @!p0 [hbm4b:s4+s7], $0x40, s5, s7, $0xb8;
	[tilespmem:$0x12C00] =	vst v63  }
0x11c: {  	_ =	swait.ge [sflag:s0], $0x2000  }
0x11d: {  	[sflag:s0] =	ssyncset.done $0x0  }
0x11e: {  	[sflag:s0] =	ssyncadd.s32 $0xFFFFE000  }
0x11f: {  	_ =	swait.ge [sflag:s0], $0x1200  }
0x120: {  	[sflag:s0] =	ssyncset.done $0x0  }
0x121: {  	s23 =	simm.s32 $0x0;
	[sflag:s0] =	ssyncadd.s32 $0xFFFFEE00  }
0x122: {  	v0 =	vld [tilespmem:s23+$0xFAF0]  }
0x123: {  	v1 =	vld [tilespmem:s23+$0xFA00]  }
0x124: {  	v2 =	vld [tilespmem:s23+$0xFA10]  }
0x125: {  	v3 =	vld [tilespmem:s23+$0xFA20]  }
0x126: {  	v4 =	vld [tilespmem:s23+$0xFA30]  }
0x127: {  	v5 =	vld [tilespmem:s23+$0xFA40]  }
0x128: {  	v6 =	vld [tilespmem:s23+$0xFA50]  }
0x129: {  	v7 =	vld [tilespmem:s23+$0xFA60]  }
0x12a: {  	v8 =	vld [tilespmem:s23+$0xFA70]  }
0x12b: {  	v9 =	vld [tilespmem:s23+$0xFA80]  }
0x12c: {  	v10 =	vld [tilespmem:s23+$0xFA90]  }
0x12d: {  	v11 =	vld [tilespmem:s23+$0xFAA0]  }
0x12e: {  	v12 =	vld [tilespmem:s23+$0xFAB0]  }
0x12f: {  	v13 =	vld [tilespmem:s23+$0xFAC0]  }
0x130: {  	v14 =	vld [tilespmem:s23+$0xFAD0]  }
0x131: {  	[tilespmem:s23+$0xC8F0] =	vst.add.f32.msk $0xffff, v0  }
0x132: {  	v0 =	vld [tilespmem:s23+$0xFAE0]  }
0x133: {  	[tilespmem:s23+$0xC800] =	vst.add.f32.msk $0xffff, v1  }
0x134: {  	[tilespmem:s23+$0xC810] =	vst.add.f32.msk $0xffff, v2  }
0x135: {  	[tilespmem:s23+$0xC820] =	vst.add.f32.msk $0xffff, v3  }
0x136: {  	[tilespmem:s23+$0xC830] =	vst.add.f32.msk $0xffff, v4  }
0x137: {  	[tilespmem:s23+$0xC840] =	vst.add.f32.msk $0xffff, v5  }
0x138: {  	[tilespmem:s23+$0xC850] =	vst.add.f32.msk $0xffff, v6  }
0x139: {  	[tilespmem:s23+$0xC860] =	vst.add.f32.msk $0xffff, v7  }
0x13a: {  	[tilespmem:s23+$0xC870] =	vst.add.f32.msk $0xffff, v8  }
0x13b: {  	[tilespmem:s23+$0xC880] =	vst.add.f32.msk $0xffff, v9  }
0x13c: {  	[tilespmem:s23+$0xC890] =	vst.add.f32.msk $0xffff, v10  }
0x13d: {  	[tilespmem:s23+$0xC8A0] =	vst.add.f32.msk $0xffff, v11  }
0x13e: {  	[tilespmem:s23+$0xC8B0] =	vst.add.f32.msk $0xffff, v12  }
0x13f: {  	[tilespmem:s23+$0xC8C0] =	vst.add.f32.msk $0xffff, v13  }
0x140: {  	s5 =	simm.s32 $0x0;
	s7 =	simm.s32 $0x400;
	[tilespmem:s23+$0xC8D0] =	vst.add.f32.msk $0xffff, v14  }
.LBB2_9:
0x141: {  	s5 =	sadd.s32 $0x4, s5;
	[tilespmem:s23+$0xC8E0] =	vst.add.f32.msk $0xffff, v0;
	s23 =	sshra.s32 s7, $0x2  }
0x142: {  	v0 =	vld [tilespmem:s23+$0xFAF0];
	p1 =	slt.u32 s5, $0xC4  }
0x143: {  	v1 =	vld [tilespmem:s23+$0xFA00]  }
0x144: {  	v2 =	vld [tilespmem:s23+$0xFA10]  }
0x145: {  	v3 =	vld [tilespmem:s23+$0xFA20]  }
0x146: {  	v4 =	vld [tilespmem:s23+$0xFA30]  }
0x147: {  	[tilespmem:s23+$0xC8F0] =	vst.add.f32.msk $0xffff, v0  }
0x148: {  	v5 =	vld [tilespmem:s23+$0xFA40]  }
0x149: {  	v6 =	vld [tilespmem:s23+$0xFA50]  }
0x14a: {  	v7 =	vld [tilespmem:s23+$0xFA60]  }
0x14b: {  	v8 =	vld [tilespmem:s23+$0xFA70]  }
0x14c: {  	v9 =	vld [tilespmem:s23+$0xFA80]  }
0x14d: {  	v10 =	vld [tilespmem:s23+$0xFA90]  }
0x14e: {  	v11 =	vld [tilespmem:s23+$0xFAA0]  }
0x14f: {  	v12 =	vld [tilespmem:s23+$0xFAB0]  }
0x150: {  	v13 =	vld [tilespmem:s23+$0xFAC0]  }
0x151: {  	v14 =	vld [tilespmem:s23+$0xFAD0]  }
0x152: {  	v0 =	vld [tilespmem:s23+$0xFAE0]  }
0x153: {  	[tilespmem:s23+$0xC800] =	vst.add.f32.msk $0xffff, v1  }
0x154: {  	[tilespmem:s23+$0xC810] =	vst.add.f32.msk $0xffff, v2  }
0x155: {  	[tilespmem:s23+$0xC820] =	vst.add.f32.msk $0xffff, v3  }
0x156: {  	[tilespmem:s23+$0xC830] =	vst.add.f32.msk $0xffff, v4  }
0x157: {  	[tilespmem:s23+$0xC840] =	vst.add.f32.msk $0xffff, v5  }
0x158: {  	[tilespmem:s23+$0xC850] =	vst.add.f32.msk $0xffff, v6  }
0x159: {  	[tilespmem:s23+$0xC860] =	vst.add.f32.msk $0xffff, v7  }
0x15a: {  	[tilespmem:s23+$0xC870] =	vst.add.f32.msk $0xffff, v8  }
0x15b: {  	[tilespmem:s23+$0xC880] =	vst.add.f32.msk $0xffff, v9  }
.Ltmp5:
0x15c: {  	[tilespmem:s23+$0xC890] =	vst.add.f32.msk $0xffff, v10;
	(pc) =	sbr.rel @p1 .LBB2_9-.Ltmp5, $4  }
0x15d: {  	[tilespmem:s23+$0xC8A0] =	vst.add.f32.msk $0xffff, v11  }
0x15e: {  	[tilespmem:s23+$0xC8B0] =	vst.add.f32.msk $0xffff, v12  }
0x15f: {  	[tilespmem:s23+$0xC8C0] =	vst.add.f32.msk $0xffff, v13  }
0x160: {  	s7 =	sadd.s32 $0x400, s7;
	[tilespmem:s23+$0xC8D0] =	vst.add.f32.msk $0xffff, v14  }
0x161: {  	s5 =	sadd.s32 s3, s21  }
0x162: {  	s5 =	sshll.u32 s5, $0x3  }
0x163: {  	s5 =	sand.u32 $0x1FFFFFC0, s5  }
.Ltmp6:
0x164: {  	[tilespmem:s23+$0xC8E0] =	vst.add.f32.msk $0xffff, v0;
	s5 =	sadd.s32 s6, s5;
	(pc) =	sbr.rel @p0 .LBB2_12-.Ltmp6, $4  }
0x165: {  	[hbm4b:s5+s2] =	stream.linear.scatter [tilespmem:s26], [sflag:$0x8], $0x3200, $0x38;
	[tilespmem:$0x12C00] =	vst v63  }
0x166: {  	_ =	swait.ge [sflag:s12], $0x3200  }
0x167: {  	[sflag:s12] =	ssyncset.done $0x0  }
0x168: {  	[sflag:s12] =	ssyncadd.s32 $0xFFFFCE00  }
.Ltmp7:
0x169: {  	(pc) =	sbr.rel .LBB2_2-.Ltmp7, $4  }
0x16a: {  	s5 =	sadd.s32 $0x4B0, s20  }
0x16b: {  	[tilespmem:s22], [sflag:$0x3] =	stream.indirect.gather [hbm4b:s4+s13], $0x40, s5, s13, $0xb8;
	[tilespmem:$0x12C00] =	vst v63  }
0x16c: {  	s23 =	sadd.s32 $0x530, s20;
	s19 =	sadd.s32 $0x1, s19  }
0x16d: {  	[tilespmem:s24], [sflag:$0x3] =	stream.indirect.gather [hbm4b:s4+s15], $0x40, s23, s15, $0xb8;
	[tilespmem:$0x12C00] =	vst v63  }
.LBB2_13:
0x16e: {  	_ =	sfence.sel $0x180000  }
0x16f: {  	[bflag:$0x0] =	sbarrier.arrive $0xFFFF  }
0x170: {  	_ =	strace $0x9000004A  }
0x171: {  	s0 =	stileid.u32;
	[bflag:$0x2] =	sbarrier.arrive $0xFFFF  }
0x172: {  	p0 =	sne.s32 s0, $0x0;
	s0 =	rddreg [dreg:$0x1]  }
0x173: {  	s0 =	sadd.s32 @!p0 $0x100000, s0  }
0x174: {  	[sflag:s0] =	ssyncadd.tile.s32 @!p0 $0x1;
	_ =	shalt  }
.Lfunc_end2:
_tile_overlayer_lowered:
.L_overlay_start_2:
0x175: {  	(tag) =	ssettag $0x2  }
0x176: {  	s0 =	rddreg [dreg:$0x0];
	s2 =	stileid.u32  }
0x177: {  	s1 =	rddreg [dreg:$0x1];
	p0 =	sne.s32 s2, $0x0  }
0x178: {  	s3 =	rddreg [dreg:$0x2];
	[bflag:$0x3] =	sbarrier.arrive $0xFFFF;
	s2 =	simm.s32 @!p0 $0x1C09  }
0x179: {  	[timem:s3], [sflag:s2] =	dma.local @!p0 [hbm:s0], s1  }
0x17a: {  	s0 =	simm.s32 @!p0 $0x9  }
0x17b: {  	_ =	swait.ge @!p0 [sflag:s0], s1  }
0x17c: {  	s1 =	ssub.s32 @!p0 $0x0, s1;
	[sflag:s0] =	ssyncset.done @!p0 $0x0  }
0x17d: {  	[sflag:s0] =	ssyncadd.s32 @!p0 s1  }
0x17e: {  	[bflag:$0x3] =	sbarrier.arrive $0xFFFF  }
0x17f: {  	_ =	shalt  }

// kernel: kernel.7.cloned.1.call-start
scs
__scs_entry_jumppad:
0x0: {  	(pc) =	sbr.rel $0x88, $3  }
0x1: {  	(tag) =	ssettag $0x0;
	lr =	simm.s32 $0x1  }
0x2: {  	[smem:$0x3F9E] =	sst lr;
	_ =	strace $0xD0000000  }
0x3: {  	_ = 	snop  }
0x4: {  	_ = 	snop  }
0x5: {  	_ = 	snop  }
0x6: {  	_ = 	snop  }
0x7: {  	_ = 	snop  }
__scs_overlays_trampoline_lowered:
0x8: {  	[smem:$0x3FAD] =	sst s0  }
0x9: {  	[smem:$0x3FAE] =	sst s1  }
0xa: {  	[smem:$0x3FAF] =	sst s2  }
0xb: {  	[smem:$0x3FB0] =	sst s3  }
0xc: {  	[smem:$0x3FB1] =	sst s4  }
0xd: {  	[smem:$0x3FB2] =	sst s5  }
0xe: {  	[smem:$0x3FB3] =	sst s6  }
0xf: {  	[smem:$0x3FB4] =	sst s7  }
0x10: {  	[smem:$0x3FB5] =	sst s8  }
0x11: {  	[smem:$0x3FB6] =	sst s9;
	s0 =	simm.s32 @!p0 $0x0  }
0x12: {  	s1 =	sld [smem:$0x3F9C];
	s0 =	simm.s32 @p0 $0x1  }
0x13: {  	[smem:$0x3FB7] =	sst s0;
	s0 =	simm.s32 @!p1 $0x0  }
0x14: {  	s2 =	sld [smem:$0x3F9B];
	s0 =	simm.s32 @p1 $0x1  }
0x15: {  	[smem:$0x3FB8] =	sst s0;
	s0 =	simm.s32 @!p2 $0x0  }
0x16: {  	s3 =	sld [smem:$0x3FDB];
	s0 =	simm.s32 @p2 $0x1  }
0x17: {  	s4 =	simm.s32 $0x1BF5;
	[smem:$0x3FBA] =	sst s0  }
0x18: {  	s0 =	sld [smem:$0x3F9D];
	_ =	swait.ge [sflag:s4], $0x0  }
0x19: {  	s7 =	sld [smem:$0x3F9E]  }
0x1a: {  	s8 =	sadd.s32 $0xFFFFE003, lr  }
0x1b: {  	s9 =	sadd.s32 $0xFFFFFEF7, lr;
	s5 =	simm.s32 $0xFFFFFFFF;
	p2 =	slt.u32 s8, $0xFFFFF086  }
0x1c: {  	p1 =	slt.u32 s9, $0xF7A;
	s5 =	simm.s32 @!p2 $0x0  }
0x1d: {  	s5 =	simm.s32 @p1 $0x1;
	p0 =	seq.s32 s7, s2  }
0x1e: {  	s7 =	smul.u32 @!p0 $0xF7A, s2;
	p2 =	seq.s32 @!p0 s5, $0x0  }
0x1f: {  	s9 =	smul.u32 $0xF7A, s1;
	s8 =	simm.s32 @!p0 $0x1BF5;
	p2 =	por !p2, p0  }
0x20: {  	[sflag:s8] =	ssyncset.s32 @!p0 $0xFFFFF086;
	s6 =	sadd.s32 @!p0 s3, s7;
	s7 =	simm.s32 @!p0 $0x108  }
0x21: {  	s3 =	sadd.s32 s3, s9;
	s6 =	sadd.s32 @!p0 $0x88, s6;
	s7 =	simm.s32 @p2 $0x1082  }
0x22: {  	[simem:s7], [sflag:s8] =	dma.local @!p0 [hbm:s6], $0xF7A  }
0x23: {  	s9 =	sor.u32 $0xD0000000, s2;
	s6 =	simm.s32 $0x108;
	_ =	swait.ge @!p0 [sflag:s8], $0x0  }
0x24: {  	s3 =	sadd.s32 $0x88, s3;
	s6 =	simm.s32 @!p1 $0x1082;
	[sflag:s4] =	ssyncset.s32 $0xFFFFF086  }
0x25: {  	[simem:s6], [sflag:s4] =	dma.local [hbm:s3], $0xF7A  }
0x26: {  	[smem:$0x3F9E] =	sst s1;
	(tag) =	ssettag s2;
	_ =	strace s9  }
0x27: {  	s1 =	sld [smem:$0x3FAE]  }
0x28: {  	s2 =	sld [smem:$0x3FAF]  }
0x29: {  	s4 =	sld [smem:$0x3FB1]  }
0x2a: {  	p0 =	seq.s32 s5, $0x0;
	s5 =	sld [smem:$0x3FB2]  }
0x2b: {  	s6 =	sld [smem:$0x3FB3]  }
0x2c: {  	s7 =	sld [smem:$0x3FB4]  }
0x2d: {  	s3 =	simm.s32 $0x108;
	s8 =	sld [smem:$0x3FB5]  }
0x2e: {  	s3 =	simm.s32 @!p0 $0x1082;
	s9 =	sld [smem:$0x3FB6]  }
0x2f: {  	lr =	sadd.s32 s0, s3;
	s0 =	sld [smem:$0x3FAD]  }
0x30: {  	s3 =	sld [smem:$0x3FB0]  }
0x31: {  	[smem:$0x3FB9] =	sst s10  }
0x32: {  	s10 =	sld [smem:$0x3FB7];
	_ =	sdelay $0x3  }
0x33: {  	p0 =	seq.s32 s10, $0x1;
	s10 =	sld [smem:$0x3FB9];
	_ =	sdelay $0x3  }
0x34: {  	[smem:$0x3FB9] =	sst s10  }
0x35: {  	s10 =	sld [smem:$0x3FB8];
	_ =	sdelay $0x3  }
0x36: {  	p1 =	seq.s32 s10, $0x1;
	s10 =	sld [smem:$0x3FB9];
	_ =	sdelay $0x3  }
0x37: {  	[smem:$0x3FB9] =	sst s10  }
0x38: {  	s10 =	sld [smem:$0x3FBA]  }
0x39: {  	_ = 	snop;
	(pc) =	sbr.ind lr, $3  }
0x3a: {  	_ = 	snop  }
0x3b: {  	_ = 	snop  }
0x3c: {  	p2 =	seq.s32 s10, $0x1;
	s10 =	sld [smem:$0x3FB9]  }
0x3d: {  	_ =	shalt  }
0x3e: {  	_ =	shalt  }
0x3f: {  	_ =	shalt  }
0x40: {  	_ =	shalt  }
0x41: {  	_ =	shalt  }
0x42: {  	_ =	shalt  }
0x43: {  	_ =	shalt  }
0x44: {  	_ =	shalt  }
0x45: {  	_ =	shalt  }
0x46: {  	_ =	shalt  }
0x47: {  	_ =	shalt  }
0x48: {  	_ =	shalt  }
0x49: {  	_ =	shalt  }
0x4a: {  	_ =	shalt  }
0x4b: {  	_ =	shalt  }
0x4c: {  	_ =	shalt  }
0x4d: {  	_ =	shalt  }
0x4e: {  	_ =	shalt  }
0x4f: {  	_ =	shalt  }
0x50: {  	_ =	shalt  }
0x51: {  	_ =	shalt  }
0x52: {  	_ =	shalt  }
0x53: {  	_ =	shalt  }
0x54: {  	_ =	shalt  }
0x55: {  	_ =	shalt  }
0x56: {  	_ =	shalt  }
0x57: {  	_ =	shalt  }
0x58: {  	_ =	shalt  }
0x59: {  	_ =	shalt  }
0x5a: {  	_ =	shalt  }
0x5b: {  	_ =	shalt  }
0x5c: {  	_ =	shalt  }
0x5d: {  	_ =	shalt  }
0x5e: {  	_ =	shalt  }
0x5f: {  	_ =	shalt  }
0x60: {  	_ =	shalt  }
0x61: {  	_ =	shalt  }
0x62: {  	_ =	shalt  }
0x63: {  	_ =	shalt  }
0x64: {  	_ =	shalt  }
0x65: {  	_ =	shalt  }
0x66: {  	_ =	shalt  }
0x67: {  	_ =	shalt  }
0x68: {  	_ =	shalt  }
0x69: {  	_ =	shalt  }
0x6a: {  	_ =	shalt  }
0x6b: {  	_ =	shalt  }
0x6c: {  	_ =	shalt  }
0x6d: {  	_ =	shalt  }
0x6e: {  	_ =	shalt  }
0x6f: {  	_ =	shalt  }
0x70: {  	_ =	shalt  }
0x71: {  	_ =	shalt  }
0x72: {  	_ =	shalt  }
0x73: {  	_ =	shalt  }
0x74: {  	_ =	shalt  }
0x75: {  	_ =	shalt  }
0x76: {  	_ =	shalt  }
0x77: {  	_ =	shalt  }
0x78: {  	_ =	shalt  }
0x79: {  	_ =	shalt  }
0x7a: {  	_ =	shalt  }
0x7b: {  	_ =	shalt  }
0x7c: {  	_ =	shalt  }
0x7d: {  	_ =	shalt  }
0x7e: {  	_ =	shalt  }
0x7f: {  	_ =	shalt  }
0x80: {  	_ =	shalt  }
0x81: {  	_ =	shalt  }
0x82: {  	_ =	shalt  }
0x83: {  	_ =	shalt  }
0x84: {  	_ =	shalt  }
0x85: {  	_ =	shalt  }
0x86: {  	_ =	shalt  }
0x87: {  	_ =	shalt  }
.Lfunc_end0:
.L_simem_size_0:
called_computation.2_lowered:
.L_overlay_start_0:
0x88: {  	s2 =	sld [smem:$0x3FD9]  }
0x89: {  	s3 =	sld [smem:$0x3FFE];
	_ =	sdelay $0x1  }
0x8a: {  	s1 =	srdreg.scid  }
0x8b: {  	s0 =	sand.u32 $0x1, s1  }
0x8c: {  	s17 =	sshll.u32 s0, $0xA;
	s2 =	sadd.s32 s3, s2  }
0x8d: {  	s2 =	sadd.s32 s2, s17  }
0x8e: {  	[smem:$0x3FC5] =	sst s2  }
0x8f: {  	_ = 	snop  }
0x90: {  	s2 =	sld [smem:$0x3FD0];
	(tm) =	ssettm $0x1  }
0x91: {  	s18 =	sld [smem:$0x3FFB];
	_ =	sdelay $0x3  }
0x92: {  	_ =	strace s18  }
0x93: {  	s3 =	sld [smem:$0x3FFC];
	_ =	sdelay $0x3  }
0x94: {  	_ =	strace s3  }
0x95: {  	s3 =	sld [smem:$0x3FFD];
	_ =	sdelay $0x3  }
0x96: {  	_ =	strace s3  }
0x97: {  	_ =	strace $0x8FFFFFFF  }
0x98: {  	s19 =	sld [smem:$0x3FDB];
	_ =	sdelay $0x1  }
0x99: {  	s4 =	simm.s32 $_scs_section_size  }
0x9a: {  	s5 =	simm.s32 $_size__tile_overlayer_lowered;
	s6 =	simm.s32 $_tile_overlayer_lowered  }
0x9b: {  	s22 =	simm.s32 $0x1BFF;
	s21 =	sshll.u32 s6, $0x1;
	s3 =	sadd.s32 s4, s19  }
0x9c: {  	s7 =	simm.s32 $0x0;
	s20 =	sshll.u32 s5, $0x1;
	s5 =	sadd.s32 s21, s3  }
0x9d: {  	[timem:s7], [sflag:s22] =	dma.local [hbm:s5], s20  }
0x9e: {  	_ =	swait.ge [sflag:s22], s20  }
0x9f: {  	s4 =	ssub.s32 $0x0, s20;
	[sflag:s22] =	ssyncset.done $0x0  }
0xa0: {  	[sflag:s22] =	ssyncadd.s32 s4;
	_ =	sdelay $0x1  }
0xa1: {  	s23 =	simm.s32 $0x1B8B  }
0xa2: {  	_ =	swait.ge [sflag:s23], $0x1  }
0xa3: {  	[sflag:s23] =	ssyncset.done $0x0  }
0xa4: {  	s25 =	simm.s32 $0x1B8E;
	s24 =	sld [smem:$0x3FFE];
	[sflag:s23] =	ssyncadd.s32 $0xFFFFFFFF  }
0xa5: {  	s26 =	simm.s32 $execute0_lowered;
	[smem:$0x3FD2] =	sst s25  }
0xa6: {  	s5 =	sshll.u32 s26, $0x1;
	_ =	strace $0x80000046;
	[dreg:$0x1] =	wrdreg $0xFFFFFFFF  }
0xa7: {  	s28 =	simm.s32 $_size_execute0_lowered;
	s3 =	sadd.s32 s3, s5;
	[dreg:$0x0] =	wrdreg $0x0  }
0xa8: {  	s5 =	sshll.u32 s28, $0x1;
	[dreg:$0x2] =	wrdreg s3  }
0xa9: {  	[dreg:$0x3] =	wrdreg s5  }
0xaa: {  	[dreg:$0x4] =	wrdreg $0xC0  }
0xab: {  	_ =	task [dreg:s7], $0x5FFFF  }
0xac: {  	[dreg:$0x1] =	wrdreg $0xFFFFFFFF  }
0xad: {  	[dreg:$0x0] =	wrdreg $0x60  }
0xae: {  	[dreg:$0x2] =	wrdreg s2  }
0xaf: {  	[dreg:$0x3] =	wrdreg s24  }
0xb0: {  	[dreg:$0x4] =	wrdreg $0xA  }
0xb1: {  	_ =	task.clear_ibuf [dreg:s7], $0x5FFFF;
	_ =	strace $0x90000046  }
0xb2: {  	s29 =	simm.s32 $0xA;
	_ =	strace $0x80000048  }
0xb3: {  	_ =	swait.ge [sflag:s29], $0x1  }
0xb4: {  	[sflag:s29] =	ssyncadd.s32 $0xFFFFFFFF  }
0xb5: {  	_ =	strace $0x90000048  }
0xb6: {  	_ =	sfence  }
0xb7: {  	s30 =	sld [smem:$0x0];
	_ =	sdelay $0x2  }
0xb8: {  	s31 =	sshll.u32 s1, $0xD;
	s1 =	sshrl.u32 s1, $0x2  }
0xb9: {  	s3 =	sand.u32 $0x4000, s31;
	s1 =	sadd.s32 s1, s30  }
0xba: {  	s0 =	sor.u32 s3, s0;
	s1 =	sshll.u32 s1, $0x11  }
0xbb: {  	s0 =	sor.u32 s1, s0  }
0xbc: {  	s0 =	sadd.s32 $0x8F2B, s0  }
0xbd: {  	[sflag:s0] =	ssyncadd.remote.s32 $0x1  }
0xbe: {  	_ =	sfence.sel $0xFFFF  }
0xbf: {  	[dreg:$0x0] =	wrdreg $0xFFFFFFFF;
	(pc) =	sbr.abs _section_cstart, $3  }
0xc0: {  	[dreg:$0x1] =	wrdreg $0xFFFFFFFF  }
0xc1: {  	_ =	task.clear_ibuf [dreg:s7], $0x2FFFF;
	_ =	strace $0x9FFFFFFF  }
0xc2: {  	(tm) =	ssettm $0x7FFFFFFF  }
0xc3: {  	_ =	shalt  }
tec
execute0_lowered:
.L_overlay_start_1:
0x0: {  	(tag) =	ssettag $0x1  }
0x1: {  	s0 =	rddreg [dreg:$0x0]  }
0x2: {  	s1 =	rddreg [dreg:$0x1]  }
0x3: {  	s3 =	srdreg.scid;
	s4 =	stileid.u32  }
0x4: {  	s2 =	simm.s32 $0x0;
	s11 =	simm.s32 $0x9;
	s13 =	simm.s32 $0x80  }
0x5: {  	s14 =	simm.s32 $0x3200;
	s15 =	simm.s32 $0x48;
	s18 =	simm.s32 $0x6400  }
0x6: {  	s22 =	simm.s32 $0x9600;
	s24 =	simm.s32 $0xB600;
	s28 =	simm.s32 $0xE800  }
0x7: {  	s29 =	simm.s32 $0x2;
	s30 =	simm.s32 $0x5;
	s31 =	simm.s32 $0x3  }
0x8: {  	s12 =	simm.s32 $0x7;
	s16 =	simm.s32 $0x8;
	s17 =	simm.s32 $0x0  }
0x9: {  	s5 =	sand.u32 $0x1, s3;
	s25 =	sshll.u32 s4, $0x1;
	[smem:$0x7FF] =	sst s2  }
0xa: {  	s4 =	sadd.s32 $0xF43C00, s1;
	s6 =	sadd.s32 $0x1000, s1;
	s3 =	sor.u32 s5, s25  }
0xb: {  	_ =	strace $0x80000047;
	s5 =	ssub.s32 $0x2, s5;
	s3 =	smul.u32 $0x3200, s3  }
.Ltmp0:
0xc: {  	[dreg:$0x3] =	wrdreg s6;
	s26 =	sshrl.u32 s5, $0x1;
	(pc) =	sbr.rel .LBB2_1-.Ltmp0, $4  }
0xd: {  	s6 =	sadd.s32 $0x1800, s1;
	s25 =	simm.s32 $0x1;
	s1 =	ssub.s32 s5, s26  }
0xe: {  	s26 =	simm.s32 $0xC800;
	s7 =	sshrl.u32 s3, $0x3;
	s8 =	sor.u32 $0xC8, s3  }
0xf: {  	s9 =	sor.u32 $0x190, s3;
	s10 =	smax.u32 s1, $0x1;
	s0 =	sadd.s32 s0, s7  }
0x10: {  	s1 =	simm.s32 $0x4;
	[dreg:$0x4] =	wrdreg s0;
	s0 =	simm.s32 $0x6  }
.LBB2_12:
0x11: {  	s17 =	sadd.s32 $0x1, s17  }
0x12: {  	p0 =	sne.s32 s17, s10  }
.Ltmp1:
0x13: {  	_ = 	snop;
	(pc) =	sbr.rel @!p0 .LBB2_13-.Ltmp1, $4  }
0x14: {  	_ = 	snop  }
0x15: {  	_ =	swait.ge [sflag:s16], $0x3200  }
0x16: {  	[sflag:s16] =	ssyncset.done $0x0  }
0x17: {  	[sflag:s16] =	ssyncadd.s32 $0xFFFFCE00  }
.LBB2_1:
0x18: {  	s5 =	rddreg [dreg:$0x4]  }
0x19: {  	[tilespmem:s2], [sflag:$0x9] =	stream.linear.gather [hbm4b:s5+s2], $0x3200, $0x38;
	[tilespmem:$0x12C00] =	vst v63  }
0x1a: {  	_ =	swait.ge [sflag:s11], $0x3200  }
0x1b: {  	[sflag:s11] =	ssyncset.done $0x0  }
0x1c: {  	s7 =	simm.s32 $0xFA00;
	s21 =	rddreg [dreg:$0x3];
	[sflag:s11] =	ssyncadd.s32 $0xFFFFCE00  }
0x1d: {  	[tilespmem:s7], [sflag:$0x9] =	stream.linear.gather [hbm4b:s21+s2], $0x3200, $0x38;
	[tilespmem:$0x12C00] =	vst v63  }
0x1e: {  	_ =	swait.ge [sflag:s11], $0x3200  }
0x1f: {  	[sflag:s11] =	ssyncset.done $0x0  }
0x20: {  	[sflag:s11] =	ssyncadd.s32 $0xFFFFCE00  }
0x21: {  	[tilespmem:s14], [sflag:$0x1] =	stream.indirect.gather [hbm4b:s4+s13], $0x40, s2, s13, $0xb8;
	[tilespmem:$0x12C00] =	vst v63  }
0x22: {  	s23 =	simm.s32 $0x5200  }
0x23: {  	[tilespmem:s23], [sflag:$0x1] =	stream.indirect.gather [hbm4b:s4+s15], $0x40, s13, s15, $0xb8;
	[tilespmem:$0x12C00] =	vst v63  }
0x24: {  	s7 =	simm.s32 $0xC8  }
0x25: {  	[tilespmem:s18], [sflag:$0x2] =	stream.indirect.gather [hbm4b:s4+s13], $0x40, s7, s13, $0xb8;
	[tilespmem:$0x12C00] =	vst v63  }
0x26: {  	s19 =	simm.s32 $0x148;
	s20 =	simm.s32 $0x8400  }
0x27: {  	[tilespmem:s20], [sflag:$0x2] =	stream.indirect.gather [hbm4b:s4+s15], $0x40, s19, s15, $0xb8;
	[tilespmem:$0x12C00] =	vst v63  }
0x28: {  	s21 =	simm.s32 $0x190  }
0x29: {  	[tilespmem:s22], [sflag:$0x3] =	stream.indirect.gather [hbm4b:s4+s13], $0x40, s21, s13, $0xb8;
	[tilespmem:$0x12C00] =	vst v63  }
0x2a: {  	s23 =	simm.s32 $0x210;
	s19 =	simm.s32 $0x0  }
0x2b: {  	[tilespmem:s24], [sflag:$0x3] =	stream.indirect.gather [hbm4b:s4+s15], $0x40, s23, s15, $0xb8;
	[tilespmem:$0x12C00] =	vst v63  }
.LBB2_2:
0x2c: {  	_ =	swait.ge [sflag:s25], $0x2000  }
0x2d: {  	[sflag:s25] =	ssyncset.done $0x0  }
0x2e: {  	[sflag:s25] =	ssyncadd.s32 $0xFFFFE000  }
0x2f: {  	_ =	swait.ge [sflag:s25], $0x1200  }
0x30: {  	[sflag:s25] =	ssyncset.done $0x0  }
0x31: {  	s21 =	simm.s32 $0x0;
	[sflag:s25] =	ssyncadd.s32 $0xFFFFEE00  }
0x32: {  	v0 =	vld [tilespmem:s21+$0xFAF0]  }
0x33: {  	v1 =	vld [tilespmem:s21+$0xFA00]  }
0x34: {  	v2 =	vld [tilespmem:s21+$0xFA10]  }
0x35: {  	v3 =	vld [tilespmem:s21+$0xFA20]  }
0x36: {  	v4 =	vld [tilespmem:s21+$0xFA30]  }
0x37: {  	v5 =	vld [tilespmem:s21+$0xFA40]  }
0x38: {  	v6 =	vld [tilespmem:s21+$0xFA50]  }
0x39: {  	v7 =	vld [tilespmem:s21+$0xFA60]  }
0x3a: {  	v8 =	vld [tilespmem:s21+$0xFA70]  }
0x3b: {  	v9 =	vld [tilespmem:s21+$0xFA80]  }
0x3c: {  	v10 =	vld [tilespmem:s21+$0xFA90]  }
0x3d: {  	v11 =	vld [tilespmem:s21+$0xFAA0]  }
0x3e: {  	v12 =	vld [tilespmem:s21+$0xFAB0]  }
0x3f: {  	v13 =	vld [tilespmem:s21+$0xFAC0]  }
0x40: {  	v14 =	vld [tilespmem:s21+$0xFAD0]  }
0x41: {  	[tilespmem:s21+$0x32F0] =	vst.add.f32.msk $0xffff, v0  }
0x42: {  	v0 =	vld [tilespmem:s21+$0xFAE0]  }
0x43: {  	[tilespmem:s21+$0x3200] =	vst.add.f32.msk $0xffff, v1  }
0x44: {  	[tilespmem:s21+$0x3210] =	vst.add.f32.msk $0xffff, v2  }
0x45: {  	[tilespmem:s21+$0x3220] =	vst.add.f32.msk $0xffff, v3  }
0x46: {  	[tilespmem:s21+$0x3230] =	vst.add.f32.msk $0xffff, v4  }
0x47: {  	[tilespmem:s21+$0x3240] =	vst.add.f32.msk $0xffff, v5  }
0x48: {  	[tilespmem:s21+$0x3250] =	vst.add.f32.msk $0xffff, v6  }
0x49: {  	[tilespmem:s21+$0x3260] =	vst.add.f32.msk $0xffff, v7  }
0x4a: {  	[tilespmem:s21+$0x3270] =	vst.add.f32.msk $0xffff, v8  }
0x4b: {  	[tilespmem:s21+$0x3280] =	vst.add.f32.msk $0xffff, v9  }
0x4c: {  	[tilespmem:s21+$0x3290] =	vst.add.f32.msk $0xffff, v10  }
0x4d: {  	[tilespmem:s21+$0x32A0] =	vst.add.f32.msk $0xffff, v11  }
0x4e: {  	[tilespmem:s21+$0x32B0] =	vst.add.f32.msk $0xffff, v12  }
0x4f: {  	[tilespmem:s21+$0x32C0] =	vst.add.f32.msk $0xffff, v13  }
0x50: {  	s20 =	simm.s32 $0x0;
	s5 =	simm.s32 $0x400;
	[tilespmem:s21+$0x32D0] =	vst.add.f32.msk $0xffff, v14  }
.LBB2_3:
0x51: {  	s20 =	sadd.s32 $0x4, s20;
	[tilespmem:s21+$0x32E0] =	vst.add.f32.msk $0xffff, v0;
	s21 =	sshra.s32 s5, $0x2  }
0x52: {  	v0 =	vld [tilespmem:s21+$0xFAF0];
	p0 =	slt.u32 s20, $0xC4  }
0x53: {  	v1 =	vld [tilespmem:s21+$0xFA00]  }
0x54: {  	v2 =	vld [tilespmem:s21+$0xFA10]  }
0x55: {  	v3 =	vld [tilespmem:s21+$0xFA20]  }
0x56: {  	v4 =	vld [tilespmem:s21+$0xFA30]  }
0x57: {  	[tilespmem:s21+$0x32F0] =	vst.add.f32.msk $0xffff, v0  }
0x58: {  	v5 =	vld [tilespmem:s21+$0xFA40]  }
0x59: {  	v6 =	vld [tilespmem:s21+$0xFA50]  }
0x5a: {  	v7 =	vld [tilespmem:s21+$0xFA60]  }
0x5b: {  	v8 =	vld [tilespmem:s21+$0xFA70]  }
0x5c: {  	v9 =	vld [tilespmem:s21+$0xFA80]  }
0x5d: {  	v10 =	vld [tilespmem:s21+$0xFA90]  }
0x5e: {  	v11 =	vld [tilespmem:s21+$0xFAA0]  }
0x5f: {  	v12 =	vld [tilespmem:s21+$0xFAB0]  }
0x60: {  	v13 =	vld [tilespmem:s21+$0xFAC0]  }
0x61: {  	v14 =	vld [tilespmem:s21+$0xFAD0]  }
0x62: {  	v0 =	vld [tilespmem:s21+$0xFAE0]  }
0x63: {  	[tilespmem:s21+$0x3200] =	vst.add.f32.msk $0xffff, v1  }
0x64: {  	[tilespmem:s21+$0x3210] =	vst.add.f32.msk $0xffff, v2  }
0x65: {  	[tilespmem:s21+$0x3220] =	vst.add.f32.msk $0xffff, v3  }
0x66: {  	[tilespmem:s21+$0x3230] =	vst.add.f32.msk $0xffff, v4  }
0x67: {  	[tilespmem:s21+$0x3240] =	vst.add.f32.msk $0xffff, v5  }
0x68: {  	[tilespmem:s21+$0x3250] =	vst.add.f32.msk $0xffff, v6  }
0x69: {  	[tilespmem:s21+$0x3260] =	vst.add.f32.msk $0xffff, v7  }
0x6a: {  	[tilespmem:s21+$0x3270] =	vst.add.f32.msk $0xffff, v8  }
0x6b: {  	[tilespmem:s21+$0x3280] =	vst.add.f32.msk $0xffff, v9  }
.Ltmp2:
0x6c: {  	[tilespmem:s21+$0x3290] =	vst.add.f32.msk $0xffff, v10;
	(pc) =	sbr.rel @p0 .LBB2_3-.Ltmp2, $4  }
0x6d: {  	[tilespmem:s21+$0x32A0] =	vst.add.f32.msk $0xffff, v11  }
0x6e: {  	[tilespmem:s21+$0x32B0] =	vst.add.f32.msk $0xffff, v12  }
0x6f: {  	[tilespmem:s21+$0x32C0] =	vst.add.f32.msk $0xffff, v13  }
0x70: {  	s5 =	sadd.s32 $0x400, s5;
	[tilespmem:s21+$0x32D0] =	vst.add.f32.msk $0xffff, v14  }
0x71: {  	s20 =	smul.u32 $0x320, s19;
	_ =	sdelay $0x1  }
0x72: {  	s5 =	sadd.s32 s3, s20  }
0x73: {  	s5 =	sshll.u32 s5, $0x3  }
0x74: {  	[tilespmem:s21+$0x32E0] =	vst.add.f32.msk $0xffff, v0;
	p0 =	seq.s32 s19, $0x0;
	s5 =	sadd.s32 s6, s5  }
0x75: {  	[hbm4b:s5+s2] =	stream.linear.scatter [tilespmem:s14], [sflag:$0x5], $0x3200, $0x38;
	[tilespmem:$0x12C00] =	vst v63  }
0x76: {  	s5 =	simm.s32 @!p0 $0x8  }
0x77: {  	_ =	swait.ge @!p0 [sflag:s5], $0x3200  }
0x78: {  	[sflag:s5] =	ssyncset.done @!p0 $0x0  }
0x79: {  	s21 =	sadd.s32 $0x258, s20;
	[sflag:s5] =	ssyncadd.s32 @!p0 $0xFFFFCE00  }
0x7a: {  	[tilespmem:s26], [sflag:$0x4] =	stream.indirect.gather [hbm4b:s4+s13], $0x40, s21, s13, $0xb8;
	[tilespmem:$0x12C00] =	vst v63  }
0x7b: {  	s23 =	sadd.s32 $0x2D8, s20  }
0x7c: {  	[tilespmem:s28], [sflag:$0x4] =	stream.indirect.gather [hbm4b:s4+s15], $0x40, s23, s15, $0xb8;
	[tilespmem:$0x12C00] =	vst v63  }
0x7d: {  	_ =	swait.ge [sflag:s29], $0x2000  }
0x7e: {  	[sflag:s29] =	ssyncset.done $0x0  }
0x7f: {  	[sflag:s29] =	ssyncadd.s32 $0xFFFFE000  }
0x80: {  	_ =	swait.ge [sflag:s29], $0x1200  }
0x81: {  	[sflag:s29] =	ssyncset.done $0x0  }
0x82: {  	s23 =	simm.s32 $0x0;
	[sflag:s29] =	ssyncadd.s32 $0xFFFFEE00  }
0x83: {  	v0 =	vld [tilespmem:s23+$0xFAF0]  }
0x84: {  	v1 =	vld [tilespmem:s23+$0xFA00]  }
0x85: {  	v2 =	vld [tilespmem:s23+$0xFA10]  }
0x86: {  	v3 =	vld [tilespmem:s23+$0xFA20]  }
0x87: {  	v4 =	vld [tilespmem:s23+$0xFA30]  }
0x88: {  	v5 =	vld [tilespmem:s23+$0xFA40]  }
0x89: {  	v6 =	vld [tilespmem:s23+$0xFA50]  }
0x8a: {  	v7 =	vld [tilespmem:s23+$0xFA60]  }
0x8b: {  	v8 =	vld [tilespmem:s23+$0xFA70]  }
0x8c: {  	v9 =	vld [tilespmem:s23+$0xFA80]  }
0x8d: {  	v10 =	vld [tilespmem:s23+$0xFA90]  }
0x8e: {  	v11 =	vld [tilespmem:s23+$0xFAA0]  }
0x8f: {  	v12 =	vld [tilespmem:s23+$0xFAB0]  }
0x90: {  	v13 =	vld [tilespmem:s23+$0xFAC0]  }
0x91: {  	v14 =	vld [tilespmem:s23+$0xFAD0]  }
0x92: {  	[tilespmem:s23+$0x64F0] =	vst.add.f32.msk $0xffff, v0  }
0x93: {  	v0 =	vld [tilespmem:s23+$0xFAE0]  }
0x94: {  	[tilespmem:s23+$0x6400] =	vst.add.f32.msk $0xffff, v1  }
0x95: {  	[tilespmem:s23+$0x6410] =	vst.add.f32.msk $0xffff, v2  }
0x96: {  	[tilespmem:s23+$0x6420] =	vst.add.f32.msk $0xffff, v3  }
0x97: {  	[tilespmem:s23+$0x6430] =	vst.add.f32.msk $0xffff, v4  }
0x98: {  	[tilespmem:s23+$0x6440] =	vst.add.f32.msk $0xffff, v5  }
0x99: {  	[tilespmem:s23+$0x6450] =	vst.add.f32.msk $0xffff, v6  }
0x9a: {  	[tilespmem:s23+$0x6460] =	vst.add.f32.msk $0xffff, v7  }
0x9b: {  	[tilespmem:s23+$0x6470] =	vst.add.f32.msk $0xffff, v8  }
0x9c: {  	[tilespmem:s23+$0x6480] =	vst.add.f32.msk $0xffff, v9  }
0x9d: {  	[tilespmem:s23+$0x6490] =	vst.add.f32.msk $0xffff, v10  }
0x9e: {  	[tilespmem:s23+$0x64A0] =	vst.add.f32.msk $0xffff, v11  }
0x9f: {  	[tilespmem:s23+$0x64B0] =	vst.add.f32.msk $0xffff, v12  }
0xa0: {  	[tilespmem:s23+$0x64C0] =	vst.add.f32.msk $0xffff, v13  }
0xa1: {  	s7 =	simm.s32 $0x400;
	s5 =	simm.s32 $0x0;
	[tilespmem:s23+$0x64D0] =	vst.add.f32.msk $0xffff, v14  }
.LBB2_5:
0xa2: {  	s5 =	sadd.s32 $0x4, s5;
	[tilespmem:s23+$0x64E0] =	vst.add.f32.msk $0xffff, v0;
	s23 =	sshra.s32 s7, $0x2  }
0xa3: {  	v0 =	vld [tilespmem:s23+$0xFAF0];
	p0 =	slt.u32 s5, $0xC4  }
0xa4: {  	v1 =	vld [tilespmem:s23+$0xFA00]  }
0xa5: {  	v2 =	vld [tilespmem:s23+$0xFA10]  }
0xa6: {  	v3 =	vld [tilespmem:s23+$0xFA20]  }
0xa7: {  	v4 =	vld [tilespmem:s23+$0xFA30]  }
0xa8: {  	[tilespmem:s23+$0x64F0] =	vst.add.f32.msk $0xffff, v0  }
0xa9: {  	v5 =	vld [tilespmem:s23+$0xFA40]  }
0xaa: {  	v6 =	vld [tilespmem:s23+$0xFA50]  }
0xab: {  	v7 =	vld [tilespmem:s23+$0xFA60]  }
0xac: {  	v8 =	vld [tilespmem:s23+$0xFA70]  }
0xad: {  	v9 =	vld [tilespmem:s23+$0xFA80]  }
0xae: {  	v10 =	vld [tilespmem:s23+$0xFA90]  }
0xaf: {  	v11 =	vld [tilespmem:s23+$0xFAA0]  }
0xb0: {  	v12 =	vld [tilespmem:s23+$0xFAB0]  }
0xb1: {  	v13 =	vld [tilespmem:s23+$0xFAC0]  }
0xb2: {  	v14 =	vld [tilespmem:s23+$0xFAD0]  }
0xb3: {  	v0 =	vld [tilespmem:s23+$0xFAE0]  }
0xb4: {  	[tilespmem:s23+$0x6400] =	vst.add.f32.msk $0xffff, v1  }
0xb5: {  	[tilespmem:s23+$0x6410] =	vst.add.f32.msk $0xffff, v2  }
0xb6: {  	[tilespmem:s23+$0x6420] =	vst.add.f32.msk $0xffff, v3  }
0xb7: {  	[tilespmem:s23+$0x6430] =	vst.add.f32.msk $0xffff, v4  }
0xb8: {  	[tilespmem:s23+$0x6440] =	vst.add.f32.msk $0xffff, v5  }
0xb9: {  	[tilespmem:s23+$0x6450] =	vst.add.f32.msk $0xffff, v6  }
0xba: {  	[tilespmem:s23+$0x6460] =	vst.add.f32.msk $0xffff, v7  }
0xbb: {  	[tilespmem:s23+$0x6470] =	vst.add.f32.msk $0xffff, v8  }
0xbc: {  	[tilespmem:s23+$0x6480] =	vst.add.f32.msk $0xffff, v9  }
.Ltmp3:
0xbd: {  	[tilespmem:s23+$0x6490] =	vst.add.f32.msk $0xffff, v10;
	(pc) =	sbr.rel @p0 .LBB2_5-.Ltmp3, $4  }
0xbe: {  	[tilespmem:s23+$0x64A0] =	vst.add.f32.msk $0xffff, v11  }
0xbf: {  	[tilespmem:s23+$0x64B0] =	vst.add.f32.msk $0xffff, v12  }
0xc0: {  	[tilespmem:s23+$0x64C0] =	vst.add.f32.msk $0xffff, v13  }
0xc1: {  	s7 =	sadd.s32 $0x400, s7;
	[tilespmem:s23+$0x64D0] =	vst.add.f32.msk $0xffff, v14  }
0xc2: {  	s5 =	sadd.s32 s20, s8  }
0xc3: {  	s5 =	sshll.u32 s5, $0x3  }
0xc4: {  	s5 =	sand.u32 $0x1FFFFF40, s5  }
0xc5: {  	[tilespmem:s23+$0x64E0] =	vst.add.f32.msk $0xffff, v0;
	s5 =	sadd.s32 s6, s5  }
0xc6: {  	[hbm4b:s5+s2] =	stream.linear.scatter [tilespmem:s18], [sflag:$0x6], $0x3200, $0x38;
	[tilespmem:$0x12C00] =	vst v63  }
0xc7: {  	p0 =	seq.s32 s19, $0xF;
	_ =	swait.ge [sflag:s30], $0x3200  }
0xc8: {  	s7 =	simm.s32 @!p0 $0x80;
	[sflag:s30] =	ssyncset.done $0x0  }
0xc9: {  	s23 =	simm.s32 @!p0 $0x3200;
	s5 =	sadd.s32 @!p0 $0x320, s20;
	[sflag:s30] =	ssyncadd.s32 $0xFFFFCE00  }
0xca: {  	[tilespmem:s23], [sflag:$0x1] =	stream.indirect.gather @!p0 [hbm4b:s4+s7], $0x40, s5, s7, $0xb8;
	[tilespmem:$0x12C00] =	vst v63  }
0xcb: {  	s5 =	sadd.s32 @!p0 $0x3A0, s20;
	s7 =	simm.s32 @!p0 $0x48;
	s23 =	simm.s32 @!p0 $0x5200  }
0xcc: {  	[tilespmem:s23], [sflag:$0x1] =	stream.indirect.gather @!p0 [hbm4b:s4+s7], $0x40, s5, s7, $0xb8;
	[tilespmem:$0x12C00] =	vst v63  }
0xcd: {  	_ =	swait.ge [sflag:s31], $0x2000  }
0xce: {  	[sflag:s31] =	ssyncset.done $0x0  }
0xcf: {  	[sflag:s31] =	ssyncadd.s32 $0xFFFFE000  }
0xd0: {  	_ =	swait.ge [sflag:s31], $0x1200  }
0xd1: {  	[sflag:s31] =	ssyncset.done $0x0  }
0xd2: {  	s23 =	simm.s32 $0x0;
	[sflag:s31] =	ssyncadd.s32 $0xFFFFEE00  }
0xd3: {  	v0 =	vld [tilespmem:s23+$0xFAF0]  }
0xd4: {  	v1 =	vld [tilespmem:s23+$0xFA00]  }
0xd5: {  	v2 =	vld [tilespmem:s23+$0xFA10]  }
0xd6: {  	v3 =	vld [tilespmem:s23+$0xFA20]  }
0xd7: {  	v4 =	vld [tilespmem:s23+$0xFA30]  }
0xd8: {  	v5 =	vld [tilespmem:s23+$0xFA40]  }
0xd9: {  	v6 =	vld [tilespmem:s23+$0xFA50]  }
0xda: {  	v7 =	vld [tilespmem:s23+$0xFA60]  }
0xdb: {  	v8 =	vld [tilespmem:s23+$0xFA70]  }
0xdc: {  	v9 =	vld [tilespmem:s23+$0xFA80]  }
0xdd: {  	v10 =	vld [tilespmem:s23+$0xFA90]  }
0xde: {  	v11 =	vld [tilespmem:s23+$0xFAA0]  }
0xdf: {  	v12 =	vld [tilespmem:s23+$0xFAB0]  }
0xe0: {  	v13 =	vld [tilespmem:s23+$0xFAC0]  }
0xe1: {  	v14 =	vld [tilespmem:s23+$0xFAD0]  }
0xe2: {  	[tilespmem:s23+$0x96F0] =	vst.add.f32.msk $0xffff, v0  }
0xe3: {  	v0 =	vld [tilespmem:s23+$0xFAE0]  }
0xe4: {  	[tilespmem:s23+$0x9600] =	vst.add.f32.msk $0xffff, v1  }
0xe5: {  	[tilespmem:s23+$0x9610] =	vst.add.f32.msk $0xffff, v2  }
0xe6: {  	[tilespmem:s23+$0x9620] =	vst.add.f32.msk $0xffff, v3  }
0xe7: {  	[tilespmem:s23+$0x9630] =	vst.add.f32.msk $0xffff, v4  }
0xe8: {  	[tilespmem:s23+$0x9640] =	vst.add.f32.msk $0xffff, v5  }
0xe9: {  	[tilespmem:s23+$0x9650] =	vst.add.f32.msk $0xffff, v6  }
0xea: {  	[tilespmem:s23+$0x9660] =	vst.add.f32.msk $0xffff, v7  }
0xeb: {  	[tilespmem:s23+$0x9670] =	vst.add.f32.msk $0xffff, v8  }
0xec: {  	[tilespmem:s23+$0x9680] =	vst.add.f32.msk $0xffff, v9  }
0xed: {  	[tilespmem:s23+$0x9690] =	vst.add.f32.msk $0xffff, v10  }
0xee: {  	[tilespmem:s23+$0x96A0] =	vst.add.f32.msk $0xffff, v11  }
0xef: {  	[tilespmem:s23+$0x96B0] =	vst.add.f32.msk $0xffff, v12  }
0xf0: {  	[tilespmem:s23+$0x96C0] =	vst.add.f32.msk $0xffff, v13  }
0xf1: {  	s5 =	simm.s32 $0x0;
	s7 =	simm.s32 $0x400;
	[tilespmem:s23+$0x96D0] =	vst.add.f32.msk $0xffff, v14  }
.LBB2_7:
0xf2: {  	s5 =	sadd.s32 $0x4, s5;
	[tilespmem:s23+$0x96E0] =	vst.add.f32.msk $0xffff, v0;
	s23 =	sshra.s32 s7, $0x2  }
0xf3: {  	v0 =	vld [tilespmem:s23+$0xFAF0];
	p1 =	slt.u32 s5, $0xC4  }
0xf4: {  	v1 =	vld [tilespmem:s23+$0xFA00]  }
0xf5: {  	v2 =	vld [tilespmem:s23+$0xFA10]  }
0xf6: {  	v3 =	vld [tilespmem:s23+$0xFA20]  }
0xf7: {  	v4 =	vld [tilespmem:s23+$0xFA30]  }
0xf8: {  	[tilespmem:s23+$0x96F0] =	vst.add.f32.msk $0xffff, v0  }
0xf9: {  	v5 =	vld [tilespmem:s23+$0xFA40]  }
0xfa: {  	v6 =	vld [tilespmem:s23+$0xFA50]  }
0xfb: {  	v7 =	vld [tilespmem:s23+$0xFA60]  }
0xfc: {  	v8 =	vld [tilespmem:s23+$0xFA70]  }
0xfd: {  	v9 =	vld [tilespmem:s23+$0xFA80]  }
0xfe: {  	v10 =	vld [tilespmem:s23+$0xFA90]  }
0xff: {  	v11 =	vld [tilespmem:s23+$0xFAA0]  }
0x100: {  	v12 =	vld [tilespmem:s23+$0xFAB0]  }
0x101: {  	v13 =	vld [tilespmem:s23+$0xFAC0]  }
0x102: {  	v14 =	vld [tilespmem:s23+$0xFAD0]  }
0x103: {  	v0 =	vld [tilespmem:s23+$0xFAE0]  }
0x104: {  	[tilespmem:s23+$0x9600] =	vst.add.f32.msk $0xffff, v1  }
0x105: {  	[tilespmem:s23+$0x9610] =	vst.add.f32.msk $0xffff, v2  }
0x106: {  	[tilespmem:s23+$0x9620] =	vst.add.f32.msk $0xffff, v3  }
0x107: {  	[tilespmem:s23+$0x9630] =	vst.add.f32.msk $0xffff, v4  }
0x108: {  	[tilespmem:s23+$0x9640] =	vst.add.f32.msk $0xffff, v5  }
0x109: {  	[tilespmem:s23+$0x9650] =	vst.add.f32.msk $0xffff, v6  }
0x10a: {  	[tilespmem:s23+$0x9660] =	vst.add.f32.msk $0xffff, v7  }
0x10b: {  	[tilespmem:s23+$0x9670] =	vst.add.f32.msk $0xffff, v8  }
0x10c: {  	[tilespmem:s23+$0x9680] =	vst.add.f32.msk $0xffff, v9  }
.Ltmp4:
0x10d: {  	[tilespmem:s23+$0x9690] =	vst.add.f32.msk $0xffff, v10;
	(pc) =	sbr.rel @p1 .LBB2_7-.Ltmp4, $4  }
0x10e: {  	[tilespmem:s23+$0x96A0] =	vst.add.f32.msk $0xffff, v11  }
0x10f: {  	[tilespmem:s23+$0x96B0] =	vst.add.f32.msk $0xffff, v12  }
0x110: {  	[tilespmem:s23+$0x96C0] =	vst.add.f32.msk $0xffff, v13  }
0x111: {  	s7 =	sadd.s32 $0x400, s7;
	[tilespmem:s23+$0x96D0] =	vst.add.f32.msk $0xffff, v14  }
0x112: {  	s5 =	sadd.s32 s20, s9  }
0x113: {  	s5 =	sshll.u32 s5, $0x3  }
0x114: {  	s5 =	sand.u32 $0x1FFFFF80, s5  }
0x115: {  	[tilespmem:s23+$0x96E0] =	vst.add.f32.msk $0xffff, v0;
	s5 =	sadd.s32 s6, s5  }
0x116: {  	[hbm4b:s5+s2] =	stream.linear.scatter [tilespmem:s22], [sflag:$0x7], $0x3200, $0x38;
	[tilespmem:$0x12C00] =	vst v63  }
0x117: {  	_ =	swait.ge [sflag:s0], $0x3200  }
0x118: {  	s7 =	simm.s32 @!p0 $0x80;
	[sflag:s0] =	ssyncset.done $0x0  }
0x119: {  	s23 =	simm.s32 @!p0 $0x6400;
	s5 =	sadd.s32 @!p0 $0x3E8, s20;
	[sflag:s0] =	ssyncadd.s32 $0xFFFFCE00  }
0x11a: {  	[tilespmem:s23], [sflag:$0x2] =	stream.indirect.gather @!p0 [hbm4b:s4+s7], $0x40, s5, s7, $0xb8;
	[tilespmem:$0x12C00] =	vst v63  }
0x11b: {  	s5 =	sadd.s32 @!p0 $0x468, s20;
	s7 =	simm.s32 @!p0 $0x48;
	s23 =	simm.s32 @!p0 $0x8400  }
0x11c: {  	[tilespmem:s23], [sflag:$0x2] =	stream.indirect.gather @!p0 [hbm4b:s4+s7], $0x40, s5, s7, $0xb8;
	[tilespmem:$0x12C00] =	vst v63  }
0x11d: {  	_ =	swait.ge [sflag:s1], $0x2000  }
0x11e: {  	[sflag:s1] =	ssyncset.done $0x0  }
0x11f: {  	[sflag:s1] =	ssyncadd.s32 $0xFFFFE000  }
0x120: {  	_ =	swait.ge [sflag:s1], $0x1200  }
0x121: {  	[sflag:s1] =	ssyncset.done $0x0  }
0x122: {  	s23 =	simm.s32 $0x0;
	[sflag:s1] =	ssyncadd.s32 $0xFFFFEE00  }
0x123: {  	v0 =	vld [tilespmem:s23+$0xFAF0]  }
0x124: {  	v1 =	vld [tilespmem:s23+$0xFA00]  }
0x125: {  	v2 =	vld [tilespmem:s23+$0xFA10]  }
0x126: {  	v3 =	vld [tilespmem:s23+$0xFA20]  }
0x127: {  	v4 =	vld [tilespmem:s23+$0xFA30]  }
0x128: {  	v5 =	vld [tilespmem:s23+$0xFA40]  }
0x129: {  	v6 =	vld [tilespmem:s23+$0xFA50]  }
0x12a: {  	v7 =	vld [tilespmem:s23+$0xFA60]  }
0x12b: {  	v8 =	vld [tilespmem:s23+$0xFA70]  }
0x12c: {  	v9 =	vld [tilespmem:s23+$0xFA80]  }
0x12d: {  	v10 =	vld [tilespmem:s23+$0xFA90]  }
0x12e: {  	v11 =	vld [tilespmem:s23+$0xFAA0]  }
0x12f: {  	v12 =	vld [tilespmem:s23+$0xFAB0]  }
0x130: {  	v13 =	vld [tilespmem:s23+$0xFAC0]  }
0x131: {  	v14 =	vld [tilespmem:s23+$0xFAD0]  }
0x132: {  	[tilespmem:s23+$0xC8F0] =	vst.add.f32.msk $0xffff, v0  }
0x133: {  	v0 =	vld [tilespmem:s23+$0xFAE0]  }
0x134: {  	[tilespmem:s23+$0xC800] =	vst.add.f32.msk $0xffff, v1  }
0x135: {  	[tilespmem:s23+$0xC810] =	vst.add.f32.msk $0xffff, v2  }
0x136: {  	[tilespmem:s23+$0xC820] =	vst.add.f32.msk $0xffff, v3  }
0x137: {  	[tilespmem:s23+$0xC830] =	vst.add.f32.msk $0xffff, v4  }
0x138: {  	[tilespmem:s23+$0xC840] =	vst.add.f32.msk $0xffff, v5  }
0x139: {  	[tilespmem:s23+$0xC850] =	vst.add.f32.msk $0xffff, v6  }
0x13a: {  	[tilespmem:s23+$0xC860] =	vst.add.f32.msk $0xffff, v7  }
0x13b: {  	[tilespmem:s23+$0xC870] =	vst.add.f32.msk $0xffff, v8  }
0x13c: {  	[tilespmem:s23+$0xC880] =	vst.add.f32.msk $0xffff, v9  }
0x13d: {  	[tilespmem:s23+$0xC890] =	vst.add.f32.msk $0xffff, v10  }
0x13e: {  	[tilespmem:s23+$0xC8A0] =	vst.add.f32.msk $0xffff, v11  }
0x13f: {  	[tilespmem:s23+$0xC8B0] =	vst.add.f32.msk $0xffff, v12  }
0x140: {  	[tilespmem:s23+$0xC8C0] =	vst.add.f32.msk $0xffff, v13  }
0x141: {  	s5 =	simm.s32 $0x0;
	s7 =	simm.s32 $0x400;
	[tilespmem:s23+$0xC8D0] =	vst.add.f32.msk $0xffff, v14  }
.LBB2_9:
0x142: {  	s5 =	sadd.s32 $0x4, s5;
	[tilespmem:s23+$0xC8E0] =	vst.add.f32.msk $0xffff, v0;
	s23 =	sshra.s32 s7, $0x2  }
0x143: {  	v0 =	vld [tilespmem:s23+$0xFAF0];
	p1 =	slt.u32 s5, $0xC4  }
0x144: {  	v1 =	vld [tilespmem:s23+$0xFA00]  }
0x145: {  	v2 =	vld [tilespmem:s23+$0xFA10]  }
0x146: {  	v3 =	vld [tilespmem:s23+$0xFA20]  }
0x147: {  	v4 =	vld [tilespmem:s23+$0xFA30]  }
0x148: {  	[tilespmem:s23+$0xC8F0] =	vst.add.f32.msk $0xffff, v0  }
0x149: {  	v5 =	vld [tilespmem:s23+$0xFA40]  }
0x14a: {  	v6 =	vld [tilespmem:s23+$0xFA50]  }
0x14b: {  	v7 =	vld [tilespmem:s23+$0xFA60]  }
0x14c: {  	v8 =	vld [tilespmem:s23+$0xFA70]  }
0x14d: {  	v9 =	vld [tilespmem:s23+$0xFA80]  }
0x14e: {  	v10 =	vld [tilespmem:s23+$0xFA90]  }
0x14f: {  	v11 =	vld [tilespmem:s23+$0xFAA0]  }
0x150: {  	v12 =	vld [tilespmem:s23+$0xFAB0]  }
0x151: {  	v13 =	vld [tilespmem:s23+$0xFAC0]  }
0x152: {  	v14 =	vld [tilespmem:s23+$0xFAD0]  }
0x153: {  	v0 =	vld [tilespmem:s23+$0xFAE0]  }
0x154: {  	[tilespmem:s23+$0xC800] =	vst.add.f32.msk $0xffff, v1  }
0x155: {  	[tilespmem:s23+$0xC810] =	vst.add.f32.msk $0xffff, v2  }
0x156: {  	[tilespmem:s23+$0xC820] =	vst.add.f32.msk $0xffff, v3  }
0x157: {  	[tilespmem:s23+$0xC830] =	vst.add.f32.msk $0xffff, v4  }
0x158: {  	[tilespmem:s23+$0xC840] =	vst.add.f32.msk $0xffff, v5  }
0x159: {  	[tilespmem:s23+$0xC850] =	vst.add.f32.msk $0xffff, v6  }
0x15a: {  	[tilespmem:s23+$0xC860] =	vst.add.f32.msk $0xffff, v7  }
0x15b: {  	[tilespmem:s23+$0xC870] =	vst.add.f32.msk $0xffff, v8  }
0x15c: {  	[tilespmem:s23+$0xC880] =	vst.add.f32.msk $0xffff, v9  }
.Ltmp5:
0x15d: {  	[tilespmem:s23+$0xC890] =	vst.add.f32.msk $0xffff, v10;
	(pc) =	sbr.rel @p1 .LBB2_9-.Ltmp5, $4  }
0x15e: {  	[tilespmem:s23+$0xC8A0] =	vst.add.f32.msk $0xffff, v11  }
0x15f: {  	[tilespmem:s23+$0xC8B0] =	vst.add.f32.msk $0xffff, v12  }
0x160: {  	[tilespmem:s23+$0xC8C0] =	vst.add.f32.msk $0xffff, v13  }
0x161: {  	s7 =	sadd.s32 $0x400, s7;
	[tilespmem:s23+$0xC8D0] =	vst.add.f32.msk $0xffff, v14  }
0x162: {  	s5 =	sadd.s32 s3, s21  }
0x163: {  	s5 =	sshll.u32 s5, $0x3  }
0x164: {  	s5 =	sand.u32 $0x1FFFFFC0, s5  }
.Ltmp6:
0x165: {  	[tilespmem:s23+$0xC8E0] =	vst.add.f32.msk $0xffff, v0;
	s5 =	sadd.s32 s6, s5;
	(pc) =	sbr.rel @p0 .LBB2_12-.Ltmp6, $4  }
0x166: {  	[hbm4b:s5+s2] =	stream.linear.scatter [tilespmem:s26], [sflag:$0x8], $0x3200, $0x38;
	[tilespmem:$0x12C00] =	vst v63  }
0x167: {  	_ =	swait.ge [sflag:s12], $0x3200  }
0x168: {  	[sflag:s12] =	ssyncset.done $0x0  }
0x169: {  	[sflag:s12] =	ssyncadd.s32 $0xFFFFCE00  }
.Ltmp7:
0x16a: {  	(pc) =	sbr.rel .LBB2_2-.Ltmp7, $4  }
0x16b: {  	s5 =	sadd.s32 $0x4B0, s20  }
0x16c: {  	[tilespmem:s22], [sflag:$0x3] =	stream.indirect.gather [hbm4b:s4+s13], $0x40, s5, s13, $0xb8;
	[tilespmem:$0x12C00] =	vst v63  }
0x16d: {  	s23 =	sadd.s32 $0x530, s20;
	s19 =	sadd.s32 $0x1, s19  }
0x16e: {  	[tilespmem:s24], [sflag:$0x3] =	stream.indirect.gather [hbm4b:s4+s15], $0x40, s23, s15, $0xb8;
	[tilespmem:$0x12C00] =	vst v63  }
.LBB2_13:
0x16f: {  	_ =	sfence.sel $0x180000  }
0x170: {  	[bflag:$0x0] =	sbarrier.arrive $0xFFFF  }
0x171: {  	_ =	strace $0x90000047  }
0x172: {  	s0 =	stileid.u32;
	[bflag:$0x2] =	sbarrier.arrive $0xFFFF  }
0x173: {  	p0 =	sne.s32 s0, $0x0;
	s0 =	rddreg [dreg:$0x2]  }
0x174: {  	s0 =	sadd.s32 @!p0 $0x100000, s0  }
0x175: {  	[sflag:s0] =	ssyncadd.tile.s32 @!p0 $0x1;
	_ =	shalt  }
.Lfunc_end2:
_tile_overlayer_lowered:
.L_overlay_start_2:
0x176: {  	(tag) =	ssettag $0x2  }
0x177: {  	s0 =	rddreg [dreg:$0x0];
	s2 =	stileid.u32  }
0x178: {  	s1 =	rddreg [dreg:$0x1];
	p0 =	sne.s32 s2, $0x0  }
0x179: {  	s3 =	rddreg [dreg:$0x2];
	[bflag:$0x3] =	sbarrier.arrive $0xFFFF;
	s2 =	simm.s32 @!p0 $0x1C09  }
0x17a: {  	[timem:s3], [sflag:s2] =	dma.local @!p0 [hbm:s0], s1  }
0x17b: {  	s0 =	simm.s32 @!p0 $0x9  }
0x17c: {  	_ =	swait.ge @!p0 [sflag:s0], s1  }
0x17d: {  	s1 =	ssub.s32 @!p0 $0x0, s1;
	[sflag:s0] =	ssyncset.done @!p0 $0x0  }
0x17e: {  	[sflag:s0] =	ssyncadd.s32 @!p0 s1  }
0x17f: {  	[bflag:$0x3] =	sbarrier.arrive $0xFFFF  }
0x180: {  	_ =	shalt  }

// kernel: sparse-core-data-format-call.cloned.1.call-start
scs
called_computation_lowered:
.L_overlay_start_0:
0x0: {  	s2 =	sld [smem:$0x3FD9]  }
0x1: {  	s3 =	sld [smem:$0x3FFE];
	_ =	sdelay $0x1  }
0x2: {  	s1 =	srdreg.scid  }
0x3: {  	s0 =	sand.u32 $0x1, s1  }
0x4: {  	s18 =	sshll.u32 s0, $0xA;
	s2 =	sadd.s32 s3, s2  }
0x5: {  	s2 =	sadd.s32 s2, s18  }
0x6: {  	[smem:$0x3FC5] =	sst s2  }
0x7: {  	_ = 	snop  }
0x8: {  	s2 =	sld [smem:$0x3FD0];
	(tm) =	ssettm $0x1  }
0x9: {  	s19 =	sld [smem:$0x3FFB];
	_ =	sdelay $0x3  }
0xa: {  	_ =	strace s19  }
0xb: {  	s3 =	sld [smem:$0x3FFC];
	_ =	sdelay $0x3  }
0xc: {  	_ =	strace s3  }
0xd: {  	s3 =	sld [smem:$0x3FFD];
	_ =	sdelay $0x3  }
0xe: {  	_ =	strace s3  }
0xf: {  	_ =	strace $0x8FFFFFFF  }
0x10: {  	s20 =	sld [smem:$0x3FDB];
	_ =	sdelay $0x1  }
0x11: {  	s4 =	simm.s32 $_scs_section_size  }
0x12: {  	s5 =	simm.s32 $_size__tile_overlayer_lowered;
	s6 =	simm.s32 $_tile_overlayer_lowered  }
0x13: {  	s23 =	simm.s32 $0x1BFF;
	s22 =	sshll.u32 s6, $0x1;
	s3 =	sadd.s32 s4, s20  }
0x14: {  	s7 =	simm.s32 $0x0;
	s21 =	sshll.u32 s5, $0x1;
	s5 =	sadd.s32 s22, s3  }
0x15: {  	[timem:s7], [sflag:s23] =	dma.local [hbm:s5], s21  }
0x16: {  	_ =	swait.ge [sflag:s23], s21  }
0x17: {  	s4 =	ssub.s32 $0x0, s21;
	[sflag:s23] =	ssyncset.done $0x0  }
0x18: {  	[sflag:s23] =	ssyncadd.s32 s4;
	_ =	sdelay $0x1  }
0x19: {  	s24 =	simm.s32 $0x1B8B  }
0x1a: {  	_ =	swait.ge [sflag:s24], $0x1  }
0x1b: {  	[sflag:s24] =	ssyncset.done $0x0  }
0x1c: {  	s26 =	simm.s32 $0x1B8E;
	s25 =	sld [smem:$0x3FFE];
	[sflag:s24] =	ssyncadd.s32 $0xFFFFFFFF  }
0x1d: {  	s27 =	simm.s32 $execute0_lowered;
	[smem:$0x3FD2] =	sst s26  }
0x1e: {  	s5 =	sshll.u32 s27, $0x1;
	_ =	strace $0x8000004C;
	[dreg:$0x1] =	wrdreg $0xFFFFFFFF  }
0x1f: {  	s28 =	simm.s32 $_size_execute0_lowered;
	s3 =	sadd.s32 s3, s5;
	[dreg:$0x0] =	wrdreg $0x0  }
0x20: {  	s5 =	sshll.u32 s28, $0x1;
	[dreg:$0x2] =	wrdreg s3  }
0x21: {  	[dreg:$0x3] =	wrdreg s5  }
0x22: {  	[dreg:$0x4] =	wrdreg $0xC0  }
0x23: {  	_ =	task [dreg:s7], $0x5FFFF  }
0x24: {  	[dreg:$0x1] =	wrdreg $0xFFFFFFFF  }
0x25: {  	[dreg:$0x0] =	wrdreg $0x60  }
0x26: {  	[dreg:$0x2] =	wrdreg s25  }
0x27: {  	[dreg:$0x3] =	wrdreg s2  }
0x28: {  	[dreg:$0x4] =	wrdreg $0x9  }
0x29: {  	_ =	task.clear_ibuf [dreg:s7], $0x5FFFF;
	_ =	strace $0x9000004C  }
0x2a: {  	s29 =	simm.s32 $0x9;
	_ =	strace $0x8000004E  }
0x2b: {  	_ =	swait.ge [sflag:s29], $0x1  }
0x2c: {  	[sflag:s29] =	ssyncadd.s32 $0xFFFFFFFF  }
0x2d: {  	_ =	strace $0x9000004E  }
0x2e: {  	_ =	sfence  }
0x2f: {  	s30 =	sld [smem:$0x0];
	_ =	sdelay $0x2  }
0x30: {  	s31 =	sshll.u32 s1, $0xD;
	s1 =	sshrl.u32 s1, $0x2  }
0x31: {  	s3 =	sand.u32 $0x4000, s31;
	s1 =	sadd.s32 s1, s30  }
0x32: {  	s0 =	sor.u32 s3, s0;
	s1 =	sshll.u32 s1, $0x11  }
0x33: {  	s0 =	sor.u32 s1, s0  }
0x34: {  	s0 =	sadd.s32 $0x8F2B, s0  }
0x35: {  	[sflag:s0] =	ssyncadd.remote.s32 $0x1  }
0x36: {  	_ =	sfence.sel $0xFFFF  }
0x37: {  	[dreg:$0x0] =	wrdreg $0xFFFFFFFF;
	(pc) =	sbr.abs _section_cstart, $3  }
0x38: {  	[dreg:$0x1] =	wrdreg $0xFFFFFFFF  }
0x39: {  	_ =	task.clear_ibuf [dreg:s7], $0x2FFFF;
	_ =	strace $0x9FFFFFFF  }
0x3a: {  	(tm) =	ssettm $0x7FFFFFFF  }
0x3b: {  	_ =	shalt  }
tec
execute0_lowered:
.L_overlay_start_1:
0x0: {  	(tag) =	ssettag $0x1  }
0x1: {  	s0 =	srdreg.scid  }
0x2: {  	s1 =	sshll.u32 s0, $0x4  }
0x3: {  	s0 =	stileid.u32;
	s1 =	sand.u32 $0x10, s1  }
0x4: {  	s1 =	sor.u32 s0, s1  }
0x5: {  	s6 =	rddreg [dreg:$0x0];
	s4 =	simm.s32 $0x1;
	s2 =	sshll.u32 s1, $0x7  }
0x6: {  	s7 =	simm.s32 $0x2;
	s12 =	simm.s32 $0x0;
	s1 =	ssub.s32 $0x1000, s2  }
0x7: {  	s8 =	simm.s32 $0x8000;
	s13 =	simm.s32 $0x0;
	s3 =	sand.u32 $0xF80, s1  }
0x8: {  	s9 =	simm.s32 $0x0;
	s5 =	sshrl.u32 s1, $0xC;
	p0 =	sne.s32 s3, $0x0  }
.Ltmp0:
0x9: {  	s1 =	rddreg [dreg:$0x2];
	s4 =	simm.s32 @!p0 $0x0;
	(pc) =	sbr.rel .LBB1_1-.Ltmp0, $4  }
0xa: {  	s11 =	simm.s32 $0x0;
	s3 =	rddreg [dreg:$0x1];
	s5 =	sadd.s32 s4, s5  }
0xb: {  	_ =	strace $0x8000004D;
	s4 =	simm.s32 $0x1;
	s5 =	smul.u32 $0xC8, s5  }
0xc: {  	s6 =	sadd.s32 $0xC8E000, s6;
	s10 =	smov.u32 s2;
	[sflag:s4] =	ssyncpa.u1 $0x0  }
0xd: {  	p0 =	por $0x0, $0x0;
	[sflag:s7] =	ssyncpa.u1 $0x0;
	s7 =	sor.u32 $0x1, s5  }
.LBB1_4:
0xe: {  	s16 =	sshll.u32 s13, $0x3;
	s17 =	sand.u32 $0x78, s13  }
0xf: {  	s30 =	sand.u32 $0x7E00, s13;
	s12 =	sshll.u32 s12, $0xF;
	s16 =	sand.u32 $0xC00, s16  }
0x10: {  	[tilespmem:s15+$0x810 ss:$0x81] =	vst.msk $0xffff, v2;
	s31 =	sand.u32 $0x7, s13;
	s16 =	sor.u32 s17, s16;
	s17 =	sadd.s32 s3, s30  }
0x11: {  	[tilespmem:s15+$0x1020 ss:$0x81] =	vst.msk $0xffff, v0;
	s13 =	sshll.u32 s31, $0x12;
	s12 =	sadd.s32 s12, s17;
	s16 =	sshrl.u32 s16, $0x3  }
0x12: {  	[tilespmem:s15+$0x0 ss:$0x81] =	vst.msk $0xffff, v1;
	s13 =	sor.u32 $0x400, s13;
	s12 =	sadd.s32 s16, s12  }
0x13: {  	[hbm4b:s12+s13] =	stream.strided.scatter [tilespmem:s14], [sflag:$0x2], $0x2000, s8, s13, $0x20;
	[tilespmem:$0x8080] =	vst v63  }
.LBB1_5:
0x14: {  	s14 =	sadd.s32 $0x1, s9  }
0x15: {  	s12 =	sadd.s32 $0x1000, s10;
	s16 =	smov.u32 s10;
	p2 =	sgt.s32 s14, $0xC7  }
0x16: {  	s16 =	smov.u32 @p2 s12  }
0x17: {  	s14 =	simm.s32 @p2 $0x0;
	p2 =	sgt.s32 s16, $0xFFF  }
0x18: {  	s16 =	smov.u32 @p2 s2;
	p2 =	sne.s32 s11, s7  }
.Ltmp1:
0x19: {  	p1 =	slt.u32 s11, $0x2;
	(pc) =	sbr.rel @!p2 .LBB1_6-.Ltmp1, $4  }
0x1a: {  	s15 =	simm.s32 @!p1 $0x2  }
0x1b: {  	s13 =	smov.u32 s10;
	p0 =	por !p0, !p0;
	_ =	swait.ge @!p1 [sflag:s15], $0x2000  }
0x1c: {  	s12 =	smov.u32 s9;
	[sflag:s15] =	ssyncset.done @!p1 $0x0;
	s9 =	smov.u32 s14  }
0x1d: {  	s11 =	sadd.s32 $0x1, s11;
	[sflag:s15] =	ssyncadd.s32 @!p1 $0xFFFFE000;
	s10 =	smov.u32 s16  }
.LBB1_1:
0x1e: {  	p1 =	sge.u32 s11, s5  }
0x1f: {  	s14 =	sand.u32 @!p1 $0x1FFFFFF, s9  }
0x20: {  	s15 =	smulhi.u32 @!p1 $0x147AE15, s14;
	_ =	sdelay $0x1  }
0x21: {  	s15 =	smul.u32 @!p1 $0xC8, s15  }
0x22: {  	s16 =	sxor.u32 @!p1 $0xFFFFFFFF, s11;
	s17 =	smul.u32 @!p1 $0xC80, s10  }
0x23: {  	s31 =	sadd.s32 $0xFFFFFFFF, s11;
	s16 =	sshll.u32 @!p1 s16, $0xD;
	s14 =	ssub.s32 @!p1 s14, s15  }
0x24: {  	s15 =	sand.u32 @!p1 $0x2000, s16;
	s16 =	sadd.s32 @!p1 s6, s17;
	s14 =	sshll.u32 @!p1 s14, $0x4  }
0x25: {  	s17 =	simm.s32 @!p1 $0x6400;
	s14 =	sadd.s32 @!p1 s14, s16;
	s16 =	simm.s32 @!p1 $0x40  }
0x26: {  	[tilespmem:s15], [sflag:$0x1] =	stream.strided.gather @!p1 [hbm4b:s14+s16], $0x2000, s17, s16, $0x38;
	[tilespmem:$0x8080] =	vst v63  }
0x27: {  	p1 =	sge.u32 s31, s5  }
.Ltmp2:
0x28: {  	_ = 	snop;
	(pc) =	sbr.rel @p1 .LBB1_5-.Ltmp2, $1  }
0x29: {  	_ =	sdelay $0x3  }
0x2a: {  	s14 =	simm.s32 $0x1  }
0x2b: {  	_ =	swait.ge [sflag:s4], $0x2000;
	s14 =	simm.s32 @!p0 $0x0  }
0x2c: {  	[sflag:s4] =	ssyncset.done $0x0;
	s15 =	sshll.u32 s14, $0xD  }
0x2d: {  	[sflag:s4] =	ssyncadd.s32 $0xFFFFE000;
	s18 =	sor.u32 $0x20, s15  }
0x2e: {  	s14 =	smul.u32 $0x8100, s14;
	v3 =	vld [tilespmem:s18+$0x10]  }
0x2f: {  	s30 =	sand.u32 $0x1, s11;
	v2 =	vld [tilespmem:s18+$0xFFFFFFF0]  }
0x30: {  	s15 =	smul.u32 $0x8100, s30;
	s14 =	sshrl.u32 s14, $0x2;
	v0 =	vld [tilespmem:s18+$0x0]  }
0x31: {  	v1 =	vld [tilespmem:s18+$0xFFFFFFE0];
	s16 =	sor.u32 $0x4000, s14  }
0x32: {  	s31 =	sshrl.u32 s15, $0x2;
	s15 =	sadd.s32 $0x0, s16  }
0x33: {  	s17 =	simm.s32 $0x4;
	s18 =	sadd.s32 $0x40, s18;
	s14 =	sor.u32 $0x4000, s31;
	[tilespmem:s15+$0x1830 ss:$0x81] =	vst.msk $0xffff, v3  }
.LBB1_3:
0x34: {  	v3 =	vld [tilespmem:s18+$0x10];
	p1 =	sne.s32 s17, $0x1FC;
	[tilespmem:s15+$0x810 ss:$0x81] =	vst.msk $0xffff, v2;
	s19 =	smov.u32 s17;
	s17 =	sadd.s32 $0x4, s17  }
.Ltmp3:
0x35: {  	v2 =	vld [tilespmem:s18+$0xFFFFFFF0];
	[tilespmem:s15+$0x1020 ss:$0x81] =	vst.msk $0xffff, v0;
	(pc) =	sbr.rel @p1 .LBB1_3-.Ltmp3, $4  }
0x36: {  	v0 =	vld [tilespmem:s18+$0x0];
	[tilespmem:s15+$0x0 ss:$0x81] =	vst.msk $0xffff, v1  }
0x37: {  	s15 =	sshra.s32 s19, $0x2;
	v1 =	vld [tilespmem:s18+$0xFFFFFFE0]  }
0x38: {  	s15 =	sadd.s32 s15, s16  }
0x39: {  	s18 =	sadd.s32 $0x40, s18;
	[tilespmem:s15+$0x1830 ss:$0x81] =	vst.msk $0xffff, v3  }
.Ltmp4:
0x3a: {  	_ = 	snop;
	(pc) =	sbr.rel .LBB1_4-.Ltmp4, $1  }
0x3b: {  	_ =	sdelay $0x3  }
.LBB1_6:
0x3c: {  	_ =	sfence.sel $0x180000  }
0x3d: {  	s2 =	simm.s32 $0x1;
	[bflag:$0x0] =	sbarrier.arrive $0xFFFF  }
0x3e: {  	s31 =	simm.s32 $0x2;
	[sflag:s2] =	ssyncpa.u1 $0x1  }
0x3f: {  	[sflag:s31] =	ssyncpa.u1 $0x1  }
0x40: {  	p0 =	sne.s32 s0, $0x0;
	_ =	strace $0x9000004D  }
0x41: {  	s0 =	sadd.s32 @!p0 $0x100000, s1;
	[bflag:$0x2] =	sbarrier.arrive $0xFFFF  }
0x42: {  	[sflag:s0] =	ssyncadd.tile.s32 @!p0 $0x1;
	_ =	shalt  }
.Lfunc_end1:
_tile_overlayer_lowered:
.L_overlay_start_2:
0x43: {  	(tag) =	ssettag $0x2  }
0x44: {  	s0 =	rddreg [dreg:$0x0];
	s2 =	stileid.u32  }
0x45: {  	s1 =	rddreg [dreg:$0x1];
	p0 =	sne.s32 s2, $0x0  }
0x46: {  	s3 =	rddreg [dreg:$0x2];
	[bflag:$0x3] =	sbarrier.arrive $0xFFFF;
	s2 =	simm.s32 @!p0 $0x1C01  }
0x47: {  	[timem:s3], [sflag:s2] =	dma.local @!p0 [hbm:s0], s1  }
0x48: {  	s0 =	simm.s32 @!p0 $0x1  }
0x49: {  	_ =	swait.ge @!p0 [sflag:s0], s1  }
0x4a: {  	s1 =	ssub.s32 @!p0 $0x0, s1;
	[sflag:s0] =	ssyncset.done @!p0 $0x0  }
0x4b: {  	[sflag:s0] =	ssyncadd.s32 @!p0 s1  }
0x4c: {  	[bflag:$0x3] =	sbarrier.arrive $0xFFFF  }
0x4d: {  	_ =	shalt  }

</sc_bundles>
